<compile_context>
chip_gen: v7x
topology: tpu7x:2x2x1
jax: 0.10.2.dev20260603
libtpu: 0.0.44.dev20260713+nightly
codegen_flags: <defaults>
</compile_context>

<pallas_src>
import functools

import jax
import jax.numpy as jnp
from jax import lax
from jax.experimental import pallas as pl
from jax.experimental.pallas import tpu as pltpu
from jax.experimental.pallas import tpu_sc as plsc

LEVELS = 256
TIMESTAMPS = 4096
DIM = 10000
N = 4096

NC = 2
NS = 16
L = 16
NW = NC * NS
N_SC = 3584
N_TC = N - N_SC
SPW = N_SC // NW
CHUNKS = DIM // L

B_TC = 8
G_TC = N_TC // B_TC

W2 = 400
NACT2 = DIM // W2

_MESH = plsc.VectorSubcoreMesh(
    core_axis_name="c", subcore_axis_name="s", num_cores=NC, num_subcores=NS
)


def _worker_id():
    return lax.axis_index("s") * NC + lax.axis_index("c")


@functools.partial(
    pl.kernel,
    out_type=jax.ShapeDtypeStruct((NW, DIM), jnp.float32),
    mesh=_MESH,
    compiler_params=pltpu.CompilerParams(use_tc_tiling_on_sc=False),
    scratch_types=[
        pltpu.VMEM((SPW, 1), jnp.int32),
        pltpu.VMEM((SPW, 1), jnp.int32),
        pltpu.VMEM((SPW, 1), jnp.int32),
        pltpu.VMEM((SPW, 1), jnp.int32),
        pltpu.VMEM((1, DIM), jnp.float32),
        pltpu.VMEM((1, DIM), jnp.float32),
        pltpu.VMEM((1, DIM), jnp.float32),
        pltpu.VMEM((1, DIM), jnp.float32),
        pltpu.VMEM((1, DIM), jnp.float32),
        pltpu.VMEM((1, DIM), jnp.float32),
        pltpu.VMEM((1, DIM), jnp.float32),
        pltpu.VMEM((1, DIM), jnp.float32),
        pltpu.VMEM((DIM,), jnp.float32),
        pltpu.SemaphoreType.DMA,
        pltpu.SemaphoreType.DMA,
    ],
)
def _phase1(ti, xi, yi, zi, Wt, Wx, Wy, Wz, part,
            ti_v, xi_v, yi_v, zi_v,
            wt_a, wx_a, wy_a, wz_a, wt_b, wx_b, wy_b, wz_b,
            acc, sem_a, sem_b):
    wid = _worker_id()
    base = wid * SPW
    pltpu.sync_copy(ti.at[pl.ds(base, SPW)], ti_v)
    pltpu.sync_copy(xi.at[pl.ds(base, SPW)], xi_v)
    pltpu.sync_copy(yi.at[pl.ds(base, SPW)], yi_v)
    pltpu.sync_copy(zi.at[pl.ds(base, SPW)], zi_v)

    @plsc.parallel_loop(0, CHUNKS, unroll=25)
    def _zero(i):
        acc[pl.ds(i * L, L)] = jnp.zeros((L,), jnp.float32)

    set_a = (wt_a, wx_a, wy_a, wz_a)
    set_b = (wt_b, wx_b, wy_b, wz_b)

    def fire(s, bufs, sem):
        pltpu.async_copy(Wt.at[ti_v.at[s]], bufs[0], sem)
        pltpu.async_copy(Wx.at[xi_v.at[s]], bufs[1], sem)
        pltpu.async_copy(Wy.at[yi_v.at[s]], bufs[2], sem)
        pltpu.async_copy(Wz.at[zi_v.at[s]], bufs[3], sem)

    def drain(bufs, sem):
        dummy = Wt.at[pl.ds(0, 1)]
        pltpu.make_async_copy(dummy, bufs[0], sem).wait()
        pltpu.make_async_copy(dummy, bufs[1], sem).wait()
        pltpu.make_async_copy(dummy, bufs[2], sem).wait()
        pltpu.make_async_copy(dummy, bufs[3], sem).wait()

    def accumulate(bufs):
        @plsc.parallel_loop(0, CHUNKS, unroll=25)
        def _chunk(i):
            sl = pl.ds(i * L, L)
            p = bufs[0][0, sl] * bufs[1][0, sl]
            p = p * bufs[2][0, sl]
            p = p * bufs[3][0, sl]
            plsc.addupdate(acc.at[sl], p)

    fire(0, set_a, sem_a)

    def pair_body(p, carry):
        s = 2 * p
        fire(s + 1, set_b, sem_b)
        drain(set_a, sem_a)
        accumulate(set_a)

        @pl.when(p < SPW // 2 - 1)
        def _():
            fire(s + 2, set_a, sem_a)

        drain(set_b, sem_b)
        accumulate(set_b)
        return carry

    lax.fori_loop(0, SPW // 2, pair_body, 0)
    pltpu.sync_copy(acc, part.at[wid])


def _tc_body(ti, xi, yi, zi, wt, wx, wy, wz, o_ref, buf, sems):
    tabs = (wt, wx, wy, wz)
    idxs = (ti, xi, yi, zi)

    def fire(g, slot):
        for k in range(4):
            for j in range(B_TC):
                pltpu.make_async_copy(
                    tabs[k].at[idxs[k][g * B_TC + j]],
                    buf.at[slot, k, j],
                    sems.at[slot, k],
                ).start()

    def drain(slot):
        for k in range(4):
            for j in range(B_TC):
                pltpu.make_async_copy(
                    tabs[k].at[0], buf.at[slot, k, j], sems.at[slot, k]
                ).wait()

    def accumulate(slot):
        p = buf[slot, 0] * buf[slot, 1]
        p = p * (buf[slot, 2] * buf[slot, 3])
        o_ref[...] += p

    o_ref[...] = jnp.zeros_like(o_ref)
    fire(0, 0)

    def pair_body(p, carry):
        g = 2 * p
        fire(g + 1, 1)
        drain(0)
        accumulate(0)

        @pl.when(p < G_TC // 2 - 1)
        def _():
            fire(g + 2, 0)

        drain(1)
        accumulate(1)
        return carry

    lax.fori_loop(0, G_TC // 2, pair_body, 0)


_tc_partial = pl.pallas_call(
    _tc_body,
    grid_spec=pltpu.PrefetchScalarGridSpec(
        num_scalar_prefetch=4,
        grid=(1,),
        in_specs=[
            pl.BlockSpec(memory_space=pl.ANY),
            pl.BlockSpec(memory_space=pl.ANY),
            pl.BlockSpec(memory_space=pl.ANY),
            pl.BlockSpec(memory_space=pl.ANY),
        ],
        out_specs=pl.BlockSpec((B_TC, DIM), lambda i, *_: (0, 0)),
        scratch_shapes=[
            pltpu.VMEM((2, 4, B_TC, DIM), jnp.float32),
            pltpu.SemaphoreType.DMA((2, 4)),
        ],
    ),
    out_shape=jax.ShapeDtypeStruct((B_TC, DIM), jnp.float32),
)


@functools.partial(
    pl.kernel,
    out_type=jax.ShapeDtypeStruct((DIM,), jnp.float32),
    mesh=_MESH,
    compiler_params=pltpu.CompilerParams(use_tc_tiling_on_sc=False),
    scratch_types=[
        pltpu.VMEM((NW, W2), jnp.float32),
        pltpu.VMEM((B_TC, W2), jnp.float32),
        pltpu.VMEM((W2,), jnp.float32),
    ],
)
def _phase2(part, tcp, out, buf, tbuf, outb):
    wid = _worker_id()

    @pl.when(wid < NACT2)
    def _():
        base = wid * W2
        pltpu.sync_copy(part.at[:, pl.ds(base, W2)], buf)
        pltpu.sync_copy(tcp.at[:, pl.ds(base, W2)], tbuf)

        def body(i, carry):
            sl = pl.ds(i * L, L)
            a = tbuf[0, sl]
            for k in range(1, B_TC):
                a = a + tbuf[k, sl]
            for k in range(NW):
                a = a + buf[k, sl]
            e = jnp.exp(a * 2.0)
            outb[sl] = 1.0 - 2.0 / (e + 1.0)
            return carry

        lax.fori_loop(0, W2 // L, body, 0)
        pltpu.sync_copy(outb, out.at[pl.ds(base, W2)])


def _level_idx(value, low, high, n):
    idx = jnp.round((value - low) / (high - low) * (n - 1)).astype(jnp.int32)
    return jnp.clip(idx, 0, n - 1)


def kernel(input, Wt, Wx, Wy, Wz):
    t = input[:, 0] - input[0, 0]
    xi = _level_idx(input[:, 1], 0.0, 1.0, LEVELS)
    yi = _level_idx(input[:, 2], 0.0, 1.0, LEVELS)
    zi = _level_idx(input[:, 3], 0.0, 1.0, LEVELS)
    ti = _level_idx(t, 0.0, float(TIMESTAMPS), TIMESTAMPS)

    tcp = _tc_partial(
        ti[N_SC:], xi[N_SC:], yi[N_SC:], zi[N_SC:], Wt, Wx, Wy, Wz
    )
    part = _phase1(
        ti[:N_SC].reshape(-1, 1), xi[:N_SC].reshape(-1, 1),
        yi[:N_SC].reshape(-1, 1), zi[:N_SC].reshape(-1, 1),
        Wt, Wx, Wy, Wz,
    )
    return _phase2(part, tcp)

# --- scband reference (transcript-rebuilt; emitter-appended) ---
"""Pipeline reference for scband-hdc-level-encoder-86852828660065 (READ-ONLY COPY).

The authoritative reference and input builder live on the scoring server;
editing this copy changes nothing except your own understanding.
"""

import jax, jax.numpy as jnp
import numpy as np

LEVELS = 256
TIMESTAMPS = 4096
DIM = 10000
N = 4096


def _level_index(value, low, high, n):
    # torchhd embeddings.Level: map continuous value to nearest level index
    idx = jnp.round((value - low) / (high - low) * (n - 1))
    idx = jax.lax.stop_gradient(idx).astype(jnp.int32)
    return jnp.clip(idx, 0, n - 1)


def setup_inputs(seed: int = 0) -> dict:
    key = jax.random.key(seed)
    k1, k2, k3, k4, k5 = jax.random.split(key, 5)
    inp = jax.random.uniform(k1, (N, 4), dtype=jnp.float32)
    # column 0 is a (sorted) timestamp in [0, TIMESTAMPS); columns 1..3 are signals in [0, 1)
    t = jnp.sort(inp[:, 0] * TIMESTAMPS)
    inp = inp.at[:, 0].set(t)
    Wt = jax.random.normal(k2, (TIMESTAMPS, DIM), dtype=jnp.float32)
    Wx = jax.random.normal(k3, (LEVELS, DIM), dtype=jnp.float32)
    Wy = jax.random.normal(k4, (LEVELS, DIM), dtype=jnp.float32)
    Wz = jax.random.normal(k5, (LEVELS, DIM), dtype=jnp.float32)
    return {"input": inp, "Wt": Wt, "Wx": Wx, "Wy": Wy, "Wz": Wz}


def reference(input, Wt, Wx, Wy, Wz):
    # input[:, 0] = input[:, 0] - input[0, 0]
    t = input[:, 0] - input[0, 0]
    x_signal = input[:, 1]
    y_signal = input[:, 2]
    z_signal = input[:, 3]
    xi = _level_index(x_signal, 0.0, 1.0, LEVELS)
    yi = _level_index(y_signal, 0.0, 1.0, LEVELS)
    zi = _level_index(z_signal, 0.0, 1.0, LEVELS)
    ti = _level_index(t, 0.0, float(TIMESTAMPS), TIMESTAMPS)
    x_levels = jnp.take(Wx, xi, axis=0)
    y_levels = jnp.take(Wy, yi, axis=0)
    z_levels = jnp.take(Wz, zi, axis=0)
    times = jnp.take(Wt, ti, axis=0)
    sample_hvs = x_levels * y_levels * z_levels * times
    # torchhd.multiset = bundling = sum over sample dimension
    sample_hv = jnp.sum(sample_hvs, axis=0)
    return jnp.tanh(sample_hv)

if __name__ == "__main__":
    import jax
    _d = setup_inputs()
    print(jax.jit(kernel)(*tuple(_d.values())))

</pallas_src>

<mosaic_0001>
#map = affine_map<(d0, d1) -> (0, 0)>
#map1 = affine_map<(d0, d1) -> (0)>
module attributes {stable_mosaic.version = 14 : i64} {
  func.func @_phase2(%arg0: i32, %arg1: i32, %arg2: memref<32x10000xf32, #tpu.memory_space<hbm>>, %arg3: memref<8x10000xf32, #tpu.memory_space<hbm>>, %arg4: memref<10000xf32, #tpu.memory_space<hbm>>, %arg5: memref<32x400xf32, #tpu.memory_space<vmem>>, %arg6: memref<8x400xf32, #tpu.memory_space<vmem>>, %arg7: memref<400xf32, #tpu.memory_space<vmem>>) attributes {dimension_semantics = [#tpu.dimension_semantics<core_parallel>, #tpu.dimension_semantics<subcore_parallel>], iteration_bounds = array<i64: 2, 16>, scalar_prefetch = 0 : i64, scratch_operands = 3 : i64, tpu.core_type = #tpu.core_type<sc_vector_subcore>, window_params = [{transform_indices = #map}, {transform_indices = #map}, {transform_indices = #map1}]} {
    %mul3A = arith.constant 2 : i32
    %mul3A_0 = arith.muli %arg1, %mul3A : i32
    %add3A = arith.addi %mul3A_0, %arg0 : i32
    %lt3A = arith.constant 25 : i32
    %lt3A_1 = arith.cmpi slt, %add3A, %lt3A : i32
    %convert_element_type3A = arith.extui %lt3A_1 : i1 to i32
    %cond3A = arith.constant 0 : i32
    %cond3A_2 = arith.cmpi ne, %convert_element_type3A, %cond3A : i32
    scf.if %cond3A_2 {
      %mul3A_3 = arith.constant 400 : i32
      %mul3A_4 = arith.muli %add3A, %mul3A_3 : i32
      "tpu.region"() ({
        %run_scoped3A = tpu.sem_alloc : memref<!tpu.dma_semaphore, #tpu.memory_space<semaphore_mem>>
        %dma_start3A = arith.constant 0 : i32
        %dma_start3A_10 = tpu.memref_slice %arg2[%dma_start3A, %mul3A_4] : memref<32x10000xf32, #tpu.memory_space<hbm>> -> memref<32x400xf32, #tpu.memory_space<hbm>>
        %dma_start3A_11 = arith.constant 0 : i32
        %dma_start3A_12 = tpu.memref_slice %arg2[%dma_start3A_11, %mul3A_4] : memref<32x10000xf32, #tpu.memory_space<hbm>> -> memref<32x400xf32, #tpu.memory_space<hbm>>
        tpu.enqueue_dma source(%dma_start3A_12 : memref<32x400xf32, #tpu.memory_space<hbm>>) target(%arg5 : memref<32x400xf32, #tpu.memory_space<vmem>>) target_semaphore(%run_scoped3A : memref<!tpu.dma_semaphore, #tpu.memory_space<semaphore_mem>>)
        %dma_wait3A = arith.constant 0 : i32
        %dma_wait3A_13 = tpu.memref_slice %arg2[%dma_wait3A, %mul3A_4] : memref<32x10000xf32, #tpu.memory_space<hbm>> -> memref<32x400xf32, #tpu.memory_space<hbm>>
        %dma_wait3A_14 = arith.constant 0 : i32
        %dma_wait3A_15 = tpu.memref_slice %arg2[%dma_wait3A_14, %mul3A_4] : memref<32x10000xf32, #tpu.memory_space<hbm>> -> memref<32x400xf32, #tpu.memory_space<hbm>>
        tpu.wait_dma2 semaphore(%run_scoped3A : memref<!tpu.dma_semaphore, #tpu.memory_space<semaphore_mem>>) src(%dma_wait3A_15 : memref<32x400xf32, #tpu.memory_space<hbm>>) dst(%arg5 : memref<32x400xf32, #tpu.memory_space<vmem>>)
        tpu.yield
      }) : () -> ()
      "tpu.region"() ({
        %run_scoped3A = tpu.sem_alloc : memref<!tpu.dma_semaphore, #tpu.memory_space<semaphore_mem>>
        %dma_start3A = arith.constant 0 : i32
        %dma_start3A_10 = tpu.memref_slice %arg3[%dma_start3A, %mul3A_4] : memref<8x10000xf32, #tpu.memory_space<hbm>> -> memref<8x400xf32, #tpu.memory_space<hbm>>
        %dma_start3A_11 = arith.constant 0 : i32
        %dma_start3A_12 = tpu.memref_slice %arg3[%dma_start3A_11, %mul3A_4] : memref<8x10000xf32, #tpu.memory_space<hbm>> -> memref<8x400xf32, #tpu.memory_space<hbm>>
        tpu.enqueue_dma source(%dma_start3A_12 : memref<8x400xf32, #tpu.memory_space<hbm>>) target(%arg6 : memref<8x400xf32, #tpu.memory_space<vmem>>) target_semaphore(%run_scoped3A : memref<!tpu.dma_semaphore, #tpu.memory_space<semaphore_mem>>)
        %dma_wait3A = arith.constant 0 : i32
        %dma_wait3A_13 = tpu.memref_slice %arg3[%dma_wait3A, %mul3A_4] : memref<8x10000xf32, #tpu.memory_space<hbm>> -> memref<8x400xf32, #tpu.memory_space<hbm>>
        %dma_wait3A_14 = arith.constant 0 : i32
        %dma_wait3A_15 = tpu.memref_slice %arg3[%dma_wait3A_14, %mul3A_4] : memref<8x10000xf32, #tpu.memory_space<hbm>> -> memref<8x400xf32, #tpu.memory_space<hbm>>
        tpu.wait_dma2 semaphore(%run_scoped3A : memref<!tpu.dma_semaphore, #tpu.memory_space<semaphore_mem>>) src(%dma_wait3A_15 : memref<8x400xf32, #tpu.memory_space<hbm>>) dst(%arg6 : memref<8x400xf32, #tpu.memory_space<vmem>>)
        tpu.yield
      }) : () -> ()
      %scan3A = arith.constant 0 : i32
      %scan3A_5 = arith.constant 0 : i32
      %scan3A_6 = arith.constant 25 : i32
      %scan3A_7 = arith.addi %scan3A_5, %scan3A_6 : i32
      %scan3A_8 = arith.constant 1 : i32
      scf.for %scan3A_10 = %scan3A_5 to %scan3A_7 step %scan3A_8  : i32 {
        %mul3A_11 = arith.constant 16 : i32
        %mul3A_12 = arith.muli %scan3A_10, %mul3A_11 : i32
        %get3A = arith.constant 0 : i32
        %get3A_13 = arith.index_cast %get3A : i32 to index
        %get3A_14 = arith.index_cast %mul3A_12 : i32 to index
        %get3A_15 = tpu.vector_load %arg6[%get3A_13, %get3A_14] {strides = array<i32>} : memref<8x400xf32, #tpu.memory_space<vmem>>, vector<1x16xf32>,
        %get3A_16 = vector.shape_cast %get3A_15 : vector<1x16xf32> to vector<16xf32>
        %get3A_17 = arith.constant 1 : i32
        %get3A_18 = arith.index_cast %get3A_17 : i32 to index
        %get3A_19 = arith.index_cast %mul3A_12 : i32 to index
        %get3A_20 = tpu.vector_load %arg6[%get3A_18, %get3A_19] {strides = array<i32>} : memref<8x400xf32, #tpu.memory_space<vmem>>, vector<1x16xf32>,
        %get3A_21 = vector.shape_cast %get3A_20 : vector<1x16xf32> to vector<16xf32>
        %add3A_22 = arith.addf %get3A_16, %get3A_21 : vector<16xf32>
        %get3A_23 = arith.constant 2 : i32
        %get3A_24 = arith.index_cast %get3A_23 : i32 to index
        %get3A_25 = arith.index_cast %mul3A_12 : i32 to index
        %get3A_26 = tpu.vector_load %arg6[%get3A_24, %get3A_25] {strides = array<i32>} : memref<8x400xf32, #tpu.memory_space<vmem>>, vector<1x16xf32>,
        %get3A_27 = vector.shape_cast %get3A_26 : vector<1x16xf32> to vector<16xf32>
        %add3A_28 = arith.addf %add3A_22, %get3A_27 : vector<16xf32>
        %get3A_29 = arith.constant 3 : i32
        %get3A_30 = arith.index_cast %get3A_29 : i32 to index
        %get3A_31 = arith.index_cast %mul3A_12 : i32 to index
        %get3A_32 = tpu.vector_load %arg6[%get3A_30, %get3A_31] {strides = array<i32>} : memref<8x400xf32, #tpu.memory_space<vmem>>, vector<1x16xf32>,
        %get3A_33 = vector.shape_cast %get3A_32 : vector<1x16xf32> to vector<16xf32>
        %add3A_34 = arith.addf %add3A_28, %get3A_33 : vector<16xf32>
        %get3A_35 = arith.constant 4 : i32
        %get3A_36 = arith.index_cast %get3A_35 : i32 to index
        %get3A_37 = arith.index_cast %mul3A_12 : i32 to index
        %get3A_38 = tpu.vector_load %arg6[%get3A_36, %get3A_37] {strides = array<i32>} : memref<8x400xf32, #tpu.memory_space<vmem>>, vector<1x16xf32>,
        %get3A_39 = vector.shape_cast %get3A_38 : vector<1x16xf32> to vector<16xf32>
        %add3A_40 = arith.addf %add3A_34, %get3A_39 : vector<16xf32>
        %get3A_41 = arith.constant 5 : i32
        %get3A_42 = arith.index_cast %get3A_41 : i32 to index
        %get3A_43 = arith.index_cast %mul3A_12 : i32 to index
        %get3A_44 = tpu.vector_load %arg6[%get3A_42, %get3A_43] {strides = array<i32>} : memref<8x400xf32, #tpu.memory_space<vmem>>, vector<1x16xf32>,
        %get3A_45 = vector.shape_cast %get3A_44 : vector<1x16xf32> to vector<16xf32>
        %add3A_46 = arith.addf %add3A_40, %get3A_45 : vector<16xf32>
        %get3A_47 = arith.constant 6 : i32
        %get3A_48 = arith.index_cast %get3A_47 : i32 to index
        %get3A_49 = arith.index_cast %mul3A_12 : i32 to index
        %get3A_50 = tpu.vector_load %arg6[%get3A_48, %get3A_49] {strides = array<i32>} : memref<8x400xf32, #tpu.memory_space<vmem>>, vector<1x16xf32>,
        %get3A_51 = vector.shape_cast %get3A_50 : vector<1x16xf32> to vector<16xf32>
        %add3A_52 = arith.addf %add3A_46, %get3A_51 : vector<16xf32>
        %get3A_53 = arith.constant 7 : i32
        %get3A_54 = arith.index_cast %get3A_53 : i32 to index
        %get3A_55 = arith.index_cast %mul3A_12 : i32 to index
        %get3A_56 = tpu.vector_load %arg6[%get3A_54, %get3A_55] {strides = array<i32>} : memref<8x400xf32, #tpu.memory_space<vmem>>, vector<1x16xf32>,
        %get3A_57 = vector.shape_cast %get3A_56 : vector<1x16xf32> to vector<16xf32>
        %add3A_58 = arith.addf %add3A_52, %get3A_57 : vector<16xf32>
        %get3A_59 = arith.constant 0 : i32
        %get3A_60 = arith.index_cast %get3A_59 : i32 to index
        %get3A_61 = arith.index_cast %mul3A_12 : i32 to index
        %get3A_62 = tpu.vector_load %arg5[%get3A_60, %get3A_61] {strides = array<i32>} : memref<32x400xf32, #tpu.memory_space<vmem>>, vector<1x16xf32>,
        %get3A_63 = vector.shape_cast %get3A_62 : vector<1x16xf32> to vector<16xf32>
        %add3A_64 = arith.addf %add3A_58, %get3A_63 : vector<16xf32>
        %get3A_65 = arith.constant 1 : i32
        %get3A_66 = arith.index_cast %get3A_65 : i32 to index
        %get3A_67 = arith.index_cast %mul3A_12 : i32 to index
        %get3A_68 = tpu.vector_load %arg5[%get3A_66, %get3A_67] {strides = array<i32>} : memref<32x400xf32, #tpu.memory_space<vmem>>, vector<1x16xf32>,
        %get3A_69 = vector.shape_cast %get3A_68 : vector<1x16xf32> to vector<16xf32>
        %add3A_70 = arith.addf %add3A_64, %get3A_69 : vector<16xf32>
        %get3A_71 = arith.constant 2 : i32
        %get3A_72 = arith.index_cast %get3A_71 : i32 to index
        %get3A_73 = arith.index_cast %mul3A_12 : i32 to index
        %get3A_74 = tpu.vector_load %arg5[%get3A_72, %get3A_73] {strides = array<i32>} : memref<32x400xf32, #tpu.memory_space<vmem>>, vector<1x16xf32>,
        %get3A_75 = vector.shape_cast %get3A_74 : vector<1x16xf32> to vector<16xf32>
        %add3A_76 = arith.addf %add3A_70, %get3A_75 : vector<16xf32>
        %get3A_77 = arith.constant 3 : i32
        %get3A_78 = arith.index_cast %get3A_77 : i32 to index
        %get3A_79 = arith.index_cast %mul3A_12 : i32 to index
        %get3A_80 = tpu.vector_load %arg5[%get3A_78, %get3A_79] {strides = array<i32>} : memref<32x400xf32, #tpu.memory_space<vmem>>, vector<1x16xf32>,
        %get3A_81 = vector.shape_cast %get3A_80 : vector<1x16xf32> to vector<16xf32>
        %add3A_82 = arith.addf %add3A_76, %get3A_81 : vector<16xf32>
        %get3A_83 = arith.constant 4 : i32
        %get3A_84 = arith.index_cast %get3A_83 : i32 to index
        %get3A_85 = arith.index_cast %mul3A_12 : i32 to index
        %get3A_86 = tpu.vector_load %arg5[%get3A_84, %get3A_85] {strides = array<i32>} : memref<32x400xf32, #tpu.memory_space<vmem>>, vector<1x16xf32>,
        %get3A_87 = vector.shape_cast %get3A_86 : vector<1x16xf32> to vector<16xf32>
        %add3A_88 = arith.addf %add3A_82, %get3A_87 : vector<16xf32>
        %get3A_89 = arith.constant 5 : i32
        %get3A_90 = arith.index_cast %get3A_89 : i32 to index
        %get3A_91 = arith.index_cast %mul3A_12 : i32 to index
        %get3A_92 = tpu.vector_load %arg5[%get3A_90, %get3A_91] {strides = array<i32>} : memref<32x400xf32, #tpu.memory_space<vmem>>, vector<1x16xf32>,
        %get3A_93 = vector.shape_cast %get3A_92 : vector<1x16xf32> to vector<16xf32>
        %add3A_94 = arith.addf %add3A_88, %get3A_93 : vector<16xf32>
        %get3A_95 = arith.constant 6 : i32
        %get3A_96 = arith.index_cast %get3A_95 : i32 to index
        %get3A_97 = arith.index_cast %mul3A_12 : i32 to index
        %get3A_98 = tpu.vector_load %arg5[%get3A_96, %get3A_97] {strides = array<i32>} : memref<32x400xf32, #tpu.memory_space<vmem>>, vector<1x16xf32>,
        %get3A_99 = vector.shape_cast %get3A_98 : vector<1x16xf32> to vector<16xf32>
        %add3A_100 = arith.addf %add3A_94, %get3A_99 : vector<16xf32>
        %get3A_101 = arith.constant 7 : i32
        %get3A_102 = arith.index_cast %get3A_101 : i32 to index
        %get3A_103 = arith.index_cast %mul3A_12 : i32 to index
        %get3A_104 = tpu.vector_load %arg5[%get3A_102, %get3A_103] {strides = array<i32>} : memref<32x400xf32, #tpu.memory_space<vmem>>, vector<1x16xf32>,
        %get3A_105 = vector.shape_cast %get3A_104 : vector<1x16xf32> to vector<16xf32>
        %add3A_106 = arith.addf %add3A_100, %get3A_105 : vector<16xf32>
        %get3A_107 = arith.constant 8 : i32
        %get3A_108 = arith.index_cast %get3A_107 : i32 to index
        %get3A_109 = arith.index_cast %mul3A_12 : i32 to index
        %get3A_110 = tpu.vector_load %arg5[%get3A_108, %get3A_109] {strides = array<i32>} : memref<32x400xf32, #tpu.memory_space<vmem>>, vector<1x16xf32>,
        %get3A_111 = vector.shape_cast %get3A_110 : vector<1x16xf32> to vector<16xf32>
        %add3A_112 = arith.addf %add3A_106, %get3A_111 : vector<16xf32>
        %get3A_113 = arith.constant 9 : i32
        %get3A_114 = arith.index_cast %get3A_113 : i32 to index
        %get3A_115 = arith.index_cast %mul3A_12 : i32 to index
        %get3A_116 = tpu.vector_load %arg5[%get3A_114, %get3A_115] {strides = array<i32>} : memref<32x400xf32, #tpu.memory_space<vmem>>, vector<1x16xf32>,
        %get3A_117 = vector.shape_cast %get3A_116 : vector<1x16xf32> to vector<16xf32>
        %add3A_118 = arith.addf %add3A_112, %get3A_117 : vector<16xf32>
        %get3A_119 = arith.constant 10 : i32
        %get3A_120 = arith.index_cast %get3A_119 : i32 to index
        %get3A_121 = arith.index_cast %mul3A_12 : i32 to index
        %get3A_122 = tpu.vector_load %arg5[%get3A_120, %get3A_121] {strides = array<i32>} : memref<32x400xf32, #tpu.memory_space<vmem>>, vector<1x16xf32>,
        %get3A_123 = vector.shape_cast %get3A_122 : vector<1x16xf32> to vector<16xf32>
        %add3A_124 = arith.addf %add3A_118, %get3A_123 : vector<16xf32>
        %get3A_125 = arith.constant 11 : i32
        %get3A_126 = arith.index_cast %get3A_125 : i32 to index
        %get3A_127 = arith.index_cast %mul3A_12 : i32 to index
        %get3A_128 = tpu.vector_load %arg5[%get3A_126, %get3A_127] {strides = array<i32>} : memref<32x400xf32, #tpu.memory_space<vmem>>, vector<1x16xf32>,
        %get3A_129 = vector.shape_cast %get3A_128 : vector<1x16xf32> to vector<16xf32>
        %add3A_130 = arith.addf %add3A_124, %get3A_129 : vector<16xf32>
        %get3A_131 = arith.constant 12 : i32
        %get3A_132 = arith.index_cast %get3A_131 : i32 to index
        %get3A_133 = arith.index_cast %mul3A_12 : i32 to index
        %get3A_134 = tpu.vector_load %arg5[%get3A_132, %get3A_133] {strides = array<i32>} : memref<32x400xf32, #tpu.memory_space<vmem>>, vector<1x16xf32>,
        %get3A_135 = vector.shape_cast %get3A_134 : vector<1x16xf32> to vector<16xf32>
        %add3A_136 = arith.addf %add3A_130, %get3A_135 : vector<16xf32>
        %get3A_137 = arith.constant 13 : i32
        %get3A_138 = arith.index_cast %get3A_137 : i32 to index
        %get3A_139 = arith.index_cast %mul3A_12 : i32 to index
        %get3A_140 = tpu.vector_load %arg5[%get3A_138, %get3A_139] {strides = array<i32>} : memref<32x400xf32, #tpu.memory_space<vmem>>, vector<1x16xf32>,
        %get3A_141 = vector.shape_cast %get3A_140 : vector<1x16xf32> to vector<16xf32>
        %add3A_142 = arith.addf %add3A_136, %get3A_141 : vector<16xf32>
        %get3A_143 = arith.constant 14 : i32
        %get3A_144 = arith.index_cast %get3A_143 : i32 to index
        %get3A_145 = arith.index_cast %mul3A_12 : i32 to index
        %get3A_146 = tpu.vector_load %arg5[%get3A_144, %get3A_145] {strides = array<i32>} : memref<32x400xf32, #tpu.memory_space<vmem>>, vector<1x16xf32>,
        %get3A_147 = vector.shape_cast %get3A_146 : vector<1x16xf32> to vector<16xf32>
        %add3A_148 = arith.addf %add3A_142, %get3A_147 : vector<16xf32>
        %get3A_149 = arith.constant 15 : i32
        %get3A_150 = arith.index_cast %get3A_149 : i32 to index
        %get3A_151 = arith.index_cast %mul3A_12 : i32 to index
        %get3A_152 = tpu.vector_load %arg5[%get3A_150, %get3A_151] {strides = array<i32>} : memref<32x400xf32, #tpu.memory_space<vmem>>, vector<1x16xf32>,
        %get3A_153 = vector.shape_cast %get3A_152 : vector<1x16xf32> to vector<16xf32>
        %add3A_154 = arith.addf %add3A_148, %get3A_153 : vector<16xf32>
        %get3A_155 = arith.constant 16 : i32
        %get3A_156 = arith.index_cast %get3A_155 : i32 to index
        %get3A_157 = arith.index_cast %mul3A_12 : i32 to index
        %get3A_158 = tpu.vector_load %arg5[%get3A_156, %get3A_157] {strides = array<i32>} : memref<32x400xf32, #tpu.memory_space<vmem>>, vector<1x16xf32>,
        %get3A_159 = vector.shape_cast %get3A_158 : vector<1x16xf32> to vector<16xf32>
        %add3A_160 = arith.addf %add3A_154, %get3A_159 : vector<16xf32>
        %get3A_161 = arith.constant 17 : i32
        %get3A_162 = arith.index_cast %get3A_161 : i32 to index
        %get3A_163 = arith.index_cast %mul3A_12 : i32 to index
        %get3A_164 = tpu.vector_load %arg5[%get3A_162, %get3A_163] {strides = array<i32>} : memref<32x400xf32, #tpu.memory_space<vmem>>, vector<1x16xf32>,
        %get3A_165 = vector.shape_cast %get3A_164 : vector<1x16xf32> to vector<16xf32>
        %add3A_166 = arith.addf %add3A_160, %get3A_165 : vector<16xf32>
        %get3A_167 = arith.constant 18 : i32
        %get3A_168 = arith.index_cast %get3A_167 : i32 to index
        %get3A_169 = arith.index_cast %mul3A_12 : i32 to index
        %get3A_170 = tpu.vector_load %arg5[%get3A_168, %get3A_169] {strides = array<i32>} : memref<32x400xf32, #tpu.memory_space<vmem>>, vector<1x16xf32>,
        %get3A_171 = vector.shape_cast %get3A_170 : vector<1x16xf32> to vector<16xf32>
        %add3A_172 = arith.addf %add3A_166, %get3A_171 : vector<16xf32>
        %get3A_173 = arith.constant 19 : i32
        %get3A_174 = arith.index_cast %get3A_173 : i32 to index
        %get3A_175 = arith.index_cast %mul3A_12 : i32 to index
        %get3A_176 = tpu.vector_load %arg5[%get3A_174, %get3A_175] {strides = array<i32>} : memref<32x400xf32, #tpu.memory_space<vmem>>, vector<1x16xf32>,
        %get3A_177 = vector.shape_cast %get3A_176 : vector<1x16xf32> to vector<16xf32>
        %add3A_178 = arith.addf %add3A_172, %get3A_177 : vector<16xf32>
        %get3A_179 = arith.constant 20 : i32
        %get3A_180 = arith.index_cast %get3A_179 : i32 to index
        %get3A_181 = arith.index_cast %mul3A_12 : i32 to index
        %get3A_182 = tpu.vector_load %arg5[%get3A_180, %get3A_181] {strides = array<i32>} : memref<32x400xf32, #tpu.memory_space<vmem>>, vector<1x16xf32>,
        %get3A_183 = vector.shape_cast %get3A_182 : vector<1x16xf32> to vector<16xf32>
        %add3A_184 = arith.addf %add3A_178, %get3A_183 : vector<16xf32>
        %get3A_185 = arith.constant 21 : i32
        %get3A_186 = arith.index_cast %get3A_185 : i32 to index
        %get3A_187 = arith.index_cast %mul3A_12 : i32 to index
        %get3A_188 = tpu.vector_load %arg5[%get3A_186, %get3A_187] {strides = array<i32>} : memref<32x400xf32, #tpu.memory_space<vmem>>, vector<1x16xf32>,
        %get3A_189 = vector.shape_cast %get3A_188 : vector<1x16xf32> to vector<16xf32>
        %add3A_190 = arith.addf %add3A_184, %get3A_189 : vector<16xf32>
        %get3A_191 = arith.constant 22 : i32
        %get3A_192 = arith.index_cast %get3A_191 : i32 to index
        %get3A_193 = arith.index_cast %mul3A_12 : i32 to index
        %get3A_194 = tpu.vector_load %arg5[%get3A_192, %get3A_193] {strides = array<i32>} : memref<32x400xf32, #tpu.memory_space<vmem>>, vector<1x16xf32>,
        %get3A_195 = vector.shape_cast %get3A_194 : vector<1x16xf32> to vector<16xf32>
        %add3A_196 = arith.addf %add3A_190, %get3A_195 : vector<16xf32>
        %get3A_197 = arith.constant 23 : i32
        %get3A_198 = arith.index_cast %get3A_197 : i32 to index
        %get3A_199 = arith.index_cast %mul3A_12 : i32 to index
        %get3A_200 = tpu.vector_load %arg5[%get3A_198, %get3A_199] {strides = array<i32>} : memref<32x400xf32, #tpu.memory_space<vmem>>, vector<1x16xf32>,
        %get3A_201 = vector.shape_cast %get3A_200 : vector<1x16xf32> to vector<16xf32>
        %add3A_202 = arith.addf %add3A_196, %get3A_201 : vector<16xf32>
        %get3A_203 = arith.constant 24 : i32
        %get3A_204 = arith.index_cast %get3A_203 : i32 to index
        %get3A_205 = arith.index_cast %mul3A_12 : i32 to index
        %get3A_206 = tpu.vector_load %arg5[%get3A_204, %get3A_205] {strides = array<i32>} : memref<32x400xf32, #tpu.memory_space<vmem>>, vector<1x16xf32>,
        %get3A_207 = vector.shape_cast %get3A_206 : vector<1x16xf32> to vector<16xf32>
        %add3A_208 = arith.addf %add3A_202, %get3A_207 : vector<16xf32>
        %get3A_209 = arith.constant 25 : i32
        %get3A_210 = arith.index_cast %get3A_209 : i32 to index
        %get3A_211 = arith.index_cast %mul3A_12 : i32 to index
        %get3A_212 = tpu.vector_load %arg5[%get3A_210, %get3A_211] {strides = array<i32>} : memref<32x400xf32, #tpu.memory_space<vmem>>, vector<1x16xf32>,
        %get3A_213 = vector.shape_cast %get3A_212 : vector<1x16xf32> to vector<16xf32>
        %add3A_214 = arith.addf %add3A_208, %get3A_213 : vector<16xf32>
        %get3A_215 = arith.constant 26 : i32
        %get3A_216 = arith.index_cast %get3A_215 : i32 to index
        %get3A_217 = arith.index_cast %mul3A_12 : i32 to index
        %get3A_218 = tpu.vector_load %arg5[%get3A_216, %get3A_217] {strides = array<i32>} : memref<32x400xf32, #tpu.memory_space<vmem>>, vector<1x16xf32>,
        %get3A_219 = vector.shape_cast %get3A_218 : vector<1x16xf32> to vector<16xf32>
        %add3A_220 = arith.addf %add3A_214, %get3A_219 : vector<16xf32>
        %get3A_221 = arith.constant 27 : i32
        %get3A_222 = arith.index_cast %get3A_221 : i32 to index
        %get3A_223 = arith.index_cast %mul3A_12 : i32 to index
        %get3A_224 = tpu.vector_load %arg5[%get3A_222, %get3A_223] {strides = array<i32>} : memref<32x400xf32, #tpu.memory_space<vmem>>, vector<1x16xf32>,
        %get3A_225 = vector.shape_cast %get3A_224 : vector<1x16xf32> to vector<16xf32>
        %add3A_226 = arith.addf %add3A_220, %get3A_225 : vector<16xf32>
        %get3A_227 = arith.constant 28 : i32
        %get3A_228 = arith.index_cast %get3A_227 : i32 to index
        %get3A_229 = arith.index_cast %mul3A_12 : i32 to index
        %get3A_230 = tpu.vector_load %arg5[%get3A_228, %get3A_229] {strides = array<i32>} : memref<32x400xf32, #tpu.memory_space<vmem>>, vector<1x16xf32>,
        %get3A_231 = vector.shape_cast %get3A_230 : vector<1x16xf32> to vector<16xf32>
        %add3A_232 = arith.addf %add3A_226, %get3A_231 : vector<16xf32>
        %get3A_233 = arith.constant 29 : i32
        %get3A_234 = arith.index_cast %get3A_233 : i32 to index
        %get3A_235 = arith.index_cast %mul3A_12 : i32 to index
        %get3A_236 = tpu.vector_load %arg5[%get3A_234, %get3A_235] {strides = array<i32>} : memref<32x400xf32, #tpu.memory_space<vmem>>, vector<1x16xf32>,
        %get3A_237 = vector.shape_cast %get3A_236 : vector<1x16xf32> to vector<16xf32>
        %add3A_238 = arith.addf %add3A_232, %get3A_237 : vector<16xf32>
        %get3A_239 = arith.constant 30 : i32
        %get3A_240 = arith.index_cast %get3A_239 : i32 to index
        %get3A_241 = arith.index_cast %mul3A_12 : i32 to index
        %get3A_242 = tpu.vector_load %arg5[%get3A_240, %get3A_241] {strides = array<i32>} : memref<32x400xf32, #tpu.memory_space<vmem>>, vector<1x16xf32>,
        %get3A_243 = vector.shape_cast %get3A_242 : vector<1x16xf32> to vector<16xf32>
        %add3A_244 = arith.addf %add3A_238, %get3A_243 : vector<16xf32>
        %get3A_245 = arith.constant 31 : i32
        %get3A_246 = arith.index_cast %get3A_245 : i32 to index
        %get3A_247 = arith.index_cast %mul3A_12 : i32 to index
        %get3A_248 = tpu.vector_load %arg5[%get3A_246, %get3A_247] {strides = array<i32>} : memref<32x400xf32, #tpu.memory_space<vmem>>, vector<1x16xf32>,
        %get3A_249 = vector.shape_cast %get3A_248 : vector<1x16xf32> to vector<16xf32>
        %add3A_250 = arith.addf %add3A_244, %get3A_249 : vector<16xf32>
        %mul3A_251 = arith.constant 2.000000e+00 : f32
        %mul3A_252 = vector.broadcast %mul3A_251 : f32 to vector<16xf32>
        %mul3A_253 = arith.mulf %add3A_250, %mul3A_252 : vector<16xf32>
        %exp3A = math.exp %mul3A_253 : vector<16xf32>
        %add3A_254 = arith.constant 1.000000e+00 : f32
        %add3A_255 = vector.broadcast %add3A_254 : f32 to vector<16xf32>
        %add3A_256 = arith.addf %exp3A, %add3A_255 : vector<16xf32>
        %div3A = arith.constant 2.000000e+00 : f32
        %div3A_257 = vector.broadcast %div3A : f32 to vector<16xf32>
        %div3A_258 = arith.divf %div3A_257, %add3A_256 : vector<16xf32>
        %sub3A = arith.constant 1.000000e+00 : f32
        %sub3A_259 = vector.broadcast %sub3A : f32 to vector<16xf32>
        %sub3A_260 = arith.subf %sub3A_259, %div3A_258 : vector<16xf32>
        %swap3A = arith.index_cast %mul3A_12 : i32 to index
        %swap3A_261 = tpu.vector_load %arg7[%swap3A] {strides = array<i32>} : memref<400xf32, #tpu.memory_space<vmem>>, vector<16xf32>,
        %swap3A_262 = vector.shape_cast %swap3A_261 : vector<16xf32> to vector<16xf32>
        %swap3A_263 = vector.shape_cast %sub3A_260 : vector<16xf32> to vector<16xf32>
        tpu.vector_store %arg7[%swap3A], %swap3A_263 {strides = array<i32>} : memref<400xf32, #tpu.memory_space<vmem>>, vector<16xf32>,
      }
      %scan3A_9 = arith.constant 25 : i32
      "tpu.region"() ({
        %run_scoped3A = tpu.sem_alloc : memref<!tpu.dma_semaphore, #tpu.memory_space<semaphore_mem>>
        %dma_start3A = tpu.memref_slice %arg4[%mul3A_4] : memref<10000xf32, #tpu.memory_space<hbm>> -> memref<400xf32, #tpu.memory_space<hbm>>
        %dma_start3A_10 = tpu.memref_slice %arg4[%mul3A_4] : memref<10000xf32, #tpu.memory_space<hbm>> -> memref<400xf32, #tpu.memory_space<hbm>>
        tpu.enqueue_dma source(%arg7 : memref<400xf32, #tpu.memory_space<vmem>>) target(%dma_start3A_10 : memref<400xf32, #tpu.memory_space<hbm>>) target_semaphore(%run_scoped3A : memref<!tpu.dma_semaphore, #tpu.memory_space<semaphore_mem>>)
        %dma_wait3A = tpu.memref_slice %arg4[%mul3A_4] : memref<10000xf32, #tpu.memory_space<hbm>> -> memref<400xf32, #tpu.memory_space<hbm>>
        %dma_wait3A_11 = tpu.memref_slice %arg4[%mul3A_4] : memref<10000xf32, #tpu.memory_space<hbm>> -> memref<400xf32, #tpu.memory_space<hbm>>
        tpu.wait_dma2 semaphore(%run_scoped3A : memref<!tpu.dma_semaphore, #tpu.memory_space<semaphore_mem>>) src(%arg7 : memref<400xf32, #tpu.memory_space<vmem>>) dst(%dma_wait3A_11 : memref<400xf32, #tpu.memory_space<hbm>>)
        tpu.yield
      }) : () -> ()
    } else {
    }
    return
  }
}

#map = affine_map<(d0, d1) -> (0, 0)>
module attributes {stable_mosaic.version = 14 : i64} {
  func.func @_phase1(%arg0: i32, %arg1: i32, %arg2: memref<3584x1xi32, #tpu.memory_space<hbm>>, %arg3: memref<3584x1xi32, #tpu.memory_space<hbm>>, %arg4: memref<3584x1xi32, #tpu.memory_space<hbm>>, %arg5: memref<3584x1xi32, #tpu.memory_space<hbm>>, %arg6: memref<4096x10000xf32, #tpu.memory_space<hbm>>, %arg7: memref<256x10000xf32, #tpu.memory_space<hbm>>, %arg8: memref<256x10000xf32, #tpu.memory_space<hbm>>, %arg9: memref<256x10000xf32, #tpu.memory_space<hbm>>, %arg10: memref<32x10000xf32, #tpu.memory_space<hbm>>, %arg11: memref<112x1xi32, #tpu.memory_space<vmem>>, %arg12: memref<112x1xi32, #tpu.memory_space<vmem>>, %arg13: memref<112x1xi32, #tpu.memory_space<vmem>>, %arg14: memref<112x1xi32, #tpu.memory_space<vmem>>, %arg15: memref<1x10000xf32, #tpu.memory_space<vmem>>, %arg16: memref<1x10000xf32, #tpu.memory_space<vmem>>, %arg17: memref<1x10000xf32, #tpu.memory_space<vmem>>, %arg18: memref<1x10000xf32, #tpu.memory_space<vmem>>, %arg19: memref<1x10000xf32, #tpu.memory_space<vmem>>, %arg20: memref<1x10000xf32, #tpu.memory_space<vmem>>, %arg21: memref<1x10000xf32, #tpu.memory_space<vmem>>, %arg22: memref<1x10000xf32, #tpu.memory_space<vmem>>, %arg23: memref<10000xf32, #tpu.memory_space<vmem>>, %arg24: memref<!tpu.dma_semaphore, #tpu.memory_space<semaphore_mem>>, %arg25: memref<!tpu.dma_semaphore, #tpu.memory_space<semaphore_mem>>) attributes {dimension_semantics = [#tpu.dimension_semantics<core_parallel>, #tpu.dimension_semantics<subcore_parallel>], iteration_bounds = array<i64: 2, 16>, scalar_prefetch = 0 : i64, scratch_operands = 15 : i64, tpu.core_type = #tpu.core_type<sc_vector_subcore>, window_params = [{transform_indices = #map}, {transform_indices = #map}, {transform_indices = #map}, {transform_indices = #map}, {transform_indices = #map}, {transform_indices = #map}, {transform_indices = #map}, {transform_indices = #map}, {transform_indices = #map}]} {
    %mul3A = arith.constant 2 : i32
    %mul3A_0 = arith.muli %arg1, %mul3A : i32
    %add3A = arith.addi %mul3A_0, %arg0 : i32
    %mul3A_1 = arith.constant 112 : i32
    %mul3A_2 = arith.muli %add3A, %mul3A_1 : i32
    "tpu.region"() ({
      %run_scoped3A = tpu.sem_alloc : memref<!tpu.dma_semaphore, #tpu.memory_space<semaphore_mem>>
      %dma_start3A_37 = arith.constant 0 : i32
      %dma_start3A_38 = tpu.memref_slice %arg2[%mul3A_2, %dma_start3A_37] : memref<3584x1xi32, #tpu.memory_space<hbm>> -> memref<112x1xi32, #tpu.memory_space<hbm>>
      %dma_start3A_39 = arith.constant 0 : i32
      %dma_start3A_40 = tpu.memref_slice %arg2[%mul3A_2, %dma_start3A_39] : memref<3584x1xi32, #tpu.memory_space<hbm>> -> memref<112x1xi32, #tpu.memory_space<hbm>>
      tpu.enqueue_dma source(%dma_start3A_40 : memref<112x1xi32, #tpu.memory_space<hbm>>) target(%arg11 : memref<112x1xi32, #tpu.memory_space<vmem>>) target_semaphore(%run_scoped3A : memref<!tpu.dma_semaphore, #tpu.memory_space<semaphore_mem>>)
      %dma_wait3A = arith.constant 0 : i32
      %dma_wait3A_41 = tpu.memref_slice %arg2[%mul3A_2, %dma_wait3A] : memref<3584x1xi32, #tpu.memory_space<hbm>> -> memref<112x1xi32, #tpu.memory_space<hbm>>
      %dma_wait3A_42 = arith.constant 0 : i32
      %dma_wait3A_43 = tpu.memref_slice %arg2[%mul3A_2, %dma_wait3A_42] : memref<3584x1xi32, #tpu.memory_space<hbm>> -> memref<112x1xi32, #tpu.memory_space<hbm>>
      tpu.wait_dma2 semaphore(%run_scoped3A : memref<!tpu.dma_semaphore, #tpu.memory_space<semaphore_mem>>) src(%dma_wait3A_43 : memref<112x1xi32, #tpu.memory_space<hbm>>) dst(%arg11 : memref<112x1xi32, #tpu.memory_space<vmem>>)
      tpu.yield
    }) : () -> ()
    "tpu.region"() ({
      %run_scoped3A = tpu.sem_alloc : memref<!tpu.dma_semaphore, #tpu.memory_space<semaphore_mem>>
      %dma_start3A_37 = arith.constant 0 : i32
      %dma_start3A_38 = tpu.memref_slice %arg3[%mul3A_2, %dma_start3A_37] : memref<3584x1xi32, #tpu.memory_space<hbm>> -> memref<112x1xi32, #tpu.memory_space<hbm>>
      %dma_start3A_39 = arith.constant 0 : i32
      %dma_start3A_40 = tpu.memref_slice %arg3[%mul3A_2, %dma_start3A_39] : memref<3584x1xi32, #tpu.memory_space<hbm>> -> memref<112x1xi32, #tpu.memory_space<hbm>>
      tpu.enqueue_dma source(%dma_start3A_40 : memref<112x1xi32, #tpu.memory_space<hbm>>) target(%arg12 : memref<112x1xi32, #tpu.memory_space<vmem>>) target_semaphore(%run_scoped3A : memref<!tpu.dma_semaphore, #tpu.memory_space<semaphore_mem>>)
      %dma_wait3A = arith.constant 0 : i32
      %dma_wait3A_41 = tpu.memref_slice %arg3[%mul3A_2, %dma_wait3A] : memref<3584x1xi32, #tpu.memory_space<hbm>> -> memref<112x1xi32, #tpu.memory_space<hbm>>
      %dma_wait3A_42 = arith.constant 0 : i32
      %dma_wait3A_43 = tpu.memref_slice %arg3[%mul3A_2, %dma_wait3A_42] : memref<3584x1xi32, #tpu.memory_space<hbm>> -> memref<112x1xi32, #tpu.memory_space<hbm>>
      tpu.wait_dma2 semaphore(%run_scoped3A : memref<!tpu.dma_semaphore, #tpu.memory_space<semaphore_mem>>) src(%dma_wait3A_43 : memref<112x1xi32, #tpu.memory_space<hbm>>) dst(%arg12 : memref<112x1xi32, #tpu.memory_space<vmem>>)
      tpu.yield
    }) : () -> ()
    "tpu.region"() ({
      %run_scoped3A = tpu.sem_alloc : memref<!tpu.dma_semaphore, #tpu.memory_space<semaphore_mem>>
      %dma_start3A_37 = arith.constant 0 : i32
      %dma_start3A_38 = tpu.memref_slice %arg4[%mul3A_2, %dma_start3A_37] : memref<3584x1xi32, #tpu.memory_space<hbm>> -> memref<112x1xi32, #tpu.memory_space<hbm>>
      %dma_start3A_39 = arith.constant 0 : i32
      %dma_start3A_40 = tpu.memref_slice %arg4[%mul3A_2, %dma_start3A_39] : memref<3584x1xi32, #tpu.memory_space<hbm>> -> memref<112x1xi32, #tpu.memory_space<hbm>>
      tpu.enqueue_dma source(%dma_start3A_40 : memref<112x1xi32, #tpu.memory_space<hbm>>) target(%arg13 : memref<112x1xi32, #tpu.memory_space<vmem>>) target_semaphore(%run_scoped3A : memref<!tpu.dma_semaphore, #tpu.memory_space<semaphore_mem>>)
      %dma_wait3A = arith.constant 0 : i32
      %dma_wait3A_41 = tpu.memref_slice %arg4[%mul3A_2, %dma_wait3A] : memref<3584x1xi32, #tpu.memory_space<hbm>> -> memref<112x1xi32, #tpu.memory_space<hbm>>
      %dma_wait3A_42 = arith.constant 0 : i32
      %dma_wait3A_43 = tpu.memref_slice %arg4[%mul3A_2, %dma_wait3A_42] : memref<3584x1xi32, #tpu.memory_space<hbm>> -> memref<112x1xi32, #tpu.memory_space<hbm>>
      tpu.wait_dma2 semaphore(%run_scoped3A : memref<!tpu.dma_semaphore, #tpu.memory_space<semaphore_mem>>) src(%dma_wait3A_43 : memref<112x1xi32, #tpu.memory_space<hbm>>) dst(%arg13 : memref<112x1xi32, #tpu.memory_space<vmem>>)
      tpu.yield
    }) : () -> ()
    "tpu.region"() ({
      %run_scoped3A = tpu.sem_alloc : memref<!tpu.dma_semaphore, #tpu.memory_space<semaphore_mem>>
      %dma_start3A_37 = arith.constant 0 : i32
      %dma_start3A_38 = tpu.memref_slice %arg5[%mul3A_2, %dma_start3A_37] : memref<3584x1xi32, #tpu.memory_space<hbm>> -> memref<112x1xi32, #tpu.memory_space<hbm>>
      %dma_start3A_39 = arith.constant 0 : i32
      %dma_start3A_40 = tpu.memref_slice %arg5[%mul3A_2, %dma_start3A_39] : memref<3584x1xi32, #tpu.memory_space<hbm>> -> memref<112x1xi32, #tpu.memory_space<hbm>>
      tpu.enqueue_dma source(%dma_start3A_40 : memref<112x1xi32, #tpu.memory_space<hbm>>) target(%arg14 : memref<112x1xi32, #tpu.memory_space<vmem>>) target_semaphore(%run_scoped3A : memref<!tpu.dma_semaphore, #tpu.memory_space<semaphore_mem>>)
      %dma_wait3A = arith.constant 0 : i32
      %dma_wait3A_41 = tpu.memref_slice %arg5[%mul3A_2, %dma_wait3A] : memref<3584x1xi32, #tpu.memory_space<hbm>> -> memref<112x1xi32, #tpu.memory_space<hbm>>
      %dma_wait3A_42 = arith.constant 0 : i32
      %dma_wait3A_43 = tpu.memref_slice %arg5[%mul3A_2, %dma_wait3A_42] : memref<3584x1xi32, #tpu.memory_space<hbm>> -> memref<112x1xi32, #tpu.memory_space<hbm>>
      tpu.wait_dma2 semaphore(%run_scoped3A : memref<!tpu.dma_semaphore, #tpu.memory_space<semaphore_mem>>) src(%dma_wait3A_43 : memref<112x1xi32, #tpu.memory_space<hbm>>) dst(%arg14 : memref<112x1xi32, #tpu.memory_space<vmem>>)
      tpu.yield
    }) : () -> ()
    %parallel_loop3A = arith.constant 0 : i32
    %parallel_loop3A_3 = arith.constant 625 : i32
    %parallel_loop3A_4 = arith.constant 1 : i32
    scf.for %parallel_loop3A_37 = %parallel_loop3A to %parallel_loop3A_3 step %parallel_loop3A_4  : i32 {
      %parallel_loop3A_38 = arith.constant 0.000000e+00 : f32
      %parallel_loop3A_39 = vector.broadcast %parallel_loop3A_38 : f32 to vector<16xf32>
      %parallel_loop3A_40 = arith.constant 16 : i32
      %parallel_loop3A_41 = arith.muli %parallel_loop3A_37, %parallel_loop3A_40 : i32
      %parallel_loop3A_42 = arith.index_cast %parallel_loop3A_41 : i32 to index
      %parallel_loop3A_43 = tpu.vector_load %arg23[%parallel_loop3A_42] {strides = array<i32>} : memref<10000xf32, #tpu.memory_space<vmem>>, vector<16xf32>,
      %parallel_loop3A_44 = vector.shape_cast %parallel_loop3A_43 : vector<16xf32> to vector<16xf32>
      %parallel_loop3A_45 = vector.shape_cast %parallel_loop3A_39 : vector<16xf32> to vector<16xf32>
      tpu.vector_store %arg23[%parallel_loop3A_42], %parallel_loop3A_45 {strides = array<i32>} : memref<10000xf32, #tpu.memory_space<vmem>>, vector<16xf32>,
    } {sc.loop_unroll_factor = 25 : i64, sc.parallel_access}
    %dma_start3A = arith.constant 0 : i32
    %dma_start3A_5 = arith.constant 0 : i32
    %dma_start3A_6 = tpu.memref_slice %arg11[%dma_start3A, %dma_start3A_5] : memref<112x1xi32, #tpu.memory_space<vmem>> -> memref<1x1xi32, #tpu.memory_space<vmem>>
    %dma_start3A_7 = tpu.memref_squeeze %dma_start3A_6 : memref<1x1xi32, #tpu.memory_space<vmem>> -> memref<1xi32, #tpu.memory_space<vmem>>
    %dma_start3A_8 = arith.constant 0 : i32
    %dma_start3A_9 = arith.constant 0 : i32
    %dma_start3A_10 = tpu.memref_slice %arg6[%dma_start3A_8, %dma_start3A_9] : memref<4096x10000xf32, #tpu.memory_space<hbm>> -> memref<4096x10000xf32, #tpu.memory_space<hbm>>
    tpu.enqueue_indirect_dma source(%dma_start3A_10 : memref<4096x10000xf32, #tpu.memory_space<hbm>>) target(%arg15 : memref<1x10000xf32, #tpu.memory_space<vmem>>) offsets(%dma_start3A_7 : memref<1xi32, #tpu.memory_space<vmem>>) semaphore(%arg24 : memref<!tpu.dma_semaphore, #tpu.memory_space<semaphore_mem>>)
    %dma_start3A_11 = arith.constant 0 : i32
    %dma_start3A_12 = arith.constant 0 : i32
    %dma_start3A_13 = tpu.memref_slice %arg12[%dma_start3A_11, %dma_start3A_12] : memref<112x1xi32, #tpu.memory_space<vmem>> -> memref<1x1xi32, #tpu.memory_space<vmem>>
    %dma_start3A_14 = tpu.memref_squeeze %dma_start3A_13 : memref<1x1xi32, #tpu.memory_space<vmem>> -> memref<1xi32, #tpu.memory_space<vmem>>
    %dma_start3A_15 = arith.constant 0 : i32
    %dma_start3A_16 = arith.constant 0 : i32
    %dma_start3A_17 = tpu.memref_slice %arg7[%dma_start3A_15, %dma_start3A_16] : memref<256x10000xf32, #tpu.memory_space<hbm>> -> memref<256x10000xf32, #tpu.memory_space<hbm>>
    tpu.enqueue_indirect_dma source(%dma_start3A_17 : memref<256x10000xf32, #tpu.memory_space<hbm>>) target(%arg16 : memref<1x10000xf32, #tpu.memory_space<vmem>>) offsets(%dma_start3A_14 : memref<1xi32, #tpu.memory_space<vmem>>) semaphore(%arg24 : memref<!tpu.dma_semaphore, #tpu.memory_space<semaphore_mem>>)
    %dma_start3A_18 = arith.constant 0 : i32
    %dma_start3A_19 = arith.constant 0 : i32
    %dma_start3A_20 = tpu.memref_slice %arg13[%dma_start3A_18, %dma_start3A_19] : memref<112x1xi32, #tpu.memory_space<vmem>> -> memref<1x1xi32, #tpu.memory_space<vmem>>
    %dma_start3A_21 = tpu.memref_squeeze %dma_start3A_20 : memref<1x1xi32, #tpu.memory_space<vmem>> -> memref<1xi32, #tpu.memory_space<vmem>>
    %dma_start3A_22 = arith.constant 0 : i32
    %dma_start3A_23 = arith.constant 0 : i32
    %dma_start3A_24 = tpu.memref_slice %arg8[%dma_start3A_22, %dma_start3A_23] : memref<256x10000xf32, #tpu.memory_space<hbm>> -> memref<256x10000xf32, #tpu.memory_space<hbm>>
    tpu.enqueue_indirect_dma source(%dma_start3A_24 : memref<256x10000xf32, #tpu.memory_space<hbm>>) target(%arg17 : memref<1x10000xf32, #tpu.memory_space<vmem>>) offsets(%dma_start3A_21 : memref<1xi32, #tpu.memory_space<vmem>>) semaphore(%arg24 : memref<!tpu.dma_semaphore, #tpu.memory_space<semaphore_mem>>)
    %dma_start3A_25 = arith.constant 0 : i32
    %dma_start3A_26 = arith.constant 0 : i32
    %dma_start3A_27 = tpu.memref_slice %arg14[%dma_start3A_25, %dma_start3A_26] : memref<112x1xi32, #tpu.memory_space<vmem>> -> memref<1x1xi32, #tpu.memory_space<vmem>>
    %dma_start3A_28 = tpu.memref_squeeze %dma_start3A_27 : memref<1x1xi32, #tpu.memory_space<vmem>> -> memref<1xi32, #tpu.memory_space<vmem>>
    %dma_start3A_29 = arith.constant 0 : i32
    %dma_start3A_30 = arith.constant 0 : i32
    %dma_start3A_31 = tpu.memref_slice %arg9[%dma_start3A_29, %dma_start3A_30] : memref<256x10000xf32, #tpu.memory_space<hbm>> -> memref<256x10000xf32, #tpu.memory_space<hbm>>
    tpu.enqueue_indirect_dma source(%dma_start3A_31 : memref<256x10000xf32, #tpu.memory_space<hbm>>) target(%arg18 : memref<1x10000xf32, #tpu.memory_space<vmem>>) offsets(%dma_start3A_28 : memref<1xi32, #tpu.memory_space<vmem>>) semaphore(%arg24 : memref<!tpu.dma_semaphore, #tpu.memory_space<semaphore_mem>>)
    %scan3A = arith.constant 0 : i32
    %scan3A_32 = arith.constant 0 : i32
    %scan3A_33 = arith.constant 56 : i32
    %scan3A_34 = arith.addi %scan3A_32, %scan3A_33 : i32
    %scan3A_35 = arith.constant 1 : i32
    scf.for %scan3A_37 = %scan3A_32 to %scan3A_34 step %scan3A_35  : i32 {
      %mul3A_38 = arith.constant 2 : i32
      %mul3A_39 = arith.muli %mul3A_38, %scan3A_37 : i32
      %add3A_40 = arith.constant 1 : i32
      %add3A_41 = arith.addi %mul3A_39, %add3A_40 : i32
      %dma_start3A_42 = arith.constant 0 : i32
      %dma_start3A_43 = tpu.memref_slice %arg11[%add3A_41, %dma_start3A_42] : memref<112x1xi32, #tpu.memory_space<vmem>> -> memref<1x1xi32, #tpu.memory_space<vmem>>
      %dma_start3A_44 = tpu.memref_squeeze %dma_start3A_43 : memref<1x1xi32, #tpu.memory_space<vmem>> -> memref<1xi32, #tpu.memory_space<vmem>>
      %dma_start3A_45 = arith.constant 0 : i32
      %dma_start3A_46 = arith.constant 0 : i32
      %dma_start3A_47 = tpu.memref_slice %arg6[%dma_start3A_45, %dma_start3A_46] : memref<4096x10000xf32, #tpu.memory_space<hbm>> -> memref<4096x10000xf32, #tpu.memory_space<hbm>>
      tpu.enqueue_indirect_dma source(%dma_start3A_47 : memref<4096x10000xf32, #tpu.memory_space<hbm>>) target(%arg19 : memref<1x10000xf32, #tpu.memory_space<vmem>>) offsets(%dma_start3A_44 : memref<1xi32, #tpu.memory_space<vmem>>) semaphore(%arg25 : memref<!tpu.dma_semaphore, #tpu.memory_space<semaphore_mem>>)
      %dma_start3A_48 = arith.constant 0 : i32
      %dma_start3A_49 = tpu.memref_slice %arg12[%add3A_41, %dma_start3A_48] : memref<112x1xi32, #tpu.memory_space<vmem>> -> memref<1x1xi32, #tpu.memory_space<vmem>>
      %dma_start3A_50 = tpu.memref_squeeze %dma_start3A_49 : memref<1x1xi32, #tpu.memory_space<vmem>> -> memref<1xi32, #tpu.memory_space<vmem>>
      %dma_start3A_51 = arith.constant 0 : i32
      %dma_start3A_52 = arith.constant 0 : i32
      %dma_start3A_53 = tpu.memref_slice %arg7[%dma_start3A_51, %dma_start3A_52] : memref<256x10000xf32, #tpu.memory_space<hbm>> -> memref<256x10000xf32, #tpu.memory_space<hbm>>
      tpu.enqueue_indirect_dma source(%dma_start3A_53 : memref<256x10000xf32, #tpu.memory_space<hbm>>) target(%arg20 : memref<1x10000xf32, #tpu.memory_space<vmem>>) offsets(%dma_start3A_50 : memref<1xi32, #tpu.memory_space<vmem>>) semaphore(%arg25 : memref<!tpu.dma_semaphore, #tpu.memory_space<semaphore_mem>>)
      %dma_start3A_54 = arith.constant 0 : i32
      %dma_start3A_55 = tpu.memref_slice %arg13[%add3A_41, %dma_start3A_54] : memref<112x1xi32, #tpu.memory_space<vmem>> -> memref<1x1xi32, #tpu.memory_space<vmem>>
      %dma_start3A_56 = tpu.memref_squeeze %dma_start3A_55 : memref<1x1xi32, #tpu.memory_space<vmem>> -> memref<1xi32, #tpu.memory_space<vmem>>
      %dma_start3A_57 = arith.constant 0 : i32
      %dma_start3A_58 = arith.constant 0 : i32
      %dma_start3A_59 = tpu.memref_slice %arg8[%dma_start3A_57, %dma_start3A_58] : memref<256x10000xf32, #tpu.memory_space<hbm>> -> memref<256x10000xf32, #tpu.memory_space<hbm>>
      tpu.enqueue_indirect_dma source(%dma_start3A_59 : memref<256x10000xf32, #tpu.memory_space<hbm>>) target(%arg21 : memref<1x10000xf32, #tpu.memory_space<vmem>>) offsets(%dma_start3A_56 : memref<1xi32, #tpu.memory_space<vmem>>) semaphore(%arg25 : memref<!tpu.dma_semaphore, #tpu.memory_space<semaphore_mem>>)
      %dma_start3A_60 = arith.constant 0 : i32
      %dma_start3A_61 = tpu.memref_slice %arg14[%add3A_41, %dma_start3A_60] : memref<112x1xi32, #tpu.memory_space<vmem>> -> memref<1x1xi32, #tpu.memory_space<vmem>>
      %dma_start3A_62 = tpu.memref_squeeze %dma_start3A_61 : memref<1x1xi32, #tpu.memory_space<vmem>> -> memref<1xi32, #tpu.memory_space<vmem>>
      %dma_start3A_63 = arith.constant 0 : i32
      %dma_start3A_64 = arith.constant 0 : i32
      %dma_start3A_65 = tpu.memref_slice %arg9[%dma_start3A_63, %dma_start3A_64] : memref<256x10000xf32, #tpu.memory_space<hbm>> -> memref<256x10000xf32, #tpu.memory_space<hbm>>
      tpu.enqueue_indirect_dma source(%dma_start3A_65 : memref<256x10000xf32, #tpu.memory_space<hbm>>) target(%arg22 : memref<1x10000xf32, #tpu.memory_space<vmem>>) offsets(%dma_start3A_62 : memref<1xi32, #tpu.memory_space<vmem>>) semaphore(%arg25 : memref<!tpu.dma_semaphore, #tpu.memory_space<semaphore_mem>>)
      %dma_wait3A = arith.constant 0 : i32
      %dma_wait3A_66 = arith.constant 0 : i32
      %dma_wait3A_67 = tpu.memref_slice %arg6[%dma_wait3A, %dma_wait3A_66] : memref<4096x10000xf32, #tpu.memory_space<hbm>> -> memref<1x10000xf32, #tpu.memory_space<hbm>>
      %dma_wait3A_68 = arith.constant 0 : i32
      %dma_wait3A_69 = arith.constant 0 : i32
      %dma_wait3A_70 = tpu.memref_slice %arg6[%dma_wait3A_68, %dma_wait3A_69] : memref<4096x10000xf32, #tpu.memory_space<hbm>> -> memref<1x10000xf32, #tpu.memory_space<hbm>>
      tpu.wait_dma2 semaphore(%arg24 : memref<!tpu.dma_semaphore, #tpu.memory_space<semaphore_mem>>) src(%dma_wait3A_70 : memref<1x10000xf32, #tpu.memory_space<hbm>>) dst(%arg15 : memref<1x10000xf32, #tpu.memory_space<vmem>>)
      %dma_wait3A_71 = arith.constant 0 : i32
      %dma_wait3A_72 = arith.constant 0 : i32
      %dma_wait3A_73 = tpu.memref_slice %arg6[%dma_wait3A_71, %dma_wait3A_72] : memref<4096x10000xf32, #tpu.memory_space<hbm>> -> memref<1x10000xf32, #tpu.memory_space<hbm>>
      %dma_wait3A_74 = arith.constant 0 : i32
      %dma_wait3A_75 = arith.constant 0 : i32
      %dma_wait3A_76 = tpu.memref_slice %arg6[%dma_wait3A_74, %dma_wait3A_75] : memref<4096x10000xf32, #tpu.memory_space<hbm>> -> memref<1x10000xf32, #tpu.memory_space<hbm>>
      tpu.wait_dma2 semaphore(%arg24 : memref<!tpu.dma_semaphore, #tpu.memory_space<semaphore_mem>>) src(%dma_wait3A_76 : memref<1x10000xf32, #tpu.memory_space<hbm>>) dst(%arg16 : memref<1x10000xf32, #tpu.memory_space<vmem>>)
      %dma_wait3A_77 = arith.constant 0 : i32
      %dma_wait3A_78 = arith.constant 0 : i32
      %dma_wait3A_79 = tpu.memref_slice %arg6[%dma_wait3A_77, %dma_wait3A_78] : memref<4096x10000xf32, #tpu.memory_space<hbm>> -> memref<1x10000xf32, #tpu.memory_space<hbm>>
      %dma_wait3A_80 = arith.constant 0 : i32
      %dma_wait3A_81 = arith.constant 0 : i32
      %dma_wait3A_82 = tpu.memref_slice %arg6[%dma_wait3A_80, %dma_wait3A_81] : memref<4096x10000xf32, #tpu.memory_space<hbm>> -> memref<1x10000xf32, #tpu.memory_space<hbm>>
      tpu.wait_dma2 semaphore(%arg24 : memref<!tpu.dma_semaphore, #tpu.memory_space<semaphore_mem>>) src(%dma_wait3A_82 : memref<1x10000xf32, #tpu.memory_space<hbm>>) dst(%arg17 : memref<1x10000xf32, #tpu.memory_space<vmem>>)
      %dma_wait3A_83 = arith.constant 0 : i32
      %dma_wait3A_84 = arith.constant 0 : i32
      %dma_wait3A_85 = tpu.memref_slice %arg6[%dma_wait3A_83, %dma_wait3A_84] : memref<4096x10000xf32, #tpu.memory_space<hbm>> -> memref<1x10000xf32, #tpu.memory_space<hbm>>
      %dma_wait3A_86 = arith.constant 0 : i32
      %dma_wait3A_87 = arith.constant 0 : i32
      %dma_wait3A_88 = tpu.memref_slice %arg6[%dma_wait3A_86, %dma_wait3A_87] : memref<4096x10000xf32, #tpu.memory_space<hbm>> -> memref<1x10000xf32, #tpu.memory_space<hbm>>
      tpu.wait_dma2 semaphore(%arg24 : memref<!tpu.dma_semaphore, #tpu.memory_space<semaphore_mem>>) src(%dma_wait3A_88 : memref<1x10000xf32, #tpu.memory_space<hbm>>) dst(%arg18 : memref<1x10000xf32, #tpu.memory_space<vmem>>)
      %parallel_loop3A_89 = arith.constant 0 : i32
      %parallel_loop3A_90 = arith.constant 625 : i32
      %parallel_loop3A_91 = arith.constant 1 : i32
      scf.for %parallel_loop3A_121 = %parallel_loop3A_89 to %parallel_loop3A_90 step %parallel_loop3A_91  : i32 {
        %parallel_loop3A_122 = arith.constant 16 : i32
        %parallel_loop3A_123 = arith.muli %parallel_loop3A_121, %parallel_loop3A_122 : i32
        %parallel_loop3A_124 = arith.constant 0 : i32
        %parallel_loop3A_125 = arith.index_cast %parallel_loop3A_124 : i32 to index
        %parallel_loop3A_126 = arith.index_cast %parallel_loop3A_123 : i32 to index
        %parallel_loop3A_127 = tpu.vector_load %arg15[%parallel_loop3A_125, %parallel_loop3A_126] {strides = array<i32>} : memref<1x10000xf32, #tpu.memory_space<vmem>>, vector<1x16xf32>,
        %parallel_loop3A_128 = vector.shape_cast %parallel_loop3A_127 : vector<1x16xf32> to vector<16xf32>
        %parallel_loop3A_129 = arith.constant 0 : i32
        %parallel_loop3A_130 = arith.index_cast %parallel_loop3A_129 : i32 to index
        %parallel_loop3A_131 = arith.index_cast %parallel_loop3A_123 : i32 to index
        %parallel_loop3A_132 = tpu.vector_load %arg16[%parallel_loop3A_130, %parallel_loop3A_131] {strides = array<i32>} : memref<1x10000xf32, #tpu.memory_space<vmem>>, vector<1x16xf32>,
        %parallel_loop3A_133 = vector.shape_cast %parallel_loop3A_132 : vector<1x16xf32> to vector<16xf32>
        %parallel_loop3A_134 = arith.mulf %parallel_loop3A_128, %parallel_loop3A_133 : vector<16xf32>
        %parallel_loop3A_135 = arith.constant 0 : i32
        %parallel_loop3A_136 = arith.index_cast %parallel_loop3A_135 : i32 to index
        %parallel_loop3A_137 = arith.index_cast %parallel_loop3A_123 : i32 to index
        %parallel_loop3A_138 = tpu.vector_load %arg17[%parallel_loop3A_136, %parallel_loop3A_137] {strides = array<i32>} : memref<1x10000xf32, #tpu.memory_space<vmem>>, vector<1x16xf32>,
        %parallel_loop3A_139 = vector.shape_cast %parallel_loop3A_138 : vector<1x16xf32> to vector<16xf32>
        %parallel_loop3A_140 = arith.mulf %parallel_loop3A_134, %parallel_loop3A_139 : vector<16xf32>
        %parallel_loop3A_141 = arith.constant 0 : i32
        %parallel_loop3A_142 = arith.index_cast %parallel_loop3A_141 : i32 to index
        %parallel_loop3A_143 = arith.index_cast %parallel_loop3A_123 : i32 to index
        %parallel_loop3A_144 = tpu.vector_load %arg18[%parallel_loop3A_142, %parallel_loop3A_143] {strides = array<i32>} : memref<1x10000xf32, #tpu.memory_space<vmem>>, vector<1x16xf32>,
        %parallel_loop3A_145 = vector.shape_cast %parallel_loop3A_144 : vector<1x16xf32> to vector<16xf32>
        %parallel_loop3A_146 = arith.mulf %parallel_loop3A_140, %parallel_loop3A_145 : vector<16xf32>
        %parallel_loop3A_147 = arith.index_cast %parallel_loop3A_123 : i32 to index
        %parallel_loop3A_148 = tpu.vector_load %arg23[%parallel_loop3A_147] {strides = array<i32>} : memref<10000xf32, #tpu.memory_space<vmem>>, vector<16xf32>,
        %parallel_loop3A_149 = vector.shape_cast %parallel_loop3A_148 : vector<16xf32> to vector<16xf32>
        %parallel_loop3A_150 = vector.shape_cast %parallel_loop3A_146 : vector<16xf32> to vector<16xf32>
        tpu.vector_store %arg23[%parallel_loop3A_147], %parallel_loop3A_150 {add = true, strides = array<i32>} : memref<10000xf32, #tpu.memory_space<vmem>>, vector<16xf32>,
      } {sc.loop_unroll_factor = 25 : i64, sc.parallel_access}
      %lt3A = arith.constant 55 : i32
      %lt3A_92 = arith.cmpi slt, %scan3A_37, %lt3A : i32
      %convert_element_type3A = arith.extui %lt3A_92 : i1 to i32
      %cond3A = arith.constant 0 : i32
      %cond3A_93 = arith.cmpi ne, %convert_element_type3A, %cond3A : i32
      scf.if %cond3A_93 {
        %add3A_121 = arith.constant 2 : i32
        %add3A_122 = arith.addi %mul3A_39, %add3A_121 : i32
        %dma_start3A_123 = arith.constant 0 : i32
        %dma_start3A_124 = tpu.memref_slice %arg11[%add3A_122, %dma_start3A_123] : memref<112x1xi32, #tpu.memory_space<vmem>> -> memref<1x1xi32, #tpu.memory_space<vmem>>
        %dma_start3A_125 = tpu.memref_squeeze %dma_start3A_124 : memref<1x1xi32, #tpu.memory_space<vmem>> -> memref<1xi32, #tpu.memory_space<vmem>>
        %dma_start3A_126 = arith.constant 0 : i32
        %dma_start3A_127 = arith.constant 0 : i32
        %dma_start3A_128 = tpu.memref_slice %arg6[%dma_start3A_126, %dma_start3A_127] : memref<4096x10000xf32, #tpu.memory_space<hbm>> -> memref<4096x10000xf32, #tpu.memory_space<hbm>>
        tpu.enqueue_indirect_dma source(%dma_start3A_128 : memref<4096x10000xf32, #tpu.memory_space<hbm>>) target(%arg15 : memref<1x10000xf32, #tpu.memory_space<vmem>>) offsets(%dma_start3A_125 : memref<1xi32, #tpu.memory_space<vmem>>) semaphore(%arg24 : memref<!tpu.dma_semaphore, #tpu.memory_space<semaphore_mem>>)
        %dma_start3A_129 = arith.constant 0 : i32
        %dma_start3A_130 = tpu.memref_slice %arg12[%add3A_122, %dma_start3A_129] : memref<112x1xi32, #tpu.memory_space<vmem>> -> memref<1x1xi32, #tpu.memory_space<vmem>>
        %dma_start3A_131 = tpu.memref_squeeze %dma_start3A_130 : memref<1x1xi32, #tpu.memory_space<vmem>> -> memref<1xi32, #tpu.memory_space<vmem>>
        %dma_start3A_132 = arith.constant 0 : i32
        %dma_start3A_133 = arith.constant 0 : i32
        %dma_start3A_134 = tpu.memref_slice %arg7[%dma_start3A_132, %dma_start3A_133] : memref<256x10000xf32, #tpu.memory_space<hbm>> -> memref<256x10000xf32, #tpu.memory_space<hbm>>
        tpu.enqueue_indirect_dma source(%dma_start3A_134 : memref<256x10000xf32, #tpu.memory_space<hbm>>) target(%arg16 : memref<1x10000xf32, #tpu.memory_space<vmem>>) offsets(%dma_start3A_131 : memref<1xi32, #tpu.memory_space<vmem>>) semaphore(%arg24 : memref<!tpu.dma_semaphore, #tpu.memory_space<semaphore_mem>>)
        %dma_start3A_135 = arith.constant 0 : i32
        %dma_start3A_136 = tpu.memref_slice %arg13[%add3A_122, %dma_start3A_135] : memref<112x1xi32, #tpu.memory_space<vmem>> -> memref<1x1xi32, #tpu.memory_space<vmem>>
        %dma_start3A_137 = tpu.memref_squeeze %dma_start3A_136 : memref<1x1xi32, #tpu.memory_space<vmem>> -> memref<1xi32, #tpu.memory_space<vmem>>
        %dma_start3A_138 = arith.constant 0 : i32
        %dma_start3A_139 = arith.constant 0 : i32
        %dma_start3A_140 = tpu.memref_slice %arg8[%dma_start3A_138, %dma_start3A_139] : memref<256x10000xf32, #tpu.memory_space<hbm>> -> memref<256x10000xf32, #tpu.memory_space<hbm>>
        tpu.enqueue_indirect_dma source(%dma_start3A_140 : memref<256x10000xf32, #tpu.memory_space<hbm>>) target(%arg17 : memref<1x10000xf32, #tpu.memory_space<vmem>>) offsets(%dma_start3A_137 : memref<1xi32, #tpu.memory_space<vmem>>) semaphore(%arg24 : memref<!tpu.dma_semaphore, #tpu.memory_space<semaphore_mem>>)
        %dma_start3A_141 = arith.constant 0 : i32
        %dma_start3A_142 = tpu.memref_slice %arg14[%add3A_122, %dma_start3A_141] : memref<112x1xi32, #tpu.memory_space<vmem>> -> memref<1x1xi32, #tpu.memory_space<vmem>>
        %dma_start3A_143 = tpu.memref_squeeze %dma_start3A_142 : memref<1x1xi32, #tpu.memory_space<vmem>> -> memref<1xi32, #tpu.memory_space<vmem>>
        %dma_start3A_144 = arith.constant 0 : i32
        %dma_start3A_145 = arith.constant 0 : i32
        %dma_start3A_146 = tpu.memref_slice %arg9[%dma_start3A_144, %dma_start3A_145] : memref<256x10000xf32, #tpu.memory_space<hbm>> -> memref<256x10000xf32, #tpu.memory_space<hbm>>
        tpu.enqueue_indirect_dma source(%dma_start3A_146 : memref<256x10000xf32, #tpu.memory_space<hbm>>) target(%arg18 : memref<1x10000xf32, #tpu.memory_space<vmem>>) offsets(%dma_start3A_143 : memref<1xi32, #tpu.memory_space<vmem>>) semaphore(%arg24 : memref<!tpu.dma_semaphore, #tpu.memory_space<semaphore_mem>>)
      } else {
      }
      %dma_wait3A_94 = arith.constant 0 : i32
      %dma_wait3A_95 = arith.constant 0 : i32
      %dma_wait3A_96 = tpu.memref_slice %arg6[%dma_wait3A_94, %dma_wait3A_95] : memref<4096x10000xf32, #tpu.memory_space<hbm>> -> memref<1x10000xf32, #tpu.memory_space<hbm>>
      %dma_wait3A_97 = arith.constant 0 : i32
      %dma_wait3A_98 = arith.constant 0 : i32
      %dma_wait3A_99 = tpu.memref_slice %arg6[%dma_wait3A_97, %dma_wait3A_98] : memref<4096x10000xf32, #tpu.memory_space<hbm>> -> memref<1x10000xf32, #tpu.memory_space<hbm>>
      tpu.wait_dma2 semaphore(%arg25 : memref<!tpu.dma_semaphore, #tpu.memory_space<semaphore_mem>>) src(%dma_wait3A_99 : memref<1x10000xf32, #tpu.memory_space<hbm>>) dst(%arg19 : memref<1x10000xf32, #tpu.memory_space<vmem>>)
      %dma_wait3A_100 = arith.constant 0 : i32
      %dma_wait3A_101 = arith.constant 0 : i32
      %dma_wait3A_102 = tpu.memref_slice %arg6[%dma_wait3A_100, %dma_wait3A_101] : memref<4096x10000xf32, #tpu.memory_space<hbm>> -> memref<1x10000xf32, #tpu.memory_space<hbm>>
      %dma_wait3A_103 = arith.constant 0 : i32
      %dma_wait3A_104 = arith.constant 0 : i32
      %dma_wait3A_105 = tpu.memref_slice %arg6[%dma_wait3A_103, %dma_wait3A_104] : memref<4096x10000xf32, #tpu.memory_space<hbm>> -> memref<1x10000xf32, #tpu.memory_space<hbm>>
      tpu.wait_dma2 semaphore(%arg25 : memref<!tpu.dma_semaphore, #tpu.memory_space<semaphore_mem>>) src(%dma_wait3A_105 : memref<1x10000xf32, #tpu.memory_space<hbm>>) dst(%arg20 : memref<1x10000xf32, #tpu.memory_space<vmem>>)
      %dma_wait3A_106 = arith.constant 0 : i32
      %dma_wait3A_107 = arith.constant 0 : i32
      %dma_wait3A_108 = tpu.memref_slice %arg6[%dma_wait3A_106, %dma_wait3A_107] : memref<4096x10000xf32, #tpu.memory_space<hbm>> -> memref<1x10000xf32, #tpu.memory_space<hbm>>
      %dma_wait3A_109 = arith.constant 0 : i32
      %dma_wait3A_110 = arith.constant 0 : i32
      %dma_wait3A_111 = tpu.memref_slice %arg6[%dma_wait3A_109, %dma_wait3A_110] : memref<4096x10000xf32, #tpu.memory_space<hbm>> -> memref<1x10000xf32, #tpu.memory_space<hbm>>
      tpu.wait_dma2 semaphore(%arg25 : memref<!tpu.dma_semaphore, #tpu.memory_space<semaphore_mem>>) src(%dma_wait3A_111 : memref<1x10000xf32, #tpu.memory_space<hbm>>) dst(%arg21 : memref<1x10000xf32, #tpu.memory_space<vmem>>)
      %dma_wait3A_112 = arith.constant 0 : i32
      %dma_wait3A_113 = arith.constant 0 : i32
      %dma_wait3A_114 = tpu.memref_slice %arg6[%dma_wait3A_112, %dma_wait3A_113] : memref<4096x10000xf32, #tpu.memory_space<hbm>> -> memref<1x10000xf32, #tpu.memory_space<hbm>>
      %dma_wait3A_115 = arith.constant 0 : i32
      %dma_wait3A_116 = arith.constant 0 : i32
      %dma_wait3A_117 = tpu.memref_slice %arg6[%dma_wait3A_115, %dma_wait3A_116] : memref<4096x10000xf32, #tpu.memory_space<hbm>> -> memref<1x10000xf32, #tpu.memory_space<hbm>>
      tpu.wait_dma2 semaphore(%arg25 : memref<!tpu.dma_semaphore, #tpu.memory_space<semaphore_mem>>) src(%dma_wait3A_117 : memref<1x10000xf32, #tpu.memory_space<hbm>>) dst(%arg22 : memref<1x10000xf32, #tpu.memory_space<vmem>>)
      %parallel_loop3A_118 = arith.constant 0 : i32
      %parallel_loop3A_119 = arith.constant 625 : i32
      %parallel_loop3A_120 = arith.constant 1 : i32
      scf.for %parallel_loop3A_121 = %parallel_loop3A_118 to %parallel_loop3A_119 step %parallel_loop3A_120  : i32 {
        %parallel_loop3A_122 = arith.constant 16 : i32
        %parallel_loop3A_123 = arith.muli %parallel_loop3A_121, %parallel_loop3A_122 : i32
        %parallel_loop3A_124 = arith.constant 0 : i32
        %parallel_loop3A_125 = arith.index_cast %parallel_loop3A_124 : i32 to index
        %parallel_loop3A_126 = arith.index_cast %parallel_loop3A_123 : i32 to index
        %parallel_loop3A_127 = tpu.vector_load %arg19[%parallel_loop3A_125, %parallel_loop3A_126] {strides = array<i32>} : memref<1x10000xf32, #tpu.memory_space<vmem>>, vector<1x16xf32>,
        %parallel_loop3A_128 = vector.shape_cast %parallel_loop3A_127 : vector<1x16xf32> to vector<16xf32>
        %parallel_loop3A_129 = arith.constant 0 : i32
        %parallel_loop3A_130 = arith.index_cast %parallel_loop3A_129 : i32 to index
        %parallel_loop3A_131 = arith.index_cast %parallel_loop3A_123 : i32 to index
        %parallel_loop3A_132 = tpu.vector_load %arg20[%parallel_loop3A_130, %parallel_loop3A_131] {strides = array<i32>} : memref<1x10000xf32, #tpu.memory_space<vmem>>, vector<1x16xf32>,
        %parallel_loop3A_133 = vector.shape_cast %parallel_loop3A_132 : vector<1x16xf32> to vector<16xf32>
        %parallel_loop3A_134 = arith.mulf %parallel_loop3A_128, %parallel_loop3A_133 : vector<16xf32>
        %parallel_loop3A_135 = arith.constant 0 : i32
        %parallel_loop3A_136 = arith.index_cast %parallel_loop3A_135 : i32 to index
        %parallel_loop3A_137 = arith.index_cast %parallel_loop3A_123 : i32 to index
        %parallel_loop3A_138 = tpu.vector_load %arg21[%parallel_loop3A_136, %parallel_loop3A_137] {strides = array<i32>} : memref<1x10000xf32, #tpu.memory_space<vmem>>, vector<1x16xf32>,
        %parallel_loop3A_139 = vector.shape_cast %parallel_loop3A_138 : vector<1x16xf32> to vector<16xf32>
        %parallel_loop3A_140 = arith.mulf %parallel_loop3A_134, %parallel_loop3A_139 : vector<16xf32>
        %parallel_loop3A_141 = arith.constant 0 : i32
        %parallel_loop3A_142 = arith.index_cast %parallel_loop3A_141 : i32 to index
        %parallel_loop3A_143 = arith.index_cast %parallel_loop3A_123 : i32 to index
        %parallel_loop3A_144 = tpu.vector_load %arg22[%parallel_loop3A_142, %parallel_loop3A_143] {strides = array<i32>} : memref<1x10000xf32, #tpu.memory_space<vmem>>, vector<1x16xf32>,
        %parallel_loop3A_145 = vector.shape_cast %parallel_loop3A_144 : vector<1x16xf32> to vector<16xf32>
        %parallel_loop3A_146 = arith.mulf %parallel_loop3A_140, %parallel_loop3A_145 : vector<16xf32>
        %parallel_loop3A_147 = arith.index_cast %parallel_loop3A_123 : i32 to index
        %parallel_loop3A_148 = tpu.vector_load %arg23[%parallel_loop3A_147] {strides = array<i32>} : memref<10000xf32, #tpu.memory_space<vmem>>, vector<16xf32>,
        %parallel_loop3A_149 = vector.shape_cast %parallel_loop3A_148 : vector<16xf32> to vector<16xf32>
        %parallel_loop3A_150 = vector.shape_cast %parallel_loop3A_146 : vector<16xf32> to vector<16xf32>
        tpu.vector_store %arg23[%parallel_loop3A_147], %parallel_loop3A_150 {add = true, strides = array<i32>} : memref<10000xf32, #tpu.memory_space<vmem>>, vector<16xf32>,
      } {sc.loop_unroll_factor = 25 : i64, sc.parallel_access}
    }
    %scan3A_36 = arith.constant 56 : i32
    "tpu.region"() ({
      %run_scoped3A = tpu.sem_alloc : memref<!tpu.dma_semaphore, #tpu.memory_space<semaphore_mem>>
      %dma_start3A_37 = arith.constant 0 : i32
      %dma_start3A_38 = tpu.memref_slice %arg10[%add3A, %dma_start3A_37] : memref<32x10000xf32, #tpu.memory_space<hbm>> -> memref<1x10000xf32, #tpu.memory_space<hbm>>
      %dma_start3A_39 = tpu.memref_squeeze %dma_start3A_38 : memref<1x10000xf32, #tpu.memory_space<hbm>> -> memref<10000xf32, #tpu.memory_space<hbm>>
      %dma_start3A_40 = arith.constant 0 : i32
      %dma_start3A_41 = tpu.memref_slice %arg10[%add3A, %dma_start3A_40] : memref<32x10000xf32, #tpu.memory_space<hbm>> -> memref<1x10000xf32, #tpu.memory_space<hbm>>
      %dma_start3A_42 = tpu.memref_squeeze %dma_start3A_41 : memref<1x10000xf32, #tpu.memory_space<hbm>> -> memref<10000xf32, #tpu.memory_space<hbm>>
      tpu.enqueue_dma source(%arg23 : memref<10000xf32, #tpu.memory_space<vmem>>) target(%dma_start3A_42 : memref<10000xf32, #tpu.memory_space<hbm>>) target_semaphore(%run_scoped3A : memref<!tpu.dma_semaphore, #tpu.memory_space<semaphore_mem>>)
      %dma_wait3A = arith.constant 0 : i32
      %dma_wait3A_43 = tpu.memref_slice %arg10[%add3A, %dma_wait3A] : memref<32x10000xf32, #tpu.memory_space<hbm>> -> memref<1x10000xf32, #tpu.memory_space<hbm>>
      %dma_wait3A_44 = tpu.memref_squeeze %dma_wait3A_43 : memref<1x10000xf32, #tpu.memory_space<hbm>> -> memref<10000xf32, #tpu.memory_space<hbm>>
      %dma_wait3A_45 = arith.constant 0 : i32
      %dma_wait3A_46 = tpu.memref_slice %arg10[%add3A, %dma_wait3A_45] : memref<32x10000xf32, #tpu.memory_space<hbm>> -> memref<1x10000xf32, #tpu.memory_space<hbm>>
      %dma_wait3A_47 = tpu.memref_squeeze %dma_wait3A_46 : memref<1x10000xf32, #tpu.memory_space<hbm>> -> memref<10000xf32, #tpu.memory_space<hbm>>
      tpu.wait_dma2 semaphore(%run_scoped3A : memref<!tpu.dma_semaphore, #tpu.memory_space<semaphore_mem>>) src(%arg23 : memref<10000xf32, #tpu.memory_space<vmem>>) dst(%dma_wait3A_47 : memref<10000xf32, #tpu.memory_space<hbm>>)
      tpu.yield
    }) : () -> ()
    return
  }
}

module attributes {stable_mosaic.version = 14 : i64} {
  func.func @_tc_body(%arg0: i32, %arg1: memref<512xi32, #tpu.memory_space<smem>>, %arg2: memref<512xi32, #tpu.memory_space<smem>>, %arg3: memref<512xi32, #tpu.memory_space<smem>>, %arg4: memref<512xi32, #tpu.memory_space<smem>>, %arg5: memref<4096x10000xf32, #tpu.memory_space<any>>, %arg6: memref<256x10000xf32, #tpu.memory_space<any>>, %arg7: memref<256x10000xf32, #tpu.memory_space<any>>, %arg8: memref<256x10000xf32, #tpu.memory_space<any>>, %arg9: memref<8x10000xf32, #tpu.memory_space<vmem>>, %arg10: memref<2x4x8x10000xf32, #tpu.memory_space<vmem>>, %arg11: memref<2x4x!tpu.dma_semaphore, #tpu.memory_space<semaphore_mem>>) attributes {dimension_semantics = [#tpu.dimension_semantics<arbitrary>], iteration_bounds = array<i64: 1>, scalar_prefetch = 4 : i64, scratch_operands = 2 : i64, tpu.core_type = #tpu.core_type<tc>, window_params = [{}, {}, {}, {}, {pipeline_mode = #tpu.pipeline_mode<synchronous>, transform_indices = @transform_4, window_bounds = array<i64: 8, 10000>}]} {
    %broadcast_in_dim3A = arith.constant 0.000000e+00 : f32
    %broadcast_in_dim3A_0 = vector.broadcast %broadcast_in_dim3A : f32 to vector<8x10000xf32>
    %swap3A = arith.constant 0 : index
    %swap3A_1 = arith.constant 0 : index
    %swap3A_2 = vector.load %arg9[%swap3A, %swap3A_1] : memref<8x10000xf32, #tpu.memory_space<vmem>>, vector<8x10000xf32>
    tpu.vector_store %arg9[%swap3A, %swap3A_1], %broadcast_in_dim3A_0 {strides = array<i32>} : memref<8x10000xf32, #tpu.memory_space<vmem>>, vector<8x10000xf32>,
    %get3A = arith.constant 0 : index
    %get3A_3 = memref.load %arg1[%get3A] : memref<512xi32, #tpu.memory_space<smem>>
    %dma_start3A = arith.constant 0 : i32
    %dma_start3A_4 = arith.constant 0 : i32
    %dma_start3A_5 = arith.constant 0 : i32
    %dma_start3A_6 = arith.constant 0 : i32
    %dma_start3A_7 = arith.constant 0 : i32
    %dma_start3A_8 = tpu.memref_slice %arg11[%dma_start3A_6, %dma_start3A_7] : memref<2x4x!tpu.dma_semaphore, #tpu.memory_space<semaphore_mem>> -> memref<1x1x!tpu.dma_semaphore, #tpu.memory_space<semaphore_mem>>
    %dma_start3A_9 = tpu.memref_squeeze %dma_start3A_8 : memref<1x1x!tpu.dma_semaphore, #tpu.memory_space<semaphore_mem>> -> memref<!tpu.dma_semaphore, #tpu.memory_space<semaphore_mem>>
    %dma_start3A_10 = arith.constant 0 : i32
    %dma_start3A_11 = tpu.memref_slice %arg10[%dma_start3A, %dma_start3A_4, %dma_start3A_5, %dma_start3A_10] : memref<2x4x8x10000xf32, #tpu.memory_space<vmem>> -> memref<1x1x1x10000xf32, #tpu.memory_space<vmem>>
    %dma_start3A_12 = tpu.memref_squeeze %dma_start3A_11 : memref<1x1x1x10000xf32, #tpu.memory_space<vmem>> -> memref<10000xf32, #tpu.memory_space<vmem>>
    %dma_start3A_13 = arith.constant 0 : i32
    %dma_start3A_14 = tpu.memref_slice %arg5[%get3A_3, %dma_start3A_13] : memref<4096x10000xf32, #tpu.memory_space<any>> -> memref<1x10000xf32, #tpu.memory_space<any>>
    %dma_start3A_15 = tpu.memref_squeeze %dma_start3A_14 : memref<1x10000xf32, #tpu.memory_space<any>> -> memref<10000xf32, #tpu.memory_space<any>>
    tpu.enqueue_dma source(%dma_start3A_15 : memref<10000xf32, #tpu.memory_space<any>>) target(%dma_start3A_12 : memref<10000xf32, #tpu.memory_space<vmem>>) target_semaphore(%dma_start3A_9 : memref<!tpu.dma_semaphore, #tpu.memory_space<semaphore_mem>>)
    %get3A_16 = arith.constant 1 : index
    %get3A_17 = memref.load %arg1[%get3A_16] : memref<512xi32, #tpu.memory_space<smem>>
    %dma_start3A_18 = arith.constant 0 : i32
    %dma_start3A_19 = arith.constant 0 : i32
    %dma_start3A_20 = arith.constant 1 : i32
    %dma_start3A_21 = arith.constant 0 : i32
    %dma_start3A_22 = arith.constant 0 : i32
    %dma_start3A_23 = tpu.memref_slice %arg11[%dma_start3A_21, %dma_start3A_22] : memref<2x4x!tpu.dma_semaphore, #tpu.memory_space<semaphore_mem>> -> memref<1x1x!tpu.dma_semaphore, #tpu.memory_space<semaphore_mem>>
    %dma_start3A_24 = tpu.memref_squeeze %dma_start3A_23 : memref<1x1x!tpu.dma_semaphore, #tpu.memory_space<semaphore_mem>> -> memref<!tpu.dma_semaphore, #tpu.memory_space<semaphore_mem>>
    %dma_start3A_25 = arith.constant 0 : i32
    %dma_start3A_26 = tpu.memref_slice %arg10[%dma_start3A_18, %dma_start3A_19, %dma_start3A_20, %dma_start3A_25] : memref<2x4x8x10000xf32, #tpu.memory_space<vmem>> -> memref<1x1x1x10000xf32, #tpu.memory_space<vmem>>
    %dma_start3A_27 = tpu.memref_squeeze %dma_start3A_26 : memref<1x1x1x10000xf32, #tpu.memory_space<vmem>> -> memref<10000xf32, #tpu.memory_space<vmem>>
    %dma_start3A_28 = arith.constant 0 : i32
    %dma_start3A_29 = tpu.memref_slice %arg5[%get3A_17, %dma_start3A_28] : memref<4096x10000xf32, #tpu.memory_space<any>> -> memref<1x10000xf32, #tpu.memory_space<any>>
    %dma_start3A_30 = tpu.memref_squeeze %dma_start3A_29 : memref<1x10000xf32, #tpu.memory_space<any>> -> memref<10000xf32, #tpu.memory_space<any>>
    tpu.enqueue_dma source(%dma_start3A_30 : memref<10000xf32, #tpu.memory_space<any>>) target(%dma_start3A_27 : memref<10000xf32, #tpu.memory_space<vmem>>) target_semaphore(%dma_start3A_24 : memref<!tpu.dma_semaphore, #tpu.memory_space<semaphore_mem>>)
    %get3A_31 = arith.constant 2 : index
    %get3A_32 = memref.load %arg1[%get3A_31] : memref<512xi32, #tpu.memory_space<smem>>
    %dma_start3A_33 = arith.constant 0 : i32
    %dma_start3A_34 = arith.constant 0 : i32
    %dma_start3A_35 = arith.constant 2 : i32
    %dma_start3A_36 = arith.constant 0 : i32
    %dma_start3A_37 = arith.constant 0 : i32
    %dma_start3A_38 = tpu.memref_slice %arg11[%dma_start3A_36, %dma_start3A_37] : memref<2x4x!tpu.dma_semaphore, #tpu.memory_space<semaphore_mem>> -> memref<1x1x!tpu.dma_semaphore, #tpu.memory_space<semaphore_mem>>
    %dma_start3A_39 = tpu.memref_squeeze %dma_start3A_38 : memref<1x1x!tpu.dma_semaphore, #tpu.memory_space<semaphore_mem>> -> memref<!tpu.dma_semaphore, #tpu.memory_space<semaphore_mem>>
    %dma_start3A_40 = arith.constant 0 : i32
    %dma_start3A_41 = tpu.memref_slice %arg10[%dma_start3A_33, %dma_start3A_34, %dma_start3A_35, %dma_start3A_40] : memref<2x4x8x10000xf32, #tpu.memory_space<vmem>> -> memref<1x1x1x10000xf32, #tpu.memory_space<vmem>>
    %dma_start3A_42 = tpu.memref_squeeze %dma_start3A_41 : memref<1x1x1x10000xf32, #tpu.memory_space<vmem>> -> memref<10000xf32, #tpu.memory_space<vmem>>
    %dma_start3A_43 = arith.constant 0 : i32
    %dma_start3A_44 = tpu.memref_slice %arg5[%get3A_32, %dma_start3A_43] : memref<4096x10000xf32, #tpu.memory_space<any>> -> memref<1x10000xf32, #tpu.memory_space<any>>
    %dma_start3A_45 = tpu.memref_squeeze %dma_start3A_44 : memref<1x10000xf32, #tpu.memory_space<any>> -> memref<10000xf32, #tpu.memory_space<any>>
    tpu.enqueue_dma source(%dma_start3A_45 : memref<10000xf32, #tpu.memory_space<any>>) target(%dma_start3A_42 : memref<10000xf32, #tpu.memory_space<vmem>>) target_semaphore(%dma_start3A_39 : memref<!tpu.dma_semaphore, #tpu.memory_space<semaphore_mem>>)
    %get3A_46 = arith.constant 3 : index
    %get3A_47 = memref.load %arg1[%get3A_46] : memref<512xi32, #tpu.memory_space<smem>>
    %dma_start3A_48 = arith.constant 0 : i32
    %dma_start3A_49 = arith.constant 0 : i32
    %dma_start3A_50 = arith.constant 3 : i32
    %dma_start3A_51 = arith.constant 0 : i32
    %dma_start3A_52 = arith.constant 0 : i32
    %dma_start3A_53 = tpu.memref_slice %arg11[%dma_start3A_51, %dma_start3A_52] : memref<2x4x!tpu.dma_semaphore, #tpu.memory_space<semaphore_mem>> -> memref<1x1x!tpu.dma_semaphore, #tpu.memory_space<semaphore_mem>>
    %dma_start3A_54 = tpu.memref_squeeze %dma_start3A_53 : memref<1x1x!tpu.dma_semaphore, #tpu.memory_space<semaphore_mem>> -> memref<!tpu.dma_semaphore, #tpu.memory_space<semaphore_mem>>
    %dma_start3A_55 = arith.constant 0 : i32
    %dma_start3A_56 = tpu.memref_slice %arg10[%dma_start3A_48, %dma_start3A_49, %dma_start3A_50, %dma_start3A_55] : memref<2x4x8x10000xf32, #tpu.memory_space<vmem>> -> memref<1x1x1x10000xf32, #tpu.memory_space<vmem>>
    %dma_start3A_57 = tpu.memref_squeeze %dma_start3A_56 : memref<1x1x1x10000xf32, #tpu.memory_space<vmem>> -> memref<10000xf32, #tpu.memory_space<vmem>>
    %dma_start3A_58 = arith.constant 0 : i32
    %dma_start3A_59 = tpu.memref_slice %arg5[%get3A_47, %dma_start3A_58] : memref<4096x10000xf32, #tpu.memory_space<any>> -> memref<1x10000xf32, #tpu.memory_space<any>>
    %dma_start3A_60 = tpu.memref_squeeze %dma_start3A_59 : memref<1x10000xf32, #tpu.memory_space<any>> -> memref<10000xf32, #tpu.memory_space<any>>
    tpu.enqueue_dma source(%dma_start3A_60 : memref<10000xf32, #tpu.memory_space<any>>) target(%dma_start3A_57 : memref<10000xf32, #tpu.memory_space<vmem>>) target_semaphore(%dma_start3A_54 : memref<!tpu.dma_semaphore, #tpu.memory_space<semaphore_mem>>)
    %get3A_61 = arith.constant 4 : index
    %get3A_62 = memref.load %arg1[%get3A_61] : memref<512xi32, #tpu.memory_space<smem>>
    %dma_start3A_63 = arith.constant 0 : i32
    %dma_start3A_64 = arith.constant 0 : i32
    %dma_start3A_65 = arith.constant 4 : i32
    %dma_start3A_66 = arith.constant 0 : i32
    %dma_start3A_67 = arith.constant 0 : i32
    %dma_start3A_68 = tpu.memref_slice %arg11[%dma_start3A_66, %dma_start3A_67] : memref<2x4x!tpu.dma_semaphore, #tpu.memory_space<semaphore_mem>> -> memref<1x1x!tpu.dma_semaphore, #tpu.memory_space<semaphore_mem>>
    %dma_start3A_69 = tpu.memref_squeeze %dma_start3A_68 : memref<1x1x!tpu.dma_semaphore, #tpu.memory_space<semaphore_mem>> -> memref<!tpu.dma_semaphore, #tpu.memory_space<semaphore_mem>>
    %dma_start3A_70 = arith.constant 0 : i32
    %dma_start3A_71 = tpu.memref_slice %arg10[%dma_start3A_63, %dma_start3A_64, %dma_start3A_65, %dma_start3A_70] : memref<2x4x8x10000xf32, #tpu.memory_space<vmem>> -> memref<1x1x1x10000xf32, #tpu.memory_space<vmem>>
    %dma_start3A_72 = tpu.memref_squeeze %dma_start3A_71 : memref<1x1x1x10000xf32, #tpu.memory_space<vmem>> -> memref<10000xf32, #tpu.memory_space<vmem>>
    %dma_start3A_73 = arith.constant 0 : i32
    %dma_start3A_74 = tpu.memref_slice %arg5[%get3A_62, %dma_start3A_73] : memref<4096x10000xf32, #tpu.memory_space<any>> -> memref<1x10000xf32, #tpu.memory_space<any>>
    %dma_start3A_75 = tpu.memref_squeeze %dma_start3A_74 : memref<1x10000xf32, #tpu.memory_space<any>> -> memref<10000xf32, #tpu.memory_space<any>>
    tpu.enqueue_dma source(%dma_start3A_75 : memref<10000xf32, #tpu.memory_space<any>>) target(%dma_start3A_72 : memref<10000xf32, #tpu.memory_space<vmem>>) target_semaphore(%dma_start3A_69 : memref<!tpu.dma_semaphore, #tpu.memory_space<semaphore_mem>>)
    %get3A_76 = arith.constant 5 : index
    %get3A_77 = memref.load %arg1[%get3A_76] : memref<512xi32, #tpu.memory_space<smem>>
    %dma_start3A_78 = arith.constant 0 : i32
    %dma_start3A_79 = arith.constant 0 : i32
    %dma_start3A_80 = arith.constant 5 : i32
    %dma_start3A_81 = arith.constant 0 : i32
    %dma_start3A_82 = arith.constant 0 : i32
    %dma_start3A_83 = tpu.memref_slice %arg11[%dma_start3A_81, %dma_start3A_82] : memref<2x4x!tpu.dma_semaphore, #tpu.memory_space<semaphore_mem>> -> memref<1x1x!tpu.dma_semaphore, #tpu.memory_space<semaphore_mem>>
    %dma_start3A_84 = tpu.memref_squeeze %dma_start3A_83 : memref<1x1x!tpu.dma_semaphore, #tpu.memory_space<semaphore_mem>> -> memref<!tpu.dma_semaphore, #tpu.memory_space<semaphore_mem>>
    %dma_start3A_85 = arith.constant 0 : i32
    %dma_start3A_86 = tpu.memref_slice %arg10[%dma_start3A_78, %dma_start3A_79, %dma_start3A_80, %dma_start3A_85] : memref<2x4x8x10000xf32, #tpu.memory_space<vmem>> -> memref<1x1x1x10000xf32, #tpu.memory_space<vmem>>
    %dma_start3A_87 = tpu.memref_squeeze %dma_start3A_86 : memref<1x1x1x10000xf32, #tpu.memory_space<vmem>> -> memref<10000xf32, #tpu.memory_space<vmem>>
    %dma_start3A_88 = arith.constant 0 : i32
    %dma_start3A_89 = tpu.memref_slice %arg5[%get3A_77, %dma_start3A_88] : memref<4096x10000xf32, #tpu.memory_space<any>> -> memref<1x10000xf32, #tpu.memory_space<any>>
    %dma_start3A_90 = tpu.memref_squeeze %dma_start3A_89 : memref<1x10000xf32, #tpu.memory_space<any>> -> memref<10000xf32, #tpu.memory_space<any>>
    tpu.enqueue_dma source(%dma_start3A_90 : memref<10000xf32, #tpu.memory_space<any>>) target(%dma_start3A_87 : memref<10000xf32, #tpu.memory_space<vmem>>) target_semaphore(%dma_start3A_84 : memref<!tpu.dma_semaphore, #tpu.memory_space<semaphore_mem>>)
    %get3A_91 = arith.constant 6 : index
    %get3A_92 = memref.load %arg1[%get3A_91] : memref<512xi32, #tpu.memory_space<smem>>
    %dma_start3A_93 = arith.constant 0 : i32
    %dma_start3A_94 = arith.constant 0 : i32
    %dma_start3A_95 = arith.constant 6 : i32
    %dma_start3A_96 = arith.constant 0 : i32
    %dma_start3A_97 = arith.constant 0 : i32
    %dma_start3A_98 = tpu.memref_slice %arg11[%dma_start3A_96, %dma_start3A_97] : memref<2x4x!tpu.dma_semaphore, #tpu.memory_space<semaphore_mem>> -> memref<1x1x!tpu.dma_semaphore, #tpu.memory_space<semaphore_mem>>
    %dma_start3A_99 = tpu.memref_squeeze %dma_start3A_98 : memref<1x1x!tpu.dma_semaphore, #tpu.memory_space<semaphore_mem>> -> memref<!tpu.dma_semaphore, #tpu.memory_space<semaphore_mem>>
    %dma_start3A_100 = arith.constant 0 : i32
    %dma_start3A_101 = tpu.memref_slice %arg10[%dma_start3A_93, %dma_start3A_94, %dma_start3A_95, %dma_start3A_100] : memref<2x4x8x10000xf32, #tpu.memory_space<vmem>> -> memref<1x1x1x10000xf32, #tpu.memory_space<vmem>>
    %dma_start3A_102 = tpu.memref_squeeze %dma_start3A_101 : memref<1x1x1x10000xf32, #tpu.memory_space<vmem>> -> memref<10000xf32, #tpu.memory_space<vmem>>
    %dma_start3A_103 = arith.constant 0 : i32
    %dma_start3A_104 = tpu.memref_slice %arg5[%get3A_92, %dma_start3A_103] : memref<4096x10000xf32, #tpu.memory_space<any>> -> memref<1x10000xf32, #tpu.memory_space<any>>
    %dma_start3A_105 = tpu.memref_squeeze %dma_start3A_104 : memref<1x10000xf32, #tpu.memory_space<any>> -> memref<10000xf32, #tpu.memory_space<any>>
    tpu.enqueue_dma source(%dma_start3A_105 : memref<10000xf32, #tpu.memory_space<any>>) target(%dma_start3A_102 : memref<10000xf32, #tpu.memory_space<vmem>>) target_semaphore(%dma_start3A_99 : memref<!tpu.dma_semaphore, #tpu.memory_space<semaphore_mem>>)
    %get3A_106 = arith.constant 7 : index
    %get3A_107 = memref.load %arg1[%get3A_106] : memref<512xi32, #tpu.memory_space<smem>>
    %dma_start3A_108 = arith.constant 0 : i32
    %dma_start3A_109 = arith.constant 0 : i32
    %dma_start3A_110 = arith.constant 7 : i32
    %dma_start3A_111 = arith.constant 0 : i32
    %dma_start3A_112 = arith.constant 0 : i32
    %dma_start3A_113 = tpu.memref_slice %arg11[%dma_start3A_111, %dma_start3A_112] : memref<2x4x!tpu.dma_semaphore, #tpu.memory_space<semaphore_mem>> -> memref<1x1x!tpu.dma_semaphore, #tpu.memory_space<semaphore_mem>>
    %dma_start3A_114 = tpu.memref_squeeze %dma_start3A_113 : memref<1x1x!tpu.dma_semaphore, #tpu.memory_space<semaphore_mem>> -> memref<!tpu.dma_semaphore, #tpu.memory_space<semaphore_mem>>
    %dma_start3A_115 = arith.constant 0 : i32
    %dma_start3A_116 = tpu.memref_slice %arg10[%dma_start3A_108, %dma_start3A_109, %dma_start3A_110, %dma_start3A_115] : memref<2x4x8x10000xf32, #tpu.memory_space<vmem>> -> memref<1x1x1x10000xf32, #tpu.memory_space<vmem>>
    %dma_start3A_117 = tpu.memref_squeeze %dma_start3A_116 : memref<1x1x1x10000xf32, #tpu.memory_space<vmem>> -> memref<10000xf32, #tpu.memory_space<vmem>>
    %dma_start3A_118 = arith.constant 0 : i32
    %dma_start3A_119 = tpu.memref_slice %arg5[%get3A_107, %dma_start3A_118] : memref<4096x10000xf32, #tpu.memory_space<any>> -> memref<1x10000xf32, #tpu.memory_space<any>>
    %dma_start3A_120 = tpu.memref_squeeze %dma_start3A_119 : memref<1x10000xf32, #tpu.memory_space<any>> -> memref<10000xf32, #tpu.memory_space<any>>
    tpu.enqueue_dma source(%dma_start3A_120 : memref<10000xf32, #tpu.memory_space<any>>) target(%dma_start3A_117 : memref<10000xf32, #tpu.memory_space<vmem>>) target_semaphore(%dma_start3A_114 : memref<!tpu.dma_semaphore, #tpu.memory_space<semaphore_mem>>)
    %get3A_121 = arith.constant 0 : index
    %get3A_122 = memref.load %arg2[%get3A_121] : memref<512xi32, #tpu.memory_space<smem>>
    %dma_start3A_123 = arith.constant 0 : i32
    %dma_start3A_124 = arith.constant 1 : i32
    %dma_start3A_125 = arith.constant 0 : i32
    %dma_start3A_126 = arith.constant 0 : i32
    %dma_start3A_127 = arith.constant 1 : i32
    %dma_start3A_128 = tpu.memref_slice %arg11[%dma_start3A_126, %dma_start3A_127] : memref<2x4x!tpu.dma_semaphore, #tpu.memory_space<semaphore_mem>> -> memref<1x1x!tpu.dma_semaphore, #tpu.memory_space<semaphore_mem>>
    %dma_start3A_129 = tpu.memref_squeeze %dma_start3A_128 : memref<1x1x!tpu.dma_semaphore, #tpu.memory_space<semaphore_mem>> -> memref<!tpu.dma_semaphore, #tpu.memory_space<semaphore_mem>>
    %dma_start3A_130 = arith.constant 0 : i32
    %dma_start3A_131 = tpu.memref_slice %arg10[%dma_start3A_123, %dma_start3A_124, %dma_start3A_125, %dma_start3A_130] : memref<2x4x8x10000xf32, #tpu.memory_space<vmem>> -> memref<1x1x1x10000xf32, #tpu.memory_space<vmem>>
    %dma_start3A_132 = tpu.memref_squeeze %dma_start3A_131 : memref<1x1x1x10000xf32, #tpu.memory_space<vmem>> -> memref<10000xf32, #tpu.memory_space<vmem>>
    %dma_start3A_133 = arith.constant 0 : i32
    %dma_start3A_134 = tpu.memref_slice %arg6[%get3A_122, %dma_start3A_133] : memref<256x10000xf32, #tpu.memory_space<any>> -> memref<1x10000xf32, #tpu.memory_space<any>>
    %dma_start3A_135 = tpu.memref_squeeze %dma_start3A_134 : memref<1x10000xf32, #tpu.memory_space<any>> -> memref<10000xf32, #tpu.memory_space<any>>
    tpu.enqueue_dma source(%dma_start3A_135 : memref<10000xf32, #tpu.memory_space<any>>) target(%dma_start3A_132 : memref<10000xf32, #tpu.memory_space<vmem>>) target_semaphore(%dma_start3A_129 : memref<!tpu.dma_semaphore, #tpu.memory_space<semaphore_mem>>)
    %get3A_136 = arith.constant 1 : index
    %get3A_137 = memref.load %arg2[%get3A_136] : memref<512xi32, #tpu.memory_space<smem>>
    %dma_start3A_138 = arith.constant 0 : i32
    %dma_start3A_139 = arith.constant 1 : i32
    %dma_start3A_140 = arith.constant 1 : i32
    %dma_start3A_141 = arith.constant 0 : i32
    %dma_start3A_142 = arith.constant 1 : i32
    %dma_start3A_143 = tpu.memref_slice %arg11[%dma_start3A_141, %dma_start3A_142] : memref<2x4x!tpu.dma_semaphore, #tpu.memory_space<semaphore_mem>> -> memref<1x1x!tpu.dma_semaphore, #tpu.memory_space<semaphore_mem>>
    %dma_start3A_144 = tpu.memref_squeeze %dma_start3A_143 : memref<1x1x!tpu.dma_semaphore, #tpu.memory_space<semaphore_mem>> -> memref<!tpu.dma_semaphore, #tpu.memory_space<semaphore_mem>>
    %dma_start3A_145 = arith.constant 0 : i32
    %dma_start3A_146 = tpu.memref_slice %arg10[%dma_start3A_138, %dma_start3A_139, %dma_start3A_140, %dma_start3A_145] : memref<2x4x8x10000xf32, #tpu.memory_space<vmem>> -> memref<1x1x1x10000xf32, #tpu.memory_space<vmem>>
    %dma_start3A_147 = tpu.memref_squeeze %dma_start3A_146 : memref<1x1x1x10000xf32, #tpu.memory_space<vmem>> -> memref<10000xf32, #tpu.memory_space<vmem>>
    %dma_start3A_148 = arith.constant 0 : i32
    %dma_start3A_149 = tpu.memref_slice %arg6[%get3A_137, %dma_start3A_148] : memref<256x10000xf32, #tpu.memory_space<any>> -> memref<1x10000xf32, #tpu.memory_space<any>>
    %dma_start3A_150 = tpu.memref_squeeze %dma_start3A_149 : memref<1x10000xf32, #tpu.memory_space<any>> -> memref<10000xf32, #tpu.memory_space<any>>
    tpu.enqueue_dma source(%dma_start3A_150 : memref<10000xf32, #tpu.memory_space<any>>) target(%dma_start3A_147 : memref<10000xf32, #tpu.memory_space<vmem>>) target_semaphore(%dma_start3A_144 : memref<!tpu.dma_semaphore, #tpu.memory_space<semaphore_mem>>)
    %get3A_151 = arith.constant 2 : index
    %get3A_152 = memref.load %arg2[%get3A_151] : memref<512xi32, #tpu.memory_space<smem>>
    %dma_start3A_153 = arith.constant 0 : i32
    %dma_start3A_154 = arith.constant 1 : i32
    %dma_start3A_155 = arith.constant 2 : i32
    %dma_start3A_156 = arith.constant 0 : i32
    %dma_start3A_157 = arith.constant 1 : i32
    %dma_start3A_158 = tpu.memref_slice %arg11[%dma_start3A_156, %dma_start3A_157] : memref<2x4x!tpu.dma_semaphore, #tpu.memory_space<semaphore_mem>> -> memref<1x1x!tpu.dma_semaphore, #tpu.memory_space<semaphore_mem>>
    %dma_start3A_159 = tpu.memref_squeeze %dma_start3A_158 : memref<1x1x!tpu.dma_semaphore, #tpu.memory_space<semaphore_mem>> -> memref<!tpu.dma_semaphore, #tpu.memory_space<semaphore_mem>>
    %dma_start3A_160 = arith.constant 0 : i32
    %dma_start3A_161 = tpu.memref_slice %arg10[%dma_start3A_153, %dma_start3A_154, %dma_start3A_155, %dma_start3A_160] : memref<2x4x8x10000xf32, #tpu.memory_space<vmem>> -> memref<1x1x1x10000xf32, #tpu.memory_space<vmem>>
    %dma_start3A_162 = tpu.memref_squeeze %dma_start3A_161 : memref<1x1x1x10000xf32, #tpu.memory_space<vmem>> -> memref<10000xf32, #tpu.memory_space<vmem>>
    %dma_start3A_163 = arith.constant 0 : i32
    %dma_start3A_164 = tpu.memref_slice %arg6[%get3A_152, %dma_start3A_163] : memref<256x10000xf32, #tpu.memory_space<any>> -> memref<1x10000xf32, #tpu.memory_space<any>>
    %dma_start3A_165 = tpu.memref_squeeze %dma_start3A_164 : memref<1x10000xf32, #tpu.memory_space<any>> -> memref<10000xf32, #tpu.memory_space<any>>
    tpu.enqueue_dma source(%dma_start3A_165 : memref<10000xf32, #tpu.memory_space<any>>) target(%dma_start3A_162 : memref<10000xf32, #tpu.memory_space<vmem>>) target_semaphore(%dma_start3A_159 : memref<!tpu.dma_semaphore, #tpu.memory_space<semaphore_mem>>)
    %get3A_166 = arith.constant 3 : index
    %get3A_167 = memref.load %arg2[%get3A_166] : memref<512xi32, #tpu.memory_space<smem>>
    %dma_start3A_168 = arith.constant 0 : i32
    %dma_start3A_169 = arith.constant 1 : i32
    %dma_start3A_170 = arith.constant 3 : i32
    %dma_start3A_171 = arith.constant 0 : i32
    %dma_start3A_172 = arith.constant 1 : i32
    %dma_start3A_173 = tpu.memref_slice %arg11[%dma_start3A_171, %dma_start3A_172] : memref<2x4x!tpu.dma_semaphore, #tpu.memory_space<semaphore_mem>> -> memref<1x1x!tpu.dma_semaphore, #tpu.memory_space<semaphore_mem>>
    %dma_start3A_174 = tpu.memref_squeeze %dma_start3A_173 : memref<1x1x!tpu.dma_semaphore, #tpu.memory_space<semaphore_mem>> -> memref<!tpu.dma_semaphore, #tpu.memory_space<semaphore_mem>>
    %dma_start3A_175 = arith.constant 0 : i32
    %dma_start3A_176 = tpu.memref_slice %arg10[%dma_start3A_168, %dma_start3A_169, %dma_start3A_170, %dma_start3A_175] : memref<2x4x8x10000xf32, #tpu.memory_space<vmem>> -> memref<1x1x1x10000xf32, #tpu.memory_space<vmem>>
    %dma_start3A_177 = tpu.memref_squeeze %dma_start3A_176 : memref<1x1x1x10000xf32, #tpu.memory_space<vmem>> -> memref<10000xf32, #tpu.memory_space<vmem>>
    %dma_start3A_178 = arith.constant 0 : i32
    %dma_start3A_179 = tpu.memref_slice %arg6[%get3A_167, %dma_start3A_178] : memref<256x10000xf32, #tpu.memory_space<any>> -> memref<1x10000xf32, #tpu.memory_space<any>>
    %dma_start3A_180 = tpu.memref_squeeze %dma_start3A_179 : memref<1x10000xf32, #tpu.memory_space<any>> -> memref<10000xf32, #tpu.memory_space<any>>
    tpu.enqueue_dma source(%dma_start3A_180 : memref<10000xf32, #tpu.memory_space<any>>) target(%dma_start3A_177 : memref<10000xf32, #tpu.memory_space<vmem>>) target_semaphore(%dma_start3A_174 : memref<!tpu.dma_semaphore, #tpu.memory_space<semaphore_mem>>)
    %get3A_181 = arith.constant 4 : index
    %get3A_182 = memref.load %arg2[%get3A_181] : memref<512xi32, #tpu.memory_space<smem>>
    %dma_start3A_183 = arith.constant 0 : i32
    %dma_start3A_184 = arith.constant 1 : i32
    %dma_start3A_185 = arith.constant 4 : i32
    %dma_start3A_186 = arith.constant 0 : i32
    %dma_start3A_187 = arith.constant 1 : i32
    %dma_start3A_188 = tpu.memref_slice %arg11[%dma_start3A_186, %dma_start3A_187] : memref<2x4x!tpu.dma_semaphore, #tpu.memory_space<semaphore_mem>> -> memref<1x1x!tpu.dma_semaphore, #tpu.memory_space<semaphore_mem>>
    %dma_start3A_189 = tpu.memref_squeeze %dma_start3A_188 : memref<1x1x!tpu.dma_semaphore, #tpu.memory_space<semaphore_mem>> -> memref<!tpu.dma_semaphore, #tpu.memory_space<semaphore_mem>>
    %dma_start3A_190 = arith.constant 0 : i32
    %dma_start3A_191 = tpu.memref_slice %arg10[%dma_start3A_183, %dma_start3A_184, %dma_start3A_185, %dma_start3A_190] : memref<2x4x8x10000xf32, #tpu.memory_space<vmem>> -> memref<1x1x1x10000xf32, #tpu.memory_space<vmem>>
    %dma_start3A_192 = tpu.memref_squeeze %dma_start3A_191 : memref<1x1x1x10000xf32, #tpu.memory_space<vmem>> -> memref<10000xf32, #tpu.memory_space<vmem>>
    %dma_start3A_193 = arith.constant 0 : i32
    %dma_start3A_194 = tpu.memref_slice %arg6[%get3A_182, %dma_start3A_193] : memref<256x10000xf32, #tpu.memory_space<any>> -> memref<1x10000xf32, #tpu.memory_space<any>>
    %dma_start3A_195 = tpu.memref_squeeze %dma_start3A_194 : memref<1x10000xf32, #tpu.memory_space<any>> -> memref<10000xf32, #tpu.memory_space<any>>
    tpu.enqueue_dma source(%dma_start3A_195 : memref<10000xf32, #tpu.memory_space<any>>) target(%dma_start3A_192 : memref<10000xf32, #tpu.memory_space<vmem>>) target_semaphore(%dma_start3A_189 : memref<!tpu.dma_semaphore, #tpu.memory_space<semaphore_mem>>)
    %get3A_196 = arith.constant 5 : index
    %get3A_197 = memref.load %arg2[%get3A_196] : memref<512xi32, #tpu.memory_space<smem>>
    %dma_start3A_198 = arith.constant 0 : i32
    %dma_start3A_199 = arith.constant 1 : i32
    %dma_start3A_200 = arith.constant 5 : i32
    %dma_start3A_201 = arith.constant 0 : i32
    %dma_start3A_202 = arith.constant 1 : i32
    %dma_start3A_203 = tpu.memref_slice %arg11[%dma_start3A_201, %dma_start3A_202] : memref<2x4x!tpu.dma_semaphore, #tpu.memory_space<semaphore_mem>> -> memref<1x1x!tpu.dma_semaphore, #tpu.memory_space<semaphore_mem>>
    %dma_start3A_204 = tpu.memref_squeeze %dma_start3A_203 : memref<1x1x!tpu.dma_semaphore, #tpu.memory_space<semaphore_mem>> -> memref<!tpu.dma_semaphore, #tpu.memory_space<semaphore_mem>>
    %dma_start3A_205 = arith.constant 0 : i32
    %dma_start3A_206 = tpu.memref_slice %arg10[%dma_start3A_198, %dma_start3A_199, %dma_start3A_200, %dma_start3A_205] : memref<2x4x8x10000xf32, #tpu.memory_space<vmem>> -> memref<1x1x1x10000xf32, #tpu.memory_space<vmem>>
    %dma_start3A_207 = tpu.memref_squeeze %dma_start3A_206 : memref<1x1x1x10000xf32, #tpu.memory_space<vmem>> -> memref<10000xf32, #tpu.memory_space<vmem>>
    %dma_start3A_208 = arith.constant 0 : i32
    %dma_start3A_209 = tpu.memref_slice %arg6[%get3A_197, %dma_start3A_208] : memref<256x10000xf32, #tpu.memory_space<any>> -> memref<1x10000xf32, #tpu.memory_space<any>>
    %dma_start3A_210 = tpu.memref_squeeze %dma_start3A_209 : memref<1x10000xf32, #tpu.memory_space<any>> -> memref<10000xf32, #tpu.memory_space<any>>
    tpu.enqueue_dma source(%dma_start3A_210 : memref<10000xf32, #tpu.memory_space<any>>) target(%dma_start3A_207 : memref<10000xf32, #tpu.memory_space<vmem>>) target_semaphore(%dma_start3A_204 : memref<!tpu.dma_semaphore, #tpu.memory_space<semaphore_mem>>)
    %get3A_211 = arith.constant 6 : index
    %get3A_212 = memref.load %arg2[%get3A_211] : memref<512xi32, #tpu.memory_space<smem>>
    %dma_start3A_213 = arith.constant 0 : i32
    %dma_start3A_214 = arith.constant 1 : i32
    %dma_start3A_215 = arith.constant 6 : i32
    %dma_start3A_216 = arith.constant 0 : i32
    %dma_start3A_217 = arith.constant 1 : i32
    %dma_start3A_218 = tpu.memref_slice %arg11[%dma_start3A_216, %dma_start3A_217] : memref<2x4x!tpu.dma_semaphore, #tpu.memory_space<semaphore_mem>> -> memref<1x1x!tpu.dma_semaphore, #tpu.memory_space<semaphore_mem>>
    %dma_start3A_219 = tpu.memref_squeeze %dma_start3A_218 : memref<1x1x!tpu.dma_semaphore, #tpu.memory_space<semaphore_mem>> -> memref<!tpu.dma_semaphore, #tpu.memory_space<semaphore_mem>>
    %dma_start3A_220 = arith.constant 0 : i32
    %dma_start3A_221 = tpu.memref_slice %arg10[%dma_start3A_213, %dma_start3A_214, %dma_start3A_215, %dma_start3A_220] : memref<2x4x8x10000xf32, #tpu.memory_space<vmem>> -> memref<1x1x1x10000xf32, #tpu.memory_space<vmem>>
    %dma_start3A_222 = tpu.memref_squeeze %dma_start3A_221 : memref<1x1x1x10000xf32, #tpu.memory_space<vmem>> -> memref<10000xf32, #tpu.memory_space<vmem>>
    %dma_start3A_223 = arith.constant 0 : i32
    %dma_start3A_224 = tpu.memref_slice %arg6[%get3A_212, %dma_start3A_223] : memref<256x10000xf32, #tpu.memory_space<any>> -> memref<1x10000xf32, #tpu.memory_space<any>>
    %dma_start3A_225 = tpu.memref_squeeze %dma_start3A_224 : memref<1x10000xf32, #tpu.memory_space<any>> -> memref<10000xf32, #tpu.memory_space<any>>
    tpu.enqueue_dma source(%dma_start3A_225 : memref<10000xf32, #tpu.memory_space<any>>) target(%dma_start3A_222 : memref<10000xf32, #tpu.memory_space<vmem>>) target_semaphore(%dma_start3A_219 : memref<!tpu.dma_semaphore, #tpu.memory_space<semaphore_mem>>)
    %get3A_226 = arith.constant 7 : index
    %get3A_227 = memref.load %arg2[%get3A_226] : memref<512xi32, #tpu.memory_space<smem>>
    %dma_start3A_228 = arith.constant 0 : i32
    %dma_start3A_229 = arith.constant 1 : i32
    %dma_start3A_230 = arith.constant 7 : i32
    %dma_start3A_231 = arith.constant 0 : i32
    %dma_start3A_232 = arith.constant 1 : i32
    %dma_start3A_233 = tpu.memref_slice %arg11[%dma_start3A_231, %dma_start3A_232] : memref<2x4x!tpu.dma_semaphore, #tpu.memory_space<semaphore_mem>> -> memref<1x1x!tpu.dma_semaphore, #tpu.memory_space<semaphore_mem>>
    %dma_start3A_234 = tpu.memref_squeeze %dma_start3A_233 : memref<1x1x!tpu.dma_semaphore, #tpu.memory_space<semaphore_mem>> -> memref<!tpu.dma_semaphore, #tpu.memory_space<semaphore_mem>>
    %dma_start3A_235 = arith.constant 0 : i32
    %dma_start3A_236 = tpu.memref_slice %arg10[%dma_start3A_228, %dma_start3A_229, %dma_start3A_230, %dma_start3A_235] : memref<2x4x8x10000xf32, #tpu.memory_space<vmem>> -> memref<1x1x1x10000xf32, #tpu.memory_space<vmem>>
    %dma_start3A_237 = tpu.memref_squeeze %dma_start3A_236 : memref<1x1x1x10000xf32, #tpu.memory_space<vmem>> -> memref<10000xf32, #tpu.memory_space<vmem>>
    %dma_start3A_238 = arith.constant 0 : i32
    %dma_start3A_239 = tpu.memref_slice %arg6[%get3A_227, %dma_start3A_238] : memref<256x10000xf32, #tpu.memory_space<any>> -> memref<1x10000xf32, #tpu.memory_space<any>>
    %dma_start3A_240 = tpu.memref_squeeze %dma_start3A_239 : memref<1x10000xf32, #tpu.memory_space<any>> -> memref<10000xf32, #tpu.memory_space<any>>
    tpu.enqueue_dma source(%dma_start3A_240 : memref<10000xf32, #tpu.memory_space<any>>) target(%dma_start3A_237 : memref<10000xf32, #tpu.memory_space<vmem>>) target_semaphore(%dma_start3A_234 : memref<!tpu.dma_semaphore, #tpu.memory_space<semaphore_mem>>)
    %get3A_241 = arith.constant 0 : index
    %get3A_242 = memref.load %arg3[%get3A_241] : memref<512xi32, #tpu.memory_space<smem>>
    %dma_start3A_243 = arith.constant 0 : i32
    %dma_start3A_244 = arith.constant 2 : i32
    %dma_start3A_245 = arith.constant 0 : i32
    %dma_start3A_246 = arith.constant 0 : i32
    %dma_start3A_247 = arith.constant 2 : i32
    %dma_start3A_248 = tpu.memref_slice %arg11[%dma_start3A_246, %dma_start3A_247] : memref<2x4x!tpu.dma_semaphore, #tpu.memory_space<semaphore_mem>> -> memref<1x1x!tpu.dma_semaphore, #tpu.memory_space<semaphore_mem>>
    %dma_start3A_249 = tpu.memref_squeeze %dma_start3A_248 : memref<1x1x!tpu.dma_semaphore, #tpu.memory_space<semaphore_mem>> -> memref<!tpu.dma_semaphore, #tpu.memory_space<semaphore_mem>>
    %dma_start3A_250 = arith.constant 0 : i32
    %dma_start3A_251 = tpu.memref_slice %arg10[%dma_start3A_243, %dma_start3A_244, %dma_start3A_245, %dma_start3A_250] : memref<2x4x8x10000xf32, #tpu.memory_space<vmem>> -> memref<1x1x1x10000xf32, #tpu.memory_space<vmem>>
    %dma_start3A_252 = tpu.memref_squeeze %dma_start3A_251 : memref<1x1x1x10000xf32, #tpu.memory_space<vmem>> -> memref<10000xf32, #tpu.memory_space<vmem>>
    %dma_start3A_253 = arith.constant 0 : i32
    %dma_start3A_254 = tpu.memref_slice %arg7[%get3A_242, %dma_start3A_253] : memref<256x10000xf32, #tpu.memory_space<any>> -> memref<1x10000xf32, #tpu.memory_space<any>>
    %dma_start3A_255 = tpu.memref_squeeze %dma_start3A_254 : memref<1x10000xf32, #tpu.memory_space<any>> -> memref<10000xf32, #tpu.memory_space<any>>
    tpu.enqueue_dma source(%dma_start3A_255 : memref<10000xf32, #tpu.memory_space<any>>) target(%dma_start3A_252 : memref<10000xf32, #tpu.memory_space<vmem>>) target_semaphore(%dma_start3A_249 : memref<!tpu.dma_semaphore, #tpu.memory_space<semaphore_mem>>)
    %get3A_256 = arith.constant 1 : index
    %get3A_257 = memref.load %arg3[%get3A_256] : memref<512xi32, #tpu.memory_space<smem>>
    %dma_start3A_258 = arith.constant 0 : i32
    %dma_start3A_259 = arith.constant 2 : i32
    %dma_start3A_260 = arith.constant 1 : i32
    %dma_start3A_261 = arith.constant 0 : i32
    %dma_start3A_262 = arith.constant 2 : i32
    %dma_start3A_263 = tpu.memref_slice %arg11[%dma_start3A_261, %dma_start3A_262] : memref<2x4x!tpu.dma_semaphore, #tpu.memory_space<semaphore_mem>> -> memref<1x1x!tpu.dma_semaphore, #tpu.memory_space<semaphore_mem>>
    %dma_start3A_264 = tpu.memref_squeeze %dma_start3A_263 : memref<1x1x!tpu.dma_semaphore, #tpu.memory_space<semaphore_mem>> -> memref<!tpu.dma_semaphore, #tpu.memory_space<semaphore_mem>>
    %dma_start3A_265 = arith.constant 0 : i32
    %dma_start3A_266 = tpu.memref_slice %arg10[%dma_start3A_258, %dma_start3A_259, %dma_start3A_260, %dma_start3A_265] : memref<2x4x8x10000xf32, #tpu.memory_space<vmem>> -> memref<1x1x1x10000xf32, #tpu.memory_space<vmem>>
    %dma_start3A_267 = tpu.memref_squeeze %dma_start3A_266 : memref<1x1x1x10000xf32, #tpu.memory_space<vmem>> -> memref<10000xf32, #tpu.memory_space<vmem>>
    %dma_start3A_268 = arith.constant 0 : i32
    %dma_start3A_269 = tpu.memref_slice %arg7[%get3A_257, %dma_start3A_268] : memref<256x10000xf32, #tpu.memory_space<any>> -> memref<1x10000xf32, #tpu.memory_space<any>>
    %dma_start3A_270 = tpu.memref_squeeze %dma_start3A_269 : memref<1x10000xf32, #tpu.memory_space<any>> -> memref<10000xf32, #tpu.memory_space<any>>
    tpu.enqueue_dma source(%dma_start3A_270 : memref<10000xf32, #tpu.memory_space<any>>) target(%dma_start3A_267 : memref<10000xf32, #tpu.memory_space<vmem>>) target_semaphore(%dma_start3A_264 : memref<!tpu.dma_semaphore, #tpu.memory_space<semaphore_mem>>)
    %get3A_271 = arith.constant 2 : index
    %get3A_272 = memref.load %arg3[%get3A_271] : memref<512xi32, #tpu.memory_space<smem>>
    %dma_start3A_273 = arith.constant 0 : i32
    %dma_start3A_274 = arith.constant 2 : i32
    %dma_start3A_275 = arith.constant 2 : i32
    %dma_start3A_276 = arith.constant 0 : i32
    %dma_start3A_277 = arith.constant 2 : i32
    %dma_start3A_278 = tpu.memref_slice %arg11[%dma_start3A_276, %dma_start3A_277] : memref<2x4x!tpu.dma_semaphore, #tpu.memory_space<semaphore_mem>> -> memref<1x1x!tpu.dma_semaphore, #tpu.memory_space<semaphore_mem>>
    %dma_start3A_279 = tpu.memref_squeeze %dma_start3A_278 : memref<1x1x!tpu.dma_semaphore, #tpu.memory_space<semaphore_mem>> -> memref<!tpu.dma_semaphore, #tpu.memory_space<semaphore_mem>>
    %dma_start3A_280 = arith.constant 0 : i32
    %dma_start3A_281 = tpu.memref_slice %arg10[%dma_start3A_273, %dma_start3A_274, %dma_start3A_275, %dma_start3A_280] : memref<2x4x8x10000xf32, #tpu.memory_space<vmem>> -> memref<1x1x1x10000xf32, #tpu.memory_space<vmem>>
    %dma_start3A_282 = tpu.memref_squeeze %dma_start3A_281 : memref<1x1x1x10000xf32, #tpu.memory_space<vmem>> -> memref<10000xf32, #tpu.memory_space<vmem>>
    %dma_start3A_283 = arith.constant 0 : i32
    %dma_start3A_284 = tpu.memref_slice %arg7[%get3A_272, %dma_start3A_283] : memref<256x10000xf32, #tpu.memory_space<any>> -> memref<1x10000xf32, #tpu.memory_space<any>>
    %dma_start3A_285 = tpu.memref_squeeze %dma_start3A_284 : memref<1x10000xf32, #tpu.memory_space<any>> -> memref<10000xf32, #tpu.memory_space<any>>
    tpu.enqueue_dma source(%dma_start3A_285 : memref<10000xf32, #tpu.memory_space<any>>) target(%dma_start3A_282 : memref<10000xf32, #tpu.memory_space<vmem>>) target_semaphore(%dma_start3A_279 : memref<!tpu.dma_semaphore, #tpu.memory_space<semaphore_mem>>)
    %get3A_286 = arith.constant 3 : index
    %get3A_287 = memref.load %arg3[%get3A_286] : memref<512xi32, #tpu.memory_space<smem>>
    %dma_start3A_288 = arith.constant 0 : i32
    %dma_start3A_289 = arith.constant 2 : i32
    %dma_start3A_290 = arith.constant 3 : i32
    %dma_start3A_291 = arith.constant 0 : i32
    %dma_start3A_292 = arith.constant 2 : i32
    %dma_start3A_293 = tpu.memref_slice %arg11[%dma_start3A_291, %dma_start3A_292] : memref<2x4x!tpu.dma_semaphore, #tpu.memory_space<semaphore_mem>> -> memref<1x1x!tpu.dma_semaphore, #tpu.memory_space<semaphore_mem>>
    %dma_start3A_294 = tpu.memref_squeeze %dma_start3A_293 : memref<1x1x!tpu.dma_semaphore, #tpu.memory_space<semaphore_mem>> -> memref<!tpu.dma_semaphore, #tpu.memory_space<semaphore_mem>>
    %dma_start3A_295 = arith.constant 0 : i32
    %dma_start3A_296 = tpu.memref_slice %arg10[%dma_start3A_288, %dma_start3A_289, %dma_start3A_290, %dma_start3A_295] : memref<2x4x8x10000xf32, #tpu.memory_space<vmem>> -> memref<1x1x1x10000xf32, #tpu.memory_space<vmem>>
    %dma_start3A_297 = tpu.memref_squeeze %dma_start3A_296 : memref<1x1x1x10000xf32, #tpu.memory_space<vmem>> -> memref<10000xf32, #tpu.memory_space<vmem>>
    %dma_start3A_298 = arith.constant 0 : i32
    %dma_start3A_299 = tpu.memref_slice %arg7[%get3A_287, %dma_start3A_298] : memref<256x10000xf32, #tpu.memory_space<any>> -> memref<1x10000xf32, #tpu.memory_space<any>>
    %dma_start3A_300 = tpu.memref_squeeze %dma_start3A_299 : memref<1x10000xf32, #tpu.memory_space<any>> -> memref<10000xf32, #tpu.memory_space<any>>
    tpu.enqueue_dma source(%dma_start3A_300 : memref<10000xf32, #tpu.memory_space<any>>) target(%dma_start3A_297 : memref<10000xf32, #tpu.memory_space<vmem>>) target_semaphore(%dma_start3A_294 : memref<!tpu.dma_semaphore, #tpu.memory_space<semaphore_mem>>)
    %get3A_301 = arith.constant 4 : index
    %get3A_302 = memref.load %arg3[%get3A_301] : memref<512xi32, #tpu.memory_space<smem>>
    %dma_start3A_303 = arith.constant 0 : i32
    %dma_start3A_304 = arith.constant 2 : i32
    %dma_start3A_305 = arith.constant 4 : i32
    %dma_start3A_306 = arith.constant 0 : i32
    %dma_start3A_307 = arith.constant 2 : i32
    %dma_start3A_308 = tpu.memref_slice %arg11[%dma_start3A_306, %dma_start3A_307] : memref<2x4x!tpu.dma_semaphore, #tpu.memory_space<semaphore_mem>> -> memref<1x1x!tpu.dma_semaphore, #tpu.memory_space<semaphore_mem>>
    %dma_start3A_309 = tpu.memref_squeeze %dma_start3A_308 : memref<1x1x!tpu.dma_semaphore, #tpu.memory_space<semaphore_mem>> -> memref<!tpu.dma_semaphore, #tpu.memory_space<semaphore_mem>>
    %dma_start3A_310 = arith.constant 0 : i32
    %dma_start3A_311 = tpu.memref_slice %arg10[%dma_start3A_303, %dma_start3A_304, %dma_start3A_305, %dma_start3A_310] : memref<2x4x8x10000xf32, #tpu.memory_space<vmem>> -> memref<1x1x1x10000xf32, #tpu.memory_space<vmem>>
    %dma_start3A_312 = tpu.memref_squeeze %dma_start3A_311 : memref<1x1x1x10000xf32, #tpu.memory_space<vmem>> -> memref<10000xf32, #tpu.memory_space<vmem>>
    %dma_start3A_313 = arith.constant 0 : i32
    %dma_start3A_314 = tpu.memref_slice %arg7[%get3A_302, %dma_start3A_313] : memref<256x10000xf32, #tpu.memory_space<any>> -> memref<1x10000xf32, #tpu.memory_space<any>>
    %dma_start3A_315 = tpu.memref_squeeze %dma_start3A_314 : memref<1x10000xf32, #tpu.memory_space<any>> -> memref<10000xf32, #tpu.memory_space<any>>
    tpu.enqueue_dma source(%dma_start3A_315 : memref<10000xf32, #tpu.memory_space<any>>) target(%dma_start3A_312 : memref<10000xf32, #tpu.memory_space<vmem>>) target_semaphore(%dma_start3A_309 : memref<!tpu.dma_semaphore, #tpu.memory_space<semaphore_mem>>)
    %get3A_316 = arith.constant 5 : index
    %get3A_317 = memref.load %arg3[%get3A_316] : memref<512xi32, #tpu.memory_space<smem>>
    %dma_start3A_318 = arith.constant 0 : i32
    %dma_start3A_319 = arith.constant 2 : i32
    %dma_start3A_320 = arith.constant 5 : i32
    %dma_start3A_321 = arith.constant 0 : i32
    %dma_start3A_322 = arith.constant 2 : i32
    %dma_start3A_323 = tpu.memref_slice %arg11[%dma_start3A_321, %dma_start3A_322] : memref<2x4x!tpu.dma_semaphore, #tpu.memory_space<semaphore_mem>> -> memref<1x1x!tpu.dma_semaphore, #tpu.memory_space<semaphore_mem>>
    %dma_start3A_324 = tpu.memref_squeeze %dma_start3A_323 : memref<1x1x!tpu.dma_semaphore, #tpu.memory_space<semaphore_mem>> -> memref<!tpu.dma_semaphore, #tpu.memory_space<semaphore_mem>>
    %dma_start3A_325 = arith.constant 0 : i32
    %dma_start3A_326 = tpu.memref_slice %arg10[%dma_start3A_318, %dma_start3A_319, %dma_start3A_320, %dma_start3A_325] : memref<2x4x8x10000xf32, #tpu.memory_space<vmem>> -> memref<1x1x1x10000xf32, #tpu.memory_space<vmem>>
    %dma_start3A_327 = tpu.memref_squeeze %dma_start3A_326 : memref<1x1x1x10000xf32, #tpu.memory_space<vmem>> -> memref<10000xf32, #tpu.memory_space<vmem>>
    %dma_start3A_328 = arith.constant 0 : i32
    %dma_start3A_329 = tpu.memref_slice %arg7[%get3A_317, %dma_start3A_328] : memref<256x10000xf32, #tpu.memory_space<any>> -> memref<1x10000xf32, #tpu.memory_space<any>>
    %dma_start3A_330 = tpu.memref_squeeze %dma_start3A_329 : memref<1x10000xf32, #tpu.memory_space<any>> -> memref<10000xf32, #tpu.memory_space<any>>
    tpu.enqueue_dma source(%dma_start3A_330 : memref<10000xf32, #tpu.memory_space<any>>) target(%dma_start3A_327 : memref<10000xf32, #tpu.memory_space<vmem>>) target_semaphore(%dma_start3A_324 : memref<!tpu.dma_semaphore, #tpu.memory_space<semaphore_mem>>)
    %get3A_331 = arith.constant 6 : index
    %get3A_332 = memref.load %arg3[%get3A_331] : memref<512xi32, #tpu.memory_space<smem>>
    %dma_start3A_333 = arith.constant 0 : i32
    %dma_start3A_334 = arith.constant 2 : i32
    %dma_start3A_335 = arith.constant 6 : i32
    %dma_start3A_336 = arith.constant 0 : i32
    %dma_start3A_337 = arith.constant 2 : i32
    %dma_start3A_338 = tpu.memref_slice %arg11[%dma_start3A_336, %dma_start3A_337] : memref<2x4x!tpu.dma_semaphore, #tpu.memory_space<semaphore_mem>> -> memref<1x1x!tpu.dma_semaphore, #tpu.memory_space<semaphore_mem>>
    %dma_start3A_339 = tpu.memref_squeeze %dma_start3A_338 : memref<1x1x!tpu.dma_semaphore, #tpu.memory_space<semaphore_mem>> -> memref<!tpu.dma_semaphore, #tpu.memory_space<semaphore_mem>>
    %dma_start3A_340 = arith.constant 0 : i32
    %dma_start3A_341 = tpu.memref_slice %arg10[%dma_start3A_333, %dma_start3A_334, %dma_start3A_335, %dma_start3A_340] : memref<2x4x8x10000xf32, #tpu.memory_space<vmem>> -> memref<1x1x1x10000xf32, #tpu.memory_space<vmem>>
    %dma_start3A_342 = tpu.memref_squeeze %dma_start3A_341 : memref<1x1x1x10000xf32, #tpu.memory_space<vmem>> -> memref<10000xf32, #tpu.memory_space<vmem>>
    %dma_start3A_343 = arith.constant 0 : i32
    %dma_start3A_344 = tpu.memref_slice %arg7[%get3A_332, %dma_start3A_343] : memref<256x10000xf32, #tpu.memory_space<any>> -> memref<1x10000xf32, #tpu.memory_space<any>>
    %dma_start3A_345 = tpu.memref_squeeze %dma_start3A_344 : memref<1x10000xf32, #tpu.memory_space<any>> -> memref<10000xf32, #tpu.memory_space<any>>
    tpu.enqueue_dma source(%dma_start3A_345 : memref<10000xf32, #tpu.memory_space<any>>) target(%dma_start3A_342 : memref<10000xf32, #tpu.memory_space<vmem>>) target_semaphore(%dma_start3A_339 : memref<!tpu.dma_semaphore, #tpu.memory_space<semaphore_mem>>)
    %get3A_346 = arith.constant 7 : index
    %get3A_347 = memref.load %arg3[%get3A_346] : memref<512xi32, #tpu.memory_space<smem>>
    %dma_start3A_348 = arith.constant 0 : i32
    %dma_start3A_349 = arith.constant 2 : i32
    %dma_start3A_350 = arith.constant 7 : i32
    %dma_start3A_351 = arith.constant 0 : i32
    %dma_start3A_352 = arith.constant 2 : i32
    %dma_start3A_353 = tpu.memref_slice %arg11[%dma_start3A_351, %dma_start3A_352] : memref<2x4x!tpu.dma_semaphore, #tpu.memory_space<semaphore_mem>> -> memref<1x1x!tpu.dma_semaphore, #tpu.memory_space<semaphore_mem>>
    %dma_start3A_354 = tpu.memref_squeeze %dma_start3A_353 : memref<1x1x!tpu.dma_semaphore, #tpu.memory_space<semaphore_mem>> -> memref<!tpu.dma_semaphore, #tpu.memory_space<semaphore_mem>>
    %dma_start3A_355 = arith.constant 0 : i32
    %dma_start3A_356 = tpu.memref_slice %arg10[%dma_start3A_348, %dma_start3A_349, %dma_start3A_350, %dma_start3A_355] : memref<2x4x8x10000xf32, #tpu.memory_space<vmem>> -> memref<1x1x1x10000xf32, #tpu.memory_space<vmem>>
    %dma_start3A_357 = tpu.memref_squeeze %dma_start3A_356 : memref<1x1x1x10000xf32, #tpu.memory_space<vmem>> -> memref<10000xf32, #tpu.memory_space<vmem>>
    %dma_start3A_358 = arith.constant 0 : i32
    %dma_start3A_359 = tpu.memref_slice %arg7[%get3A_347, %dma_start3A_358] : memref<256x10000xf32, #tpu.memory_space<any>> -> memref<1x10000xf32, #tpu.memory_space<any>>
    %dma_start3A_360 = tpu.memref_squeeze %dma_start3A_359 : memref<1x10000xf32, #tpu.memory_space<any>> -> memref<10000xf32, #tpu.memory_space<any>>
    tpu.enqueue_dma source(%dma_start3A_360 : memref<10000xf32, #tpu.memory_space<any>>) target(%dma_start3A_357 : memref<10000xf32, #tpu.memory_space<vmem>>) target_semaphore(%dma_start3A_354 : memref<!tpu.dma_semaphore, #tpu.memory_space<semaphore_mem>>)
    %get3A_361 = arith.constant 0 : index
    %get3A_362 = memref.load %arg4[%get3A_361] : memref<512xi32, #tpu.memory_space<smem>>
    %dma_start3A_363 = arith.constant 0 : i32
    %dma_start3A_364 = arith.constant 3 : i32
    %dma_start3A_365 = arith.constant 0 : i32
    %dma_start3A_366 = arith.constant 0 : i32
    %dma_start3A_367 = arith.constant 3 : i32
    %dma_start3A_368 = tpu.memref_slice %arg11[%dma_start3A_366, %dma_start3A_367] : memref<2x4x!tpu.dma_semaphore, #tpu.memory_space<semaphore_mem>> -> memref<1x1x!tpu.dma_semaphore, #tpu.memory_space<semaphore_mem>>
    %dma_start3A_369 = tpu.memref_squeeze %dma_start3A_368 : memref<1x1x!tpu.dma_semaphore, #tpu.memory_space<semaphore_mem>> -> memref<!tpu.dma_semaphore, #tpu.memory_space<semaphore_mem>>
    %dma_start3A_370 = arith.constant 0 : i32
    %dma_start3A_371 = tpu.memref_slice %arg10[%dma_start3A_363, %dma_start3A_364, %dma_start3A_365, %dma_start3A_370] : memref<2x4x8x10000xf32, #tpu.memory_space<vmem>> -> memref<1x1x1x10000xf32, #tpu.memory_space<vmem>>
    %dma_start3A_372 = tpu.memref_squeeze %dma_start3A_371 : memref<1x1x1x10000xf32, #tpu.memory_space<vmem>> -> memref<10000xf32, #tpu.memory_space<vmem>>
    %dma_start3A_373 = arith.constant 0 : i32
    %dma_start3A_374 = tpu.memref_slice %arg8[%get3A_362, %dma_start3A_373] : memref<256x10000xf32, #tpu.memory_space<any>> -> memref<1x10000xf32, #tpu.memory_space<any>>
    %dma_start3A_375 = tpu.memref_squeeze %dma_start3A_374 : memref<1x10000xf32, #tpu.memory_space<any>> -> memref<10000xf32, #tpu.memory_space<any>>
    tpu.enqueue_dma source(%dma_start3A_375 : memref<10000xf32, #tpu.memory_space<any>>) target(%dma_start3A_372 : memref<10000xf32, #tpu.memory_space<vmem>>) target_semaphore(%dma_start3A_369 : memref<!tpu.dma_semaphore, #tpu.memory_space<semaphore_mem>>)
    %get3A_376 = arith.constant 1 : index
    %get3A_377 = memref.load %arg4[%get3A_376] : memref<512xi32, #tpu.memory_space<smem>>
    %dma_start3A_378 = arith.constant 0 : i32
    %dma_start3A_379 = arith.constant 3 : i32
    %dma_start3A_380 = arith.constant 1 : i32
    %dma_start3A_381 = arith.constant 0 : i32
    %dma_start3A_382 = arith.constant 3 : i32
    %dma_start3A_383 = tpu.memref_slice %arg11[%dma_start3A_381, %dma_start3A_382] : memref<2x4x!tpu.dma_semaphore, #tpu.memory_space<semaphore_mem>> -> memref<1x1x!tpu.dma_semaphore, #tpu.memory_space<semaphore_mem>>
    %dma_start3A_384 = tpu.memref_squeeze %dma_start3A_383 : memref<1x1x!tpu.dma_semaphore, #tpu.memory_space<semaphore_mem>> -> memref<!tpu.dma_semaphore, #tpu.memory_space<semaphore_mem>>
    %dma_start3A_385 = arith.constant 0 : i32
    %dma_start3A_386 = tpu.memref_slice %arg10[%dma_start3A_378, %dma_start3A_379, %dma_start3A_380, %dma_start3A_385] : memref<2x4x8x10000xf32, #tpu.memory_space<vmem>> -> memref<1x1x1x10000xf32, #tpu.memory_space<vmem>>
    %dma_start3A_387 = tpu.memref_squeeze %dma_start3A_386 : memref<1x1x1x10000xf32, #tpu.memory_space<vmem>> -> memref<10000xf32, #tpu.memory_space<vmem>>
    %dma_start3A_388 = arith.constant 0 : i32
    %dma_start3A_389 = tpu.memref_slice %arg8[%get3A_377, %dma_start3A_388] : memref<256x10000xf32, #tpu.memory_space<any>> -> memref<1x10000xf32, #tpu.memory_space<any>>
    %dma_start3A_390 = tpu.memref_squeeze %dma_start3A_389 : memref<1x10000xf32, #tpu.memory_space<any>> -> memref<10000xf32, #tpu.memory_space<any>>
    tpu.enqueue_dma source(%dma_start3A_390 : memref<10000xf32, #tpu.memory_space<any>>) target(%dma_start3A_387 : memref<10000xf32, #tpu.memory_space<vmem>>) target_semaphore(%dma_start3A_384 : memref<!tpu.dma_semaphore, #tpu.memory_space<semaphore_mem>>)
    %get3A_391 = arith.constant 2 : index
    %get3A_392 = memref.load %arg4[%get3A_391] : memref<512xi32, #tpu.memory_space<smem>>
    %dma_start3A_393 = arith.constant 0 : i32
    %dma_start3A_394 = arith.constant 3 : i32
    %dma_start3A_395 = arith.constant 2 : i32
    %dma_start3A_396 = arith.constant 0 : i32
    %dma_start3A_397 = arith.constant 3 : i32
    %dma_start3A_398 = tpu.memref_slice %arg11[%dma_start3A_396, %dma_start3A_397] : memref<2x4x!tpu.dma_semaphore, #tpu.memory_space<semaphore_mem>> -> memref<1x1x!tpu.dma_semaphore, #tpu.memory_space<semaphore_mem>>
    %dma_start3A_399 = tpu.memref_squeeze %dma_start3A_398 : memref<1x1x!tpu.dma_semaphore, #tpu.memory_space<semaphore_mem>> -> memref<!tpu.dma_semaphore, #tpu.memory_space<semaphore_mem>>
    %dma_start3A_400 = arith.constant 0 : i32
    %dma_start3A_401 = tpu.memref_slice %arg10[%dma_start3A_393, %dma_start3A_394, %dma_start3A_395, %dma_start3A_400] : memref<2x4x8x10000xf32, #tpu.memory_space<vmem>> -> memref<1x1x1x10000xf32, #tpu.memory_space<vmem>>
    %dma_start3A_402 = tpu.memref_squeeze %dma_start3A_401 : memref<1x1x1x10000xf32, #tpu.memory_space<vmem>> -> memref<10000xf32, #tpu.memory_space<vmem>>
    %dma_start3A_403 = arith.constant 0 : i32
    %dma_start3A_404 = tpu.memref_slice %arg8[%get3A_392, %dma_start3A_403] : memref<256x10000xf32, #tpu.memory_space<any>> -> memref<1x10000xf32, #tpu.memory_space<any>>
    %dma_start3A_405 = tpu.memref_squeeze %dma_start3A_404 : memref<1x10000xf32, #tpu.memory_space<any>> -> memref<10000xf32, #tpu.memory_space<any>>
    tpu.enqueue_dma source(%dma_start3A_405 : memref<10000xf32, #tpu.memory_space<any>>) target(%dma_start3A_402 : memref<10000xf32, #tpu.memory_space<vmem>>) target_semaphore(%dma_start3A_399 : memref<!tpu.dma_semaphore, #tpu.memory_space<semaphore_mem>>)
    %get3A_406 = arith.constant 3 : index
    %get3A_407 = memref.load %arg4[%get3A_406] : memref<512xi32, #tpu.memory_space<smem>>
    %dma_start3A_408 = arith.constant 0 : i32
    %dma_start3A_409 = arith.constant 3 : i32
    %dma_start3A_410 = arith.constant 3 : i32
    %dma_start3A_411 = arith.constant 0 : i32
    %dma_start3A_412 = arith.constant 3 : i32
    %dma_start3A_413 = tpu.memref_slice %arg11[%dma_start3A_411, %dma_start3A_412] : memref<2x4x!tpu.dma_semaphore, #tpu.memory_space<semaphore_mem>> -> memref<1x1x!tpu.dma_semaphore, #tpu.memory_space<semaphore_mem>>
    %dma_start3A_414 = tpu.memref_squeeze %dma_start3A_413 : memref<1x1x!tpu.dma_semaphore, #tpu.memory_space<semaphore_mem>> -> memref<!tpu.dma_semaphore, #tpu.memory_space<semaphore_mem>>
    %dma_start3A_415 = arith.constant 0 : i32
    %dma_start3A_416 = tpu.memref_slice %arg10[%dma_start3A_408, %dma_start3A_409, %dma_start3A_410, %dma_start3A_415] : memref<2x4x8x10000xf32, #tpu.memory_space<vmem>> -> memref<1x1x1x10000xf32, #tpu.memory_space<vmem>>
    %dma_start3A_417 = tpu.memref_squeeze %dma_start3A_416 : memref<1x1x1x10000xf32, #tpu.memory_space<vmem>> -> memref<10000xf32, #tpu.memory_space<vmem>>
    %dma_start3A_418 = arith.constant 0 : i32
    %dma_start3A_419 = tpu.memref_slice %arg8[%get3A_407, %dma_start3A_418] : memref<256x10000xf32, #tpu.memory_space<any>> -> memref<1x10000xf32, #tpu.memory_space<any>>
    %dma_start3A_420 = tpu.memref_squeeze %dma_start3A_419 : memref<1x10000xf32, #tpu.memory_space<any>> -> memref<10000xf32, #tpu.memory_space<any>>
    tpu.enqueue_dma source(%dma_start3A_420 : memref<10000xf32, #tpu.memory_space<any>>) target(%dma_start3A_417 : memref<10000xf32, #tpu.memory_space<vmem>>) target_semaphore(%dma_start3A_414 : memref<!tpu.dma_semaphore, #tpu.memory_space<semaphore_mem>>)
    %get3A_421 = arith.constant 4 : index
    %get3A_422 = memref.load %arg4[%get3A_421] : memref<512xi32, #tpu.memory_space<smem>>
    %dma_start3A_423 = arith.constant 0 : i32
    %dma_start3A_424 = arith.constant 3 : i32
    %dma_start3A_425 = arith.constant 4 : i32
    %dma_start3A_426 = arith.constant 0 : i32
    %dma_start3A_427 = arith.constant 3 : i32
    %dma_start3A_428 = tpu.memref_slice %arg11[%dma_start3A_426, %dma_start3A_427] : memref<2x4x!tpu.dma_semaphore, #tpu.memory_space<semaphore_mem>> -> memref<1x1x!tpu.dma_semaphore, #tpu.memory_space<semaphore_mem>>
    %dma_start3A_429 = tpu.memref_squeeze %dma_start3A_428 : memref<1x1x!tpu.dma_semaphore, #tpu.memory_space<semaphore_mem>> -> memref<!tpu.dma_semaphore, #tpu.memory_space<semaphore_mem>>
    %dma_start3A_430 = arith.constant 0 : i32
    %dma_start3A_431 = tpu.memref_slice %arg10[%dma_start3A_423, %dma_start3A_424, %dma_start3A_425, %dma_start3A_430] : memref<2x4x8x10000xf32, #tpu.memory_space<vmem>> -> memref<1x1x1x10000xf32, #tpu.memory_space<vmem>>
    %dma_start3A_432 = tpu.memref_squeeze %dma_start3A_431 : memref<1x1x1x10000xf32, #tpu.memory_space<vmem>> -> memref<10000xf32, #tpu.memory_space<vmem>>
    %dma_start3A_433 = arith.constant 0 : i32
    %dma_start3A_434 = tpu.memref_slice %arg8[%get3A_422, %dma_start3A_433] : memref<256x10000xf32, #tpu.memory_space<any>> -> memref<1x10000xf32, #tpu.memory_space<any>>
    %dma_start3A_435 = tpu.memref_squeeze %dma_start3A_434 : memref<1x10000xf32, #tpu.memory_space<any>> -> memref<10000xf32, #tpu.memory_space<any>>
    tpu.enqueue_dma source(%dma_start3A_435 : memref<10000xf32, #tpu.memory_space<any>>) target(%dma_start3A_432 : memref<10000xf32, #tpu.memory_space<vmem>>) target_semaphore(%dma_start3A_429 : memref<!tpu.dma_semaphore, #tpu.memory_space<semaphore_mem>>)
    %get3A_436 = arith.constant 5 : index
    %get3A_437 = memref.load %arg4[%get3A_436] : memref<512xi32, #tpu.memory_space<smem>>
    %dma_start3A_438 = arith.constant 0 : i32
    %dma_start3A_439 = arith.constant 3 : i32
    %dma_start3A_440 = arith.constant 5 : i32
    %dma_start3A_441 = arith.constant 0 : i32
    %dma_start3A_442 = arith.constant 3 : i32
    %dma_start3A_443 = tpu.memref_slice %arg11[%dma_start3A_441, %dma_start3A_442] : memref<2x4x!tpu.dma_semaphore, #tpu.memory_space<semaphore_mem>> -> memref<1x1x!tpu.dma_semaphore, #tpu.memory_space<semaphore_mem>>
    %dma_start3A_444 = tpu.memref_squeeze %dma_start3A_443 : memref<1x1x!tpu.dma_semaphore, #tpu.memory_space<semaphore_mem>> -> memref<!tpu.dma_semaphore, #tpu.memory_space<semaphore_mem>>
    %dma_start3A_445 = arith.constant 0 : i32
    %dma_start3A_446 = tpu.memref_slice %arg10[%dma_start3A_438, %dma_start3A_439, %dma_start3A_440, %dma_start3A_445] : memref<2x4x8x10000xf32, #tpu.memory_space<vmem>> -> memref<1x1x1x10000xf32, #tpu.memory_space<vmem>>
    %dma_start3A_447 = tpu.memref_squeeze %dma_start3A_446 : memref<1x1x1x10000xf32, #tpu.memory_space<vmem>> -> memref<10000xf32, #tpu.memory_space<vmem>>
    %dma_start3A_448 = arith.constant 0 : i32
    %dma_start3A_449 = tpu.memref_slice %arg8[%get3A_437, %dma_start3A_448] : memref<256x10000xf32, #tpu.memory_space<any>> -> memref<1x10000xf32, #tpu.memory_space<any>>
    %dma_start3A_450 = tpu.memref_squeeze %dma_start3A_449 : memref<1x10000xf32, #tpu.memory_space<any>> -> memref<10000xf32, #tpu.memory_space<any>>
    tpu.enqueue_dma source(%dma_start3A_450 : memref<10000xf32, #tpu.memory_space<any>>) target(%dma_start3A_447 : memref<10000xf32, #tpu.memory_space<vmem>>) target_semaphore(%dma_start3A_444 : memref<!tpu.dma_semaphore, #tpu.memory_space<semaphore_mem>>)
    %get3A_451 = arith.constant 6 : index
    %get3A_452 = memref.load %arg4[%get3A_451] : memref<512xi32, #tpu.memory_space<smem>>
    %dma_start3A_453 = arith.constant 0 : i32
    %dma_start3A_454 = arith.constant 3 : i32
    %dma_start3A_455 = arith.constant 6 : i32
    %dma_start3A_456 = arith.constant 0 : i32
    %dma_start3A_457 = arith.constant 3 : i32
    %dma_start3A_458 = tpu.memref_slice %arg11[%dma_start3A_456, %dma_start3A_457] : memref<2x4x!tpu.dma_semaphore, #tpu.memory_space<semaphore_mem>> -> memref<1x1x!tpu.dma_semaphore, #tpu.memory_space<semaphore_mem>>
    %dma_start3A_459 = tpu.memref_squeeze %dma_start3A_458 : memref<1x1x!tpu.dma_semaphore, #tpu.memory_space<semaphore_mem>> -> memref<!tpu.dma_semaphore, #tpu.memory_space<semaphore_mem>>
    %dma_start3A_460 = arith.constant 0 : i32
    %dma_start3A_461 = tpu.memref_slice %arg10[%dma_start3A_453, %dma_start3A_454, %dma_start3A_455, %dma_start3A_460] : memref<2x4x8x10000xf32, #tpu.memory_space<vmem>> -> memref<1x1x1x10000xf32, #tpu.memory_space<vmem>>
    %dma_start3A_462 = tpu.memref_squeeze %dma_start3A_461 : memref<1x1x1x10000xf32, #tpu.memory_space<vmem>> -> memref<10000xf32, #tpu.memory_space<vmem>>
    %dma_start3A_463 = arith.constant 0 : i32
    %dma_start3A_464 = tpu.memref_slice %arg8[%get3A_452, %dma_start3A_463] : memref<256x10000xf32, #tpu.memory_space<any>> -> memref<1x10000xf32, #tpu.memory_space<any>>
    %dma_start3A_465 = tpu.memref_squeeze %dma_start3A_464 : memref<1x10000xf32, #tpu.memory_space<any>> -> memref<10000xf32, #tpu.memory_space<any>>
    tpu.enqueue_dma source(%dma_start3A_465 : memref<10000xf32, #tpu.memory_space<any>>) target(%dma_start3A_462 : memref<10000xf32, #tpu.memory_space<vmem>>) target_semaphore(%dma_start3A_459 : memref<!tpu.dma_semaphore, #tpu.memory_space<semaphore_mem>>)
    %get3A_466 = arith.constant 7 : index
    %get3A_467 = memref.load %arg4[%get3A_466] : memref<512xi32, #tpu.memory_space<smem>>
    %dma_start3A_468 = arith.constant 0 : i32
    %dma_start3A_469 = arith.constant 3 : i32
    %dma_start3A_470 = arith.constant 7 : i32
    %dma_start3A_471 = arith.constant 0 : i32
    %dma_start3A_472 = arith.constant 3 : i32
    %dma_start3A_473 = tpu.memref_slice %arg11[%dma_start3A_471, %dma_start3A_472] : memref<2x4x!tpu.dma_semaphore, #tpu.memory_space<semaphore_mem>> -> memref<1x1x!tpu.dma_semaphore, #tpu.memory_space<semaphore_mem>>
    %dma_start3A_474 = tpu.memref_squeeze %dma_start3A_473 : memref<1x1x!tpu.dma_semaphore, #tpu.memory_space<semaphore_mem>> -> memref<!tpu.dma_semaphore, #tpu.memory_space<semaphore_mem>>
    %dma_start3A_475 = arith.constant 0 : i32
    %dma_start3A_476 = tpu.memref_slice %arg10[%dma_start3A_468, %dma_start3A_469, %dma_start3A_470, %dma_start3A_475] : memref<2x4x8x10000xf32, #tpu.memory_space<vmem>> -> memref<1x1x1x10000xf32, #tpu.memory_space<vmem>>
    %dma_start3A_477 = tpu.memref_squeeze %dma_start3A_476 : memref<1x1x1x10000xf32, #tpu.memory_space<vmem>> -> memref<10000xf32, #tpu.memory_space<vmem>>
    %dma_start3A_478 = arith.constant 0 : i32
    %dma_start3A_479 = tpu.memref_slice %arg8[%get3A_467, %dma_start3A_478] : memref<256x10000xf32, #tpu.memory_space<any>> -> memref<1x10000xf32, #tpu.memory_space<any>>
    %dma_start3A_480 = tpu.memref_squeeze %dma_start3A_479 : memref<1x10000xf32, #tpu.memory_space<any>> -> memref<10000xf32, #tpu.memory_space<any>>
    tpu.enqueue_dma source(%dma_start3A_480 : memref<10000xf32, #tpu.memory_space<any>>) target(%dma_start3A_477 : memref<10000xf32, #tpu.memory_space<vmem>>) target_semaphore(%dma_start3A_474 : memref<!tpu.dma_semaphore, #tpu.memory_space<semaphore_mem>>)
    %scan3A = arith.constant 0 : i32
    %scan3A_481 = arith.constant 32 : i32
    %scan3A_482 = arith.addi %scan3A, %scan3A_481 : i32
    %scan3A_483 = arith.constant 1 : i32
    scf.for %scan3A_485 = %scan3A to %scan3A_482 step %scan3A_483  : i32 {
      %mul3A = arith.constant 2 : i32
      %mul3A_486 = arith.muli %mul3A, %scan3A_485 : i32
      %add3A = arith.constant 1 : i32
      %add3A_487 = arith.addi %mul3A_486, %add3A : i32
      %mul3A_488 = arith.constant 8 : i32
      %mul3A_489 = arith.muli %add3A_487, %mul3A_488 : i32
      %add3A_490 = arith.constant 0 : i32
      %add3A_491 = arith.addi %mul3A_489, %add3A_490 : i32
      %get3A_492 = arith.index_cast %add3A_491 : i32 to index
      %get3A_493 = memref.load %arg1[%get3A_492] : memref<512xi32, #tpu.memory_space<smem>>
      %dma_start3A_494 = arith.constant 1 : i32
      %dma_start3A_495 = arith.constant 0 : i32
      %dma_start3A_496 = arith.constant 0 : i32
      %dma_start3A_497 = arith.constant 1 : i32
      %dma_start3A_498 = arith.constant 0 : i32
      %dma_start3A_499 = tpu.memref_slice %arg11[%dma_start3A_497, %dma_start3A_498] : memref<2x4x!tpu.dma_semaphore, #tpu.memory_space<semaphore_mem>> -> memref<1x1x!tpu.dma_semaphore, #tpu.memory_space<semaphore_mem>>
      %dma_start3A_500 = tpu.memref_squeeze %dma_start3A_499 : memref<1x1x!tpu.dma_semaphore, #tpu.memory_space<semaphore_mem>> -> memref<!tpu.dma_semaphore, #tpu.memory_space<semaphore_mem>>
      %dma_start3A_501 = arith.constant 0 : i32
      %dma_start3A_502 = tpu.memref_slice %arg10[%dma_start3A_494, %dma_start3A_495, %dma_start3A_496, %dma_start3A_501] : memref<2x4x8x10000xf32, #tpu.memory_space<vmem>> -> memref<1x1x1x10000xf32, #tpu.memory_space<vmem>>
      %dma_start3A_503 = tpu.memref_squeeze %dma_start3A_502 : memref<1x1x1x10000xf32, #tpu.memory_space<vmem>> -> memref<10000xf32, #tpu.memory_space<vmem>>
      %dma_start3A_504 = arith.constant 0 : i32
      %dma_start3A_505 = tpu.memref_slice %arg5[%get3A_493, %dma_start3A_504] : memref<4096x10000xf32, #tpu.memory_space<any>> -> memref<1x10000xf32, #tpu.memory_space<any>>
      %dma_start3A_506 = tpu.memref_squeeze %dma_start3A_505 : memref<1x10000xf32, #tpu.memory_space<any>> -> memref<10000xf32, #tpu.memory_space<any>>
      tpu.enqueue_dma source(%dma_start3A_506 : memref<10000xf32, #tpu.memory_space<any>>) target(%dma_start3A_503 : memref<10000xf32, #tpu.memory_space<vmem>>) target_semaphore(%dma_start3A_500 : memref<!tpu.dma_semaphore, #tpu.memory_space<semaphore_mem>>)
      %mul3A_507 = arith.constant 8 : i32
      %mul3A_508 = arith.muli %add3A_487, %mul3A_507 : i32
      %add3A_509 = arith.constant 1 : i32
      %add3A_510 = arith.addi %mul3A_508, %add3A_509 : i32
      %get3A_511 = arith.index_cast %add3A_510 : i32 to index
      %get3A_512 = memref.load %arg1[%get3A_511] : memref<512xi32, #tpu.memory_space<smem>>
      %dma_start3A_513 = arith.constant 1 : i32
      %dma_start3A_514 = arith.constant 0 : i32
      %dma_start3A_515 = arith.constant 1 : i32
      %dma_start3A_516 = arith.constant 1 : i32
      %dma_start3A_517 = arith.constant 0 : i32
      %dma_start3A_518 = tpu.memref_slice %arg11[%dma_start3A_516, %dma_start3A_517] : memref<2x4x!tpu.dma_semaphore, #tpu.memory_space<semaphore_mem>> -> memref<1x1x!tpu.dma_semaphore, #tpu.memory_space<semaphore_mem>>
      %dma_start3A_519 = tpu.memref_squeeze %dma_start3A_518 : memref<1x1x!tpu.dma_semaphore, #tpu.memory_space<semaphore_mem>> -> memref<!tpu.dma_semaphore, #tpu.memory_space<semaphore_mem>>
      %dma_start3A_520 = arith.constant 0 : i32
      %dma_start3A_521 = tpu.memref_slice %arg10[%dma_start3A_513, %dma_start3A_514, %dma_start3A_515, %dma_start3A_520] : memref<2x4x8x10000xf32, #tpu.memory_space<vmem>> -> memref<1x1x1x10000xf32, #tpu.memory_space<vmem>>
      %dma_start3A_522 = tpu.memref_squeeze %dma_start3A_521 : memref<1x1x1x10000xf32, #tpu.memory_space<vmem>> -> memref<10000xf32, #tpu.memory_space<vmem>>
      %dma_start3A_523 = arith.constant 0 : i32
      %dma_start3A_524 = tpu.memref_slice %arg5[%get3A_512, %dma_start3A_523] : memref<4096x10000xf32, #tpu.memory_space<any>> -> memref<1x10000xf32, #tpu.memory_space<any>>
      %dma_start3A_525 = tpu.memref_squeeze %dma_start3A_524 : memref<1x10000xf32, #tpu.memory_space<any>> -> memref<10000xf32, #tpu.memory_space<any>>
      tpu.enqueue_dma source(%dma_start3A_525 : memref<10000xf32, #tpu.memory_space<any>>) target(%dma_start3A_522 : memref<10000xf32, #tpu.memory_space<vmem>>) target_semaphore(%dma_start3A_519 : memref<!tpu.dma_semaphore, #tpu.memory_space<semaphore_mem>>)
      %mul3A_526 = arith.constant 8 : i32
      %mul3A_527 = arith.muli %add3A_487, %mul3A_526 : i32
      %add3A_528 = arith.constant 2 : i32
      %add3A_529 = arith.addi %mul3A_527, %add3A_528 : i32
      %get3A_530 = arith.index_cast %add3A_529 : i32 to index
      %get3A_531 = memref.load %arg1[%get3A_530] : memref<512xi32, #tpu.memory_space<smem>>
      %dma_start3A_532 = arith.constant 1 : i32
      %dma_start3A_533 = arith.constant 0 : i32
      %dma_start3A_534 = arith.constant 2 : i32
      %dma_start3A_535 = arith.constant 1 : i32
      %dma_start3A_536 = arith.constant 0 : i32
      %dma_start3A_537 = tpu.memref_slice %arg11[%dma_start3A_535, %dma_start3A_536] : memref<2x4x!tpu.dma_semaphore, #tpu.memory_space<semaphore_mem>> -> memref<1x1x!tpu.dma_semaphore, #tpu.memory_space<semaphore_mem>>
      %dma_start3A_538 = tpu.memref_squeeze %dma_start3A_537 : memref<1x1x!tpu.dma_semaphore, #tpu.memory_space<semaphore_mem>> -> memref<!tpu.dma_semaphore, #tpu.memory_space<semaphore_mem>>
      %dma_start3A_539 = arith.constant 0 : i32
      %dma_start3A_540 = tpu.memref_slice %arg10[%dma_start3A_532, %dma_start3A_533, %dma_start3A_534, %dma_start3A_539] : memref<2x4x8x10000xf32, #tpu.memory_space<vmem>> -> memref<1x1x1x10000xf32, #tpu.memory_space<vmem>>
      %dma_start3A_541 = tpu.memref_squeeze %dma_start3A_540 : memref<1x1x1x10000xf32, #tpu.memory_space<vmem>> -> memref<10000xf32, #tpu.memory_space<vmem>>
      %dma_start3A_542 = arith.constant 0 : i32
      %dma_start3A_543 = tpu.memref_slice %arg5[%get3A_531, %dma_start3A_542] : memref<4096x10000xf32, #tpu.memory_space<any>> -> memref<1x10000xf32, #tpu.memory_space<any>>
      %dma_start3A_544 = tpu.memref_squeeze %dma_start3A_543 : memref<1x10000xf32, #tpu.memory_space<any>> -> memref<10000xf32, #tpu.memory_space<any>>
      tpu.enqueue_dma source(%dma_start3A_544 : memref<10000xf32, #tpu.memory_space<any>>) target(%dma_start3A_541 : memref<10000xf32, #tpu.memory_space<vmem>>) target_semaphore(%dma_start3A_538 : memref<!tpu.dma_semaphore, #tpu.memory_space<semaphore_mem>>)
      %mul3A_545 = arith.constant 8 : i32
      %mul3A_546 = arith.muli %add3A_487, %mul3A_545 : i32
      %add3A_547 = arith.constant 3 : i32
      %add3A_548 = arith.addi %mul3A_546, %add3A_547 : i32
      %get3A_549 = arith.index_cast %add3A_548 : i32 to index
      %get3A_550 = memref.load %arg1[%get3A_549] : memref<512xi32, #tpu.memory_space<smem>>
      %dma_start3A_551 = arith.constant 1 : i32
      %dma_start3A_552 = arith.constant 0 : i32
      %dma_start3A_553 = arith.constant 3 : i32
      %dma_start3A_554 = arith.constant 1 : i32
      %dma_start3A_555 = arith.constant 0 : i32
      %dma_start3A_556 = tpu.memref_slice %arg11[%dma_start3A_554, %dma_start3A_555] : memref<2x4x!tpu.dma_semaphore, #tpu.memory_space<semaphore_mem>> -> memref<1x1x!tpu.dma_semaphore, #tpu.memory_space<semaphore_mem>>
      %dma_start3A_557 = tpu.memref_squeeze %dma_start3A_556 : memref<1x1x!tpu.dma_semaphore, #tpu.memory_space<semaphore_mem>> -> memref<!tpu.dma_semaphore, #tpu.memory_space<semaphore_mem>>
      %dma_start3A_558 = arith.constant 0 : i32
      %dma_start3A_559 = tpu.memref_slice %arg10[%dma_start3A_551, %dma_start3A_552, %dma_start3A_553, %dma_start3A_558] : memref<2x4x8x10000xf32, #tpu.memory_space<vmem>> -> memref<1x1x1x10000xf32, #tpu.memory_space<vmem>>
      %dma_start3A_560 = tpu.memref_squeeze %dma_start3A_559 : memref<1x1x1x10000xf32, #tpu.memory_space<vmem>> -> memref<10000xf32, #tpu.memory_space<vmem>>
      %dma_start3A_561 = arith.constant 0 : i32
      %dma_start3A_562 = tpu.memref_slice %arg5[%get3A_550, %dma_start3A_561] : memref<4096x10000xf32, #tpu.memory_space<any>> -> memref<1x10000xf32, #tpu.memory_space<any>>
      %dma_start3A_563 = tpu.memref_squeeze %dma_start3A_562 : memref<1x10000xf32, #tpu.memory_space<any>> -> memref<10000xf32, #tpu.memory_space<any>>
      tpu.enqueue_dma source(%dma_start3A_563 : memref<10000xf32, #tpu.memory_space<any>>) target(%dma_start3A_560 : memref<10000xf32, #tpu.memory_space<vmem>>) target_semaphore(%dma_start3A_557 : memref<!tpu.dma_semaphore, #tpu.memory_space<semaphore_mem>>)
      %mul3A_564 = arith.constant 8 : i32
      %mul3A_565 = arith.muli %add3A_487, %mul3A_564 : i32
      %add3A_566 = arith.constant 4 : i32
      %add3A_567 = arith.addi %mul3A_565, %add3A_566 : i32
      %get3A_568 = arith.index_cast %add3A_567 : i32 to index
      %get3A_569 = memref.load %arg1[%get3A_568] : memref<512xi32, #tpu.memory_space<smem>>
      %dma_start3A_570 = arith.constant 1 : i32
      %dma_start3A_571 = arith.constant 0 : i32
      %dma_start3A_572 = arith.constant 4 : i32
      %dma_start3A_573 = arith.constant 1 : i32
      %dma_start3A_574 = arith.constant 0 : i32
      %dma_start3A_575 = tpu.memref_slice %arg11[%dma_start3A_573, %dma_start3A_574] : memref<2x4x!tpu.dma_semaphore, #tpu.memory_space<semaphore_mem>> -> memref<1x1x!tpu.dma_semaphore, #tpu.memory_space<semaphore_mem>>
      %dma_start3A_576 = tpu.memref_squeeze %dma_start3A_575 : memref<1x1x!tpu.dma_semaphore, #tpu.memory_space<semaphore_mem>> -> memref<!tpu.dma_semaphore, #tpu.memory_space<semaphore_mem>>
      %dma_start3A_577 = arith.constant 0 : i32
      %dma_start3A_578 = tpu.memref_slice %arg10[%dma_start3A_570, %dma_start3A_571, %dma_start3A_572, %dma_start3A_577] : memref<2x4x8x10000xf32, #tpu.memory_space<vmem>> -> memref<1x1x1x10000xf32, #tpu.memory_space<vmem>>
      %dma_start3A_579 = tpu.memref_squeeze %dma_start3A_578 : memref<1x1x1x10000xf32, #tpu.memory_space<vmem>> -> memref<10000xf32, #tpu.memory_space<vmem>>
      %dma_start3A_580 = arith.constant 0 : i32
      %dma_start3A_581 = tpu.memref_slice %arg5[%get3A_569, %dma_start3A_580] : memref<4096x10000xf32, #tpu.memory_space<any>> -> memref<1x10000xf32, #tpu.memory_space<any>>
      %dma_start3A_582 = tpu.memref_squeeze %dma_start3A_581 : memref<1x10000xf32, #tpu.memory_space<any>> -> memref<10000xf32, #tpu.memory_space<any>>
      tpu.enqueue_dma source(%dma_start3A_582 : memref<10000xf32, #tpu.memory_space<any>>) target(%dma_start3A_579 : memref<10000xf32, #tpu.memory_space<vmem>>) target_semaphore(%dma_start3A_576 : memref<!tpu.dma_semaphore, #tpu.memory_space<semaphore_mem>>)
      %mul3A_583 = arith.constant 8 : i32
      %mul3A_584 = arith.muli %add3A_487, %mul3A_583 : i32
      %add3A_585 = arith.constant 5 : i32
      %add3A_586 = arith.addi %mul3A_584, %add3A_585 : i32
      %get3A_587 = arith.index_cast %add3A_586 : i32 to index
      %get3A_588 = memref.load %arg1[%get3A_587] : memref<512xi32, #tpu.memory_space<smem>>
      %dma_start3A_589 = arith.constant 1 : i32
      %dma_start3A_590 = arith.constant 0 : i32
      %dma_start3A_591 = arith.constant 5 : i32
      %dma_start3A_592 = arith.constant 1 : i32
      %dma_start3A_593 = arith.constant 0 : i32
      %dma_start3A_594 = tpu.memref_slice %arg11[%dma_start3A_592, %dma_start3A_593] : memref<2x4x!tpu.dma_semaphore, #tpu.memory_space<semaphore_mem>> -> memref<1x1x!tpu.dma_semaphore, #tpu.memory_space<semaphore_mem>>
      %dma_start3A_595 = tpu.memref_squeeze %dma_start3A_594 : memref<1x1x!tpu.dma_semaphore, #tpu.memory_space<semaphore_mem>> -> memref<!tpu.dma_semaphore, #tpu.memory_space<semaphore_mem>>
      %dma_start3A_596 = arith.constant 0 : i32
      %dma_start3A_597 = tpu.memref_slice %arg10[%dma_start3A_589, %dma_start3A_590, %dma_start3A_591, %dma_start3A_596] : memref<2x4x8x10000xf32, #tpu.memory_space<vmem>> -> memref<1x1x1x10000xf32, #tpu.memory_space<vmem>>
      %dma_start3A_598 = tpu.memref_squeeze %dma_start3A_597 : memref<1x1x1x10000xf32, #tpu.memory_space<vmem>> -> memref<10000xf32, #tpu.memory_space<vmem>>
      %dma_start3A_599 = arith.constant 0 : i32
      %dma_start3A_600 = tpu.memref_slice %arg5[%get3A_588, %dma_start3A_599] : memref<4096x10000xf32, #tpu.memory_space<any>> -> memref<1x10000xf32, #tpu.memory_space<any>>
      %dma_start3A_601 = tpu.memref_squeeze %dma_start3A_600 : memref<1x10000xf32, #tpu.memory_space<any>> -> memref<10000xf32, #tpu.memory_space<any>>
      tpu.enqueue_dma source(%dma_start3A_601 : memref<10000xf32, #tpu.memory_space<any>>) target(%dma_start3A_598 : memref<10000xf32, #tpu.memory_space<vmem>>) target_semaphore(%dma_start3A_595 : memref<!tpu.dma_semaphore, #tpu.memory_space<semaphore_mem>>)
      %mul3A_602 = arith.constant 8 : i32
      %mul3A_603 = arith.muli %add3A_487, %mul3A_602 : i32
      %add3A_604 = arith.constant 6 : i32
      %add3A_605 = arith.addi %mul3A_603, %add3A_604 : i32
      %get3A_606 = arith.index_cast %add3A_605 : i32 to index
      %get3A_607 = memref.load %arg1[%get3A_606] : memref<512xi32, #tpu.memory_space<smem>>
      %dma_start3A_608 = arith.constant 1 : i32
      %dma_start3A_609 = arith.constant 0 : i32
      %dma_start3A_610 = arith.constant 6 : i32
      %dma_start3A_611 = arith.constant 1 : i32
      %dma_start3A_612 = arith.constant 0 : i32
      %dma_start3A_613 = tpu.memref_slice %arg11[%dma_start3A_611, %dma_start3A_612] : memref<2x4x!tpu.dma_semaphore, #tpu.memory_space<semaphore_mem>> -> memref<1x1x!tpu.dma_semaphore, #tpu.memory_space<semaphore_mem>>
      %dma_start3A_614 = tpu.memref_squeeze %dma_start3A_613 : memref<1x1x!tpu.dma_semaphore, #tpu.memory_space<semaphore_mem>> -> memref<!tpu.dma_semaphore, #tpu.memory_space<semaphore_mem>>
      %dma_start3A_615 = arith.constant 0 : i32
      %dma_start3A_616 = tpu.memref_slice %arg10[%dma_start3A_608, %dma_start3A_609, %dma_start3A_610, %dma_start3A_615] : memref<2x4x8x10000xf32, #tpu.memory_space<vmem>> -> memref<1x1x1x10000xf32, #tpu.memory_space<vmem>>
      %dma_start3A_617 = tpu.memref_squeeze %dma_start3A_616 : memref<1x1x1x10000xf32, #tpu.memory_space<vmem>> -> memref<10000xf32, #tpu.memory_space<vmem>>
      %dma_start3A_618 = arith.constant 0 : i32
      %dma_start3A_619 = tpu.memref_slice %arg5[%get3A_607, %dma_start3A_618] : memref<4096x10000xf32, #tpu.memory_space<any>> -> memref<1x10000xf32, #tpu.memory_space<any>>
      %dma_start3A_620 = tpu.memref_squeeze %dma_start3A_619 : memref<1x10000xf32, #tpu.memory_space<any>> -> memref<10000xf32, #tpu.memory_space<any>>
      tpu.enqueue_dma source(%dma_start3A_620 : memref<10000xf32, #tpu.memory_space<any>>) target(%dma_start3A_617 : memref<10000xf32, #tpu.memory_space<vmem>>) target_semaphore(%dma_start3A_614 : memref<!tpu.dma_semaphore, #tpu.memory_space<semaphore_mem>>)
      %mul3A_621 = arith.constant 8 : i32
      %mul3A_622 = arith.muli %add3A_487, %mul3A_621 : i32
      %add3A_623 = arith.constant 7 : i32
      %add3A_624 = arith.addi %mul3A_622, %add3A_623 : i32
      %get3A_625 = arith.index_cast %add3A_624 : i32 to index
      %get3A_626 = memref.load %arg1[%get3A_625] : memref<512xi32, #tpu.memory_space<smem>>
      %dma_start3A_627 = arith.constant 1 : i32
      %dma_start3A_628 = arith.constant 0 : i32
      %dma_start3A_629 = arith.constant 7 : i32
      %dma_start3A_630 = arith.constant 1 : i32
      %dma_start3A_631 = arith.constant 0 : i32
      %dma_start3A_632 = tpu.memref_slice %arg11[%dma_start3A_630, %dma_start3A_631] : memref<2x4x!tpu.dma_semaphore, #tpu.memory_space<semaphore_mem>> -> memref<1x1x!tpu.dma_semaphore, #tpu.memory_space<semaphore_mem>>
      %dma_start3A_633 = tpu.memref_squeeze %dma_start3A_632 : memref<1x1x!tpu.dma_semaphore, #tpu.memory_space<semaphore_mem>> -> memref<!tpu.dma_semaphore, #tpu.memory_space<semaphore_mem>>
      %dma_start3A_634 = arith.constant 0 : i32
      %dma_start3A_635 = tpu.memref_slice %arg10[%dma_start3A_627, %dma_start3A_628, %dma_start3A_629, %dma_start3A_634] : memref<2x4x8x10000xf32, #tpu.memory_space<vmem>> -> memref<1x1x1x10000xf32, #tpu.memory_space<vmem>>
      %dma_start3A_636 = tpu.memref_squeeze %dma_start3A_635 : memref<1x1x1x10000xf32, #tpu.memory_space<vmem>> -> memref<10000xf32, #tpu.memory_space<vmem>>
      %dma_start3A_637 = arith.constant 0 : i32
      %dma_start3A_638 = tpu.memref_slice %arg5[%get3A_626, %dma_start3A_637] : memref<4096x10000xf32, #tpu.memory_space<any>> -> memref<1x10000xf32, #tpu.memory_space<any>>
      %dma_start3A_639 = tpu.memref_squeeze %dma_start3A_638 : memref<1x10000xf32, #tpu.memory_space<any>> -> memref<10000xf32, #tpu.memory_space<any>>
      tpu.enqueue_dma source(%dma_start3A_639 : memref<10000xf32, #tpu.memory_space<any>>) target(%dma_start3A_636 : memref<10000xf32, #tpu.memory_space<vmem>>) target_semaphore(%dma_start3A_633 : memref<!tpu.dma_semaphore, #tpu.memory_space<semaphore_mem>>)
      %mul3A_640 = arith.constant 8 : i32
      %mul3A_641 = arith.muli %add3A_487, %mul3A_640 : i32
      %add3A_642 = arith.constant 0 : i32
      %add3A_643 = arith.addi %mul3A_641, %add3A_642 : i32
      %get3A_644 = arith.index_cast %add3A_643 : i32 to index
      %get3A_645 = memref.load %arg2[%get3A_644] : memref<512xi32, #tpu.memory_space<smem>>
      %dma_start3A_646 = arith.constant 1 : i32
      %dma_start3A_647 = arith.constant 1 : i32
      %dma_start3A_648 = arith.constant 0 : i32
      %dma_start3A_649 = arith.constant 1 : i32
      %dma_start3A_650 = arith.constant 1 : i32
      %dma_start3A_651 = tpu.memref_slice %arg11[%dma_start3A_649, %dma_start3A_650] : memref<2x4x!tpu.dma_semaphore, #tpu.memory_space<semaphore_mem>> -> memref<1x1x!tpu.dma_semaphore, #tpu.memory_space<semaphore_mem>>
      %dma_start3A_652 = tpu.memref_squeeze %dma_start3A_651 : memref<1x1x!tpu.dma_semaphore, #tpu.memory_space<semaphore_mem>> -> memref<!tpu.dma_semaphore, #tpu.memory_space<semaphore_mem>>
      %dma_start3A_653 = arith.constant 0 : i32
      %dma_start3A_654 = tpu.memref_slice %arg10[%dma_start3A_646, %dma_start3A_647, %dma_start3A_648, %dma_start3A_653] : memref<2x4x8x10000xf32, #tpu.memory_space<vmem>> -> memref<1x1x1x10000xf32, #tpu.memory_space<vmem>>
      %dma_start3A_655 = tpu.memref_squeeze %dma_start3A_654 : memref<1x1x1x10000xf32, #tpu.memory_space<vmem>> -> memref<10000xf32, #tpu.memory_space<vmem>>
      %dma_start3A_656 = arith.constant 0 : i32
      %dma_start3A_657 = tpu.memref_slice %arg6[%get3A_645, %dma_start3A_656] : memref<256x10000xf32, #tpu.memory_space<any>> -> memref<1x10000xf32, #tpu.memory_space<any>>
      %dma_start3A_658 = tpu.memref_squeeze %dma_start3A_657 : memref<1x10000xf32, #tpu.memory_space<any>> -> memref<10000xf32, #tpu.memory_space<any>>
      tpu.enqueue_dma source(%dma_start3A_658 : memref<10000xf32, #tpu.memory_space<any>>) target(%dma_start3A_655 : memref<10000xf32, #tpu.memory_space<vmem>>) target_semaphore(%dma_start3A_652 : memref<!tpu.dma_semaphore, #tpu.memory_space<semaphore_mem>>)
      %mul3A_659 = arith.constant 8 : i32
      %mul3A_660 = arith.muli %add3A_487, %mul3A_659 : i32
      %add3A_661 = arith.constant 1 : i32
      %add3A_662 = arith.addi %mul3A_660, %add3A_661 : i32
      %get3A_663 = arith.index_cast %add3A_662 : i32 to index
      %get3A_664 = memref.load %arg2[%get3A_663] : memref<512xi32, #tpu.memory_space<smem>>
      %dma_start3A_665 = arith.constant 1 : i32
      %dma_start3A_666 = arith.constant 1 : i32
      %dma_start3A_667 = arith.constant 1 : i32
      %dma_start3A_668 = arith.constant 1 : i32
      %dma_start3A_669 = arith.constant 1 : i32
      %dma_start3A_670 = tpu.memref_slice %arg11[%dma_start3A_668, %dma_start3A_669] : memref<2x4x!tpu.dma_semaphore, #tpu.memory_space<semaphore_mem>> -> memref<1x1x!tpu.dma_semaphore, #tpu.memory_space<semaphore_mem>>
      %dma_start3A_671 = tpu.memref_squeeze %dma_start3A_670 : memref<1x1x!tpu.dma_semaphore, #tpu.memory_space<semaphore_mem>> -> memref<!tpu.dma_semaphore, #tpu.memory_space<semaphore_mem>>
      %dma_start3A_672 = arith.constant 0 : i32
      %dma_start3A_673 = tpu.memref_slice %arg10[%dma_start3A_665, %dma_start3A_666, %dma_start3A_667, %dma_start3A_672] : memref<2x4x8x10000xf32, #tpu.memory_space<vmem>> -> memref<1x1x1x10000xf32, #tpu.memory_space<vmem>>
      %dma_start3A_674 = tpu.memref_squeeze %dma_start3A_673 : memref<1x1x1x10000xf32, #tpu.memory_space<vmem>> -> memref<10000xf32, #tpu.memory_space<vmem>>
      %dma_start3A_675 = arith.constant 0 : i32
      %dma_start3A_676 = tpu.memref_slice %arg6[%get3A_664, %dma_start3A_675] : memref<256x10000xf32, #tpu.memory_space<any>> -> memref<1x10000xf32, #tpu.memory_space<any>>
      %dma_start3A_677 = tpu.memref_squeeze %dma_start3A_676 : memref<1x10000xf32, #tpu.memory_space<any>> -> memref<10000xf32, #tpu.memory_space<any>>
      tpu.enqueue_dma source(%dma_start3A_677 : memref<10000xf32, #tpu.memory_space<any>>) target(%dma_start3A_674 : memref<10000xf32, #tpu.memory_space<vmem>>) target_semaphore(%dma_start3A_671 : memref<!tpu.dma_semaphore, #tpu.memory_space<semaphore_mem>>)
      %mul3A_678 = arith.constant 8 : i32
      %mul3A_679 = arith.muli %add3A_487, %mul3A_678 : i32
      %add3A_680 = arith.constant 2 : i32
      %add3A_681 = arith.addi %mul3A_679, %add3A_680 : i32
      %get3A_682 = arith.index_cast %add3A_681 : i32 to index
      %get3A_683 = memref.load %arg2[%get3A_682] : memref<512xi32, #tpu.memory_space<smem>>
      %dma_start3A_684 = arith.constant 1 : i32
      %dma_start3A_685 = arith.constant 1 : i32
      %dma_start3A_686 = arith.constant 2 : i32
      %dma_start3A_687 = arith.constant 1 : i32
      %dma_start3A_688 = arith.constant 1 : i32
      %dma_start3A_689 = tpu.memref_slice %arg11[%dma_start3A_687, %dma_start3A_688] : memref<2x4x!tpu.dma_semaphore, #tpu.memory_space<semaphore_mem>> -> memref<1x1x!tpu.dma_semaphore, #tpu.memory_space<semaphore_mem>>
      %dma_start3A_690 = tpu.memref_squeeze %dma_start3A_689 : memref<1x1x!tpu.dma_semaphore, #tpu.memory_space<semaphore_mem>> -> memref<!tpu.dma_semaphore, #tpu.memory_space<semaphore_mem>>
      %dma_start3A_691 = arith.constant 0 : i32
      %dma_start3A_692 = tpu.memref_slice %arg10[%dma_start3A_684, %dma_start3A_685, %dma_start3A_686, %dma_start3A_691] : memref<2x4x8x10000xf32, #tpu.memory_space<vmem>> -> memref<1x1x1x10000xf32, #tpu.memory_space<vmem>>
      %dma_start3A_693 = tpu.memref_squeeze %dma_start3A_692 : memref<1x1x1x10000xf32, #tpu.memory_space<vmem>> -> memref<10000xf32, #tpu.memory_space<vmem>>
      %dma_start3A_694 = arith.constant 0 : i32
      %dma_start3A_695 = tpu.memref_slice %arg6[%get3A_683, %dma_start3A_694] : memref<256x10000xf32, #tpu.memory_space<any>> -> memref<1x10000xf32, #tpu.memory_space<any>>
      %dma_start3A_696 = tpu.memref_squeeze %dma_start3A_695 : memref<1x10000xf32, #tpu.memory_space<any>> -> memref<10000xf32, #tpu.memory_space<any>>
      tpu.enqueue_dma source(%dma_start3A_696 : memref<10000xf32, #tpu.memory_space<any>>) target(%dma_start3A_693 : memref<10000xf32, #tpu.memory_space<vmem>>) target_semaphore(%dma_start3A_690 : memref<!tpu.dma_semaphore, #tpu.memory_space<semaphore_mem>>)
      %mul3A_697 = arith.constant 8 : i32
      %mul3A_698 = arith.muli %add3A_487, %mul3A_697 : i32
      %add3A_699 = arith.constant 3 : i32
      %add3A_700 = arith.addi %mul3A_698, %add3A_699 : i32
      %get3A_701 = arith.index_cast %add3A_700 : i32 to index
      %get3A_702 = memref.load %arg2[%get3A_701] : memref<512xi32, #tpu.memory_space<smem>>
      %dma_start3A_703 = arith.constant 1 : i32
      %dma_start3A_704 = arith.constant 1 : i32
      %dma_start3A_705 = arith.constant 3 : i32
      %dma_start3A_706 = arith.constant 1 : i32
      %dma_start3A_707 = arith.constant 1 : i32
      %dma_start3A_708 = tpu.memref_slice %arg11[%dma_start3A_706, %dma_start3A_707] : memref<2x4x!tpu.dma_semaphore, #tpu.memory_space<semaphore_mem>> -> memref<1x1x!tpu.dma_semaphore, #tpu.memory_space<semaphore_mem>>
      %dma_start3A_709 = tpu.memref_squeeze %dma_start3A_708 : memref<1x1x!tpu.dma_semaphore, #tpu.memory_space<semaphore_mem>> -> memref<!tpu.dma_semaphore, #tpu.memory_space<semaphore_mem>>
      %dma_start3A_710 = arith.constant 0 : i32
      %dma_start3A_711 = tpu.memref_slice %arg10[%dma_start3A_703, %dma_start3A_704, %dma_start3A_705, %dma_start3A_710] : memref<2x4x8x10000xf32, #tpu.memory_space<vmem>> -> memref<1x1x1x10000xf32, #tpu.memory_space<vmem>>
      %dma_start3A_712 = tpu.memref_squeeze %dma_start3A_711 : memref<1x1x1x10000xf32, #tpu.memory_space<vmem>> -> memref<10000xf32, #tpu.memory_space<vmem>>
      %dma_start3A_713 = arith.constant 0 : i32
      %dma_start3A_714 = tpu.memref_slice %arg6[%get3A_702, %dma_start3A_713] : memref<256x10000xf32, #tpu.memory_space<any>> -> memref<1x10000xf32, #tpu.memory_space<any>>
      %dma_start3A_715 = tpu.memref_squeeze %dma_start3A_714 : memref<1x10000xf32, #tpu.memory_space<any>> -> memref<10000xf32, #tpu.memory_space<any>>
      tpu.enqueue_dma source(%dma_start3A_715 : memref<10000xf32, #tpu.memory_space<any>>) target(%dma_start3A_712 : memref<10000xf32, #tpu.memory_space<vmem>>) target_semaphore(%dma_start3A_709 : memref<!tpu.dma_semaphore, #tpu.memory_space<semaphore_mem>>)
      %mul3A_716 = arith.constant 8 : i32
      %mul3A_717 = arith.muli %add3A_487, %mul3A_716 : i32
      %add3A_718 = arith.constant 4 : i32
      %add3A_719 = arith.addi %mul3A_717, %add3A_718 : i32
      %get3A_720 = arith.index_cast %add3A_719 : i32 to index
      %get3A_721 = memref.load %arg2[%get3A_720] : memref<512xi32, #tpu.memory_space<smem>>
      %dma_start3A_722 = arith.constant 1 : i32
      %dma_start3A_723 = arith.constant 1 : i32
      %dma_start3A_724 = arith.constant 4 : i32
      %dma_start3A_725 = arith.constant 1 : i32
      %dma_start3A_726 = arith.constant 1 : i32
      %dma_start3A_727 = tpu.memref_slice %arg11[%dma_start3A_725, %dma_start3A_726] : memref<2x4x!tpu.dma_semaphore, #tpu.memory_space<semaphore_mem>> -> memref<1x1x!tpu.dma_semaphore, #tpu.memory_space<semaphore_mem>>
      %dma_start3A_728 = tpu.memref_squeeze %dma_start3A_727 : memref<1x1x!tpu.dma_semaphore, #tpu.memory_space<semaphore_mem>> -> memref<!tpu.dma_semaphore, #tpu.memory_space<semaphore_mem>>
      %dma_start3A_729 = arith.constant 0 : i32
      %dma_start3A_730 = tpu.memref_slice %arg10[%dma_start3A_722, %dma_start3A_723, %dma_start3A_724, %dma_start3A_729] : memref<2x4x8x10000xf32, #tpu.memory_space<vmem>> -> memref<1x1x1x10000xf32, #tpu.memory_space<vmem>>
      %dma_start3A_731 = tpu.memref_squeeze %dma_start3A_730 : memref<1x1x1x10000xf32, #tpu.memory_space<vmem>> -> memref<10000xf32, #tpu.memory_space<vmem>>
      %dma_start3A_732 = arith.constant 0 : i32
      %dma_start3A_733 = tpu.memref_slice %arg6[%get3A_721, %dma_start3A_732] : memref<256x10000xf32, #tpu.memory_space<any>> -> memref<1x10000xf32, #tpu.memory_space<any>>
      %dma_start3A_734 = tpu.memref_squeeze %dma_start3A_733 : memref<1x10000xf32, #tpu.memory_space<any>> -> memref<10000xf32, #tpu.memory_space<any>>
      tpu.enqueue_dma source(%dma_start3A_734 : memref<10000xf32, #tpu.memory_space<any>>) target(%dma_start3A_731 : memref<10000xf32, #tpu.memory_space<vmem>>) target_semaphore(%dma_start3A_728 : memref<!tpu.dma_semaphore, #tpu.memory_space<semaphore_mem>>)
      %mul3A_735 = arith.constant 8 : i32
      %mul3A_736 = arith.muli %add3A_487, %mul3A_735 : i32
      %add3A_737 = arith.constant 5 : i32
      %add3A_738 = arith.addi %mul3A_736, %add3A_737 : i32
      %get3A_739 = arith.index_cast %add3A_738 : i32 to index
      %get3A_740 = memref.load %arg2[%get3A_739] : memref<512xi32, #tpu.memory_space<smem>>
      %dma_start3A_741 = arith.constant 1 : i32
      %dma_start3A_742 = arith.constant 1 : i32
      %dma_start3A_743 = arith.constant 5 : i32
      %dma_start3A_744 = arith.constant 1 : i32
      %dma_start3A_745 = arith.constant 1 : i32
      %dma_start3A_746 = tpu.memref_slice %arg11[%dma_start3A_744, %dma_start3A_745] : memref<2x4x!tpu.dma_semaphore, #tpu.memory_space<semaphore_mem>> -> memref<1x1x!tpu.dma_semaphore, #tpu.memory_space<semaphore_mem>>
      %dma_start3A_747 = tpu.memref_squeeze %dma_start3A_746 : memref<1x1x!tpu.dma_semaphore, #tpu.memory_space<semaphore_mem>> -> memref<!tpu.dma_semaphore, #tpu.memory_space<semaphore_mem>>
      %dma_start3A_748 = arith.constant 0 : i32
      %dma_start3A_749 = tpu.memref_slice %arg10[%dma_start3A_741, %dma_start3A_742, %dma_start3A_743, %dma_start3A_748] : memref<2x4x8x10000xf32, #tpu.memory_space<vmem>> -> memref<1x1x1x10000xf32, #tpu.memory_space<vmem>>
      %dma_start3A_750 = tpu.memref_squeeze %dma_start3A_749 : memref<1x1x1x10000xf32, #tpu.memory_space<vmem>> -> memref<10000xf32, #tpu.memory_space<vmem>>
      %dma_start3A_751 = arith.constant 0 : i32
      %dma_start3A_752 = tpu.memref_slice %arg6[%get3A_740, %dma_start3A_751] : memref<256x10000xf32, #tpu.memory_space<any>> -> memref<1x10000xf32, #tpu.memory_space<any>>
      %dma_start3A_753 = tpu.memref_squeeze %dma_start3A_752 : memref<1x10000xf32, #tpu.memory_space<any>> -> memref<10000xf32, #tpu.memory_space<any>>
      tpu.enqueue_dma source(%dma_start3A_753 : memref<10000xf32, #tpu.memory_space<any>>) target(%dma_start3A_750 : memref<10000xf32, #tpu.memory_space<vmem>>) target_semaphore(%dma_start3A_747 : memref<!tpu.dma_semaphore, #tpu.memory_space<semaphore_mem>>)
      %mul3A_754 = arith.constant 8 : i32
      %mul3A_755 = arith.muli %add3A_487, %mul3A_754 : i32
      %add3A_756 = arith.constant 6 : i32
      %add3A_757 = arith.addi %mul3A_755, %add3A_756 : i32
      %get3A_758 = arith.index_cast %add3A_757 : i32 to index
      %get3A_759 = memref.load %arg2[%get3A_758] : memref<512xi32, #tpu.memory_space<smem>>
      %dma_start3A_760 = arith.constant 1 : i32
      %dma_start3A_761 = arith.constant 1 : i32
      %dma_start3A_762 = arith.constant 6 : i32
      %dma_start3A_763 = arith.constant 1 : i32
      %dma_start3A_764 = arith.constant 1 : i32
      %dma_start3A_765 = tpu.memref_slice %arg11[%dma_start3A_763, %dma_start3A_764] : memref<2x4x!tpu.dma_semaphore, #tpu.memory_space<semaphore_mem>> -> memref<1x1x!tpu.dma_semaphore, #tpu.memory_space<semaphore_mem>>
      %dma_start3A_766 = tpu.memref_squeeze %dma_start3A_765 : memref<1x1x!tpu.dma_semaphore, #tpu.memory_space<semaphore_mem>> -> memref<!tpu.dma_semaphore, #tpu.memory_space<semaphore_mem>>
      %dma_start3A_767 = arith.constant 0 : i32
      %dma_start3A_768 = tpu.memref_slice %arg10[%dma_start3A_760, %dma_start3A_761, %dma_start3A_762, %dma_start3A_767] : memref<2x4x8x10000xf32, #tpu.memory_space<vmem>> -> memref<1x1x1x10000xf32, #tpu.memory_space<vmem>>
      %dma_start3A_769 = tpu.memref_squeeze %dma_start3A_768 : memref<1x1x1x10000xf32, #tpu.memory_space<vmem>> -> memref<10000xf32, #tpu.memory_space<vmem>>
      %dma_start3A_770 = arith.constant 0 : i32
      %dma_start3A_771 = tpu.memref_slice %arg6[%get3A_759, %dma_start3A_770] : memref<256x10000xf32, #tpu.memory_space<any>> -> memref<1x10000xf32, #tpu.memory_space<any>>
      %dma_start3A_772 = tpu.memref_squeeze %dma_start3A_771 : memref<1x10000xf32, #tpu.memory_space<any>> -> memref<10000xf32, #tpu.memory_space<any>>
      tpu.enqueue_dma source(%dma_start3A_772 : memref<10000xf32, #tpu.memory_space<any>>) target(%dma_start3A_769 : memref<10000xf32, #tpu.memory_space<vmem>>) target_semaphore(%dma_start3A_766 : memref<!tpu.dma_semaphore, #tpu.memory_space<semaphore_mem>>)
      %mul3A_773 = arith.constant 8 : i32
      %mul3A_774 = arith.muli %add3A_487, %mul3A_773 : i32
      %add3A_775 = arith.constant 7 : i32
      %add3A_776 = arith.addi %mul3A_774, %add3A_775 : i32
      %get3A_777 = arith.index_cast %add3A_776 : i32 to index
      %get3A_778 = memref.load %arg2[%get3A_777] : memref<512xi32, #tpu.memory_space<smem>>
      %dma_start3A_779 = arith.constant 1 : i32
      %dma_start3A_780 = arith.constant 1 : i32
      %dma_start3A_781 = arith.constant 7 : i32
      %dma_start3A_782 = arith.constant 1 : i32
      %dma_start3A_783 = arith.constant 1 : i32
      %dma_start3A_784 = tpu.memref_slice %arg11[%dma_start3A_782, %dma_start3A_783] : memref<2x4x!tpu.dma_semaphore, #tpu.memory_space<semaphore_mem>> -> memref<1x1x!tpu.dma_semaphore, #tpu.memory_space<semaphore_mem>>
      %dma_start3A_785 = tpu.memref_squeeze %dma_start3A_784 : memref<1x1x!tpu.dma_semaphore, #tpu.memory_space<semaphore_mem>> -> memref<!tpu.dma_semaphore, #tpu.memory_space<semaphore_mem>>
      %dma_start3A_786 = arith.constant 0 : i32
      %dma_start3A_787 = tpu.memref_slice %arg10[%dma_start3A_779, %dma_start3A_780, %dma_start3A_781, %dma_start3A_786] : memref<2x4x8x10000xf32, #tpu.memory_space<vmem>> -> memref<1x1x1x10000xf32, #tpu.memory_space<vmem>>
      %dma_start3A_788 = tpu.memref_squeeze %dma_start3A_787 : memref<1x1x1x10000xf32, #tpu.memory_space<vmem>> -> memref<10000xf32, #tpu.memory_space<vmem>>
      %dma_start3A_789 = arith.constant 0 : i32
      %dma_start3A_790 = tpu.memref_slice %arg6[%get3A_778, %dma_start3A_789] : memref<256x10000xf32, #tpu.memory_space<any>> -> memref<1x10000xf32, #tpu.memory_space<any>>
      %dma_start3A_791 = tpu.memref_squeeze %dma_start3A_790 : memref<1x10000xf32, #tpu.memory_space<any>> -> memref<10000xf32, #tpu.memory_space<any>>
      tpu.enqueue_dma source(%dma_start3A_791 : memref<10000xf32, #tpu.memory_space<any>>) target(%dma_start3A_788 : memref<10000xf32, #tpu.memory_space<vmem>>) target_semaphore(%dma_start3A_785 : memref<!tpu.dma_semaphore, #tpu.memory_space<semaphore_mem>>)
      %mul3A_792 = arith.constant 8 : i32
      %mul3A_793 = arith.muli %add3A_487, %mul3A_792 : i32
      %add3A_794 = arith.constant 0 : i32
      %add3A_795 = arith.addi %mul3A_793, %add3A_794 : i32
      %get3A_796 = arith.index_cast %add3A_795 : i32 to index
      %get3A_797 = memref.load %arg3[%get3A_796] : memref<512xi32, #tpu.memory_space<smem>>
      %dma_start3A_798 = arith.constant 1 : i32
      %dma_start3A_799 = arith.constant 2 : i32
      %dma_start3A_800 = arith.constant 0 : i32
      %dma_start3A_801 = arith.constant 1 : i32
      %dma_start3A_802 = arith.constant 2 : i32
      %dma_start3A_803 = tpu.memref_slice %arg11[%dma_start3A_801, %dma_start3A_802] : memref<2x4x!tpu.dma_semaphore, #tpu.memory_space<semaphore_mem>> -> memref<1x1x!tpu.dma_semaphore, #tpu.memory_space<semaphore_mem>>
      %dma_start3A_804 = tpu.memref_squeeze %dma_start3A_803 : memref<1x1x!tpu.dma_semaphore, #tpu.memory_space<semaphore_mem>> -> memref<!tpu.dma_semaphore, #tpu.memory_space<semaphore_mem>>
      %dma_start3A_805 = arith.constant 0 : i32
      %dma_start3A_806 = tpu.memref_slice %arg10[%dma_start3A_798, %dma_start3A_799, %dma_start3A_800, %dma_start3A_805] : memref<2x4x8x10000xf32, #tpu.memory_space<vmem>> -> memref<1x1x1x10000xf32, #tpu.memory_space<vmem>>
      %dma_start3A_807 = tpu.memref_squeeze %dma_start3A_806 : memref<1x1x1x10000xf32, #tpu.memory_space<vmem>> -> memref<10000xf32, #tpu.memory_space<vmem>>
      %dma_start3A_808 = arith.constant 0 : i32
      %dma_start3A_809 = tpu.memref_slice %arg7[%get3A_797, %dma_start3A_808] : memref<256x10000xf32, #tpu.memory_space<any>> -> memref<1x10000xf32, #tpu.memory_space<any>>
      %dma_start3A_810 = tpu.memref_squeeze %dma_start3A_809 : memref<1x10000xf32, #tpu.memory_space<any>> -> memref<10000xf32, #tpu.memory_space<any>>
      tpu.enqueue_dma source(%dma_start3A_810 : memref<10000xf32, #tpu.memory_space<any>>) target(%dma_start3A_807 : memref<10000xf32, #tpu.memory_space<vmem>>) target_semaphore(%dma_start3A_804 : memref<!tpu.dma_semaphore, #tpu.memory_space<semaphore_mem>>)
      %mul3A_811 = arith.constant 8 : i32
      %mul3A_812 = arith.muli %add3A_487, %mul3A_811 : i32
      %add3A_813 = arith.constant 1 : i32
      %add3A_814 = arith.addi %mul3A_812, %add3A_813 : i32
      %get3A_815 = arith.index_cast %add3A_814 : i32 to index
      %get3A_816 = memref.load %arg3[%get3A_815] : memref<512xi32, #tpu.memory_space<smem>>
      %dma_start3A_817 = arith.constant 1 : i32
      %dma_start3A_818 = arith.constant 2 : i32
      %dma_start3A_819 = arith.constant 1 : i32
      %dma_start3A_820 = arith.constant 1 : i32
      %dma_start3A_821 = arith.constant 2 : i32
      %dma_start3A_822 = tpu.memref_slice %arg11[%dma_start3A_820, %dma_start3A_821] : memref<2x4x!tpu.dma_semaphore, #tpu.memory_space<semaphore_mem>> -> memref<1x1x!tpu.dma_semaphore, #tpu.memory_space<semaphore_mem>>
      %dma_start3A_823 = tpu.memref_squeeze %dma_start3A_822 : memref<1x1x!tpu.dma_semaphore, #tpu.memory_space<semaphore_mem>> -> memref<!tpu.dma_semaphore, #tpu.memory_space<semaphore_mem>>
      %dma_start3A_824 = arith.constant 0 : i32
      %dma_start3A_825 = tpu.memref_slice %arg10[%dma_start3A_817, %dma_start3A_818, %dma_start3A_819, %dma_start3A_824] : memref<2x4x8x10000xf32, #tpu.memory_space<vmem>> -> memref<1x1x1x10000xf32, #tpu.memory_space<vmem>>
      %dma_start3A_826 = tpu.memref_squeeze %dma_start3A_825 : memref<1x1x1x10000xf32, #tpu.memory_space<vmem>> -> memref<10000xf32, #tpu.memory_space<vmem>>
      %dma_start3A_827 = arith.constant 0 : i32
      %dma_start3A_828 = tpu.memref_slice %arg7[%get3A_816, %dma_start3A_827] : memref<256x10000xf32, #tpu.memory_space<any>> -> memref<1x10000xf32, #tpu.memory_space<any>>
      %dma_start3A_829 = tpu.memref_squeeze %dma_start3A_828 : memref<1x10000xf32, #tpu.memory_space<any>> -> memref<10000xf32, #tpu.memory_space<any>>
      tpu.enqueue_dma source(%dma_start3A_829 : memref<10000xf32, #tpu.memory_space<any>>) target(%dma_start3A_826 : memref<10000xf32, #tpu.memory_space<vmem>>) target_semaphore(%dma_start3A_823 : memref<!tpu.dma_semaphore, #tpu.memory_space<semaphore_mem>>)
      %mul3A_830 = arith.constant 8 : i32
      %mul3A_831 = arith.muli %add3A_487, %mul3A_830 : i32
      %add3A_832 = arith.constant 2 : i32
      %add3A_833 = arith.addi %mul3A_831, %add3A_832 : i32
      %get3A_834 = arith.index_cast %add3A_833 : i32 to index
      %get3A_835 = memref.load %arg3[%get3A_834] : memref<512xi32, #tpu.memory_space<smem>>
      %dma_start3A_836 = arith.constant 1 : i32
      %dma_start3A_837 = arith.constant 2 : i32
      %dma_start3A_838 = arith.constant 2 : i32
      %dma_start3A_839 = arith.constant 1 : i32
      %dma_start3A_840 = arith.constant 2 : i32
      %dma_start3A_841 = tpu.memref_slice %arg11[%dma_start3A_839, %dma_start3A_840] : memref<2x4x!tpu.dma_semaphore, #tpu.memory_space<semaphore_mem>> -> memref<1x1x!tpu.dma_semaphore, #tpu.memory_space<semaphore_mem>>
      %dma_start3A_842 = tpu.memref_squeeze %dma_start3A_841 : memref<1x1x!tpu.dma_semaphore, #tpu.memory_space<semaphore_mem>> -> memref<!tpu.dma_semaphore, #tpu.memory_space<semaphore_mem>>
      %dma_start3A_843 = arith.constant 0 : i32
      %dma_start3A_844 = tpu.memref_slice %arg10[%dma_start3A_836, %dma_start3A_837, %dma_start3A_838, %dma_start3A_843] : memref<2x4x8x10000xf32, #tpu.memory_space<vmem>> -> memref<1x1x1x10000xf32, #tpu.memory_space<vmem>>
      %dma_start3A_845 = tpu.memref_squeeze %dma_start3A_844 : memref<1x1x1x10000xf32, #tpu.memory_space<vmem>> -> memref<10000xf32, #tpu.memory_space<vmem>>
      %dma_start3A_846 = arith.constant 0 : i32
      %dma_start3A_847 = tpu.memref_slice %arg7[%get3A_835, %dma_start3A_846] : memref<256x10000xf32, #tpu.memory_space<any>> -> memref<1x10000xf32, #tpu.memory_space<any>>
      %dma_start3A_848 = tpu.memref_squeeze %dma_start3A_847 : memref<1x10000xf32, #tpu.memory_space<any>> -> memref<10000xf32, #tpu.memory_space<any>>
      tpu.enqueue_dma source(%dma_start3A_848 : memref<10000xf32, #tpu.memory_space<any>>) target(%dma_start3A_845 : memref<10000xf32, #tpu.memory_space<vmem>>) target_semaphore(%dma_start3A_842 : memref<!tpu.dma_semaphore, #tpu.memory_space<semaphore_mem>>)
      %mul3A_849 = arith.constant 8 : i32
      %mul3A_850 = arith.muli %add3A_487, %mul3A_849 : i32
      %add3A_851 = arith.constant 3 : i32
      %add3A_852 = arith.addi %mul3A_850, %add3A_851 : i32
      %get3A_853 = arith.index_cast %add3A_852 : i32 to index
      %get3A_854 = memref.load %arg3[%get3A_853] : memref<512xi32, #tpu.memory_space<smem>>
      %dma_start3A_855 = arith.constant 1 : i32
      %dma_start3A_856 = arith.constant 2 : i32
      %dma_start3A_857 = arith.constant 3 : i32
      %dma_start3A_858 = arith.constant 1 : i32
      %dma_start3A_859 = arith.constant 2 : i32
      %dma_start3A_860 = tpu.memref_slice %arg11[%dma_start3A_858, %dma_start3A_859] : memref<2x4x!tpu.dma_semaphore, #tpu.memory_space<semaphore_mem>> -> memref<1x1x!tpu.dma_semaphore, #tpu.memory_space<semaphore_mem>>
      %dma_start3A_861 = tpu.memref_squeeze %dma_start3A_860 : memref<1x1x!tpu.dma_semaphore, #tpu.memory_space<semaphore_mem>> -> memref<!tpu.dma_semaphore, #tpu.memory_space<semaphore_mem>>
      %dma_start3A_862 = arith.constant 0 : i32
      %dma_start3A_863 = tpu.memref_slice %arg10[%dma_start3A_855, %dma_start3A_856, %dma_start3A_857, %dma_start3A_862] : memref<2x4x8x10000xf32, #tpu.memory_space<vmem>> -> memref<1x1x1x10000xf32, #tpu.memory_space<vmem>>
      %dma_start3A_864 = tpu.memref_squeeze %dma_start3A_863 : memref<1x1x1x10000xf32, #tpu.memory_space<vmem>> -> memref<10000xf32, #tpu.memory_space<vmem>>
      %dma_start3A_865 = arith.constant 0 : i32
      %dma_start3A_866 = tpu.memref_slice %arg7[%get3A_854, %dma_start3A_865] : memref<256x10000xf32, #tpu.memory_space<any>> -> memref<1x10000xf32, #tpu.memory_space<any>>
      %dma_start3A_867 = tpu.memref_squeeze %dma_start3A_866 : memref<1x10000xf32, #tpu.memory_space<any>> -> memref<10000xf32, #tpu.memory_space<any>>
      tpu.enqueue_dma source(%dma_start3A_867 : memref<10000xf32, #tpu.memory_space<any>>) target(%dma_start3A_864 : memref<10000xf32, #tpu.memory_space<vmem>>) target_semaphore(%dma_start3A_861 : memref<!tpu.dma_semaphore, #tpu.memory_space<semaphore_mem>>)
      %mul3A_868 = arith.constant 8 : i32
      %mul3A_869 = arith.muli %add3A_487, %mul3A_868 : i32
      %add3A_870 = arith.constant 4 : i32
      %add3A_871 = arith.addi %mul3A_869, %add3A_870 : i32
      %get3A_872 = arith.index_cast %add3A_871 : i32 to index
      %get3A_873 = memref.load %arg3[%get3A_872] : memref<512xi32, #tpu.memory_space<smem>>
      %dma_start3A_874 = arith.constant 1 : i32
      %dma_start3A_875 = arith.constant 2 : i32
      %dma_start3A_876 = arith.constant 4 : i32
      %dma_start3A_877 = arith.constant 1 : i32
      %dma_start3A_878 = arith.constant 2 : i32
      %dma_start3A_879 = tpu.memref_slice %arg11[%dma_start3A_877, %dma_start3A_878] : memref<2x4x!tpu.dma_semaphore, #tpu.memory_space<semaphore_mem>> -> memref<1x1x!tpu.dma_semaphore, #tpu.memory_space<semaphore_mem>>
      %dma_start3A_880 = tpu.memref_squeeze %dma_start3A_879 : memref<1x1x!tpu.dma_semaphore, #tpu.memory_space<semaphore_mem>> -> memref<!tpu.dma_semaphore, #tpu.memory_space<semaphore_mem>>
      %dma_start3A_881 = arith.constant 0 : i32
      %dma_start3A_882 = tpu.memref_slice %arg10[%dma_start3A_874, %dma_start3A_875, %dma_start3A_876, %dma_start3A_881] : memref<2x4x8x10000xf32, #tpu.memory_space<vmem>> -> memref<1x1x1x10000xf32, #tpu.memory_space<vmem>>
      %dma_start3A_883 = tpu.memref_squeeze %dma_start3A_882 : memref<1x1x1x10000xf32, #tpu.memory_space<vmem>> -> memref<10000xf32, #tpu.memory_space<vmem>>
      %dma_start3A_884 = arith.constant 0 : i32
      %dma_start3A_885 = tpu.memref_slice %arg7[%get3A_873, %dma_start3A_884] : memref<256x10000xf32, #tpu.memory_space<any>> -> memref<1x10000xf32, #tpu.memory_space<any>>
      %dma_start3A_886 = tpu.memref_squeeze %dma_start3A_885 : memref<1x10000xf32, #tpu.memory_space<any>> -> memref<10000xf32, #tpu.memory_space<any>>
      tpu.enqueue_dma source(%dma_start3A_886 : memref<10000xf32, #tpu.memory_space<any>>) target(%dma_start3A_883 : memref<10000xf32, #tpu.memory_space<vmem>>) target_semaphore(%dma_start3A_880 : memref<!tpu.dma_semaphore, #tpu.memory_space<semaphore_mem>>)
      %mul3A_887 = arith.constant 8 : i32
      %mul3A_888 = arith.muli %add3A_487, %mul3A_887 : i32
      %add3A_889 = arith.constant 5 : i32
      %add3A_890 = arith.addi %mul3A_888, %add3A_889 : i32
      %get3A_891 = arith.index_cast %add3A_890 : i32 to index
      %get3A_892 = memref.load %arg3[%get3A_891] : memref<512xi32, #tpu.memory_space<smem>>
      %dma_start3A_893 = arith.constant 1 : i32
      %dma_start3A_894 = arith.constant 2 : i32
      %dma_start3A_895 = arith.constant 5 : i32
      %dma_start3A_896 = arith.constant 1 : i32
      %dma_start3A_897 = arith.constant 2 : i32
      %dma_start3A_898 = tpu.memref_slice %arg11[%dma_start3A_896, %dma_start3A_897] : memref<2x4x!tpu.dma_semaphore, #tpu.memory_space<semaphore_mem>> -> memref<1x1x!tpu.dma_semaphore, #tpu.memory_space<semaphore_mem>>
      %dma_start3A_899 = tpu.memref_squeeze %dma_start3A_898 : memref<1x1x!tpu.dma_semaphore, #tpu.memory_space<semaphore_mem>> -> memref<!tpu.dma_semaphore, #tpu.memory_space<semaphore_mem>>
      %dma_start3A_900 = arith.constant 0 : i32
      %dma_start3A_901 = tpu.memref_slice %arg10[%dma_start3A_893, %dma_start3A_894, %dma_start3A_895, %dma_start3A_900] : memref<2x4x8x10000xf32, #tpu.memory_space<vmem>> -> memref<1x1x1x10000xf32, #tpu.memory_space<vmem>>
      %dma_start3A_902 = tpu.memref_squeeze %dma_start3A_901 : memref<1x1x1x10000xf32, #tpu.memory_space<vmem>> -> memref<10000xf32, #tpu.memory_space<vmem>>
      %dma_start3A_903 = arith.constant 0 : i32
      %dma_start3A_904 = tpu.memref_slice %arg7[%get3A_892, %dma_start3A_903] : memref<256x10000xf32, #tpu.memory_space<any>> -> memref<1x10000xf32, #tpu.memory_space<any>>
      %dma_start3A_905 = tpu.memref_squeeze %dma_start3A_904 : memref<1x10000xf32, #tpu.memory_space<any>> -> memref<10000xf32, #tpu.memory_space<any>>
      tpu.enqueue_dma source(%dma_start3A_905 : memref<10000xf32, #tpu.memory_space<any>>) target(%dma_start3A_902 : memref<10000xf32, #tpu.memory_space<vmem>>) target_semaphore(%dma_start3A_899 : memref<!tpu.dma_semaphore, #tpu.memory_space<semaphore_mem>>)
      %mul3A_906 = arith.constant 8 : i32
      %mul3A_907 = arith.muli %add3A_487, %mul3A_906 : i32
      %add3A_908 = arith.constant 6 : i32
      %add3A_909 = arith.addi %mul3A_907, %add3A_908 : i32
      %get3A_910 = arith.index_cast %add3A_909 : i32 to index
      %get3A_911 = memref.load %arg3[%get3A_910] : memref<512xi32, #tpu.memory_space<smem>>
      %dma_start3A_912 = arith.constant 1 : i32
      %dma_start3A_913 = arith.constant 2 : i32
      %dma_start3A_914 = arith.constant 6 : i32
      %dma_start3A_915 = arith.constant 1 : i32
      %dma_start3A_916 = arith.constant 2 : i32
      %dma_start3A_917 = tpu.memref_slice %arg11[%dma_start3A_915, %dma_start3A_916] : memref<2x4x!tpu.dma_semaphore, #tpu.memory_space<semaphore_mem>> -> memref<1x1x!tpu.dma_semaphore, #tpu.memory_space<semaphore_mem>>
      %dma_start3A_918 = tpu.memref_squeeze %dma_start3A_917 : memref<1x1x!tpu.dma_semaphore, #tpu.memory_space<semaphore_mem>> -> memref<!tpu.dma_semaphore, #tpu.memory_space<semaphore_mem>>
      %dma_start3A_919 = arith.constant 0 : i32
      %dma_start3A_920 = tpu.memref_slice %arg10[%dma_start3A_912, %dma_start3A_913, %dma_start3A_914, %dma_start3A_919] : memref<2x4x8x10000xf32, #tpu.memory_space<vmem>> -> memref<1x1x1x10000xf32, #tpu.memory_space<vmem>>
      %dma_start3A_921 = tpu.memref_squeeze %dma_start3A_920 : memref<1x1x1x10000xf32, #tpu.memory_space<vmem>> -> memref<10000xf32, #tpu.memory_space<vmem>>
      %dma_start3A_922 = arith.constant 0 : i32
      %dma_start3A_923 = tpu.memref_slice %arg7[%get3A_911, %dma_start3A_922] : memref<256x10000xf32, #tpu.memory_space<any>> -> memref<1x10000xf32, #tpu.memory_space<any>>
      %dma_start3A_924 = tpu.memref_squeeze %dma_start3A_923 : memref<1x10000xf32, #tpu.memory_space<any>> -> memref<10000xf32, #tpu.memory_space<any>>
      tpu.enqueue_dma source(%dma_start3A_924 : memref<10000xf32, #tpu.memory_space<any>>) target(%dma_start3A_921 : memref<10000xf32, #tpu.memory_space<vmem>>) target_semaphore(%dma_start3A_918 : memref<!tpu.dma_semaphore, #tpu.memory_space<semaphore_mem>>)
      %mul3A_925 = arith.constant 8 : i32
      %mul3A_926 = arith.muli %add3A_487, %mul3A_925 : i32
      %add3A_927 = arith.constant 7 : i32
      %add3A_928 = arith.addi %mul3A_926, %add3A_927 : i32
      %get3A_929 = arith.index_cast %add3A_928 : i32 to index
      %get3A_930 = memref.load %arg3[%get3A_929] : memref<512xi32, #tpu.memory_space<smem>>
      %dma_start3A_931 = arith.constant 1 : i32
      %dma_start3A_932 = arith.constant 2 : i32
      %dma_start3A_933 = arith.constant 7 : i32
      %dma_start3A_934 = arith.constant 1 : i32
      %dma_start3A_935 = arith.constant 2 : i32
      %dma_start3A_936 = tpu.memref_slice %arg11[%dma_start3A_934, %dma_start3A_935] : memref<2x4x!tpu.dma_semaphore, #tpu.memory_space<semaphore_mem>> -> memref<1x1x!tpu.dma_semaphore, #tpu.memory_space<semaphore_mem>>
      %dma_start3A_937 = tpu.memref_squeeze %dma_start3A_936 : memref<1x1x!tpu.dma_semaphore, #tpu.memory_space<semaphore_mem>> -> memref<!tpu.dma_semaphore, #tpu.memory_space<semaphore_mem>>
      %dma_start3A_938 = arith.constant 0 : i32
      %dma_start3A_939 = tpu.memref_slice %arg10[%dma_start3A_931, %dma_start3A_932, %dma_start3A_933, %dma_start3A_938] : memref<2x4x8x10000xf32, #tpu.memory_space<vmem>> -> memref<1x1x1x10000xf32, #tpu.memory_space<vmem>>
      %dma_start3A_940 = tpu.memref_squeeze %dma_start3A_939 : memref<1x1x1x10000xf32, #tpu.memory_space<vmem>> -> memref<10000xf32, #tpu.memory_space<vmem>>
      %dma_start3A_941 = arith.constant 0 : i32
      %dma_start3A_942 = tpu.memref_slice %arg7[%get3A_930, %dma_start3A_941] : memref<256x10000xf32, #tpu.memory_space<any>> -> memref<1x10000xf32, #tpu.memory_space<any>>
      %dma_start3A_943 = tpu.memref_squeeze %dma_start3A_942 : memref<1x10000xf32, #tpu.memory_space<any>> -> memref<10000xf32, #tpu.memory_space<any>>
      tpu.enqueue_dma source(%dma_start3A_943 : memref<10000xf32, #tpu.memory_space<any>>) target(%dma_start3A_940 : memref<10000xf32, #tpu.memory_space<vmem>>) target_semaphore(%dma_start3A_937 : memref<!tpu.dma_semaphore, #tpu.memory_space<semaphore_mem>>)
      %mul3A_944 = arith.constant 8 : i32
      %mul3A_945 = arith.muli %add3A_487, %mul3A_944 : i32
      %add3A_946 = arith.constant 0 : i32
      %add3A_947 = arith.addi %mul3A_945, %add3A_946 : i32
      %get3A_948 = arith.index_cast %add3A_947 : i32 to index
      %get3A_949 = memref.load %arg4[%get3A_948] : memref<512xi32, #tpu.memory_space<smem>>
      %dma_start3A_950 = arith.constant 1 : i32
      %dma_start3A_951 = arith.constant 3 : i32
      %dma_start3A_952 = arith.constant 0 : i32
      %dma_start3A_953 = arith.constant 1 : i32
      %dma_start3A_954 = arith.constant 3 : i32
      %dma_start3A_955 = tpu.memref_slice %arg11[%dma_start3A_953, %dma_start3A_954] : memref<2x4x!tpu.dma_semaphore, #tpu.memory_space<semaphore_mem>> -> memref<1x1x!tpu.dma_semaphore, #tpu.memory_space<semaphore_mem>>
      %dma_start3A_956 = tpu.memref_squeeze %dma_start3A_955 : memref<1x1x!tpu.dma_semaphore, #tpu.memory_space<semaphore_mem>> -> memref<!tpu.dma_semaphore, #tpu.memory_space<semaphore_mem>>
      %dma_start3A_957 = arith.constant 0 : i32
      %dma_start3A_958 = tpu.memref_slice %arg10[%dma_start3A_950, %dma_start3A_951, %dma_start3A_952, %dma_start3A_957] : memref<2x4x8x10000xf32, #tpu.memory_space<vmem>> -> memref<1x1x1x10000xf32, #tpu.memory_space<vmem>>
      %dma_start3A_959 = tpu.memref_squeeze %dma_start3A_958 : memref<1x1x1x10000xf32, #tpu.memory_space<vmem>> -> memref<10000xf32, #tpu.memory_space<vmem>>
      %dma_start3A_960 = arith.constant 0 : i32
      %dma_start3A_961 = tpu.memref_slice %arg8[%get3A_949, %dma_start3A_960] : memref<256x10000xf32, #tpu.memory_space<any>> -> memref<1x10000xf32, #tpu.memory_space<any>>
      %dma_start3A_962 = tpu.memref_squeeze %dma_start3A_961 : memref<1x10000xf32, #tpu.memory_space<any>> -> memref<10000xf32, #tpu.memory_space<any>>
      tpu.enqueue_dma source(%dma_start3A_962 : memref<10000xf32, #tpu.memory_space<any>>) target(%dma_start3A_959 : memref<10000xf32, #tpu.memory_space<vmem>>) target_semaphore(%dma_start3A_956 : memref<!tpu.dma_semaphore, #tpu.memory_space<semaphore_mem>>)
      %mul3A_963 = arith.constant 8 : i32
      %mul3A_964 = arith.muli %add3A_487, %mul3A_963 : i32
      %add3A_965 = arith.constant 1 : i32
      %add3A_966 = arith.addi %mul3A_964, %add3A_965 : i32
      %get3A_967 = arith.index_cast %add3A_966 : i32 to index
      %get3A_968 = memref.load %arg4[%get3A_967] : memref<512xi32, #tpu.memory_space<smem>>
      %dma_start3A_969 = arith.constant 1 : i32
      %dma_start3A_970 = arith.constant 3 : i32
      %dma_start3A_971 = arith.constant 1 : i32
      %dma_start3A_972 = arith.constant 1 : i32
      %dma_start3A_973 = arith.constant 3 : i32
      %dma_start3A_974 = tpu.memref_slice %arg11[%dma_start3A_972, %dma_start3A_973] : memref<2x4x!tpu.dma_semaphore, #tpu.memory_space<semaphore_mem>> -> memref<1x1x!tpu.dma_semaphore, #tpu.memory_space<semaphore_mem>>
      %dma_start3A_975 = tpu.memref_squeeze %dma_start3A_974 : memref<1x1x!tpu.dma_semaphore, #tpu.memory_space<semaphore_mem>> -> memref<!tpu.dma_semaphore, #tpu.memory_space<semaphore_mem>>
      %dma_start3A_976 = arith.constant 0 : i32
      %dma_start3A_977 = tpu.memref_slice %arg10[%dma_start3A_969, %dma_start3A_970, %dma_start3A_971, %dma_start3A_976] : memref<2x4x8x10000xf32, #tpu.memory_space<vmem>> -> memref<1x1x1x10000xf32, #tpu.memory_space<vmem>>
      %dma_start3A_978 = tpu.memref_squeeze %dma_start3A_977 : memref<1x1x1x10000xf32, #tpu.memory_space<vmem>> -> memref<10000xf32, #tpu.memory_space<vmem>>
      %dma_start3A_979 = arith.constant 0 : i32
      %dma_start3A_980 = tpu.memref_slice %arg8[%get3A_968, %dma_start3A_979] : memref<256x10000xf32, #tpu.memory_space<any>> -> memref<1x10000xf32, #tpu.memory_space<any>>
      %dma_start3A_981 = tpu.memref_squeeze %dma_start3A_980 : memref<1x10000xf32, #tpu.memory_space<any>> -> memref<10000xf32, #tpu.memory_space<any>>
      tpu.enqueue_dma source(%dma_start3A_981 : memref<10000xf32, #tpu.memory_space<any>>) target(%dma_start3A_978 : memref<10000xf32, #tpu.memory_space<vmem>>) target_semaphore(%dma_start3A_975 : memref<!tpu.dma_semaphore, #tpu.memory_space<semaphore_mem>>)
      %mul3A_982 = arith.constant 8 : i32
      %mul3A_983 = arith.muli %add3A_487, %mul3A_982 : i32
      %add3A_984 = arith.constant 2 : i32
      %add3A_985 = arith.addi %mul3A_983, %add3A_984 : i32
      %get3A_986 = arith.index_cast %add3A_985 : i32 to index
      %get3A_987 = memref.load %arg4[%get3A_986] : memref<512xi32, #tpu.memory_space<smem>>
      %dma_start3A_988 = arith.constant 1 : i32
      %dma_start3A_989 = arith.constant 3 : i32
      %dma_start3A_990 = arith.constant 2 : i32
      %dma_start3A_991 = arith.constant 1 : i32
      %dma_start3A_992 = arith.constant 3 : i32
      %dma_start3A_993 = tpu.memref_slice %arg11[%dma_start3A_991, %dma_start3A_992] : memref<2x4x!tpu.dma_semaphore, #tpu.memory_space<semaphore_mem>> -> memref<1x1x!tpu.dma_semaphore, #tpu.memory_space<semaphore_mem>>
      %dma_start3A_994 = tpu.memref_squeeze %dma_start3A_993 : memref<1x1x!tpu.dma_semaphore, #tpu.memory_space<semaphore_mem>> -> memref<!tpu.dma_semaphore, #tpu.memory_space<semaphore_mem>>
      %dma_start3A_995 = arith.constant 0 : i32
      %dma_start3A_996 = tpu.memref_slice %arg10[%dma_start3A_988, %dma_start3A_989, %dma_start3A_990, %dma_start3A_995] : memref<2x4x8x10000xf32, #tpu.memory_space<vmem>> -> memref<1x1x1x10000xf32, #tpu.memory_space<vmem>>
      %dma_start3A_997 = tpu.memref_squeeze %dma_start3A_996 : memref<1x1x1x10000xf32, #tpu.memory_space<vmem>> -> memref<10000xf32, #tpu.memory_space<vmem>>
      %dma_start3A_998 = arith.constant 0 : i32
      %dma_start3A_999 = tpu.memref_slice %arg8[%get3A_987, %dma_start3A_998] : memref<256x10000xf32, #tpu.memory_space<any>> -> memref<1x10000xf32, #tpu.memory_space<any>>
      %dma_start3A_1000 = tpu.memref_squeeze %dma_start3A_999 : memref<1x10000xf32, #tpu.memory_space<any>> -> memref<10000xf32, #tpu.memory_space<any>>
      tpu.enqueue_dma source(%dma_start3A_1000 : memref<10000xf32, #tpu.memory_space<any>>) target(%dma_start3A_997 : memref<10000xf32, #tpu.memory_space<vmem>>) target_semaphore(%dma_start3A_994 : memref<!tpu.dma_semaphore, #tpu.memory_space<semaphore_mem>>)
      %mul3A_1001 = arith.constant 8 : i32
      %mul3A_1002 = arith.muli %add3A_487, %mul3A_1001 : i32
      %add3A_1003 = arith.constant 3 : i32
      %add3A_1004 = arith.addi %mul3A_1002, %add3A_1003 : i32
      %get3A_1005 = arith.index_cast %add3A_1004 : i32 to index
      %get3A_1006 = memref.load %arg4[%get3A_1005] : memref<512xi32, #tpu.memory_space<smem>>
      %dma_start3A_1007 = arith.constant 1 : i32
      %dma_start3A_1008 = arith.constant 3 : i32
      %dma_start3A_1009 = arith.constant 3 : i32
      %dma_start3A_1010 = arith.constant 1 : i32
      %dma_start3A_1011 = arith.constant 3 : i32
      %dma_start3A_1012 = tpu.memref_slice %arg11[%dma_start3A_1010, %dma_start3A_1011] : memref<2x4x!tpu.dma_semaphore, #tpu.memory_space<semaphore_mem>> -> memref<1x1x!tpu.dma_semaphore, #tpu.memory_space<semaphore_mem>>
      %dma_start3A_1013 = tpu.memref_squeeze %dma_start3A_1012 : memref<1x1x!tpu.dma_semaphore, #tpu.memory_space<semaphore_mem>> -> memref<!tpu.dma_semaphore, #tpu.memory_space<semaphore_mem>>
      %dma_start3A_1014 = arith.constant 0 : i32
      %dma_start3A_1015 = tpu.memref_slice %arg10[%dma_start3A_1007, %dma_start3A_1008, %dma_start3A_1009, %dma_start3A_1014] : memref<2x4x8x10000xf32, #tpu.memory_space<vmem>> -> memref<1x1x1x10000xf32, #tpu.memory_space<vmem>>
      %dma_start3A_1016 = tpu.memref_squeeze %dma_start3A_1015 : memref<1x1x1x10000xf32, #tpu.memory_space<vmem>> -> memref<10000xf32, #tpu.memory_space<vmem>>
      %dma_start3A_1017 = arith.constant 0 : i32
      %dma_start3A_1018 = tpu.memref_slice %arg8[%get3A_1006, %dma_start3A_1017] : memref<256x10000xf32, #tpu.memory_space<any>> -> memref<1x10000xf32, #tpu.memory_space<any>>
      %dma_start3A_1019 = tpu.memref_squeeze %dma_start3A_1018 : memref<1x10000xf32, #tpu.memory_space<any>> -> memref<10000xf32, #tpu.memory_space<any>>
      tpu.enqueue_dma source(%dma_start3A_1019 : memref<10000xf32, #tpu.memory_space<any>>) target(%dma_start3A_1016 : memref<10000xf32, #tpu.memory_space<vmem>>) target_semaphore(%dma_start3A_1013 : memref<!tpu.dma_semaphore, #tpu.memory_space<semaphore_mem>>)
      %mul3A_1020 = arith.constant 8 : i32
      %mul3A_1021 = arith.muli %add3A_487, %mul3A_1020 : i32
      %add3A_1022 = arith.constant 4 : i32
      %add3A_1023 = arith.addi %mul3A_1021, %add3A_1022 : i32
      %get3A_1024 = arith.index_cast %add3A_1023 : i32 to index
      %get3A_1025 = memref.load %arg4[%get3A_1024] : memref<512xi32, #tpu.memory_space<smem>>
      %dma_start3A_1026 = arith.constant 1 : i32
      %dma_start3A_1027 = arith.constant 3 : i32
      %dma_start3A_1028 = arith.constant 4 : i32
      %dma_start3A_1029 = arith.constant 1 : i32
      %dma_start3A_1030 = arith.constant 3 : i32
      %dma_start3A_1031 = tpu.memref_slice %arg11[%dma_start3A_1029, %dma_start3A_1030] : memref<2x4x!tpu.dma_semaphore, #tpu.memory_space<semaphore_mem>> -> memref<1x1x!tpu.dma_semaphore, #tpu.memory_space<semaphore_mem>>
      %dma_start3A_1032 = tpu.memref_squeeze %dma_start3A_1031 : memref<1x1x!tpu.dma_semaphore, #tpu.memory_space<semaphore_mem>> -> memref<!tpu.dma_semaphore, #tpu.memory_space<semaphore_mem>>
      %dma_start3A_1033 = arith.constant 0 : i32
      %dma_start3A_1034 = tpu.memref_slice %arg10[%dma_start3A_1026, %dma_start3A_1027, %dma_start3A_1028, %dma_start3A_1033] : memref<2x4x8x10000xf32, #tpu.memory_space<vmem>> -> memref<1x1x1x10000xf32, #tpu.memory_space<vmem>>
      %dma_start3A_1035 = tpu.memref_squeeze %dma_start3A_1034 : memref<1x1x1x10000xf32, #tpu.memory_space<vmem>> -> memref<10000xf32, #tpu.memory_space<vmem>>
      %dma_start3A_1036 = arith.constant 0 : i32
      %dma_start3A_1037 = tpu.memref_slice %arg8[%get3A_1025, %dma_start3A_1036] : memref<256x10000xf32, #tpu.memory_space<any>> -> memref<1x10000xf32, #tpu.memory_space<any>>
      %dma_start3A_1038 = tpu.memref_squeeze %dma_start3A_1037 : memref<1x10000xf32, #tpu.memory_space<any>> -> memref<10000xf32, #tpu.memory_space<any>>
      tpu.enqueue_dma source(%dma_start3A_1038 : memref<10000xf32, #tpu.memory_space<any>>) target(%dma_start3A_1035 : memref<10000xf32, #tpu.memory_space<vmem>>) target_semaphore(%dma_start3A_1032 : memref<!tpu.dma_semaphore, #tpu.memory_space<semaphore_mem>>)
      %mul3A_1039 = arith.constant 8 : i32
      %mul3A_1040 = arith.muli %add3A_487, %mul3A_1039 : i32
      %add3A_1041 = arith.constant 5 : i32
      %add3A_1042 = arith.addi %mul3A_1040, %add3A_1041 : i32
      %get3A_1043 = arith.index_cast %add3A_1042 : i32 to index
      %get3A_1044 = memref.load %arg4[%get3A_1043] : memref<512xi32, #tpu.memory_space<smem>>
      %dma_start3A_1045 = arith.constant 1 : i32
      %dma_start3A_1046 = arith.constant 3 : i32
      %dma_start3A_1047 = arith.constant 5 : i32
      %dma_start3A_1048 = arith.constant 1 : i32
      %dma_start3A_1049 = arith.constant 3 : i32
      %dma_start3A_1050 = tpu.memref_slice %arg11[%dma_start3A_1048, %dma_start3A_1049] : memref<2x4x!tpu.dma_semaphore, #tpu.memory_space<semaphore_mem>> -> memref<1x1x!tpu.dma_semaphore, #tpu.memory_space<semaphore_mem>>
      %dma_start3A_1051 = tpu.memref_squeeze %dma_start3A_1050 : memref<1x1x!tpu.dma_semaphore, #tpu.memory_space<semaphore_mem>> -> memref<!tpu.dma_semaphore, #tpu.memory_space<semaphore_mem>>
      %dma_start3A_1052 = arith.constant 0 : i32
      %dma_start3A_1053 = tpu.memref_slice %arg10[%dma_start3A_1045, %dma_start3A_1046, %dma_start3A_1047, %dma_start3A_1052] : memref<2x4x8x10000xf32, #tpu.memory_space<vmem>> -> memref<1x1x1x10000xf32, #tpu.memory_space<vmem>>
      %dma_start3A_1054 = tpu.memref_squeeze %dma_start3A_1053 : memref<1x1x1x10000xf32, #tpu.memory_space<vmem>> -> memref<10000xf32, #tpu.memory_space<vmem>>
      %dma_start3A_1055 = arith.constant 0 : i32
      %dma_start3A_1056 = tpu.memref_slice %arg8[%get3A_1044, %dma_start3A_1055] : memref<256x10000xf32, #tpu.memory_space<any>> -> memref<1x10000xf32, #tpu.memory_space<any>>
      %dma_start3A_1057 = tpu.memref_squeeze %dma_start3A_1056 : memref<1x10000xf32, #tpu.memory_space<any>> -> memref<10000xf32, #tpu.memory_space<any>>
      tpu.enqueue_dma source(%dma_start3A_1057 : memref<10000xf32, #tpu.memory_space<any>>) target(%dma_start3A_1054 : memref<10000xf32, #tpu.memory_space<vmem>>) target_semaphore(%dma_start3A_1051 : memref<!tpu.dma_semaphore, #tpu.memory_space<semaphore_mem>>)
      %mul3A_1058 = arith.constant 8 : i32
      %mul3A_1059 = arith.muli %add3A_487, %mul3A_1058 : i32
      %add3A_1060 = arith.constant 6 : i32
      %add3A_1061 = arith.addi %mul3A_1059, %add3A_1060 : i32
      %get3A_1062 = arith.index_cast %add3A_1061 : i32 to index
      %get3A_1063 = memref.load %arg4[%get3A_1062] : memref<512xi32, #tpu.memory_space<smem>>
      %dma_start3A_1064 = arith.constant 1 : i32
      %dma_start3A_1065 = arith.constant 3 : i32
      %dma_start3A_1066 = arith.constant 6 : i32
      %dma_start3A_1067 = arith.constant 1 : i32
      %dma_start3A_1068 = arith.constant 3 : i32
      %dma_start3A_1069 = tpu.memref_slice %arg11[%dma_start3A_1067, %dma_start3A_1068] : memref<2x4x!tpu.dma_semaphore, #tpu.memory_space<semaphore_mem>> -> memref<1x1x!tpu.dma_semaphore, #tpu.memory_space<semaphore_mem>>
      %dma_start3A_1070 = tpu.memref_squeeze %dma_start3A_1069 : memref<1x1x!tpu.dma_semaphore, #tpu.memory_space<semaphore_mem>> -> memref<!tpu.dma_semaphore, #tpu.memory_space<semaphore_mem>>
      %dma_start3A_1071 = arith.constant 0 : i32
      %dma_start3A_1072 = tpu.memref_slice %arg10[%dma_start3A_1064, %dma_start3A_1065, %dma_start3A_1066, %dma_start3A_1071] : memref<2x4x8x10000xf32, #tpu.memory_space<vmem>> -> memref<1x1x1x10000xf32, #tpu.memory_space<vmem>>
      %dma_start3A_1073 = tpu.memref_squeeze %dma_start3A_1072 : memref<1x1x1x10000xf32, #tpu.memory_space<vmem>> -> memref<10000xf32, #tpu.memory_space<vmem>>
      %dma_start3A_1074 = arith.constant 0 : i32
      %dma_start3A_1075 = tpu.memref_slice %arg8[%get3A_1063, %dma_start3A_1074] : memref<256x10000xf32, #tpu.memory_space<any>> -> memref<1x10000xf32, #tpu.memory_space<any>>
      %dma_start3A_1076 = tpu.memref_squeeze %dma_start3A_1075 : memref<1x10000xf32, #tpu.memory_space<any>> -> memref<10000xf32, #tpu.memory_space<any>>
      tpu.enqueue_dma source(%dma_start3A_1076 : memref<10000xf32, #tpu.memory_space<any>>) target(%dma_start3A_1073 : memref<10000xf32, #tpu.memory_space<vmem>>) target_semaphore(%dma_start3A_1070 : memref<!tpu.dma_semaphore, #tpu.memory_space<semaphore_mem>>)
      %mul3A_1077 = arith.constant 8 : i32
      %mul3A_1078 = arith.muli %add3A_487, %mul3A_1077 : i32
      %add3A_1079 = arith.constant 7 : i32
      %add3A_1080 = arith.addi %mul3A_1078, %add3A_1079 : i32
      %get3A_1081 = arith.index_cast %add3A_1080 : i32 to index
      %get3A_1082 = memref.load %arg4[%get3A_1081] : memref<512xi32, #tpu.memory_space<smem>>
      %dma_start3A_1083 = arith.constant 1 : i32
      %dma_start3A_1084 = arith.constant 3 : i32
      %dma_start3A_1085 = arith.constant 7 : i32
      %dma_start3A_1086 = arith.constant 1 : i32
      %dma_start3A_1087 = arith.constant 3 : i32
      %dma_start3A_1088 = tpu.memref_slice %arg11[%dma_start3A_1086, %dma_start3A_1087] : memref<2x4x!tpu.dma_semaphore, #tpu.memory_space<semaphore_mem>> -> memref<1x1x!tpu.dma_semaphore, #tpu.memory_space<semaphore_mem>>
      %dma_start3A_1089 = tpu.memref_squeeze %dma_start3A_1088 : memref<1x1x!tpu.dma_semaphore, #tpu.memory_space<semaphore_mem>> -> memref<!tpu.dma_semaphore, #tpu.memory_space<semaphore_mem>>
      %dma_start3A_1090 = arith.constant 0 : i32
      %dma_start3A_1091 = tpu.memref_slice %arg10[%dma_start3A_1083, %dma_start3A_1084, %dma_start3A_1085, %dma_start3A_1090] : memref<2x4x8x10000xf32, #tpu.memory_space<vmem>> -> memref<1x1x1x10000xf32, #tpu.memory_space<vmem>>
      %dma_start3A_1092 = tpu.memref_squeeze %dma_start3A_1091 : memref<1x1x1x10000xf32, #tpu.memory_space<vmem>> -> memref<10000xf32, #tpu.memory_space<vmem>>
      %dma_start3A_1093 = arith.constant 0 : i32
      %dma_start3A_1094 = tpu.memref_slice %arg8[%get3A_1082, %dma_start3A_1093] : memref<256x10000xf32, #tpu.memory_space<any>> -> memref<1x10000xf32, #tpu.memory_space<any>>
      %dma_start3A_1095 = tpu.memref_squeeze %dma_start3A_1094 : memref<1x10000xf32, #tpu.memory_space<any>> -> memref<10000xf32, #tpu.memory_space<any>>
      tpu.enqueue_dma source(%dma_start3A_1095 : memref<10000xf32, #tpu.memory_space<any>>) target(%dma_start3A_1092 : memref<10000xf32, #tpu.memory_space<vmem>>) target_semaphore(%dma_start3A_1089 : memref<!tpu.dma_semaphore, #tpu.memory_space<semaphore_mem>>)
      %dma_wait3A = arith.constant 0 : i32
      %dma_wait3A_1096 = arith.constant 0 : i32
      %dma_wait3A_1097 = arith.constant 0 : i32
      %dma_wait3A_1098 = arith.constant 0 : i32
      %dma_wait3A_1099 = arith.constant 0 : i32
      %dma_wait3A_1100 = arith.constant 0 : i32
      %dma_wait3A_1101 = tpu.memref_slice %arg11[%dma_wait3A_1099, %dma_wait3A_1100] : memref<2x4x!tpu.dma_semaphore, #tpu.memory_space<semaphore_mem>> -> memref<1x1x!tpu.dma_semaphore, #tpu.memory_space<semaphore_mem>>
      %dma_wait3A_1102 = tpu.memref_squeeze %dma_wait3A_1101 : memref<1x1x!tpu.dma_semaphore, #tpu.memory_space<semaphore_mem>> -> memref<!tpu.dma_semaphore, #tpu.memory_space<semaphore_mem>>
      %dma_wait3A_1103 = arith.constant 0 : i32
      %dma_wait3A_1104 = tpu.memref_slice %arg10[%dma_wait3A_1096, %dma_wait3A_1097, %dma_wait3A_1098, %dma_wait3A_1103] : memref<2x4x8x10000xf32, #tpu.memory_space<vmem>> -> memref<1x1x1x10000xf32, #tpu.memory_space<vmem>>
      %dma_wait3A_1105 = tpu.memref_squeeze %dma_wait3A_1104 : memref<1x1x1x10000xf32, #tpu.memory_space<vmem>> -> memref<10000xf32, #tpu.memory_space<vmem>>
      %dma_wait3A_1106 = arith.constant 0 : i32
      %dma_wait3A_1107 = tpu.memref_slice %arg5[%dma_wait3A, %dma_wait3A_1106] : memref<4096x10000xf32, #tpu.memory_space<any>> -> memref<1x10000xf32, #tpu.memory_space<any>>
      %dma_wait3A_1108 = tpu.memref_squeeze %dma_wait3A_1107 : memref<1x10000xf32, #tpu.memory_space<any>> -> memref<10000xf32, #tpu.memory_space<any>>
      tpu.wait_dma2 semaphore(%dma_wait3A_1102 : memref<!tpu.dma_semaphore, #tpu.memory_space<semaphore_mem>>) src(%dma_wait3A_1108 : memref<10000xf32, #tpu.memory_space<any>>) dst(%dma_wait3A_1105 : memref<10000xf32, #tpu.memory_space<vmem>>)
      %dma_wait3A_1109 = arith.constant 0 : i32
      %dma_wait3A_1110 = arith.constant 0 : i32
      %dma_wait3A_1111 = arith.constant 0 : i32
      %dma_wait3A_1112 = arith.constant 1 : i32
      %dma_wait3A_1113 = arith.constant 0 : i32
      %dma_wait3A_1114 = arith.constant 0 : i32
      %dma_wait3A_1115 = tpu.memref_slice %arg11[%dma_wait3A_1113, %dma_wait3A_1114] : memref<2x4x!tpu.dma_semaphore, #tpu.memory_space<semaphore_mem>> -> memref<1x1x!tpu.dma_semaphore, #tpu.memory_space<semaphore_mem>>
      %dma_wait3A_1116 = tpu.memref_squeeze %dma_wait3A_1115 : memref<1x1x!tpu.dma_semaphore, #tpu.memory_space<semaphore_mem>> -> memref<!tpu.dma_semaphore, #tpu.memory_space<semaphore_mem>>
      %dma_wait3A_1117 = arith.constant 0 : i32
      %dma_wait3A_1118 = tpu.memref_slice %arg10[%dma_wait3A_1110, %dma_wait3A_1111, %dma_wait3A_1112, %dma_wait3A_1117] : memref<2x4x8x10000xf32, #tpu.memory_space<vmem>> -> memref<1x1x1x10000xf32, #tpu.memory_space<vmem>>
      %dma_wait3A_1119 = tpu.memref_squeeze %dma_wait3A_1118 : memref<1x1x1x10000xf32, #tpu.memory_space<vmem>> -> memref<10000xf32, #tpu.memory_space<vmem>>
      %dma_wait3A_1120 = arith.constant 0 : i32
      %dma_wait3A_1121 = tpu.memref_slice %arg5[%dma_wait3A_1109, %dma_wait3A_1120] : memref<4096x10000xf32, #tpu.memory_space<any>> -> memref<1x10000xf32, #tpu.memory_space<any>>
      %dma_wait3A_1122 = tpu.memref_squeeze %dma_wait3A_1121 : memref<1x10000xf32, #tpu.memory_space<any>> -> memref<10000xf32, #tpu.memory_space<any>>
      tpu.wait_dma2 semaphore(%dma_wait3A_1116 : memref<!tpu.dma_semaphore, #tpu.memory_space<semaphore_mem>>) src(%dma_wait3A_1122 : memref<10000xf32, #tpu.memory_space<any>>) dst(%dma_wait3A_1119 : memref<10000xf32, #tpu.memory_space<vmem>>)
      %dma_wait3A_1123 = arith.constant 0 : i32
      %dma_wait3A_1124 = arith.constant 0 : i32
      %dma_wait3A_1125 = arith.constant 0 : i32
      %dma_wait3A_1126 = arith.constant 2 : i32
      %dma_wait3A_1127 = arith.constant 0 : i32
      %dma_wait3A_1128 = arith.constant 0 : i32
      %dma_wait3A_1129 = tpu.memref_slice %arg11[%dma_wait3A_1127, %dma_wait3A_1128] : memref<2x4x!tpu.dma_semaphore, #tpu.memory_space<semaphore_mem>> -> memref<1x1x!tpu.dma_semaphore, #tpu.memory_space<semaphore_mem>>
      %dma_wait3A_1130 = tpu.memref_squeeze %dma_wait3A_1129 : memref<1x1x!tpu.dma_semaphore, #tpu.memory_space<semaphore_mem>> -> memref<!tpu.dma_semaphore, #tpu.memory_space<semaphore_mem>>
      %dma_wait3A_1131 = arith.constant 0 : i32
      %dma_wait3A_1132 = tpu.memref_slice %arg10[%dma_wait3A_1124, %dma_wait3A_1125, %dma_wait3A_1126, %dma_wait3A_1131] : memref<2x4x8x10000xf32, #tpu.memory_space<vmem>> -> memref<1x1x1x10000xf32, #tpu.memory_space<vmem>>
      %dma_wait3A_1133 = tpu.memref_squeeze %dma_wait3A_1132 : memref<1x1x1x10000xf32, #tpu.memory_space<vmem>> -> memref<10000xf32, #tpu.memory_space<vmem>>
      %dma_wait3A_1134 = arith.constant 0 : i32
      %dma_wait3A_1135 = tpu.memref_slice %arg5[%dma_wait3A_1123, %dma_wait3A_1134] : memref<4096x10000xf32, #tpu.memory_space<any>> -> memref<1x10000xf32, #tpu.memory_space<any>>
      %dma_wait3A_1136 = tpu.memref_squeeze %dma_wait3A_1135 : memref<1x10000xf32, #tpu.memory_space<any>> -> memref<10000xf32, #tpu.memory_space<any>>
      tpu.wait_dma2 semaphore(%dma_wait3A_1130 : memref<!tpu.dma_semaphore, #tpu.memory_space<semaphore_mem>>) src(%dma_wait3A_1136 : memref<10000xf32, #tpu.memory_space<any>>) dst(%dma_wait3A_1133 : memref<10000xf32, #tpu.memory_space<vmem>>)
      %dma_wait3A_1137 = arith.constant 0 : i32
      %dma_wait3A_1138 = arith.constant 0 : i32
      %dma_wait3A_1139 = arith.constant 0 : i32
      %dma_wait3A_1140 = arith.constant 3 : i32
      %dma_wait3A_1141 = arith.constant 0 : i32
      %dma_wait3A_1142 = arith.constant 0 : i32
      %dma_wait3A_1143 = tpu.memref_slice %arg11[%dma_wait3A_1141, %dma_wait3A_1142] : memref<2x4x!tpu.dma_semaphore, #tpu.memory_space<semaphore_mem>> -> memref<1x1x!tpu.dma_semaphore, #tpu.memory_space<semaphore_mem>>
      %dma_wait3A_1144 = tpu.memref_squeeze %dma_wait3A_1143 : memref<1x1x!tpu.dma_semaphore, #tpu.memory_space<semaphore_mem>> -> memref<!tpu.dma_semaphore, #tpu.memory_space<semaphore_mem>>
      %dma_wait3A_1145 = arith.constant 0 : i32
      %dma_wait3A_1146 = tpu.memref_slice %arg10[%dma_wait3A_1138, %dma_wait3A_1139, %dma_wait3A_1140, %dma_wait3A_1145] : memref<2x4x8x10000xf32, #tpu.memory_space<vmem>> -> memref<1x1x1x10000xf32, #tpu.memory_space<vmem>>
      %dma_wait3A_1147 = tpu.memref_squeeze %dma_wait3A_1146 : memref<1x1x1x10000xf32, #tpu.memory_space<vmem>> -> memref<10000xf32, #tpu.memory_space<vmem>>
      %dma_wait3A_1148 = arith.constant 0 : i32
      %dma_wait3A_1149 = tpu.memref_slice %arg5[%dma_wait3A_1137, %dma_wait3A_1148] : memref<4096x10000xf32, #tpu.memory_space<any>> -> memref<1x10000xf32, #tpu.memory_space<any>>
      %dma_wait3A_1150 = tpu.memref_squeeze %dma_wait3A_1149 : memref<1x10000xf32, #tpu.memory_space<any>> -> memref<10000xf32, #tpu.memory_space<any>>
      tpu.wait_dma2 semaphore(%dma_wait3A_1144 : memref<!tpu.dma_semaphore, #tpu.memory_space<semaphore_mem>>) src(%dma_wait3A_1150 : memref<10000xf32, #tpu.memory_space<any>>) dst(%dma_wait3A_1147 : memref<10000xf32, #tpu.memory_space<vmem>>)
      %dma_wait3A_1151 = arith.constant 0 : i32
      %dma_wait3A_1152 = arith.constant 0 : i32
      %dma_wait3A_1153 = arith.constant 0 : i32
      %dma_wait3A_1154 = arith.constant 4 : i32
      %dma_wait3A_1155 = arith.constant 0 : i32
      %dma_wait3A_1156 = arith.constant 0 : i32
      %dma_wait3A_1157 = tpu.memref_slice %arg11[%dma_wait3A_1155, %dma_wait3A_1156] : memref<2x4x!tpu.dma_semaphore, #tpu.memory_space<semaphore_mem>> -> memref<1x1x!tpu.dma_semaphore, #tpu.memory_space<semaphore_mem>>
      %dma_wait3A_1158 = tpu.memref_squeeze %dma_wait3A_1157 : memref<1x1x!tpu.dma_semaphore, #tpu.memory_space<semaphore_mem>> -> memref<!tpu.dma_semaphore, #tpu.memory_space<semaphore_mem>>
      %dma_wait3A_1159 = arith.constant 0 : i32
      %dma_wait3A_1160 = tpu.memref_slice %arg10[%dma_wait3A_1152, %dma_wait3A_1153, %dma_wait3A_1154, %dma_wait3A_1159] : memref<2x4x8x10000xf32, #tpu.memory_space<vmem>> -> memref<1x1x1x10000xf32, #tpu.memory_space<vmem>>
      %dma_wait3A_1161 = tpu.memref_squeeze %dma_wait3A_1160 : memref<1x1x1x10000xf32, #tpu.memory_space<vmem>> -> memref<10000xf32, #tpu.memory_space<vmem>>
      %dma_wait3A_1162 = arith.constant 0 : i32
      %dma_wait3A_1163 = tpu.memref_slice %arg5[%dma_wait3A_1151, %dma_wait3A_1162] : memref<4096x10000xf32, #tpu.memory_space<any>> -> memref<1x10000xf32, #tpu.memory_space<any>>
      %dma_wait3A_1164 = tpu.memref_squeeze %dma_wait3A_1163 : memref<1x10000xf32, #tpu.memory_space<any>> -> memref<10000xf32, #tpu.memory_space<any>>
      tpu.wait_dma2 semaphore(%dma_wait3A_1158 : memref<!tpu.dma_semaphore, #tpu.memory_space<semaphore_mem>>) src(%dma_wait3A_1164 : memref<10000xf32, #tpu.memory_space<any>>) dst(%dma_wait3A_1161 : memref<10000xf32, #tpu.memory_space<vmem>>)
      %dma_wait3A_1165 = arith.constant 0 : i32
      %dma_wait3A_1166 = arith.constant 0 : i32
      %dma_wait3A_1167 = arith.constant 0 : i32
      %dma_wait3A_1168 = arith.constant 5 : i32
      %dma_wait3A_1169 = arith.constant 0 : i32
      %dma_wait3A_1170 = arith.constant 0 : i32
      %dma_wait3A_1171 = tpu.memref_slice %arg11[%dma_wait3A_1169, %dma_wait3A_1170] : memref<2x4x!tpu.dma_semaphore, #tpu.memory_space<semaphore_mem>> -> memref<1x1x!tpu.dma_semaphore, #tpu.memory_space<semaphore_mem>>
      %dma_wait3A_1172 = tpu.memref_squeeze %dma_wait3A_1171 : memref<1x1x!tpu.dma_semaphore, #tpu.memory_space<semaphore_mem>> -> memref<!tpu.dma_semaphore, #tpu.memory_space<semaphore_mem>>
      %dma_wait3A_1173 = arith.constant 0 : i32
      %dma_wait3A_1174 = tpu.memref_slice %arg10[%dma_wait3A_1166, %dma_wait3A_1167, %dma_wait3A_1168, %dma_wait3A_1173] : memref<2x4x8x10000xf32, #tpu.memory_space<vmem>> -> memref<1x1x1x10000xf32, #tpu.memory_space<vmem>>
      %dma_wait3A_1175 = tpu.memref_squeeze %dma_wait3A_1174 : memref<1x1x1x10000xf32, #tpu.memory_space<vmem>> -> memref<10000xf32, #tpu.memory_space<vmem>>
      %dma_wait3A_1176 = arith.constant 0 : i32
      %dma_wait3A_1177 = tpu.memref_slice %arg5[%dma_wait3A_1165, %dma_wait3A_1176] : memref<4096x10000xf32, #tpu.memory_space<any>> -> memref<1x10000xf32, #tpu.memory_space<any>>
      %dma_wait3A_1178 = tpu.memref_squeeze %dma_wait3A_1177 : memref<1x10000xf32, #tpu.memory_space<any>> -> memref<10000xf32, #tpu.memory_space<any>>
      tpu.wait_dma2 semaphore(%dma_wait3A_1172 : memref<!tpu.dma_semaphore, #tpu.memory_space<semaphore_mem>>) src(%dma_wait3A_1178 : memref<10000xf32, #tpu.memory_space<any>>) dst(%dma_wait3A_1175 : memref<10000xf32, #tpu.memory_space<vmem>>)
      %dma_wait3A_1179 = arith.constant 0 : i32
      %dma_wait3A_1180 = arith.constant 0 : i32
      %dma_wait3A_1181 = arith.constant 0 : i32
      %dma_wait3A_1182 = arith.constant 6 : i32
      %dma_wait3A_1183 = arith.constant 0 : i32
      %dma_wait3A_1184 = arith.constant 0 : i32
      %dma_wait3A_1185 = tpu.memref_slice %arg11[%dma_wait3A_1183, %dma_wait3A_1184] : memref<2x4x!tpu.dma_semaphore, #tpu.memory_space<semaphore_mem>> -> memref<1x1x!tpu.dma_semaphore, #tpu.memory_space<semaphore_mem>>
      %dma_wait3A_1186 = tpu.memref_squeeze %dma_wait3A_1185 : memref<1x1x!tpu.dma_semaphore, #tpu.memory_space<semaphore_mem>> -> memref<!tpu.dma_semaphore, #tpu.memory_space<semaphore_mem>>
      %dma_wait3A_1187 = arith.constant 0 : i32
      %dma_wait3A_1188 = tpu.memref_slice %arg10[%dma_wait3A_1180, %dma_wait3A_1181, %dma_wait3A_1182, %dma_wait3A_1187] : memref<2x4x8x10000xf32, #tpu.memory_space<vmem>> -> memref<1x1x1x10000xf32, #tpu.memory_space<vmem>>
      %dma_wait3A_1189 = tpu.memref_squeeze %dma_wait3A_1188 : memref<1x1x1x10000xf32, #tpu.memory_space<vmem>> -> memref<10000xf32, #tpu.memory_space<vmem>>
      %dma_wait3A_1190 = arith.constant 0 : i32
      %dma_wait3A_1191 = tpu.memref_slice %arg5[%dma_wait3A_1179, %dma_wait3A_1190] : memref<4096x10000xf32, #tpu.memory_space<any>> -> memref<1x10000xf32, #tpu.memory_space<any>>
      %dma_wait3A_1192 = tpu.memref_squeeze %dma_wait3A_1191 : memref<1x10000xf32, #tpu.memory_space<any>> -> memref<10000xf32, #tpu.memory_space<any>>
      tpu.wait_dma2 semaphore(%dma_wait3A_1186 : memref<!tpu.dma_semaphore, #tpu.memory_space<semaphore_mem>>) src(%dma_wait3A_1192 : memref<10000xf32, #tpu.memory_space<any>>) dst(%dma_wait3A_1189 : memref<10000xf32, #tpu.memory_space<vmem>>)
      %dma_wait3A_1193 = arith.constant 0 : i32
      %dma_wait3A_1194 = arith.constant 0 : i32
      %dma_wait3A_1195 = arith.constant 0 : i32
      %dma_wait3A_1196 = arith.constant 7 : i32
      %dma_wait3A_1197 = arith.constant 0 : i32
      %dma_wait3A_1198 = arith.constant 0 : i32
      %dma_wait3A_1199 = tpu.memref_slice %arg11[%dma_wait3A_1197, %dma_wait3A_1198] : memref<2x4x!tpu.dma_semaphore, #tpu.memory_space<semaphore_mem>> -> memref<1x1x!tpu.dma_semaphore, #tpu.memory_space<semaphore_mem>>
      %dma_wait3A_1200 = tpu.memref_squeeze %dma_wait3A_1199 : memref<1x1x!tpu.dma_semaphore, #tpu.memory_space<semaphore_mem>> -> memref<!tpu.dma_semaphore, #tpu.memory_space<semaphore_mem>>
      %dma_wait3A_1201 = arith.constant 0 : i32
      %dma_wait3A_1202 = tpu.memref_slice %arg10[%dma_wait3A_1194, %dma_wait3A_1195, %dma_wait3A_1196, %dma_wait3A_1201] : memref<2x4x8x10000xf32, #tpu.memory_space<vmem>> -> memref<1x1x1x10000xf32, #tpu.memory_space<vmem>>
      %dma_wait3A_1203 = tpu.memref_squeeze %dma_wait3A_1202 : memref<1x1x1x10000xf32, #tpu.memory_space<vmem>> -> memref<10000xf32, #tpu.memory_space<vmem>>
      %dma_wait3A_1204 = arith.constant 0 : i32
      %dma_wait3A_1205 = tpu.memref_slice %arg5[%dma_wait3A_1193, %dma_wait3A_1204] : memref<4096x10000xf32, #tpu.memory_space<any>> -> memref<1x10000xf32, #tpu.memory_space<any>>
      %dma_wait3A_1206 = tpu.memref_squeeze %dma_wait3A_1205 : memref<1x10000xf32, #tpu.memory_space<any>> -> memref<10000xf32, #tpu.memory_space<any>>
      tpu.wait_dma2 semaphore(%dma_wait3A_1200 : memref<!tpu.dma_semaphore, #tpu.memory_space<semaphore_mem>>) src(%dma_wait3A_1206 : memref<10000xf32, #tpu.memory_space<any>>) dst(%dma_wait3A_1203 : memref<10000xf32, #tpu.memory_space<vmem>>)
      %dma_wait3A_1207 = arith.constant 0 : i32
      %dma_wait3A_1208 = arith.constant 0 : i32
      %dma_wait3A_1209 = arith.constant 1 : i32
      %dma_wait3A_1210 = arith.constant 0 : i32
      %dma_wait3A_1211 = arith.constant 0 : i32
      %dma_wait3A_1212 = arith.constant 1 : i32
      %dma_wait3A_1213 = tpu.memref_slice %arg11[%dma_wait3A_1211, %dma_wait3A_1212] : memref<2x4x!tpu.dma_semaphore, #tpu.memory_space<semaphore_mem>> -> memref<1x1x!tpu.dma_semaphore, #tpu.memory_space<semaphore_mem>>
      %dma_wait3A_1214 = tpu.memref_squeeze %dma_wait3A_1213 : memref<1x1x!tpu.dma_semaphore, #tpu.memory_space<semaphore_mem>> -> memref<!tpu.dma_semaphore, #tpu.memory_space<semaphore_mem>>
      %dma_wait3A_1215 = arith.constant 0 : i32
      %dma_wait3A_1216 = tpu.memref_slice %arg10[%dma_wait3A_1208, %dma_wait3A_1209, %dma_wait3A_1210, %dma_wait3A_1215] : memref<2x4x8x10000xf32, #tpu.memory_space<vmem>> -> memref<1x1x1x10000xf32, #tpu.memory_space<vmem>>
      %dma_wait3A_1217 = tpu.memref_squeeze %dma_wait3A_1216 : memref<1x1x1x10000xf32, #tpu.memory_space<vmem>> -> memref<10000xf32, #tpu.memory_space<vmem>>
      %dma_wait3A_1218 = arith.constant 0 : i32
      %dma_wait3A_1219 = tpu.memref_slice %arg6[%dma_wait3A_1207, %dma_wait3A_1218] : memref<256x10000xf32, #tpu.memory_space<any>> -> memref<1x10000xf32, #tpu.memory_space<any>>
      %dma_wait3A_1220 = tpu.memref_squeeze %dma_wait3A_1219 : memref<1x10000xf32, #tpu.memory_space<any>> -> memref<10000xf32, #tpu.memory_space<any>>
      tpu.wait_dma2 semaphore(%dma_wait3A_1214 : memref<!tpu.dma_semaphore, #tpu.memory_space<semaphore_mem>>) src(%dma_wait3A_1220 : memref<10000xf32, #tpu.memory_space<any>>) dst(%dma_wait3A_1217 : memref<10000xf32, #tpu.memory_space<vmem>>)
      %dma_wait3A_1221 = arith.constant 0 : i32
      %dma_wait3A_1222 = arith.constant 0 : i32
      %dma_wait3A_1223 = arith.constant 1 : i32
      %dma_wait3A_1224 = arith.constant 1 : i32
      %dma_wait3A_1225 = arith.constant 0 : i32
      %dma_wait3A_1226 = arith.constant 1 : i32
      %dma_wait3A_1227 = tpu.memref_slice %arg11[%dma_wait3A_1225, %dma_wait3A_1226] : memref<2x4x!tpu.dma_semaphore, #tpu.memory_space<semaphore_mem>> -> memref<1x1x!tpu.dma_semaphore, #tpu.memory_space<semaphore_mem>>
      %dma_wait3A_1228 = tpu.memref_squeeze %dma_wait3A_1227 : memref<1x1x!tpu.dma_semaphore, #tpu.memory_space<semaphore_mem>> -> memref<!tpu.dma_semaphore, #tpu.memory_space<semaphore_mem>>
      %dma_wait3A_1229 = arith.constant 0 : i32
      %dma_wait3A_1230 = tpu.memref_slice %arg10[%dma_wait3A_1222, %dma_wait3A_1223, %dma_wait3A_1224, %dma_wait3A_1229] : memref<2x4x8x10000xf32, #tpu.memory_space<vmem>> -> memref<1x1x1x10000xf32, #tpu.memory_space<vmem>>
      %dma_wait3A_1231 = tpu.memref_squeeze %dma_wait3A_1230 : memref<1x1x1x10000xf32, #tpu.memory_space<vmem>> -> memref<10000xf32, #tpu.memory_space<vmem>>
      %dma_wait3A_1232 = arith.constant 0 : i32
      %dma_wait3A_1233 = tpu.memref_slice %arg6[%dma_wait3A_1221, %dma_wait3A_1232] : memref<256x10000xf32, #tpu.memory_space<any>> -> memref<1x10000xf32, #tpu.memory_space<any>>
      %dma_wait3A_1234 = tpu.memref_squeeze %dma_wait3A_1233 : memref<1x10000xf32, #tpu.memory_space<any>> -> memref<10000xf32, #tpu.memory_space<any>>
      tpu.wait_dma2 semaphore(%dma_wait3A_1228 : memref<!tpu.dma_semaphore, #tpu.memory_space<semaphore_mem>>) src(%dma_wait3A_1234 : memref<10000xf32, #tpu.memory_space<any>>) dst(%dma_wait3A_1231 : memref<10000xf32, #tpu.memory_space<vmem>>)
      %dma_wait3A_1235 = arith.constant 0 : i32
      %dma_wait3A_1236 = arith.constant 0 : i32
      %dma_wait3A_1237 = arith.constant 1 : i32
      %dma_wait3A_1238 = arith.constant 2 : i32
      %dma_wait3A_1239 = arith.constant 0 : i32
      %dma_wait3A_1240 = arith.constant 1 : i32
      %dma_wait3A_1241 = tpu.memref_slice %arg11[%dma_wait3A_1239, %dma_wait3A_1240] : memref<2x4x!tpu.dma_semaphore, #tpu.memory_space<semaphore_mem>> -> memref<1x1x!tpu.dma_semaphore, #tpu.memory_space<semaphore_mem>>
      %dma_wait3A_1242 = tpu.memref_squeeze %dma_wait3A_1241 : memref<1x1x!tpu.dma_semaphore, #tpu.memory_space<semaphore_mem>> -> memref<!tpu.dma_semaphore, #tpu.memory_space<semaphore_mem>>
      %dma_wait3A_1243 = arith.constant 0 : i32
      %dma_wait3A_1244 = tpu.memref_slice %arg10[%dma_wait3A_1236, %dma_wait3A_1237, %dma_wait3A_1238, %dma_wait3A_1243] : memref<2x4x8x10000xf32, #tpu.memory_space<vmem>> -> memref<1x1x1x10000xf32, #tpu.memory_space<vmem>>
      %dma_wait3A_1245 = tpu.memref_squeeze %dma_wait3A_1244 : memref<1x1x1x10000xf32, #tpu.memory_space<vmem>> -> memref<10000xf32, #tpu.memory_space<vmem>>
      %dma_wait3A_1246 = arith.constant 0 : i32
      %dma_wait3A_1247 = tpu.memref_slice %arg6[%dma_wait3A_1235, %dma_wait3A_1246] : memref<256x10000xf32, #tpu.memory_space<any>> -> memref<1x10000xf32, #tpu.memory_space<any>>
      %dma_wait3A_1248 = tpu.memref_squeeze %dma_wait3A_1247 : memref<1x10000xf32, #tpu.memory_space<any>> -> memref<10000xf32, #tpu.memory_space<any>>
      tpu.wait_dma2 semaphore(%dma_wait3A_1242 : memref<!tpu.dma_semaphore, #tpu.memory_space<semaphore_mem>>) src(%dma_wait3A_1248 : memref<10000xf32, #tpu.memory_space<any>>) dst(%dma_wait3A_1245 : memref<10000xf32, #tpu.memory_space<vmem>>)
      %dma_wait3A_1249 = arith.constant 0 : i32
      %dma_wait3A_1250 = arith.constant 0 : i32
      %dma_wait3A_1251 = arith.constant 1 : i32
      %dma_wait3A_1252 = arith.constant 3 : i32
      %dma_wait3A_1253 = arith.constant 0 : i32
      %dma_wait3A_1254 = arith.constant 1 : i32
      %dma_wait3A_1255 = tpu.memref_slice %arg11[%dma_wait3A_1253, %dma_wait3A_1254] : memref<2x4x!tpu.dma_semaphore, #tpu.memory_space<semaphore_mem>> -> memref<1x1x!tpu.dma_semaphore, #tpu.memory_space<semaphore_mem>>
      %dma_wait3A_1256 = tpu.memref_squeeze %dma_wait3A_1255 : memref<1x1x!tpu.dma_semaphore, #tpu.memory_space<semaphore_mem>> -> memref<!tpu.dma_semaphore, #tpu.memory_space<semaphore_mem>>
      %dma_wait3A_1257 = arith.constant 0 : i32
      %dma_wait3A_1258 = tpu.memref_slice %arg10[%dma_wait3A_1250, %dma_wait3A_1251, %dma_wait3A_1252, %dma_wait3A_1257] : memref<2x4x8x10000xf32, #tpu.memory_space<vmem>> -> memref<1x1x1x10000xf32, #tpu.memory_space<vmem>>
      %dma_wait3A_1259 = tpu.memref_squeeze %dma_wait3A_1258 : memref<1x1x1x10000xf32, #tpu.memory_space<vmem>> -> memref<10000xf32, #tpu.memory_space<vmem>>
      %dma_wait3A_1260 = arith.constant 0 : i32
      %dma_wait3A_1261 = tpu.memref_slice %arg6[%dma_wait3A_1249, %dma_wait3A_1260] : memref<256x10000xf32, #tpu.memory_space<any>> -> memref<1x10000xf32, #tpu.memory_space<any>>
      %dma_wait3A_1262 = tpu.memref_squeeze %dma_wait3A_1261 : memref<1x10000xf32, #tpu.memory_space<any>> -> memref<10000xf32, #tpu.memory_space<any>>
      tpu.wait_dma2 semaphore(%dma_wait3A_1256 : memref<!tpu.dma_semaphore, #tpu.memory_space<semaphore_mem>>) src(%dma_wait3A_1262 : memref<10000xf32, #tpu.memory_space<any>>) dst(%dma_wait3A_1259 : memref<10000xf32, #tpu.memory_space<vmem>>)
      %dma_wait3A_1263 = arith.constant 0 : i32
      %dma_wait3A_1264 = arith.constant 0 : i32
      %dma_wait3A_1265 = arith.constant 1 : i32
      %dma_wait3A_1266 = arith.constant 4 : i32
      %dma_wait3A_1267 = arith.constant 0 : i32
      %dma_wait3A_1268 = arith.constant 1 : i32
      %dma_wait3A_1269 = tpu.memref_slice %arg11[%dma_wait3A_1267, %dma_wait3A_1268] : memref<2x4x!tpu.dma_semaphore, #tpu.memory_space<semaphore_mem>> -> memref<1x1x!tpu.dma_semaphore, #tpu.memory_space<semaphore_mem>>
      %dma_wait3A_1270 = tpu.memref_squeeze %dma_wait3A_1269 : memref<1x1x!tpu.dma_semaphore, #tpu.memory_space<semaphore_mem>> -> memref<!tpu.dma_semaphore, #tpu.memory_space<semaphore_mem>>
      %dma_wait3A_1271 = arith.constant 0 : i32
      %dma_wait3A_1272 = tpu.memref_slice %arg10[%dma_wait3A_1264, %dma_wait3A_1265, %dma_wait3A_1266, %dma_wait3A_1271] : memref<2x4x8x10000xf32, #tpu.memory_space<vmem>> -> memref<1x1x1x10000xf32, #tpu.memory_space<vmem>>
      %dma_wait3A_1273 = tpu.memref_squeeze %dma_wait3A_1272 : memref<1x1x1x10000xf32, #tpu.memory_space<vmem>> -> memref<10000xf32, #tpu.memory_space<vmem>>
      %dma_wait3A_1274 = arith.constant 0 : i32
      %dma_wait3A_1275 = tpu.memref_slice %arg6[%dma_wait3A_1263, %dma_wait3A_1274] : memref<256x10000xf32, #tpu.memory_space<any>> -> memref<1x10000xf32, #tpu.memory_space<any>>
      %dma_wait3A_1276 = tpu.memref_squeeze %dma_wait3A_1275 : memref<1x10000xf32, #tpu.memory_space<any>> -> memref<10000xf32, #tpu.memory_space<any>>
      tpu.wait_dma2 semaphore(%dma_wait3A_1270 : memref<!tpu.dma_semaphore, #tpu.memory_space<semaphore_mem>>) src(%dma_wait3A_1276 : memref<10000xf32, #tpu.memory_space<any>>) dst(%dma_wait3A_1273 : memref<10000xf32, #tpu.memory_space<vmem>>)
      %dma_wait3A_1277 = arith.constant 0 : i32
      %dma_wait3A_1278 = arith.constant 0 : i32
      %dma_wait3A_1279 = arith.constant 1 : i32
      %dma_wait3A_1280 = arith.constant 5 : i32
      %dma_wait3A_1281 = arith.constant 0 : i32
      %dma_wait3A_1282 = arith.constant 1 : i32
      %dma_wait3A_1283 = tpu.memref_slice %arg11[%dma_wait3A_1281, %dma_wait3A_1282] : memref<2x4x!tpu.dma_semaphore, #tpu.memory_space<semaphore_mem>> -> memref<1x1x!tpu.dma_semaphore, #tpu.memory_space<semaphore_mem>>
      %dma_wait3A_1284 = tpu.memref_squeeze %dma_wait3A_1283 : memref<1x1x!tpu.dma_semaphore, #tpu.memory_space<semaphore_mem>> -> memref<!tpu.dma_semaphore, #tpu.memory_space<semaphore_mem>>
      %dma_wait3A_1285 = arith.constant 0 : i32
      %dma_wait3A_1286 = tpu.memref_slice %arg10[%dma_wait3A_1278, %dma_wait3A_1279, %dma_wait3A_1280, %dma_wait3A_1285] : memref<2x4x8x10000xf32, #tpu.memory_space<vmem>> -> memref<1x1x1x10000xf32, #tpu.memory_space<vmem>>
      %dma_wait3A_1287 = tpu.memref_squeeze %dma_wait3A_1286 : memref<1x1x1x10000xf32, #tpu.memory_space<vmem>> -> memref<10000xf32, #tpu.memory_space<vmem>>
      %dma_wait3A_1288 = arith.constant 0 : i32
      %dma_wait3A_1289 = tpu.memref_slice %arg6[%dma_wait3A_1277, %dma_wait3A_1288] : memref<256x10000xf32, #tpu.memory_space<any>> -> memref<1x10000xf32, #tpu.memory_space<any>>
      %dma_wait3A_1290 = tpu.memref_squeeze %dma_wait3A_1289 : memref<1x10000xf32, #tpu.memory_space<any>> -> memref<10000xf32, #tpu.memory_space<any>>
      tpu.wait_dma2 semaphore(%dma_wait3A_1284 : memref<!tpu.dma_semaphore, #tpu.memory_space<semaphore_mem>>) src(%dma_wait3A_1290 : memref<10000xf32, #tpu.memory_space<any>>) dst(%dma_wait3A_1287 : memref<10000xf32, #tpu.memory_space<vmem>>)
      %dma_wait3A_1291 = arith.constant 0 : i32
      %dma_wait3A_1292 = arith.constant 0 : i32
      %dma_wait3A_1293 = arith.constant 1 : i32
      %dma_wait3A_1294 = arith.constant 6 : i32
      %dma_wait3A_1295 = arith.constant 0 : i32
      %dma_wait3A_1296 = arith.constant 1 : i32
      %dma_wait3A_1297 = tpu.memref_slice %arg11[%dma_wait3A_1295, %dma_wait3A_1296] : memref<2x4x!tpu.dma_semaphore, #tpu.memory_space<semaphore_mem>> -> memref<1x1x!tpu.dma_semaphore, #tpu.memory_space<semaphore_mem>>
      %dma_wait3A_1298 = tpu.memref_squeeze %dma_wait3A_1297 : memref<1x1x!tpu.dma_semaphore, #tpu.memory_space<semaphore_mem>> -> memref<!tpu.dma_semaphore, #tpu.memory_space<semaphore_mem>>
      %dma_wait3A_1299 = arith.constant 0 : i32
      %dma_wait3A_1300 = tpu.memref_slice %arg10[%dma_wait3A_1292, %dma_wait3A_1293, %dma_wait3A_1294, %dma_wait3A_1299] : memref<2x4x8x10000xf32, #tpu.memory_space<vmem>> -> memref<1x1x1x10000xf32, #tpu.memory_space<vmem>>
      %dma_wait3A_1301 = tpu.memref_squeeze %dma_wait3A_1300 : memref<1x1x1x10000xf32, #tpu.memory_space<vmem>> -> memref<10000xf32, #tpu.memory_space<vmem>>
      %dma_wait3A_1302 = arith.constant 0 : i32
      %dma_wait3A_1303 = tpu.memref_slice %arg6[%dma_wait3A_1291, %dma_wait3A_1302] : memref<256x10000xf32, #tpu.memory_space<any>> -> memref<1x10000xf32, #tpu.memory_space<any>>
      %dma_wait3A_1304 = tpu.memref_squeeze %dma_wait3A_1303 : memref<1x10000xf32, #tpu.memory_space<any>> -> memref<10000xf32, #tpu.memory_space<any>>
      tpu.wait_dma2 semaphore(%dma_wait3A_1298 : memref<!tpu.dma_semaphore, #tpu.memory_space<semaphore_mem>>) src(%dma_wait3A_1304 : memref<10000xf32, #tpu.memory_space<any>>) dst(%dma_wait3A_1301 : memref<10000xf32, #tpu.memory_space<vmem>>)
      %dma_wait3A_1305 = arith.constant 0 : i32
      %dma_wait3A_1306 = arith.constant 0 : i32
      %dma_wait3A_1307 = arith.constant 1 : i32
      %dma_wait3A_1308 = arith.constant 7 : i32
      %dma_wait3A_1309 = arith.constant 0 : i32
      %dma_wait3A_1310 = arith.constant 1 : i32
      %dma_wait3A_1311 = tpu.memref_slice %arg11[%dma_wait3A_1309, %dma_wait3A_1310] : memref<2x4x!tpu.dma_semaphore, #tpu.memory_space<semaphore_mem>> -> memref<1x1x!tpu.dma_semaphore, #tpu.memory_space<semaphore_mem>>
      %dma_wait3A_1312 = tpu.memref_squeeze %dma_wait3A_1311 : memref<1x1x!tpu.dma_semaphore, #tpu.memory_space<semaphore_mem>> -> memref<!tpu.dma_semaphore, #tpu.memory_space<semaphore_mem>>
      %dma_wait3A_1313 = arith.constant 0 : i32
      %dma_wait3A_1314 = tpu.memref_slice %arg10[%dma_wait3A_1306, %dma_wait3A_1307, %dma_wait3A_1308, %dma_wait3A_1313] : memref<2x4x8x10000xf32, #tpu.memory_space<vmem>> -> memref<1x1x1x10000xf32, #tpu.memory_space<vmem>>
      %dma_wait3A_1315 = tpu.memref_squeeze %dma_wait3A_1314 : memref<1x1x1x10000xf32, #tpu.memory_space<vmem>> -> memref<10000xf32, #tpu.memory_space<vmem>>
      %dma_wait3A_1316 = arith.constant 0 : i32
      %dma_wait3A_1317 = tpu.memref_slice %arg6[%dma_wait3A_1305, %dma_wait3A_1316] : memref<256x10000xf32, #tpu.memory_space<any>> -> memref<1x10000xf32, #tpu.memory_space<any>>
      %dma_wait3A_1318 = tpu.memref_squeeze %dma_wait3A_1317 : memref<1x10000xf32, #tpu.memory_space<any>> -> memref<10000xf32, #tpu.memory_space<any>>
      tpu.wait_dma2 semaphore(%dma_wait3A_1312 : memref<!tpu.dma_semaphore, #tpu.memory_space<semaphore_mem>>) src(%dma_wait3A_1318 : memref<10000xf32, #tpu.memory_space<any>>) dst(%dma_wait3A_1315 : memref<10000xf32, #tpu.memory_space<vmem>>)
      %dma_wait3A_1319 = arith.constant 0 : i32
      %dma_wait3A_1320 = arith.constant 0 : i32
      %dma_wait3A_1321 = arith.constant 2 : i32
      %dma_wait3A_1322 = arith.constant 0 : i32
      %dma_wait3A_1323 = arith.constant 0 : i32
      %dma_wait3A_1324 = arith.constant 2 : i32
      %dma_wait3A_1325 = tpu.memref_slice %arg11[%dma_wait3A_1323, %dma_wait3A_1324] : memref<2x4x!tpu.dma_semaphore, #tpu.memory_space<semaphore_mem>> -> memref<1x1x!tpu.dma_semaphore, #tpu.memory_space<semaphore_mem>>
      %dma_wait3A_1326 = tpu.memref_squeeze %dma_wait3A_1325 : memref<1x1x!tpu.dma_semaphore, #tpu.memory_space<semaphore_mem>> -> memref<!tpu.dma_semaphore, #tpu.memory_space<semaphore_mem>>
      %dma_wait3A_1327 = arith.constant 0 : i32
      %dma_wait3A_1328 = tpu.memref_slice %arg10[%dma_wait3A_1320, %dma_wait3A_1321, %dma_wait3A_1322, %dma_wait3A_1327] : memref<2x4x8x10000xf32, #tpu.memory_space<vmem>> -> memref<1x1x1x10000xf32, #tpu.memory_space<vmem>>
      %dma_wait3A_1329 = tpu.memref_squeeze %dma_wait3A_1328 : memref<1x1x1x10000xf32, #tpu.memory_space<vmem>> -> memref<10000xf32, #tpu.memory_space<vmem>>
      %dma_wait3A_1330 = arith.constant 0 : i32
      %dma_wait3A_1331 = tpu.memref_slice %arg7[%dma_wait3A_1319, %dma_wait3A_1330] : memref<256x10000xf32, #tpu.memory_space<any>> -> memref<1x10000xf32, #tpu.memory_space<any>>
      %dma_wait3A_1332 = tpu.memref_squeeze %dma_wait3A_1331 : memref<1x10000xf32, #tpu.memory_space<any>> -> memref<10000xf32, #tpu.memory_space<any>>
      tpu.wait_dma2 semaphore(%dma_wait3A_1326 : memref<!tpu.dma_semaphore, #tpu.memory_space<semaphore_mem>>) src(%dma_wait3A_1332 : memref<10000xf32, #tpu.memory_space<any>>) dst(%dma_wait3A_1329 : memref<10000xf32, #tpu.memory_space<vmem>>)
      %dma_wait3A_1333 = arith.constant 0 : i32
      %dma_wait3A_1334 = arith.constant 0 : i32
      %dma_wait3A_1335 = arith.constant 2 : i32
      %dma_wait3A_1336 = arith.constant 1 : i32
      %dma_wait3A_1337 = arith.constant 0 : i32
      %dma_wait3A_1338 = arith.constant 2 : i32
      %dma_wait3A_1339 = tpu.memref_slice %arg11[%dma_wait3A_1337, %dma_wait3A_1338] : memref<2x4x!tpu.dma_semaphore, #tpu.memory_space<semaphore_mem>> -> memref<1x1x!tpu.dma_semaphore, #tpu.memory_space<semaphore_mem>>
      %dma_wait3A_1340 = tpu.memref_squeeze %dma_wait3A_1339 : memref<1x1x!tpu.dma_semaphore, #tpu.memory_space<semaphore_mem>> -> memref<!tpu.dma_semaphore, #tpu.memory_space<semaphore_mem>>
      %dma_wait3A_1341 = arith.constant 0 : i32
      %dma_wait3A_1342 = tpu.memref_slice %arg10[%dma_wait3A_1334, %dma_wait3A_1335, %dma_wait3A_1336, %dma_wait3A_1341] : memref<2x4x8x10000xf32, #tpu.memory_space<vmem>> -> memref<1x1x1x10000xf32, #tpu.memory_space<vmem>>
      %dma_wait3A_1343 = tpu.memref_squeeze %dma_wait3A_1342 : memref<1x1x1x10000xf32, #tpu.memory_space<vmem>> -> memref<10000xf32, #tpu.memory_space<vmem>>
      %dma_wait3A_1344 = arith.constant 0 : i32
      %dma_wait3A_1345 = tpu.memref_slice %arg7[%dma_wait3A_1333, %dma_wait3A_1344] : memref<256x10000xf32, #tpu.memory_space<any>> -> memref<1x10000xf32, #tpu.memory_space<any>>
      %dma_wait3A_1346 = tpu.memref_squeeze %dma_wait3A_1345 : memref<1x10000xf32, #tpu.memory_space<any>> -> memref<10000xf32, #tpu.memory_space<any>>
      tpu.wait_dma2 semaphore(%dma_wait3A_1340 : memref<!tpu.dma_semaphore, #tpu.memory_space<semaphore_mem>>) src(%dma_wait3A_1346 : memref<10000xf32, #tpu.memory_space<any>>) dst(%dma_wait3A_1343 : memref<10000xf32, #tpu.memory_space<vmem>>)
      %dma_wait3A_1347 = arith.constant 0 : i32
      %dma_wait3A_1348 = arith.constant 0 : i32
      %dma_wait3A_1349 = arith.constant 2 : i32
      %dma_wait3A_1350 = arith.constant 2 : i32
      %dma_wait3A_1351 = arith.constant 0 : i32
      %dma_wait3A_1352 = arith.constant 2 : i32
      %dma_wait3A_1353 = tpu.memref_slice %arg11[%dma_wait3A_1351, %dma_wait3A_1352] : memref<2x4x!tpu.dma_semaphore, #tpu.memory_space<semaphore_mem>> -> memref<1x1x!tpu.dma_semaphore, #tpu.memory_space<semaphore_mem>>
      %dma_wait3A_1354 = tpu.memref_squeeze %dma_wait3A_1353 : memref<1x1x!tpu.dma_semaphore, #tpu.memory_space<semaphore_mem>> -> memref<!tpu.dma_semaphore, #tpu.memory_space<semaphore_mem>>
      %dma_wait3A_1355 = arith.constant 0 : i32
      %dma_wait3A_1356 = tpu.memref_slice %arg10[%dma_wait3A_1348, %dma_wait3A_1349, %dma_wait3A_1350, %dma_wait3A_1355] : memref<2x4x8x10000xf32, #tpu.memory_space<vmem>> -> memref<1x1x1x10000xf32, #tpu.memory_space<vmem>>
      %dma_wait3A_1357 = tpu.memref_squeeze %dma_wait3A_1356 : memref<1x1x1x10000xf32, #tpu.memory_space<vmem>> -> memref<10000xf32, #tpu.memory_space<vmem>>
      %dma_wait3A_1358 = arith.constant 0 : i32
      %dma_wait3A_1359 = tpu.memref_slice %arg7[%dma_wait3A_1347, %dma_wait3A_1358] : memref<256x10000xf32, #tpu.memory_space<any>> -> memref<1x10000xf32, #tpu.memory_space<any>>
      %dma_wait3A_1360 = tpu.memref_squeeze %dma_wait3A_1359 : memref<1x10000xf32, #tpu.memory_space<any>> -> memref<10000xf32, #tpu.memory_space<any>>
      tpu.wait_dma2 semaphore(%dma_wait3A_1354 : memref<!tpu.dma_semaphore, #tpu.memory_space<semaphore_mem>>) src(%dma_wait3A_1360 : memref<10000xf32, #tpu.memory_space<any>>) dst(%dma_wait3A_1357 : memref<10000xf32, #tpu.memory_space<vmem>>)
      %dma_wait3A_1361 = arith.constant 0 : i32
      %dma_wait3A_1362 = arith.constant 0 : i32
      %dma_wait3A_1363 = arith.constant 2 : i32
      %dma_wait3A_1364 = arith.constant 3 : i32
      %dma_wait3A_1365 = arith.constant 0 : i32
      %dma_wait3A_1366 = arith.constant 2 : i32
      %dma_wait3A_1367 = tpu.memref_slice %arg11[%dma_wait3A_1365, %dma_wait3A_1366] : memref<2x4x!tpu.dma_semaphore, #tpu.memory_space<semaphore_mem>> -> memref<1x1x!tpu.dma_semaphore, #tpu.memory_space<semaphore_mem>>
      %dma_wait3A_1368 = tpu.memref_squeeze %dma_wait3A_1367 : memref<1x1x!tpu.dma_semaphore, #tpu.memory_space<semaphore_mem>> -> memref<!tpu.dma_semaphore, #tpu.memory_space<semaphore_mem>>
      %dma_wait3A_1369 = arith.constant 0 : i32
      %dma_wait3A_1370 = tpu.memref_slice %arg10[%dma_wait3A_1362, %dma_wait3A_1363, %dma_wait3A_1364, %dma_wait3A_1369] : memref<2x4x8x10000xf32, #tpu.memory_space<vmem>> -> memref<1x1x1x10000xf32, #tpu.memory_space<vmem>>
      %dma_wait3A_1371 = tpu.memref_squeeze %dma_wait3A_1370 : memref<1x1x1x10000xf32, #tpu.memory_space<vmem>> -> memref<10000xf32, #tpu.memory_space<vmem>>
      %dma_wait3A_1372 = arith.constant 0 : i32
      %dma_wait3A_1373 = tpu.memref_slice %arg7[%dma_wait3A_1361, %dma_wait3A_1372] : memref<256x10000xf32, #tpu.memory_space<any>> -> memref<1x10000xf32, #tpu.memory_space<any>>
      %dma_wait3A_1374 = tpu.memref_squeeze %dma_wait3A_1373 : memref<1x10000xf32, #tpu.memory_space<any>> -> memref<10000xf32, #tpu.memory_space<any>>
      tpu.wait_dma2 semaphore(%dma_wait3A_1368 : memref<!tpu.dma_semaphore, #tpu.memory_space<semaphore_mem>>) src(%dma_wait3A_1374 : memref<10000xf32, #tpu.memory_space<any>>) dst(%dma_wait3A_1371 : memref<10000xf32, #tpu.memory_space<vmem>>)
      %dma_wait3A_1375 = arith.constant 0 : i32
      %dma_wait3A_1376 = arith.constant 0 : i32
      %dma_wait3A_1377 = arith.constant 2 : i32
      %dma_wait3A_1378 = arith.constant 4 : i32
      %dma_wait3A_1379 = arith.constant 0 : i32
      %dma_wait3A_1380 = arith.constant 2 : i32
      %dma_wait3A_1381 = tpu.memref_slice %arg11[%dma_wait3A_1379, %dma_wait3A_1380] : memref<2x4x!tpu.dma_semaphore, #tpu.memory_space<semaphore_mem>> -> memref<1x1x!tpu.dma_semaphore, #tpu.memory_space<semaphore_mem>>
      %dma_wait3A_1382 = tpu.memref_squeeze %dma_wait3A_1381 : memref<1x1x!tpu.dma_semaphore, #tpu.memory_space<semaphore_mem>> -> memref<!tpu.dma_semaphore, #tpu.memory_space<semaphore_mem>>
      %dma_wait3A_1383 = arith.constant 0 : i32
      %dma_wait3A_1384 = tpu.memref_slice %arg10[%dma_wait3A_1376, %dma_wait3A_1377, %dma_wait3A_1378, %dma_wait3A_1383] : memref<2x4x8x10000xf32, #tpu.memory_space<vmem>> -> memref<1x1x1x10000xf32, #tpu.memory_space<vmem>>
      %dma_wait3A_1385 = tpu.memref_squeeze %dma_wait3A_1384 : memref<1x1x1x10000xf32, #tpu.memory_space<vmem>> -> memref<10000xf32, #tpu.memory_space<vmem>>
      %dma_wait3A_1386 = arith.constant 0 : i32
      %dma_wait3A_1387 = tpu.memref_slice %arg7[%dma_wait3A_1375, %dma_wait3A_1386] : memref<256x10000xf32, #tpu.memory_space<any>> -> memref<1x10000xf32, #tpu.memory_space<any>>
      %dma_wait3A_1388 = tpu.memref_squeeze %dma_wait3A_1387 : memref<1x10000xf32, #tpu.memory_space<any>> -> memref<10000xf32, #tpu.memory_space<any>>
      tpu.wait_dma2 semaphore(%dma_wait3A_1382 : memref<!tpu.dma_semaphore, #tpu.memory_space<semaphore_mem>>) src(%dma_wait3A_1388 : memref<10000xf32, #tpu.memory_space<any>>) dst(%dma_wait3A_1385 : memref<10000xf32, #tpu.memory_space<vmem>>)
      %dma_wait3A_1389 = arith.constant 0 : i32
      %dma_wait3A_1390 = arith.constant 0 : i32
      %dma_wait3A_1391 = arith.constant 2 : i32
      %dma_wait3A_1392 = arith.constant 5 : i32
      %dma_wait3A_1393 = arith.constant 0 : i32
      %dma_wait3A_1394 = arith.constant 2 : i32
      %dma_wait3A_1395 = tpu.memref_slice %arg11[%dma_wait3A_1393, %dma_wait3A_1394] : memref<2x4x!tpu.dma_semaphore, #tpu.memory_space<semaphore_mem>> -> memref<1x1x!tpu.dma_semaphore, #tpu.memory_space<semaphore_mem>>
      %dma_wait3A_1396 = tpu.memref_squeeze %dma_wait3A_1395 : memref<1x1x!tpu.dma_semaphore, #tpu.memory_space<semaphore_mem>> -> memref<!tpu.dma_semaphore, #tpu.memory_space<semaphore_mem>>
      %dma_wait3A_1397 = arith.constant 0 : i32
      %dma_wait3A_1398 = tpu.memref_slice %arg10[%dma_wait3A_1390, %dma_wait3A_1391, %dma_wait3A_1392, %dma_wait3A_1397] : memref<2x4x8x10000xf32, #tpu.memory_space<vmem>> -> memref<1x1x1x10000xf32, #tpu.memory_space<vmem>>
      %dma_wait3A_1399 = tpu.memref_squeeze %dma_wait3A_1398 : memref<1x1x1x10000xf32, #tpu.memory_space<vmem>> -> memref<10000xf32, #tpu.memory_space<vmem>>
      %dma_wait3A_1400 = arith.constant 0 : i32
      %dma_wait3A_1401 = tpu.memref_slice %arg7[%dma_wait3A_1389, %dma_wait3A_1400] : memref<256x10000xf32, #tpu.memory_space<any>> -> memref<1x10000xf32, #tpu.memory_space<any>>
      %dma_wait3A_1402 = tpu.memref_squeeze %dma_wait3A_1401 : memref<1x10000xf32, #tpu.memory_space<any>> -> memref<10000xf32, #tpu.memory_space<any>>
      tpu.wait_dma2 semaphore(%dma_wait3A_1396 : memref<!tpu.dma_semaphore, #tpu.memory_space<semaphore_mem>>) src(%dma_wait3A_1402 : memref<10000xf32, #tpu.memory_space<any>>) dst(%dma_wait3A_1399 : memref<10000xf32, #tpu.memory_space<vmem>>)
      %dma_wait3A_1403 = arith.constant 0 : i32
      %dma_wait3A_1404 = arith.constant 0 : i32
      %dma_wait3A_1405 = arith.constant 2 : i32
      %dma_wait3A_1406 = arith.constant 6 : i32
      %dma_wait3A_1407 = arith.constant 0 : i32
      %dma_wait3A_1408 = arith.constant 2 : i32
      %dma_wait3A_1409 = tpu.memref_slice %arg11[%dma_wait3A_1407, %dma_wait3A_1408] : memref<2x4x!tpu.dma_semaphore, #tpu.memory_space<semaphore_mem>> -> memref<1x1x!tpu.dma_semaphore, #tpu.memory_space<semaphore_mem>>
      %dma_wait3A_1410 = tpu.memref_squeeze %dma_wait3A_1409 : memref<1x1x!tpu.dma_semaphore, #tpu.memory_space<semaphore_mem>> -> memref<!tpu.dma_semaphore, #tpu.memory_space<semaphore_mem>>
      %dma_wait3A_1411 = arith.constant 0 : i32
      %dma_wait3A_1412 = tpu.memref_slice %arg10[%dma_wait3A_1404, %dma_wait3A_1405, %dma_wait3A_1406, %dma_wait3A_1411] : memref<2x4x8x10000xf32, #tpu.memory_space<vmem>> -> memref<1x1x1x10000xf32, #tpu.memory_space<vmem>>
      %dma_wait3A_1413 = tpu.memref_squeeze %dma_wait3A_1412 : memref<1x1x1x10000xf32, #tpu.memory_space<vmem>> -> memref<10000xf32, #tpu.memory_space<vmem>>
      %dma_wait3A_1414 = arith.constant 0 : i32
      %dma_wait3A_1415 = tpu.memref_slice %arg7[%dma_wait3A_1403, %dma_wait3A_1414] : memref<256x10000xf32, #tpu.memory_space<any>> -> memref<1x10000xf32, #tpu.memory_space<any>>
      %dma_wait3A_1416 = tpu.memref_squeeze %dma_wait3A_1415 : memref<1x10000xf32, #tpu.memory_space<any>> -> memref<10000xf32, #tpu.memory_space<any>>
      tpu.wait_dma2 semaphore(%dma_wait3A_1410 : memref<!tpu.dma_semaphore, #tpu.memory_space<semaphore_mem>>) src(%dma_wait3A_1416 : memref<10000xf32, #tpu.memory_space<any>>) dst(%dma_wait3A_1413 : memref<10000xf32, #tpu.memory_space<vmem>>)
      %dma_wait3A_1417 = arith.constant 0 : i32
      %dma_wait3A_1418 = arith.constant 0 : i32
      %dma_wait3A_1419 = arith.constant 2 : i32
      %dma_wait3A_1420 = arith.constant 7 : i32
      %dma_wait3A_1421 = arith.constant 0 : i32
      %dma_wait3A_1422 = arith.constant 2 : i32
      %dma_wait3A_1423 = tpu.memref_slice %arg11[%dma_wait3A_1421, %dma_wait3A_1422] : memref<2x4x!tpu.dma_semaphore, #tpu.memory_space<semaphore_mem>> -> memref<1x1x!tpu.dma_semaphore, #tpu.memory_space<semaphore_mem>>
      %dma_wait3A_1424 = tpu.memref_squeeze %dma_wait3A_1423 : memref<1x1x!tpu.dma_semaphore, #tpu.memory_space<semaphore_mem>> -> memref<!tpu.dma_semaphore, #tpu.memory_space<semaphore_mem>>
      %dma_wait3A_1425 = arith.constant 0 : i32
      %dma_wait3A_1426 = tpu.memref_slice %arg10[%dma_wait3A_1418, %dma_wait3A_1419, %dma_wait3A_1420, %dma_wait3A_1425] : memref<2x4x8x10000xf32, #tpu.memory_space<vmem>> -> memref<1x1x1x10000xf32, #tpu.memory_space<vmem>>
      %dma_wait3A_1427 = tpu.memref_squeeze %dma_wait3A_1426 : memref<1x1x1x10000xf32, #tpu.memory_space<vmem>> -> memref<10000xf32, #tpu.memory_space<vmem>>
      %dma_wait3A_1428 = arith.constant 0 : i32
      %dma_wait3A_1429 = tpu.memref_slice %arg7[%dma_wait3A_1417, %dma_wait3A_1428] : memref<256x10000xf32, #tpu.memory_space<any>> -> memref<1x10000xf32, #tpu.memory_space<any>>
      %dma_wait3A_1430 = tpu.memref_squeeze %dma_wait3A_1429 : memref<1x10000xf32, #tpu.memory_space<any>> -> memref<10000xf32, #tpu.memory_space<any>>
      tpu.wait_dma2 semaphore(%dma_wait3A_1424 : memref<!tpu.dma_semaphore, #tpu.memory_space<semaphore_mem>>) src(%dma_wait3A_1430 : memref<10000xf32, #tpu.memory_space<any>>) dst(%dma_wait3A_1427 : memref<10000xf32, #tpu.memory_space<vmem>>)
      %dma_wait3A_1431 = arith.constant 0 : i32
      %dma_wait3A_1432 = arith.constant 0 : i32
      %dma_wait3A_1433 = arith.constant 3 : i32
      %dma_wait3A_1434 = arith.constant 0 : i32
      %dma_wait3A_1435 = arith.constant 0 : i32
      %dma_wait3A_1436 = arith.constant 3 : i32
      %dma_wait3A_1437 = tpu.memref_slice %arg11[%dma_wait3A_1435, %dma_wait3A_1436] : memref<2x4x!tpu.dma_semaphore, #tpu.memory_space<semaphore_mem>> -> memref<1x1x!tpu.dma_semaphore, #tpu.memory_space<semaphore_mem>>
      %dma_wait3A_1438 = tpu.memref_squeeze %dma_wait3A_1437 : memref<1x1x!tpu.dma_semaphore, #tpu.memory_space<semaphore_mem>> -> memref<!tpu.dma_semaphore, #tpu.memory_space<semaphore_mem>>
      %dma_wait3A_1439 = arith.constant 0 : i32
      %dma_wait3A_1440 = tpu.memref_slice %arg10[%dma_wait3A_1432, %dma_wait3A_1433, %dma_wait3A_1434, %dma_wait3A_1439] : memref<2x4x8x10000xf32, #tpu.memory_space<vmem>> -> memref<1x1x1x10000xf32, #tpu.memory_space<vmem>>
      %dma_wait3A_1441 = tpu.memref_squeeze %dma_wait3A_1440 : memref<1x1x1x10000xf32, #tpu.memory_space<vmem>> -> memref<10000xf32, #tpu.memory_space<vmem>>
      %dma_wait3A_1442 = arith.constant 0 : i32
      %dma_wait3A_1443 = tpu.memref_slice %arg8[%dma_wait3A_1431, %dma_wait3A_1442] : memref<256x10000xf32, #tpu.memory_space<any>> -> memref<1x10000xf32, #tpu.memory_space<any>>
      %dma_wait3A_1444 = tpu.memref_squeeze %dma_wait3A_1443 : memref<1x10000xf32, #tpu.memory_space<any>> -> memref<10000xf32, #tpu.memory_space<any>>
      tpu.wait_dma2 semaphore(%dma_wait3A_1438 : memref<!tpu.dma_semaphore, #tpu.memory_space<semaphore_mem>>) src(%dma_wait3A_1444 : memref<10000xf32, #tpu.memory_space<any>>) dst(%dma_wait3A_1441 : memref<10000xf32, #tpu.memory_space<vmem>>)
      %dma_wait3A_1445 = arith.constant 0 : i32
      %dma_wait3A_1446 = arith.constant 0 : i32
      %dma_wait3A_1447 = arith.constant 3 : i32
      %dma_wait3A_1448 = arith.constant 1 : i32
      %dma_wait3A_1449 = arith.constant 0 : i32
      %dma_wait3A_1450 = arith.constant 3 : i32
      %dma_wait3A_1451 = tpu.memref_slice %arg11[%dma_wait3A_1449, %dma_wait3A_1450] : memref<2x4x!tpu.dma_semaphore, #tpu.memory_space<semaphore_mem>> -> memref<1x1x!tpu.dma_semaphore, #tpu.memory_space<semaphore_mem>>
      %dma_wait3A_1452 = tpu.memref_squeeze %dma_wait3A_1451 : memref<1x1x!tpu.dma_semaphore, #tpu.memory_space<semaphore_mem>> -> memref<!tpu.dma_semaphore, #tpu.memory_space<semaphore_mem>>
      %dma_wait3A_1453 = arith.constant 0 : i32
      %dma_wait3A_1454 = tpu.memref_slice %arg10[%dma_wait3A_1446, %dma_wait3A_1447, %dma_wait3A_1448, %dma_wait3A_1453] : memref<2x4x8x10000xf32, #tpu.memory_space<vmem>> -> memref<1x1x1x10000xf32, #tpu.memory_space<vmem>>
      %dma_wait3A_1455 = tpu.memref_squeeze %dma_wait3A_1454 : memref<1x1x1x10000xf32, #tpu.memory_space<vmem>> -> memref<10000xf32, #tpu.memory_space<vmem>>
      %dma_wait3A_1456 = arith.constant 0 : i32
      %dma_wait3A_1457 = tpu.memref_slice %arg8[%dma_wait3A_1445, %dma_wait3A_1456] : memref<256x10000xf32, #tpu.memory_space<any>> -> memref<1x10000xf32, #tpu.memory_space<any>>
      %dma_wait3A_1458 = tpu.memref_squeeze %dma_wait3A_1457 : memref<1x10000xf32, #tpu.memory_space<any>> -> memref<10000xf32, #tpu.memory_space<any>>
      tpu.wait_dma2 semaphore(%dma_wait3A_1452 : memref<!tpu.dma_semaphore, #tpu.memory_space<semaphore_mem>>) src(%dma_wait3A_1458 : memref<10000xf32, #tpu.memory_space<any>>) dst(%dma_wait3A_1455 : memref<10000xf32, #tpu.memory_space<vmem>>)
      %dma_wait3A_1459 = arith.constant 0 : i32
      %dma_wait3A_1460 = arith.constant 0 : i32
      %dma_wait3A_1461 = arith.constant 3 : i32
      %dma_wait3A_1462 = arith.constant 2 : i32
      %dma_wait3A_1463 = arith.constant 0 : i32
      %dma_wait3A_1464 = arith.constant 3 : i32
      %dma_wait3A_1465 = tpu.memref_slice %arg11[%dma_wait3A_1463, %dma_wait3A_1464] : memref<2x4x!tpu.dma_semaphore, #tpu.memory_space<semaphore_mem>> -> memref<1x1x!tpu.dma_semaphore, #tpu.memory_space<semaphore_mem>>
      %dma_wait3A_1466 = tpu.memref_squeeze %dma_wait3A_1465 : memref<1x1x!tpu.dma_semaphore, #tpu.memory_space<semaphore_mem>> -> memref<!tpu.dma_semaphore, #tpu.memory_space<semaphore_mem>>
      %dma_wait3A_1467 = arith.constant 0 : i32
      %dma_wait3A_1468 = tpu.memref_slice %arg10[%dma_wait3A_1460, %dma_wait3A_1461, %dma_wait3A_1462, %dma_wait3A_1467] : memref<2x4x8x10000xf32, #tpu.memory_space<vmem>> -> memref<1x1x1x10000xf32, #tpu.memory_space<vmem>>
      %dma_wait3A_1469 = tpu.memref_squeeze %dma_wait3A_1468 : memref<1x1x1x10000xf32, #tpu.memory_space<vmem>> -> memref<10000xf32, #tpu.memory_space<vmem>>
      %dma_wait3A_1470 = arith.constant 0 : i32
      %dma_wait3A_1471 = tpu.memref_slice %arg8[%dma_wait3A_1459, %dma_wait3A_1470] : memref<256x10000xf32, #tpu.memory_space<any>> -> memref<1x10000xf32, #tpu.memory_space<any>>
      %dma_wait3A_1472 = tpu.memref_squeeze %dma_wait3A_1471 : memref<1x10000xf32, #tpu.memory_space<any>> -> memref<10000xf32, #tpu.memory_space<any>>
      tpu.wait_dma2 semaphore(%dma_wait3A_1466 : memref<!tpu.dma_semaphore, #tpu.memory_space<semaphore_mem>>) src(%dma_wait3A_1472 : memref<10000xf32, #tpu.memory_space<any>>) dst(%dma_wait3A_1469 : memref<10000xf32, #tpu.memory_space<vmem>>)
      %dma_wait3A_1473 = arith.constant 0 : i32
      %dma_wait3A_1474 = arith.constant 0 : i32
      %dma_wait3A_1475 = arith.constant 3 : i32
      %dma_wait3A_1476 = arith.constant 3 : i32
      %dma_wait3A_1477 = arith.constant 0 : i32
      %dma_wait3A_1478 = arith.constant 3 : i32
      %dma_wait3A_1479 = tpu.memref_slice %arg11[%dma_wait3A_1477, %dma_wait3A_1478] : memref<2x4x!tpu.dma_semaphore, #tpu.memory_space<semaphore_mem>> -> memref<1x1x!tpu.dma_semaphore, #tpu.memory_space<semaphore_mem>>
      %dma_wait3A_1480 = tpu.memref_squeeze %dma_wait3A_1479 : memref<1x1x!tpu.dma_semaphore, #tpu.memory_space<semaphore_mem>> -> memref<!tpu.dma_semaphore, #tpu.memory_space<semaphore_mem>>
      %dma_wait3A_1481 = arith.constant 0 : i32
      %dma_wait3A_1482 = tpu.memref_slice %arg10[%dma_wait3A_1474, %dma_wait3A_1475, %dma_wait3A_1476, %dma_wait3A_1481] : memref<2x4x8x10000xf32, #tpu.memory_space<vmem>> -> memref<1x1x1x10000xf32, #tpu.memory_space<vmem>>
      %dma_wait3A_1483 = tpu.memref_squeeze %dma_wait3A_1482 : memref<1x1x1x10000xf32, #tpu.memory_space<vmem>> -> memref<10000xf32, #tpu.memory_space<vmem>>
      %dma_wait3A_1484 = arith.constant 0 : i32
      %dma_wait3A_1485 = tpu.memref_slice %arg8[%dma_wait3A_1473, %dma_wait3A_1484] : memref<256x10000xf32, #tpu.memory_space<any>> -> memref<1x10000xf32, #tpu.memory_space<any>>
      %dma_wait3A_1486 = tpu.memref_squeeze %dma_wait3A_1485 : memref<1x10000xf32, #tpu.memory_space<any>> -> memref<10000xf32, #tpu.memory_space<any>>
      tpu.wait_dma2 semaphore(%dma_wait3A_1480 : memref<!tpu.dma_semaphore, #tpu.memory_space<semaphore_mem>>) src(%dma_wait3A_1486 : memref<10000xf32, #tpu.memory_space<any>>) dst(%dma_wait3A_1483 : memref<10000xf32, #tpu.memory_space<vmem>>)
      %dma_wait3A_1487 = arith.constant 0 : i32
      %dma_wait3A_1488 = arith.constant 0 : i32
      %dma_wait3A_1489 = arith.constant 3 : i32
      %dma_wait3A_1490 = arith.constant 4 : i32
      %dma_wait3A_1491 = arith.constant 0 : i32
      %dma_wait3A_1492 = arith.constant 3 : i32
      %dma_wait3A_1493 = tpu.memref_slice %arg11[%dma_wait3A_1491, %dma_wait3A_1492] : memref<2x4x!tpu.dma_semaphore, #tpu.memory_space<semaphore_mem>> -> memref<1x1x!tpu.dma_semaphore, #tpu.memory_space<semaphore_mem>>
      %dma_wait3A_1494 = tpu.memref_squeeze %dma_wait3A_1493 : memref<1x1x!tpu.dma_semaphore, #tpu.memory_space<semaphore_mem>> -> memref<!tpu.dma_semaphore, #tpu.memory_space<semaphore_mem>>
      %dma_wait3A_1495 = arith.constant 0 : i32
      %dma_wait3A_1496 = tpu.memref_slice %arg10[%dma_wait3A_1488, %dma_wait3A_1489, %dma_wait3A_1490, %dma_wait3A_1495] : memref<2x4x8x10000xf32, #tpu.memory_space<vmem>> -> memref<1x1x1x10000xf32, #tpu.memory_space<vmem>>
      %dma_wait3A_1497 = tpu.memref_squeeze %dma_wait3A_1496 : memref<1x1x1x10000xf32, #tpu.memory_space<vmem>> -> memref<10000xf32, #tpu.memory_space<vmem>>
      %dma_wait3A_1498 = arith.constant 0 : i32
      %dma_wait3A_1499 = tpu.memref_slice %arg8[%dma_wait3A_1487, %dma_wait3A_1498] : memref<256x10000xf32, #tpu.memory_space<any>> -> memref<1x10000xf32, #tpu.memory_space<any>>
      %dma_wait3A_1500 = tpu.memref_squeeze %dma_wait3A_1499 : memref<1x10000xf32, #tpu.memory_space<any>> -> memref<10000xf32, #tpu.memory_space<any>>
      tpu.wait_dma2 semaphore(%dma_wait3A_1494 : memref<!tpu.dma_semaphore, #tpu.memory_space<semaphore_mem>>) src(%dma_wait3A_1500 : memref<10000xf32, #tpu.memory_space<any>>) dst(%dma_wait3A_1497 : memref<10000xf32, #tpu.memory_space<vmem>>)
      %dma_wait3A_1501 = arith.constant 0 : i32
      %dma_wait3A_1502 = arith.constant 0 : i32
      %dma_wait3A_1503 = arith.constant 3 : i32
      %dma_wait3A_1504 = arith.constant 5 : i32
      %dma_wait3A_1505 = arith.constant 0 : i32
      %dma_wait3A_1506 = arith.constant 3 : i32
      %dma_wait3A_1507 = tpu.memref_slice %arg11[%dma_wait3A_1505, %dma_wait3A_1506] : memref<2x4x!tpu.dma_semaphore, #tpu.memory_space<semaphore_mem>> -> memref<1x1x!tpu.dma_semaphore, #tpu.memory_space<semaphore_mem>>
      %dma_wait3A_1508 = tpu.memref_squeeze %dma_wait3A_1507 : memref<1x1x!tpu.dma_semaphore, #tpu.memory_space<semaphore_mem>> -> memref<!tpu.dma_semaphore, #tpu.memory_space<semaphore_mem>>
      %dma_wait3A_1509 = arith.constant 0 : i32
      %dma_wait3A_1510 = tpu.memref_slice %arg10[%dma_wait3A_1502, %dma_wait3A_1503, %dma_wait3A_1504, %dma_wait3A_1509] : memref<2x4x8x10000xf32, #tpu.memory_space<vmem>> -> memref<1x1x1x10000xf32, #tpu.memory_space<vmem>>
      %dma_wait3A_1511 = tpu.memref_squeeze %dma_wait3A_1510 : memref<1x1x1x10000xf32, #tpu.memory_space<vmem>> -> memref<10000xf32, #tpu.memory_space<vmem>>
      %dma_wait3A_1512 = arith.constant 0 : i32
      %dma_wait3A_1513 = tpu.memref_slice %arg8[%dma_wait3A_1501, %dma_wait3A_1512] : memref<256x10000xf32, #tpu.memory_space<any>> -> memref<1x10000xf32, #tpu.memory_space<any>>
      %dma_wait3A_1514 = tpu.memref_squeeze %dma_wait3A_1513 : memref<1x10000xf32, #tpu.memory_space<any>> -> memref<10000xf32, #tpu.memory_space<any>>
      tpu.wait_dma2 semaphore(%dma_wait3A_1508 : memref<!tpu.dma_semaphore, #tpu.memory_space<semaphore_mem>>) src(%dma_wait3A_1514 : memref<10000xf32, #tpu.memory_space<any>>) dst(%dma_wait3A_1511 : memref<10000xf32, #tpu.memory_space<vmem>>)
      %dma_wait3A_1515 = arith.constant 0 : i32
      %dma_wait3A_1516 = arith.constant 0 : i32
      %dma_wait3A_1517 = arith.constant 3 : i32
      %dma_wait3A_1518 = arith.constant 6 : i32
      %dma_wait3A_1519 = arith.constant 0 : i32
      %dma_wait3A_1520 = arith.constant 3 : i32
      %dma_wait3A_1521 = tpu.memref_slice %arg11[%dma_wait3A_1519, %dma_wait3A_1520] : memref<2x4x!tpu.dma_semaphore, #tpu.memory_space<semaphore_mem>> -> memref<1x1x!tpu.dma_semaphore, #tpu.memory_space<semaphore_mem>>
      %dma_wait3A_1522 = tpu.memref_squeeze %dma_wait3A_1521 : memref<1x1x!tpu.dma_semaphore, #tpu.memory_space<semaphore_mem>> -> memref<!tpu.dma_semaphore, #tpu.memory_space<semaphore_mem>>
      %dma_wait3A_1523 = arith.constant 0 : i32
      %dma_wait3A_1524 = tpu.memref_slice %arg10[%dma_wait3A_1516, %dma_wait3A_1517, %dma_wait3A_1518, %dma_wait3A_1523] : memref<2x4x8x10000xf32, #tpu.memory_space<vmem>> -> memref<1x1x1x10000xf32, #tpu.memory_space<vmem>>
      %dma_wait3A_1525 = tpu.memref_squeeze %dma_wait3A_1524 : memref<1x1x1x10000xf32, #tpu.memory_space<vmem>> -> memref<10000xf32, #tpu.memory_space<vmem>>
      %dma_wait3A_1526 = arith.constant 0 : i32
      %dma_wait3A_1527 = tpu.memref_slice %arg8[%dma_wait3A_1515, %dma_wait3A_1526] : memref<256x10000xf32, #tpu.memory_space<any>> -> memref<1x10000xf32, #tpu.memory_space<any>>
      %dma_wait3A_1528 = tpu.memref_squeeze %dma_wait3A_1527 : memref<1x10000xf32, #tpu.memory_space<any>> -> memref<10000xf32, #tpu.memory_space<any>>
      tpu.wait_dma2 semaphore(%dma_wait3A_1522 : memref<!tpu.dma_semaphore, #tpu.memory_space<semaphore_mem>>) src(%dma_wait3A_1528 : memref<10000xf32, #tpu.memory_space<any>>) dst(%dma_wait3A_1525 : memref<10000xf32, #tpu.memory_space<vmem>>)
      %dma_wait3A_1529 = arith.constant 0 : i32
      %dma_wait3A_1530 = arith.constant 0 : i32
      %dma_wait3A_1531 = arith.constant 3 : i32
      %dma_wait3A_1532 = arith.constant 7 : i32
      %dma_wait3A_1533 = arith.constant 0 : i32
      %dma_wait3A_1534 = arith.constant 3 : i32
      %dma_wait3A_1535 = tpu.memref_slice %arg11[%dma_wait3A_1533, %dma_wait3A_1534] : memref<2x4x!tpu.dma_semaphore, #tpu.memory_space<semaphore_mem>> -> memref<1x1x!tpu.dma_semaphore, #tpu.memory_space<semaphore_mem>>
      %dma_wait3A_1536 = tpu.memref_squeeze %dma_wait3A_1535 : memref<1x1x!tpu.dma_semaphore, #tpu.memory_space<semaphore_mem>> -> memref<!tpu.dma_semaphore, #tpu.memory_space<semaphore_mem>>
      %dma_wait3A_1537 = arith.constant 0 : i32
      %dma_wait3A_1538 = tpu.memref_slice %arg10[%dma_wait3A_1530, %dma_wait3A_1531, %dma_wait3A_1532, %dma_wait3A_1537] : memref<2x4x8x10000xf32, #tpu.memory_space<vmem>> -> memref<1x1x1x10000xf32, #tpu.memory_space<vmem>>
      %dma_wait3A_1539 = tpu.memref_squeeze %dma_wait3A_1538 : memref<1x1x1x10000xf32, #tpu.memory_space<vmem>> -> memref<10000xf32, #tpu.memory_space<vmem>>
      %dma_wait3A_1540 = arith.constant 0 : i32
      %dma_wait3A_1541 = tpu.memref_slice %arg8[%dma_wait3A_1529, %dma_wait3A_1540] : memref<256x10000xf32, #tpu.memory_space<any>> -> memref<1x10000xf32, #tpu.memory_space<any>>
      %dma_wait3A_1542 = tpu.memref_squeeze %dma_wait3A_1541 : memref<1x10000xf32, #tpu.memory_space<any>> -> memref<10000xf32, #tpu.memory_space<any>>
      tpu.wait_dma2 semaphore(%dma_wait3A_1536 : memref<!tpu.dma_semaphore, #tpu.memory_space<semaphore_mem>>) src(%dma_wait3A_1542 : memref<10000xf32, #tpu.memory_space<any>>) dst(%dma_wait3A_1539 : memref<10000xf32, #tpu.memory_space<vmem>>)
      %get3A_1543 = arith.constant 0 : index
      %get3A_1544 = arith.constant 0 : index
      %get3A_1545 = arith.constant 0 : index
      %get3A_1546 = arith.constant 0 : index
      %get3A_1547 = vector.load %arg10[%get3A_1543, %get3A_1544, %get3A_1545, %get3A_1546] : memref<2x4x8x10000xf32, #tpu.memory_space<vmem>>, vector<1x1x8x10000xf32>
      %get3A_1548 = vector.shape_cast %get3A_1547 : vector<1x1x8x10000xf32> to vector<8x10000xf32>
      %get3A_1549 = arith.constant 0 : index
      %get3A_1550 = arith.constant 1 : index
      %get3A_1551 = arith.constant 0 : index
      %get3A_1552 = arith.constant 0 : index
      %get3A_1553 = vector.load %arg10[%get3A_1549, %get3A_1550, %get3A_1551, %get3A_1552] : memref<2x4x8x10000xf32, #tpu.memory_space<vmem>>, vector<1x1x8x10000xf32>
      %get3A_1554 = vector.shape_cast %get3A_1553 : vector<1x1x8x10000xf32> to vector<8x10000xf32>
      %mul3A_1555 = arith.mulf %get3A_1548, %get3A_1554 : vector<8x10000xf32>
      %get3A_1556 = arith.constant 0 : index
      %get3A_1557 = arith.constant 2 : index
      %get3A_1558 = arith.constant 0 : index
      %get3A_1559 = arith.constant 0 : index
      %get3A_1560 = vector.load %arg10[%get3A_1556, %get3A_1557, %get3A_1558, %get3A_1559] : memref<2x4x8x10000xf32, #tpu.memory_space<vmem>>, vector<1x1x8x10000xf32>
      %get3A_1561 = vector.shape_cast %get3A_1560 : vector<1x1x8x10000xf32> to vector<8x10000xf32>
      %get3A_1562 = arith.constant 0 : index
      %get3A_1563 = arith.constant 3 : index
      %get3A_1564 = arith.constant 0 : index
      %get3A_1565 = arith.constant 0 : index
      %get3A_1566 = vector.load %arg10[%get3A_1562, %get3A_1563, %get3A_1564, %get3A_1565] : memref<2x4x8x10000xf32, #tpu.memory_space<vmem>>, vector<1x1x8x10000xf32>
      %get3A_1567 = vector.shape_cast %get3A_1566 : vector<1x1x8x10000xf32> to vector<8x10000xf32>
      %mul3A_1568 = arith.mulf %get3A_1561, %get3A_1567 : vector<8x10000xf32>
      %mul3A_1569 = arith.mulf %mul3A_1555, %mul3A_1568 : vector<8x10000xf32>
      %get3A_1570 = arith.constant 0 : index
      %get3A_1571 = arith.constant 0 : index
      %get3A_1572 = vector.load %arg9[%get3A_1570, %get3A_1571] : memref<8x10000xf32, #tpu.memory_space<vmem>>, vector<8x10000xf32>
      %add3A_1573 = arith.addf %get3A_1572, %mul3A_1569 : vector<8x10000xf32>
      %swap3A_1574 = arith.constant 0 : index
      %swap3A_1575 = arith.constant 0 : index
      %swap3A_1576 = vector.load %arg9[%swap3A_1574, %swap3A_1575] : memref<8x10000xf32, #tpu.memory_space<vmem>>, vector<8x10000xf32>
      tpu.vector_store %arg9[%swap3A_1574, %swap3A_1575], %add3A_1573 {strides = array<i32>} : memref<8x10000xf32, #tpu.memory_space<vmem>>, vector<8x10000xf32>,
      %lt3A = arith.constant 31 : i32
      %lt3A_1577 = arith.cmpi slt, %scan3A_485, %lt3A : i32
      %convert_element_type3A = arith.extui %lt3A_1577 : i1 to i32
      %cond3A = arith.constant 0 : i32
      %cond3A_1578 = arith.cmpi ne, %convert_element_type3A, %cond3A : i32
      scf.if %cond3A_1578 {
        %add3A_2061 = arith.constant 2 : i32
        %add3A_2062 = arith.addi %mul3A_486, %add3A_2061 : i32
        %mul3A_2063 = arith.constant 8 : i32
        %mul3A_2064 = arith.muli %add3A_2062, %mul3A_2063 : i32
        %add3A_2065 = arith.constant 0 : i32
        %add3A_2066 = arith.addi %mul3A_2064, %add3A_2065 : i32
        %get3A_2067 = arith.index_cast %add3A_2066 : i32 to index
        %get3A_2068 = memref.load %arg1[%get3A_2067] : memref<512xi32, #tpu.memory_space<smem>>
        %dma_start3A_2069 = arith.constant 0 : i32
        %dma_start3A_2070 = arith.constant 0 : i32
        %dma_start3A_2071 = arith.constant 0 : i32
        %dma_start3A_2072 = arith.constant 0 : i32
        %dma_start3A_2073 = arith.constant 0 : i32
        %dma_start3A_2074 = tpu.memref_slice %arg11[%dma_start3A_2072, %dma_start3A_2073] : memref<2x4x!tpu.dma_semaphore, #tpu.memory_space<semaphore_mem>> -> memref<1x1x!tpu.dma_semaphore, #tpu.memory_space<semaphore_mem>>
        %dma_start3A_2075 = tpu.memref_squeeze %dma_start3A_2074 : memref<1x1x!tpu.dma_semaphore, #tpu.memory_space<semaphore_mem>> -> memref<!tpu.dma_semaphore, #tpu.memory_space<semaphore_mem>>
        %dma_start3A_2076 = arith.constant 0 : i32
        %dma_start3A_2077 = tpu.memref_slice %arg10[%dma_start3A_2069, %dma_start3A_2070, %dma_start3A_2071, %dma_start3A_2076] : memref<2x4x8x10000xf32, #tpu.memory_space<vmem>> -> memref<1x1x1x10000xf32, #tpu.memory_space<vmem>>
        %dma_start3A_2078 = tpu.memref_squeeze %dma_start3A_2077 : memref<1x1x1x10000xf32, #tpu.memory_space<vmem>> -> memref<10000xf32, #tpu.memory_space<vmem>>
        %dma_start3A_2079 = arith.constant 0 : i32
        %dma_start3A_2080 = tpu.memref_slice %arg5[%get3A_2068, %dma_start3A_2079] : memref<4096x10000xf32, #tpu.memory_space<any>> -> memref<1x10000xf32, #tpu.memory_space<any>>
        %dma_start3A_2081 = tpu.memref_squeeze %dma_start3A_2080 : memref<1x10000xf32, #tpu.memory_space<any>> -> memref<10000xf32, #tpu.memory_space<any>>
        tpu.enqueue_dma source(%dma_start3A_2081 : memref<10000xf32, #tpu.memory_space<any>>) target(%dma_start3A_2078 : memref<10000xf32, #tpu.memory_space<vmem>>) target_semaphore(%dma_start3A_2075 : memref<!tpu.dma_semaphore, #tpu.memory_space<semaphore_mem>>)
        %mul3A_2082 = arith.constant 8 : i32
        %mul3A_2083 = arith.muli %add3A_2062, %mul3A_2082 : i32
        %add3A_2084 = arith.constant 1 : i32
        %add3A_2085 = arith.addi %mul3A_2083, %add3A_2084 : i32
        %get3A_2086 = arith.index_cast %add3A_2085 : i32 to index
        %get3A_2087 = memref.load %arg1[%get3A_2086] : memref<512xi32, #tpu.memory_space<smem>>
        %dma_start3A_2088 = arith.constant 0 : i32
        %dma_start3A_2089 = arith.constant 0 : i32
        %dma_start3A_2090 = arith.constant 1 : i32
        %dma_start3A_2091 = arith.constant 0 : i32
        %dma_start3A_2092 = arith.constant 0 : i32
        %dma_start3A_2093 = tpu.memref_slice %arg11[%dma_start3A_2091, %dma_start3A_2092] : memref<2x4x!tpu.dma_semaphore, #tpu.memory_space<semaphore_mem>> -> memref<1x1x!tpu.dma_semaphore, #tpu.memory_space<semaphore_mem>>
        %dma_start3A_2094 = tpu.memref_squeeze %dma_start3A_2093 : memref<1x1x!tpu.dma_semaphore, #tpu.memory_space<semaphore_mem>> -> memref<!tpu.dma_semaphore, #tpu.memory_space<semaphore_mem>>
        %dma_start3A_2095 = arith.constant 0 : i32
        %dma_start3A_2096 = tpu.memref_slice %arg10[%dma_start3A_2088, %dma_start3A_2089, %dma_start3A_2090, %dma_start3A_2095] : memref<2x4x8x10000xf32, #tpu.memory_space<vmem>> -> memref<1x1x1x10000xf32, #tpu.memory_space<vmem>>
        %dma_start3A_2097 = tpu.memref_squeeze %dma_start3A_2096 : memref<1x1x1x10000xf32, #tpu.memory_space<vmem>> -> memref<10000xf32, #tpu.memory_space<vmem>>
        %dma_start3A_2098 = arith.constant 0 : i32
        %dma_start3A_2099 = tpu.memref_slice %arg5[%get3A_2087, %dma_start3A_2098] : memref<4096x10000xf32, #tpu.memory_space<any>> -> memref<1x10000xf32, #tpu.memory_space<any>>
        %dma_start3A_2100 = tpu.memref_squeeze %dma_start3A_2099 : memref<1x10000xf32, #tpu.memory_space<any>> -> memref<10000xf32, #tpu.memory_space<any>>
        tpu.enqueue_dma source(%dma_start3A_2100 : memref<10000xf32, #tpu.memory_space<any>>) target(%dma_start3A_2097 : memref<10000xf32, #tpu.memory_space<vmem>>) target_semaphore(%dma_start3A_2094 : memref<!tpu.dma_semaphore, #tpu.memory_space<semaphore_mem>>)
        %mul3A_2101 = arith.constant 8 : i32
        %mul3A_2102 = arith.muli %add3A_2062, %mul3A_2101 : i32
        %add3A_2103 = arith.constant 2 : i32
        %add3A_2104 = arith.addi %mul3A_2102, %add3A_2103 : i32
        %get3A_2105 = arith.index_cast %add3A_2104 : i32 to index
        %get3A_2106 = memref.load %arg1[%get3A_2105] : memref<512xi32, #tpu.memory_space<smem>>
        %dma_start3A_2107 = arith.constant 0 : i32
        %dma_start3A_2108 = arith.constant 0 : i32
        %dma_start3A_2109 = arith.constant 2 : i32
        %dma_start3A_2110 = arith.constant 0 : i32
        %dma_start3A_2111 = arith.constant 0 : i32
        %dma_start3A_2112 = tpu.memref_slice %arg11[%dma_start3A_2110, %dma_start3A_2111] : memref<2x4x!tpu.dma_semaphore, #tpu.memory_space<semaphore_mem>> -> memref<1x1x!tpu.dma_semaphore, #tpu.memory_space<semaphore_mem>>
        %dma_start3A_2113 = tpu.memref_squeeze %dma_start3A_2112 : memref<1x1x!tpu.dma_semaphore, #tpu.memory_space<semaphore_mem>> -> memref<!tpu.dma_semaphore, #tpu.memory_space<semaphore_mem>>
        %dma_start3A_2114 = arith.constant 0 : i32
        %dma_start3A_2115 = tpu.memref_slice %arg10[%dma_start3A_2107, %dma_start3A_2108, %dma_start3A_2109, %dma_start3A_2114] : memref<2x4x8x10000xf32, #tpu.memory_space<vmem>> -> memref<1x1x1x10000xf32, #tpu.memory_space<vmem>>
        %dma_start3A_2116 = tpu.memref_squeeze %dma_start3A_2115 : memref<1x1x1x10000xf32, #tpu.memory_space<vmem>> -> memref<10000xf32, #tpu.memory_space<vmem>>
        %dma_start3A_2117 = arith.constant 0 : i32
        %dma_start3A_2118 = tpu.memref_slice %arg5[%get3A_2106, %dma_start3A_2117] : memref<4096x10000xf32, #tpu.memory_space<any>> -> memref<1x10000xf32, #tpu.memory_space<any>>
        %dma_start3A_2119 = tpu.memref_squeeze %dma_start3A_2118 : memref<1x10000xf32, #tpu.memory_space<any>> -> memref<10000xf32, #tpu.memory_space<any>>
        tpu.enqueue_dma source(%dma_start3A_2119 : memref<10000xf32, #tpu.memory_space<any>>) target(%dma_start3A_2116 : memref<10000xf32, #tpu.memory_space<vmem>>) target_semaphore(%dma_start3A_2113 : memref<!tpu.dma_semaphore, #tpu.memory_space<semaphore_mem>>)
        %mul3A_2120 = arith.constant 8 : i32
        %mul3A_2121 = arith.muli %add3A_2062, %mul3A_2120 : i32
        %add3A_2122 = arith.constant 3 : i32
        %add3A_2123 = arith.addi %mul3A_2121, %add3A_2122 : i32
        %get3A_2124 = arith.index_cast %add3A_2123 : i32 to index
        %get3A_2125 = memref.load %arg1[%get3A_2124] : memref<512xi32, #tpu.memory_space<smem>>
        %dma_start3A_2126 = arith.constant 0 : i32
        %dma_start3A_2127 = arith.constant 0 : i32
        %dma_start3A_2128 = arith.constant 3 : i32
        %dma_start3A_2129 = arith.constant 0 : i32
        %dma_start3A_2130 = arith.constant 0 : i32
        %dma_start3A_2131 = tpu.memref_slice %arg11[%dma_start3A_2129, %dma_start3A_2130] : memref<2x4x!tpu.dma_semaphore, #tpu.memory_space<semaphore_mem>> -> memref<1x1x!tpu.dma_semaphore, #tpu.memory_space<semaphore_mem>>
        %dma_start3A_2132 = tpu.memref_squeeze %dma_start3A_2131 : memref<1x1x!tpu.dma_semaphore, #tpu.memory_space<semaphore_mem>> -> memref<!tpu.dma_semaphore, #tpu.memory_space<semaphore_mem>>
        %dma_start3A_2133 = arith.constant 0 : i32
        %dma_start3A_2134 = tpu.memref_slice %arg10[%dma_start3A_2126, %dma_start3A_2127, %dma_start3A_2128, %dma_start3A_2133] : memref<2x4x8x10000xf32, #tpu.memory_space<vmem>> -> memref<1x1x1x10000xf32, #tpu.memory_space<vmem>>
        %dma_start3A_2135 = tpu.memref_squeeze %dma_start3A_2134 : memref<1x1x1x10000xf32, #tpu.memory_space<vmem>> -> memref<10000xf32, #tpu.memory_space<vmem>>
        %dma_start3A_2136 = arith.constant 0 : i32
        %dma_start3A_2137 = tpu.memref_slice %arg5[%get3A_2125, %dma_start3A_2136] : memref<4096x10000xf32, #tpu.memory_space<any>> -> memref<1x10000xf32, #tpu.memory_space<any>>
        %dma_start3A_2138 = tpu.memref_squeeze %dma_start3A_2137 : memref<1x10000xf32, #tpu.memory_space<any>> -> memref<10000xf32, #tpu.memory_space<any>>
        tpu.enqueue_dma source(%dma_start3A_2138 : memref<10000xf32, #tpu.memory_space<any>>) target(%dma_start3A_2135 : memref<10000xf32, #tpu.memory_space<vmem>>) target_semaphore(%dma_start3A_2132 : memref<!tpu.dma_semaphore, #tpu.memory_space<semaphore_mem>>)
        %mul3A_2139 = arith.constant 8 : i32
        %mul3A_2140 = arith.muli %add3A_2062, %mul3A_2139 : i32
        %add3A_2141 = arith.constant 4 : i32
        %add3A_2142 = arith.addi %mul3A_2140, %add3A_2141 : i32
        %get3A_2143 = arith.index_cast %add3A_2142 : i32 to index
        %get3A_2144 = memref.load %arg1[%get3A_2143] : memref<512xi32, #tpu.memory_space<smem>>
        %dma_start3A_2145 = arith.constant 0 : i32
        %dma_start3A_2146 = arith.constant 0 : i32
        %dma_start3A_2147 = arith.constant 4 : i32
        %dma_start3A_2148 = arith.constant 0 : i32
        %dma_start3A_2149 = arith.constant 0 : i32
        %dma_start3A_2150 = tpu.memref_slice %arg11[%dma_start3A_2148, %dma_start3A_2149] : memref<2x4x!tpu.dma_semaphore, #tpu.memory_space<semaphore_mem>> -> memref<1x1x!tpu.dma_semaphore, #tpu.memory_space<semaphore_mem>>
        %dma_start3A_2151 = tpu.memref_squeeze %dma_start3A_2150 : memref<1x1x!tpu.dma_semaphore, #tpu.memory_space<semaphore_mem>> -> memref<!tpu.dma_semaphore, #tpu.memory_space<semaphore_mem>>
        %dma_start3A_2152 = arith.constant 0 : i32
        %dma_start3A_2153 = tpu.memref_slice %arg10[%dma_start3A_2145, %dma_start3A_2146, %dma_start3A_2147, %dma_start3A_2152] : memref<2x4x8x10000xf32, #tpu.memory_space<vmem>> -> memref<1x1x1x10000xf32, #tpu.memory_space<vmem>>
        %dma_start3A_2154 = tpu.memref_squeeze %dma_start3A_2153 : memref<1x1x1x10000xf32, #tpu.memory_space<vmem>> -> memref<10000xf32, #tpu.memory_space<vmem>>
        %dma_start3A_2155 = arith.constant 0 : i32
        %dma_start3A_2156 = tpu.memref_slice %arg5[%get3A_2144, %dma_start3A_2155] : memref<4096x10000xf32, #tpu.memory_space<any>> -> memref<1x10000xf32, #tpu.memory_space<any>>
        %dma_start3A_2157 = tpu.memref_squeeze %dma_start3A_2156 : memref<1x10000xf32, #tpu.memory_space<any>> -> memref<10000xf32, #tpu.memory_space<any>>
        tpu.enqueue_dma source(%dma_start3A_2157 : memref<10000xf32, #tpu.memory_space<any>>) target(%dma_start3A_2154 : memref<10000xf32, #tpu.memory_space<vmem>>) target_semaphore(%dma_start3A_2151 : memref<!tpu.dma_semaphore, #tpu.memory_space<semaphore_mem>>)
        %mul3A_2158 = arith.constant 8 : i32
        %mul3A_2159 = arith.muli %add3A_2062, %mul3A_2158 : i32
        %add3A_2160 = arith.constant 5 : i32
        %add3A_2161 = arith.addi %mul3A_2159, %add3A_2160 : i32
        %get3A_2162 = arith.index_cast %add3A_2161 : i32 to index
        %get3A_2163 = memref.load %arg1[%get3A_2162] : memref<512xi32, #tpu.memory_space<smem>>
        %dma_start3A_2164 = arith.constant 0 : i32
        %dma_start3A_2165 = arith.constant 0 : i32
        %dma_start3A_2166 = arith.constant 5 : i32
        %dma_start3A_2167 = arith.constant 0 : i32
        %dma_start3A_2168 = arith.constant 0 : i32
        %dma_start3A_2169 = tpu.memref_slice %arg11[%dma_start3A_2167, %dma_start3A_2168] : memref<2x4x!tpu.dma_semaphore, #tpu.memory_space<semaphore_mem>> -> memref<1x1x!tpu.dma_semaphore, #tpu.memory_space<semaphore_mem>>
        %dma_start3A_2170 = tpu.memref_squeeze %dma_start3A_2169 : memref<1x1x!tpu.dma_semaphore, #tpu.memory_space<semaphore_mem>> -> memref<!tpu.dma_semaphore, #tpu.memory_space<semaphore_mem>>
        %dma_start3A_2171 = arith.constant 0 : i32
        %dma_start3A_2172 = tpu.memref_slice %arg10[%dma_start3A_2164, %dma_start3A_2165, %dma_start3A_2166, %dma_start3A_2171] : memref<2x4x8x10000xf32, #tpu.memory_space<vmem>> -> memref<1x1x1x10000xf32, #tpu.memory_space<vmem>>
        %dma_start3A_2173 = tpu.memref_squeeze %dma_start3A_2172 : memref<1x1x1x10000xf32, #tpu.memory_space<vmem>> -> memref<10000xf32, #tpu.memory_space<vmem>>
        %dma_start3A_2174 = arith.constant 0 : i32
        %dma_start3A_2175 = tpu.memref_slice %arg5[%get3A_2163, %dma_start3A_2174] : memref<4096x10000xf32, #tpu.memory_space<any>> -> memref<1x10000xf32, #tpu.memory_space<any>>
        %dma_start3A_2176 = tpu.memref_squeeze %dma_start3A_2175 : memref<1x10000xf32, #tpu.memory_space<any>> -> memref<10000xf32, #tpu.memory_space<any>>
        tpu.enqueue_dma source(%dma_start3A_2176 : memref<10000xf32, #tpu.memory_space<any>>) target(%dma_start3A_2173 : memref<10000xf32, #tpu.memory_space<vmem>>) target_semaphore(%dma_start3A_2170 : memref<!tpu.dma_semaphore, #tpu.memory_space<semaphore_mem>>)
        %mul3A_2177 = arith.constant 8 : i32
        %mul3A_2178 = arith.muli %add3A_2062, %mul3A_2177 : i32
        %add3A_2179 = arith.constant 6 : i32
        %add3A_2180 = arith.addi %mul3A_2178, %add3A_2179 : i32
        %get3A_2181 = arith.index_cast %add3A_2180 : i32 to index
        %get3A_2182 = memref.load %arg1[%get3A_2181] : memref<512xi32, #tpu.memory_space<smem>>
        %dma_start3A_2183 = arith.constant 0 : i32
        %dma_start3A_2184 = arith.constant 0 : i32
        %dma_start3A_2185 = arith.constant 6 : i32
        %dma_start3A_2186 = arith.constant 0 : i32
        %dma_start3A_2187 = arith.constant 0 : i32
        %dma_start3A_2188 = tpu.memref_slice %arg11[%dma_start3A_2186, %dma_start3A_2187] : memref<2x4x!tpu.dma_semaphore, #tpu.memory_space<semaphore_mem>> -> memref<1x1x!tpu.dma_semaphore, #tpu.memory_space<semaphore_mem>>
        %dma_start3A_2189 = tpu.memref_squeeze %dma_start3A_2188 : memref<1x1x!tpu.dma_semaphore, #tpu.memory_space<semaphore_mem>> -> memref<!tpu.dma_semaphore, #tpu.memory_space<semaphore_mem>>
        %dma_start3A_2190 = arith.constant 0 : i32
        %dma_start3A_2191 = tpu.memref_slice %arg10[%dma_start3A_2183, %dma_start3A_2184, %dma_start3A_2185, %dma_start3A_2190] : memref<2x4x8x10000xf32, #tpu.memory_space<vmem>> -> memref<1x1x1x10000xf32, #tpu.memory_space<vmem>>
        %dma_start3A_2192 = tpu.memref_squeeze %dma_start3A_2191 : memref<1x1x1x10000xf32, #tpu.memory_space<vmem>> -> memref<10000xf32, #tpu.memory_space<vmem>>
        %dma_start3A_2193 = arith.constant 0 : i32
        %dma_start3A_2194 = tpu.memref_slice %arg5[%get3A_2182, %dma_start3A_2193] : memref<4096x10000xf32, #tpu.memory_space<any>> -> memref<1x10000xf32, #tpu.memory_space<any>>
        %dma_start3A_2195 = tpu.memref_squeeze %dma_start3A_2194 : memref<1x10000xf32, #tpu.memory_space<any>> -> memref<10000xf32, #tpu.memory_space<any>>
        tpu.enqueue_dma source(%dma_start3A_2195 : memref<10000xf32, #tpu.memory_space<any>>) target(%dma_start3A_2192 : memref<10000xf32, #tpu.memory_space<vmem>>) target_semaphore(%dma_start3A_2189 : memref<!tpu.dma_semaphore, #tpu.memory_space<semaphore_mem>>)
        %mul3A_2196 = arith.constant 8 : i32
        %mul3A_2197 = arith.muli %add3A_2062, %mul3A_2196 : i32
        %add3A_2198 = arith.constant 7 : i32
        %add3A_2199 = arith.addi %mul3A_2197, %add3A_2198 : i32
        %get3A_2200 = arith.index_cast %add3A_2199 : i32 to index
        %get3A_2201 = memref.load %arg1[%get3A_2200] : memref<512xi32, #tpu.memory_space<smem>>
        %dma_start3A_2202 = arith.constant 0 : i32
        %dma_start3A_2203 = arith.constant 0 : i32
        %dma_start3A_2204 = arith.constant 7 : i32
        %dma_start3A_2205 = arith.constant 0 : i32
        %dma_start3A_2206 = arith.constant 0 : i32
        %dma_start3A_2207 = tpu.memref_slice %arg11[%dma_start3A_2205, %dma_start3A_2206] : memref<2x4x!tpu.dma_semaphore, #tpu.memory_space<semaphore_mem>> -> memref<1x1x!tpu.dma_semaphore, #tpu.memory_space<semaphore_mem>>
        %dma_start3A_2208 = tpu.memref_squeeze %dma_start3A_2207 : memref<1x1x!tpu.dma_semaphore, #tpu.memory_space<semaphore_mem>> -> memref<!tpu.dma_semaphore, #tpu.memory_space<semaphore_mem>>
        %dma_start3A_2209 = arith.constant 0 : i32
        %dma_start3A_2210 = tpu.memref_slice %arg10[%dma_start3A_2202, %dma_start3A_2203, %dma_start3A_2204, %dma_start3A_2209] : memref<2x4x8x10000xf32, #tpu.memory_space<vmem>> -> memref<1x1x1x10000xf32, #tpu.memory_space<vmem>>
        %dma_start3A_2211 = tpu.memref_squeeze %dma_start3A_2210 : memref<1x1x1x10000xf32, #tpu.memory_space<vmem>> -> memref<10000xf32, #tpu.memory_space<vmem>>
        %dma_start3A_2212 = arith.constant 0 : i32
        %dma_start3A_2213 = tpu.memref_slice %arg5[%get3A_2201, %dma_start3A_2212] : memref<4096x10000xf32, #tpu.memory_space<any>> -> memref<1x10000xf32, #tpu.memory_space<any>>
        %dma_start3A_2214 = tpu.memref_squeeze %dma_start3A_2213 : memref<1x10000xf32, #tpu.memory_space<any>> -> memref<10000xf32, #tpu.memory_space<any>>
        tpu.enqueue_dma source(%dma_start3A_2214 : memref<10000xf32, #tpu.memory_space<any>>) target(%dma_start3A_2211 : memref<10000xf32, #tpu.memory_space<vmem>>) target_semaphore(%dma_start3A_2208 : memref<!tpu.dma_semaphore, #tpu.memory_space<semaphore_mem>>)
        %mul3A_2215 = arith.constant 8 : i32
        %mul3A_2216 = arith.muli %add3A_2062, %mul3A_2215 : i32
        %add3A_2217 = arith.constant 0 : i32
        %add3A_2218 = arith.addi %mul3A_2216, %add3A_2217 : i32
        %get3A_2219 = arith.index_cast %add3A_2218 : i32 to index
        %get3A_2220 = memref.load %arg2[%get3A_2219] : memref<512xi32, #tpu.memory_space<smem>>
        %dma_start3A_2221 = arith.constant 0 : i32
        %dma_start3A_2222 = arith.constant 1 : i32
        %dma_start3A_2223 = arith.constant 0 : i32
        %dma_start3A_2224 = arith.constant 0 : i32
        %dma_start3A_2225 = arith.constant 1 : i32
        %dma_start3A_2226 = tpu.memref_slice %arg11[%dma_start3A_2224, %dma_start3A_2225] : memref<2x4x!tpu.dma_semaphore, #tpu.memory_space<semaphore_mem>> -> memref<1x1x!tpu.dma_semaphore, #tpu.memory_space<semaphore_mem>>
        %dma_start3A_2227 = tpu.memref_squeeze %dma_start3A_2226 : memref<1x1x!tpu.dma_semaphore, #tpu.memory_space<semaphore_mem>> -> memref<!tpu.dma_semaphore, #tpu.memory_space<semaphore_mem>>
        %dma_start3A_2228 = arith.constant 0 : i32
        %dma_start3A_2229 = tpu.memref_slice %arg10[%dma_start3A_2221, %dma_start3A_2222, %dma_start3A_2223, %dma_start3A_2228] : memref<2x4x8x10000xf32, #tpu.memory_space<vmem>> -> memref<1x1x1x10000xf32, #tpu.memory_space<vmem>>
        %dma_start3A_2230 = tpu.memref_squeeze %dma_start3A_2229 : memref<1x1x1x10000xf32, #tpu.memory_space<vmem>> -> memref<10000xf32, #tpu.memory_space<vmem>>
        %dma_start3A_2231 = arith.constant 0 : i32
        %dma_start3A_2232 = tpu.memref_slice %arg6[%get3A_2220, %dma_start3A_2231] : memref<256x10000xf32, #tpu.memory_space<any>> -> memref<1x10000xf32, #tpu.memory_space<any>>
        %dma_start3A_2233 = tpu.memref_squeeze %dma_start3A_2232 : memref<1x10000xf32, #tpu.memory_space<any>> -> memref<10000xf32, #tpu.memory_space<any>>
        tpu.enqueue_dma source(%dma_start3A_2233 : memref<10000xf32, #tpu.memory_space<any>>) target(%dma_start3A_2230 : memref<10000xf32, #tpu.memory_space<vmem>>) target_semaphore(%dma_start3A_2227 : memref<!tpu.dma_semaphore, #tpu.memory_space<semaphore_mem>>)
        %mul3A_2234 = arith.constant 8 : i32
        %mul3A_2235 = arith.muli %add3A_2062, %mul3A_2234 : i32
        %add3A_2236 = arith.constant 1 : i32
        %add3A_2237 = arith.addi %mul3A_2235, %add3A_2236 : i32
        %get3A_2238 = arith.index_cast %add3A_2237 : i32 to index
        %get3A_2239 = memref.load %arg2[%get3A_2238] : memref<512xi32, #tpu.memory_space<smem>>
        %dma_start3A_2240 = arith.constant 0 : i32
        %dma_start3A_2241 = arith.constant 1 : i32
        %dma_start3A_2242 = arith.constant 1 : i32
        %dma_start3A_2243 = arith.constant 0 : i32
        %dma_start3A_2244 = arith.constant 1 : i32
        %dma_start3A_2245 = tpu.memref_slice %arg11[%dma_start3A_2243, %dma_start3A_2244] : memref<2x4x!tpu.dma_semaphore, #tpu.memory_space<semaphore_mem>> -> memref<1x1x!tpu.dma_semaphore, #tpu.memory_space<semaphore_mem>>
        %dma_start3A_2246 = tpu.memref_squeeze %dma_start3A_2245 : memref<1x1x!tpu.dma_semaphore, #tpu.memory_space<semaphore_mem>> -> memref<!tpu.dma_semaphore, #tpu.memory_space<semaphore_mem>>
        %dma_start3A_2247 = arith.constant 0 : i32
        %dma_start3A_2248 = tpu.memref_slice %arg10[%dma_start3A_2240, %dma_start3A_2241, %dma_start3A_2242, %dma_start3A_2247] : memref<2x4x8x10000xf32, #tpu.memory_space<vmem>> -> memref<1x1x1x10000xf32, #tpu.memory_space<vmem>>
        %dma_start3A_2249 = tpu.memref_squeeze %dma_start3A_2248 : memref<1x1x1x10000xf32, #tpu.memory_space<vmem>> -> memref<10000xf32, #tpu.memory_space<vmem>>
        %dma_start3A_2250 = arith.constant 0 : i32
        %dma_start3A_2251 = tpu.memref_slice %arg6[%get3A_2239, %dma_start3A_2250] : memref<256x10000xf32, #tpu.memory_space<any>> -> memref<1x10000xf32, #tpu.memory_space<any>>
        %dma_start3A_2252 = tpu.memref_squeeze %dma_start3A_2251 : memref<1x10000xf32, #tpu.memory_space<any>> -> memref<10000xf32, #tpu.memory_space<any>>
        tpu.enqueue_dma source(%dma_start3A_2252 : memref<10000xf32, #tpu.memory_space<any>>) target(%dma_start3A_2249 : memref<10000xf32, #tpu.memory_space<vmem>>) target_semaphore(%dma_start3A_2246 : memref<!tpu.dma_semaphore, #tpu.memory_space<semaphore_mem>>)
        %mul3A_2253 = arith.constant 8 : i32
        %mul3A_2254 = arith.muli %add3A_2062, %mul3A_2253 : i32
        %add3A_2255 = arith.constant 2 : i32
        %add3A_2256 = arith.addi %mul3A_2254, %add3A_2255 : i32
        %get3A_2257 = arith.index_cast %add3A_2256 : i32 to index
        %get3A_2258 = memref.load %arg2[%get3A_2257] : memref<512xi32, #tpu.memory_space<smem>>
        %dma_start3A_2259 = arith.constant 0 : i32
        %dma_start3A_2260 = arith.constant 1 : i32
        %dma_start3A_2261 = arith.constant 2 : i32
        %dma_start3A_2262 = arith.constant 0 : i32
        %dma_start3A_2263 = arith.constant 1 : i32
        %dma_start3A_2264 = tpu.memref_slice %arg11[%dma_start3A_2262, %dma_start3A_2263] : memref<2x4x!tpu.dma_semaphore, #tpu.memory_space<semaphore_mem>> -> memref<1x1x!tpu.dma_semaphore, #tpu.memory_space<semaphore_mem>>
        %dma_start3A_2265 = tpu.memref_squeeze %dma_start3A_2264 : memref<1x1x!tpu.dma_semaphore, #tpu.memory_space<semaphore_mem>> -> memref<!tpu.dma_semaphore, #tpu.memory_space<semaphore_mem>>
        %dma_start3A_2266 = arith.constant 0 : i32
        %dma_start3A_2267 = tpu.memref_slice %arg10[%dma_start3A_2259, %dma_start3A_2260, %dma_start3A_2261, %dma_start3A_2266] : memref<2x4x8x10000xf32, #tpu.memory_space<vmem>> -> memref<1x1x1x10000xf32, #tpu.memory_space<vmem>>
        %dma_start3A_2268 = tpu.memref_squeeze %dma_start3A_2267 : memref<1x1x1x10000xf32, #tpu.memory_space<vmem>> -> memref<10000xf32, #tpu.memory_space<vmem>>
        %dma_start3A_2269 = arith.constant 0 : i32
        %dma_start3A_2270 = tpu.memref_slice %arg6[%get3A_2258, %dma_start3A_2269] : memref<256x10000xf32, #tpu.memory_space<any>> -> memref<1x10000xf32, #tpu.memory_space<any>>
        %dma_start3A_2271 = tpu.memref_squeeze %dma_start3A_2270 : memref<1x10000xf32, #tpu.memory_space<any>> -> memref<10000xf32, #tpu.memory_space<any>>
        tpu.enqueue_dma source(%dma_start3A_2271 : memref<10000xf32, #tpu.memory_space<any>>) target(%dma_start3A_2268 : memref<10000xf32, #tpu.memory_space<vmem>>) target_semaphore(%dma_start3A_2265 : memref<!tpu.dma_semaphore, #tpu.memory_space<semaphore_mem>>)
        %mul3A_2272 = arith.constant 8 : i32
        %mul3A_2273 = arith.muli %add3A_2062, %mul3A_2272 : i32
        %add3A_2274 = arith.constant 3 : i32
        %add3A_2275 = arith.addi %mul3A_2273, %add3A_2274 : i32
        %get3A_2276 = arith.index_cast %add3A_2275 : i32 to index
        %get3A_2277 = memref.load %arg2[%get3A_2276] : memref<512xi32, #tpu.memory_space<smem>>
        %dma_start3A_2278 = arith.constant 0 : i32
        %dma_start3A_2279 = arith.constant 1 : i32
        %dma_start3A_2280 = arith.constant 3 : i32
        %dma_start3A_2281 = arith.constant 0 : i32
        %dma_start3A_2282 = arith.constant 1 : i32
        %dma_start3A_2283 = tpu.memref_slice %arg11[%dma_start3A_2281, %dma_start3A_2282] : memref<2x4x!tpu.dma_semaphore, #tpu.memory_space<semaphore_mem>> -> memref<1x1x!tpu.dma_semaphore, #tpu.memory_space<semaphore_mem>>
        %dma_start3A_2284 = tpu.memref_squeeze %dma_start3A_2283 : memref<1x1x!tpu.dma_semaphore, #tpu.memory_space<semaphore_mem>> -> memref<!tpu.dma_semaphore, #tpu.memory_space<semaphore_mem>>
        %dma_start3A_2285 = arith.constant 0 : i32
        %dma_start3A_2286 = tpu.memref_slice %arg10[%dma_start3A_2278, %dma_start3A_2279, %dma_start3A_2280, %dma_start3A_2285] : memref<2x4x8x10000xf32, #tpu.memory_space<vmem>> -> memref<1x1x1x10000xf32, #tpu.memory_space<vmem>>
        %dma_start3A_2287 = tpu.memref_squeeze %dma_start3A_2286 : memref<1x1x1x10000xf32, #tpu.memory_space<vmem>> -> memref<10000xf32, #tpu.memory_space<vmem>>
        %dma_start3A_2288 = arith.constant 0 : i32
        %dma_start3A_2289 = tpu.memref_slice %arg6[%get3A_2277, %dma_start3A_2288] : memref<256x10000xf32, #tpu.memory_space<any>> -> memref<1x10000xf32, #tpu.memory_space<any>>
        %dma_start3A_2290 = tpu.memref_squeeze %dma_start3A_2289 : memref<1x10000xf32, #tpu.memory_space<any>> -> memref<10000xf32, #tpu.memory_space<any>>
        tpu.enqueue_dma source(%dma_start3A_2290 : memref<10000xf32, #tpu.memory_space<any>>) target(%dma_start3A_2287 : memref<10000xf32, #tpu.memory_space<vmem>>) target_semaphore(%dma_start3A_2284 : memref<!tpu.dma_semaphore, #tpu.memory_space<semaphore_mem>>)
        %mul3A_2291 = arith.constant 8 : i32
        %mul3A_2292 = arith.muli %add3A_2062, %mul3A_2291 : i32
        %add3A_2293 = arith.constant 4 : i32
        %add3A_2294 = arith.addi %mul3A_2292, %add3A_2293 : i32
        %get3A_2295 = arith.index_cast %add3A_2294 : i32 to index
        %get3A_2296 = memref.load %arg2[%get3A_2295] : memref<512xi32, #tpu.memory_space<smem>>
        %dma_start3A_2297 = arith.constant 0 : i32
        %dma_start3A_2298 = arith.constant 1 : i32
        %dma_start3A_2299 = arith.constant 4 : i32
        %dma_start3A_2300 = arith.constant 0 : i32
        %dma_start3A_2301 = arith.constant 1 : i32
        %dma_start3A_2302 = tpu.memref_slice %arg11[%dma_start3A_2300, %dma_start3A_2301] : memref<2x4x!tpu.dma_semaphore, #tpu.memory_space<semaphore_mem>> -> memref<1x1x!tpu.dma_semaphore, #tpu.memory_space<semaphore_mem>>
        %dma_start3A_2303 = tpu.memref_squeeze %dma_start3A_2302 : memref<1x1x!tpu.dma_semaphore, #tpu.memory_space<semaphore_mem>> -> memref<!tpu.dma_semaphore, #tpu.memory_space<semaphore_mem>>
        %dma_start3A_2304 = arith.constant 0 : i32
        %dma_start3A_2305 = tpu.memref_slice %arg10[%dma_start3A_2297, %dma_start3A_2298, %dma_start3A_2299, %dma_start3A_2304] : memref<2x4x8x10000xf32, #tpu.memory_space<vmem>> -> memref<1x1x1x10000xf32, #tpu.memory_space<vmem>>
        %dma_start3A_2306 = tpu.memref_squeeze %dma_start3A_2305 : memref<1x1x1x10000xf32, #tpu.memory_space<vmem>> -> memref<10000xf32, #tpu.memory_space<vmem>>
        %dma_start3A_2307 = arith.constant 0 : i32
        %dma_start3A_2308 = tpu.memref_slice %arg6[%get3A_2296, %dma_start3A_2307] : memref<256x10000xf32, #tpu.memory_space<any>> -> memref<1x10000xf32, #tpu.memory_space<any>>
        %dma_start3A_2309 = tpu.memref_squeeze %dma_start3A_2308 : memref<1x10000xf32, #tpu.memory_space<any>> -> memref<10000xf32, #tpu.memory_space<any>>
        tpu.enqueue_dma source(%dma_start3A_2309 : memref<10000xf32, #tpu.memory_space<any>>) target(%dma_start3A_2306 : memref<10000xf32, #tpu.memory_space<vmem>>) target_semaphore(%dma_start3A_2303 : memref<!tpu.dma_semaphore, #tpu.memory_space<semaphore_mem>>)
        %mul3A_2310 = arith.constant 8 : i32
        %mul3A_2311 = arith.muli %add3A_2062, %mul3A_2310 : i32
        %add3A_2312 = arith.constant 5 : i32
        %add3A_2313 = arith.addi %mul3A_2311, %add3A_2312 : i32
        %get3A_2314 = arith.index_cast %add3A_2313 : i32 to index
        %get3A_2315 = memref.load %arg2[%get3A_2314] : memref<512xi32, #tpu.memory_space<smem>>
        %dma_start3A_2316 = arith.constant 0 : i32
        %dma_start3A_2317 = arith.constant 1 : i32
        %dma_start3A_2318 = arith.constant 5 : i32
        %dma_start3A_2319 = arith.constant 0 : i32
        %dma_start3A_2320 = arith.constant 1 : i32
        %dma_start3A_2321 = tpu.memref_slice %arg11[%dma_start3A_2319, %dma_start3A_2320] : memref<2x4x!tpu.dma_semaphore, #tpu.memory_space<semaphore_mem>> -> memref<1x1x!tpu.dma_semaphore, #tpu.memory_space<semaphore_mem>>
        %dma_start3A_2322 = tpu.memref_squeeze %dma_start3A_2321 : memref<1x1x!tpu.dma_semaphore, #tpu.memory_space<semaphore_mem>> -> memref<!tpu.dma_semaphore, #tpu.memory_space<semaphore_mem>>
        %dma_start3A_2323 = arith.constant 0 : i32
        %dma_start3A_2324 = tpu.memref_slice %arg10[%dma_start3A_2316, %dma_start3A_2317, %dma_start3A_2318, %dma_start3A_2323] : memref<2x4x8x10000xf32, #tpu.memory_space<vmem>> -> memref<1x1x1x10000xf32, #tpu.memory_space<vmem>>
        %dma_start3A_2325 = tpu.memref_squeeze %dma_start3A_2324 : memref<1x1x1x10000xf32, #tpu.memory_space<vmem>> -> memref<10000xf32, #tpu.memory_space<vmem>>
        %dma_start3A_2326 = arith.constant 0 : i32
        %dma_start3A_2327 = tpu.memref_slice %arg6[%get3A_2315, %dma_start3A_2326] : memref<256x10000xf32, #tpu.memory_space<any>> -> memref<1x10000xf32, #tpu.memory_space<any>>
        %dma_start3A_2328 = tpu.memref_squeeze %dma_start3A_2327 : memref<1x10000xf32, #tpu.memory_space<any>> -> memref<10000xf32, #tpu.memory_space<any>>
        tpu.enqueue_dma source(%dma_start3A_2328 : memref<10000xf32, #tpu.memory_space<any>>) target(%dma_start3A_2325 : memref<10000xf32, #tpu.memory_space<vmem>>) target_semaphore(%dma_start3A_2322 : memref<!tpu.dma_semaphore, #tpu.memory_space<semaphore_mem>>)
        %mul3A_2329 = arith.constant 8 : i32
        %mul3A_2330 = arith.muli %add3A_2062, %mul3A_2329 : i32
        %add3A_2331 = arith.constant 6 : i32
        %add3A_2332 = arith.addi %mul3A_2330, %add3A_2331 : i32
        %get3A_2333 = arith.index_cast %add3A_2332 : i32 to index
        %get3A_2334 = memref.load %arg2[%get3A_2333] : memref<512xi32, #tpu.memory_space<smem>>
        %dma_start3A_2335 = arith.constant 0 : i32
        %dma_start3A_2336 = arith.constant 1 : i32
        %dma_start3A_2337 = arith.constant 6 : i32
        %dma_start3A_2338 = arith.constant 0 : i32
        %dma_start3A_2339 = arith.constant 1 : i32
        %dma_start3A_2340 = tpu.memref_slice %arg11[%dma_start3A_2338, %dma_start3A_2339] : memref<2x4x!tpu.dma_semaphore, #tpu.memory_space<semaphore_mem>> -> memref<1x1x!tpu.dma_semaphore, #tpu.memory_space<semaphore_mem>>
        %dma_start3A_2341 = tpu.memref_squeeze %dma_start3A_2340 : memref<1x1x!tpu.dma_semaphore, #tpu.memory_space<semaphore_mem>> -> memref<!tpu.dma_semaphore, #tpu.memory_space<semaphore_mem>>
        %dma_start3A_2342 = arith.constant 0 : i32
        %dma_start3A_2343 = tpu.memref_slice %arg10[%dma_start3A_2335, %dma_start3A_2336, %dma_start3A_2337, %dma_start3A_2342] : memref<2x4x8x10000xf32, #tpu.memory_space<vmem>> -> memref<1x1x1x10000xf32, #tpu.memory_space<vmem>>
        %dma_start3A_2344 = tpu.memref_squeeze %dma_start3A_2343 : memref<1x1x1x10000xf32, #tpu.memory_space<vmem>> -> memref<10000xf32, #tpu.memory_space<vmem>>
        %dma_start3A_2345 = arith.constant 0 : i32
        %dma_start3A_2346 = tpu.memref_slice %arg6[%get3A_2334, %dma_start3A_2345] : memref<256x10000xf32, #tpu.memory_space<any>> -> memref<1x10000xf32, #tpu.memory_space<any>>
        %dma_start3A_2347 = tpu.memref_squeeze %dma_start3A_2346 : memref<1x10000xf32, #tpu.memory_space<any>> -> memref<10000xf32, #tpu.memory_space<any>>
        tpu.enqueue_dma source(%dma_start3A_2347 : memref<10000xf32, #tpu.memory_space<any>>) target(%dma_start3A_2344 : memref<10000xf32, #tpu.memory_space<vmem>>) target_semaphore(%dma_start3A_2341 : memref<!tpu.dma_semaphore, #tpu.memory_space<semaphore_mem>>)
        %mul3A_2348 = arith.constant 8 : i32
        %mul3A_2349 = arith.muli %add3A_2062, %mul3A_2348 : i32
        %add3A_2350 = arith.constant 7 : i32
        %add3A_2351 = arith.addi %mul3A_2349, %add3A_2350 : i32
        %get3A_2352 = arith.index_cast %add3A_2351 : i32 to index
        %get3A_2353 = memref.load %arg2[%get3A_2352] : memref<512xi32, #tpu.memory_space<smem>>
        %dma_start3A_2354 = arith.constant 0 : i32
        %dma_start3A_2355 = arith.constant 1 : i32
        %dma_start3A_2356 = arith.constant 7 : i32
        %dma_start3A_2357 = arith.constant 0 : i32
        %dma_start3A_2358 = arith.constant 1 : i32
        %dma_start3A_2359 = tpu.memref_slice %arg11[%dma_start3A_2357, %dma_start3A_2358] : memref<2x4x!tpu.dma_semaphore, #tpu.memory_space<semaphore_mem>> -> memref<1x1x!tpu.dma_semaphore, #tpu.memory_space<semaphore_mem>>
        %dma_start3A_2360 = tpu.memref_squeeze %dma_start3A_2359 : memref<1x1x!tpu.dma_semaphore, #tpu.memory_space<semaphore_mem>> -> memref<!tpu.dma_semaphore, #tpu.memory_space<semaphore_mem>>
        %dma_start3A_2361 = arith.constant 0 : i32
        %dma_start3A_2362 = tpu.memref_slice %arg10[%dma_start3A_2354, %dma_start3A_2355, %dma_start3A_2356, %dma_start3A_2361] : memref<2x4x8x10000xf32, #tpu.memory_space<vmem>> -> memref<1x1x1x10000xf32, #tpu.memory_space<vmem>>
        %dma_start3A_2363 = tpu.memref_squeeze %dma_start3A_2362 : memref<1x1x1x10000xf32, #tpu.memory_space<vmem>> -> memref<10000xf32, #tpu.memory_space<vmem>>
        %dma_start3A_2364 = arith.constant 0 : i32
        %dma_start3A_2365 = tpu.memref_slice %arg6[%get3A_2353, %dma_start3A_2364] : memref<256x10000xf32, #tpu.memory_space<any>> -> memref<1x10000xf32, #tpu.memory_space<any>>
        %dma_start3A_2366 = tpu.memref_squeeze %dma_start3A_2365 : memref<1x10000xf32, #tpu.memory_space<any>> -> memref<10000xf32, #tpu.memory_space<any>>
        tpu.enqueue_dma source(%dma_start3A_2366 : memref<10000xf32, #tpu.memory_space<any>>) target(%dma_start3A_2363 : memref<10000xf32, #tpu.memory_space<vmem>>) target_semaphore(%dma_start3A_2360 : memref<!tpu.dma_semaphore, #tpu.memory_space<semaphore_mem>>)
        %mul3A_2367 = arith.constant 8 : i32
        %mul3A_2368 = arith.muli %add3A_2062, %mul3A_2367 : i32
        %add3A_2369 = arith.constant 0 : i32
        %add3A_2370 = arith.addi %mul3A_2368, %add3A_2369 : i32
        %get3A_2371 = arith.index_cast %add3A_2370 : i32 to index
        %get3A_2372 = memref.load %arg3[%get3A_2371] : memref<512xi32, #tpu.memory_space<smem>>
        %dma_start3A_2373 = arith.constant 0 : i32
        %dma_start3A_2374 = arith.constant 2 : i32
        %dma_start3A_2375 = arith.constant 0 : i32
        %dma_start3A_2376 = arith.constant 0 : i32
        %dma_start3A_2377 = arith.constant 2 : i32
        %dma_start3A_2378 = tpu.memref_slice %arg11[%dma_start3A_2376, %dma_start3A_2377] : memref<2x4x!tpu.dma_semaphore, #tpu.memory_space<semaphore_mem>> -> memref<1x1x!tpu.dma_semaphore, #tpu.memory_space<semaphore_mem>>
        %dma_start3A_2379 = tpu.memref_squeeze %dma_start3A_2378 : memref<1x1x!tpu.dma_semaphore, #tpu.memory_space<semaphore_mem>> -> memref<!tpu.dma_semaphore, #tpu.memory_space<semaphore_mem>>
        %dma_start3A_2380 = arith.constant 0 : i32
        %dma_start3A_2381 = tpu.memref_slice %arg10[%dma_start3A_2373, %dma_start3A_2374, %dma_start3A_2375, %dma_start3A_2380] : memref<2x4x8x10000xf32, #tpu.memory_space<vmem>> -> memref<1x1x1x10000xf32, #tpu.memory_space<vmem>>
        %dma_start3A_2382 = tpu.memref_squeeze %dma_start3A_2381 : memref<1x1x1x10000xf32, #tpu.memory_space<vmem>> -> memref<10000xf32, #tpu.memory_space<vmem>>
        %dma_start3A_2383 = arith.constant 0 : i32
        %dma_start3A_2384 = tpu.memref_slice %arg7[%get3A_2372, %dma_start3A_2383] : memref<256x10000xf32, #tpu.memory_space<any>> -> memref<1x10000xf32, #tpu.memory_space<any>>
        %dma_start3A_2385 = tpu.memref_squeeze %dma_start3A_2384 : memref<1x10000xf32, #tpu.memory_space<any>> -> memref<10000xf32, #tpu.memory_space<any>>
        tpu.enqueue_dma source(%dma_start3A_2385 : memref<10000xf32, #tpu.memory_space<any>>) target(%dma_start3A_2382 : memref<10000xf32, #tpu.memory_space<vmem>>) target_semaphore(%dma_start3A_2379 : memref<!tpu.dma_semaphore, #tpu.memory_space<semaphore_mem>>)
        %mul3A_2386 = arith.constant 8 : i32
        %mul3A_2387 = arith.muli %add3A_2062, %mul3A_2386 : i32
        %add3A_2388 = arith.constant 1 : i32
        %add3A_2389 = arith.addi %mul3A_2387, %add3A_2388 : i32
        %get3A_2390 = arith.index_cast %add3A_2389 : i32 to index
        %get3A_2391 = memref.load %arg3[%get3A_2390] : memref<512xi32, #tpu.memory_space<smem>>
        %dma_start3A_2392 = arith.constant 0 : i32
        %dma_start3A_2393 = arith.constant 2 : i32
        %dma_start3A_2394 = arith.constant 1 : i32
        %dma_start3A_2395 = arith.constant 0 : i32
        %dma_start3A_2396 = arith.constant 2 : i32
        %dma_start3A_2397 = tpu.memref_slice %arg11[%dma_start3A_2395, %dma_start3A_2396] : memref<2x4x!tpu.dma_semaphore, #tpu.memory_space<semaphore_mem>> -> memref<1x1x!tpu.dma_semaphore, #tpu.memory_space<semaphore_mem>>
        %dma_start3A_2398 = tpu.memref_squeeze %dma_start3A_2397 : memref<1x1x!tpu.dma_semaphore, #tpu.memory_space<semaphore_mem>> -> memref<!tpu.dma_semaphore, #tpu.memory_space<semaphore_mem>>
        %dma_start3A_2399 = arith.constant 0 : i32
        %dma_start3A_2400 = tpu.memref_slice %arg10[%dma_start3A_2392, %dma_start3A_2393, %dma_start3A_2394, %dma_start3A_2399] : memref<2x4x8x10000xf32, #tpu.memory_space<vmem>> -> memref<1x1x1x10000xf32, #tpu.memory_space<vmem>>
        %dma_start3A_2401 = tpu.memref_squeeze %dma_start3A_2400 : memref<1x1x1x10000xf32, #tpu.memory_space<vmem>> -> memref<10000xf32, #tpu.memory_space<vmem>>
        %dma_start3A_2402 = arith.constant 0 : i32
        %dma_start3A_2403 = tpu.memref_slice %arg7[%get3A_2391, %dma_start3A_2402] : memref<256x10000xf32, #tpu.memory_space<any>> -> memref<1x10000xf32, #tpu.memory_space<any>>
        %dma_start3A_2404 = tpu.memref_squeeze %dma_start3A_2403 : memref<1x10000xf32, #tpu.memory_space<any>> -> memref<10000xf32, #tpu.memory_space<any>>
        tpu.enqueue_dma source(%dma_start3A_2404 : memref<10000xf32, #tpu.memory_space<any>>) target(%dma_start3A_2401 : memref<10000xf32, #tpu.memory_space<vmem>>) target_semaphore(%dma_start3A_2398 : memref<!tpu.dma_semaphore, #tpu.memory_space<semaphore_mem>>)
        %mul3A_2405 = arith.constant 8 : i32
        %mul3A_2406 = arith.muli %add3A_2062, %mul3A_2405 : i32
        %add3A_2407 = arith.constant 2 : i32
        %add3A_2408 = arith.addi %mul3A_2406, %add3A_2407 : i32
        %get3A_2409 = arith.index_cast %add3A_2408 : i32 to index
        %get3A_2410 = memref.load %arg3[%get3A_2409] : memref<512xi32, #tpu.memory_space<smem>>
        %dma_start3A_2411 = arith.constant 0 : i32
        %dma_start3A_2412 = arith.constant 2 : i32
        %dma_start3A_2413 = arith.constant 2 : i32
        %dma_start3A_2414 = arith.constant 0 : i32
        %dma_start3A_2415 = arith.constant 2 : i32
        %dma_start3A_2416 = tpu.memref_slice %arg11[%dma_start3A_2414, %dma_start3A_2415] : memref<2x4x!tpu.dma_semaphore, #tpu.memory_space<semaphore_mem>> -> memref<1x1x!tpu.dma_semaphore, #tpu.memory_space<semaphore_mem>>
        %dma_start3A_2417 = tpu.memref_squeeze %dma_start3A_2416 : memref<1x1x!tpu.dma_semaphore, #tpu.memory_space<semaphore_mem>> -> memref<!tpu.dma_semaphore, #tpu.memory_space<semaphore_mem>>
        %dma_start3A_2418 = arith.constant 0 : i32
        %dma_start3A_2419 = tpu.memref_slice %arg10[%dma_start3A_2411, %dma_start3A_2412, %dma_start3A_2413, %dma_start3A_2418] : memref<2x4x8x10000xf32, #tpu.memory_space<vmem>> -> memref<1x1x1x10000xf32, #tpu.memory_space<vmem>>
        %dma_start3A_2420 = tpu.memref_squeeze %dma_start3A_2419 : memref<1x1x1x10000xf32, #tpu.memory_space<vmem>> -> memref<10000xf32, #tpu.memory_space<vmem>>
        %dma_start3A_2421 = arith.constant 0 : i32
        %dma_start3A_2422 = tpu.memref_slice %arg7[%get3A_2410, %dma_start3A_2421] : memref<256x10000xf32, #tpu.memory_space<any>> -> memref<1x10000xf32, #tpu.memory_space<any>>
        %dma_start3A_2423 = tpu.memref_squeeze %dma_start3A_2422 : memref<1x10000xf32, #tpu.memory_space<any>> -> memref<10000xf32, #tpu.memory_space<any>>
        tpu.enqueue_dma source(%dma_start3A_2423 : memref<10000xf32, #tpu.memory_space<any>>) target(%dma_start3A_2420 : memref<10000xf32, #tpu.memory_space<vmem>>) target_semaphore(%dma_start3A_2417 : memref<!tpu.dma_semaphore, #tpu.memory_space<semaphore_mem>>)
        %mul3A_2424 = arith.constant 8 : i32
        %mul3A_2425 = arith.muli %add3A_2062, %mul3A_2424 : i32
        %add3A_2426 = arith.constant 3 : i32
        %add3A_2427 = arith.addi %mul3A_2425, %add3A_2426 : i32
        %get3A_2428 = arith.index_cast %add3A_2427 : i32 to index
        %get3A_2429 = memref.load %arg3[%get3A_2428] : memref<512xi32, #tpu.memory_space<smem>>
        %dma_start3A_2430 = arith.constant 0 : i32
        %dma_start3A_2431 = arith.constant 2 : i32
        %dma_start3A_2432 = arith.constant 3 : i32
        %dma_start3A_2433 = arith.constant 0 : i32
        %dma_start3A_2434 = arith.constant 2 : i32
        %dma_start3A_2435 = tpu.memref_slice %arg11[%dma_start3A_2433, %dma_start3A_2434] : memref<2x4x!tpu.dma_semaphore, #tpu.memory_space<semaphore_mem>> -> memref<1x1x!tpu.dma_semaphore, #tpu.memory_space<semaphore_mem>>
        %dma_start3A_2436 = tpu.memref_squeeze %dma_start3A_2435 : memref<1x1x!tpu.dma_semaphore, #tpu.memory_space<semaphore_mem>> -> memref<!tpu.dma_semaphore, #tpu.memory_space<semaphore_mem>>
        %dma_start3A_2437 = arith.constant 0 : i32
        %dma_start3A_2438 = tpu.memref_slice %arg10[%dma_start3A_2430, %dma_start3A_2431, %dma_start3A_2432, %dma_start3A_2437] : memref<2x4x8x10000xf32, #tpu.memory_space<vmem>> -> memref<1x1x1x10000xf32, #tpu.memory_space<vmem>>
        %dma_start3A_2439 = tpu.memref_squeeze %dma_start3A_2438 : memref<1x1x1x10000xf32, #tpu.memory_space<vmem>> -> memref<10000xf32, #tpu.memory_space<vmem>>
        %dma_start3A_2440 = arith.constant 0 : i32
        %dma_start3A_2441 = tpu.memref_slice %arg7[%get3A_2429, %dma_start3A_2440] : memref<256x10000xf32, #tpu.memory_space<any>> -> memref<1x10000xf32, #tpu.memory_space<any>>
        %dma_start3A_2442 = tpu.memref_squeeze %dma_start3A_2441 : memref<1x10000xf32, #tpu.memory_space<any>> -> memref<10000xf32, #tpu.memory_space<any>>
        tpu.enqueue_dma source(%dma_start3A_2442 : memref<10000xf32, #tpu.memory_space<any>>) target(%dma_start3A_2439 : memref<10000xf32, #tpu.memory_space<vmem>>) target_semaphore(%dma_start3A_2436 : memref<!tpu.dma_semaphore, #tpu.memory_space<semaphore_mem>>)
        %mul3A_2443 = arith.constant 8 : i32
        %mul3A_2444 = arith.muli %add3A_2062, %mul3A_2443 : i32
        %add3A_2445 = arith.constant 4 : i32
        %add3A_2446 = arith.addi %mul3A_2444, %add3A_2445 : i32
        %get3A_2447 = arith.index_cast %add3A_2446 : i32 to index
        %get3A_2448 = memref.load %arg3[%get3A_2447] : memref<512xi32, #tpu.memory_space<smem>>
        %dma_start3A_2449 = arith.constant 0 : i32
        %dma_start3A_2450 = arith.constant 2 : i32
        %dma_start3A_2451 = arith.constant 4 : i32
        %dma_start3A_2452 = arith.constant 0 : i32
        %dma_start3A_2453 = arith.constant 2 : i32
        %dma_start3A_2454 = tpu.memref_slice %arg11[%dma_start3A_2452, %dma_start3A_2453] : memref<2x4x!tpu.dma_semaphore, #tpu.memory_space<semaphore_mem>> -> memref<1x1x!tpu.dma_semaphore, #tpu.memory_space<semaphore_mem>>
        %dma_start3A_2455 = tpu.memref_squeeze %dma_start3A_2454 : memref<1x1x!tpu.dma_semaphore, #tpu.memory_space<semaphore_mem>> -> memref<!tpu.dma_semaphore, #tpu.memory_space<semaphore_mem>>
        %dma_start3A_2456 = arith.constant 0 : i32
        %dma_start3A_2457 = tpu.memref_slice %arg10[%dma_start3A_2449, %dma_start3A_2450, %dma_start3A_2451, %dma_start3A_2456] : memref<2x4x8x10000xf32, #tpu.memory_space<vmem>> -> memref<1x1x1x10000xf32, #tpu.memory_space<vmem>>
        %dma_start3A_2458 = tpu.memref_squeeze %dma_start3A_2457 : memref<1x1x1x10000xf32, #tpu.memory_space<vmem>> -> memref<10000xf32, #tpu.memory_space<vmem>>
        %dma_start3A_2459 = arith.constant 0 : i32
        %dma_start3A_2460 = tpu.memref_slice %arg7[%get3A_2448, %dma_start3A_2459] : memref<256x10000xf32, #tpu.memory_space<any>> -> memref<1x10000xf32, #tpu.memory_space<any>>
        %dma_start3A_2461 = tpu.memref_squeeze %dma_start3A_2460 : memref<1x10000xf32, #tpu.memory_space<any>> -> memref<10000xf32, #tpu.memory_space<any>>
        tpu.enqueue_dma source(%dma_start3A_2461 : memref<10000xf32, #tpu.memory_space<any>>) target(%dma_start3A_2458 : memref<10000xf32, #tpu.memory_space<vmem>>) target_semaphore(%dma_start3A_2455 : memref<!tpu.dma_semaphore, #tpu.memory_space<semaphore_mem>>)
        %mul3A_2462 = arith.constant 8 : i32
        %mul3A_2463 = arith.muli %add3A_2062, %mul3A_2462 : i32
        %add3A_2464 = arith.constant 5 : i32
        %add3A_2465 = arith.addi %mul3A_2463, %add3A_2464 : i32
        %get3A_2466 = arith.index_cast %add3A_2465 : i32 to index
        %get3A_2467 = memref.load %arg3[%get3A_2466] : memref<512xi32, #tpu.memory_space<smem>>
        %dma_start3A_2468 = arith.constant 0 : i32
        %dma_start3A_2469 = arith.constant 2 : i32
        %dma_start3A_2470 = arith.constant 5 : i32
        %dma_start3A_2471 = arith.constant 0 : i32
        %dma_start3A_2472 = arith.constant 2 : i32
        %dma_start3A_2473 = tpu.memref_slice %arg11[%dma_start3A_2471, %dma_start3A_2472] : memref<2x4x!tpu.dma_semaphore, #tpu.memory_space<semaphore_mem>> -> memref<1x1x!tpu.dma_semaphore, #tpu.memory_space<semaphore_mem>>
        %dma_start3A_2474 = tpu.memref_squeeze %dma_start3A_2473 : memref<1x1x!tpu.dma_semaphore, #tpu.memory_space<semaphore_mem>> -> memref<!tpu.dma_semaphore, #tpu.memory_space<semaphore_mem>>
        %dma_start3A_2475 = arith.constant 0 : i32
        %dma_start3A_2476 = tpu.memref_slice %arg10[%dma_start3A_2468, %dma_start3A_2469, %dma_start3A_2470, %dma_start3A_2475] : memref<2x4x8x10000xf32, #tpu.memory_space<vmem>> -> memref<1x1x1x10000xf32, #tpu.memory_space<vmem>>
        %dma_start3A_2477 = tpu.memref_squeeze %dma_start3A_2476 : memref<1x1x1x10000xf32, #tpu.memory_space<vmem>> -> memref<10000xf32, #tpu.memory_space<vmem>>
        %dma_start3A_2478 = arith.constant 0 : i32
        %dma_start3A_2479 = tpu.memref_slice %arg7[%get3A_2467, %dma_start3A_2478] : memref<256x10000xf32, #tpu.memory_space<any>> -> memref<1x10000xf32, #tpu.memory_space<any>>
        %dma_start3A_2480 = tpu.memref_squeeze %dma_start3A_2479 : memref<1x10000xf32, #tpu.memory_space<any>> -> memref<10000xf32, #tpu.memory_space<any>>
        tpu.enqueue_dma source(%dma_start3A_2480 : memref<10000xf32, #tpu.memory_space<any>>) target(%dma_start3A_2477 : memref<10000xf32, #tpu.memory_space<vmem>>) target_semaphore(%dma_start3A_2474 : memref<!tpu.dma_semaphore, #tpu.memory_space<semaphore_mem>>)
        %mul3A_2481 = arith.constant 8 : i32
        %mul3A_2482 = arith.muli %add3A_2062, %mul3A_2481 : i32
        %add3A_2483 = arith.constant 6 : i32
        %add3A_2484 = arith.addi %mul3A_2482, %add3A_2483 : i32
        %get3A_2485 = arith.index_cast %add3A_2484 : i32 to index
        %get3A_2486 = memref.load %arg3[%get3A_2485] : memref<512xi32, #tpu.memory_space<smem>>
        %dma_start3A_2487 = arith.constant 0 : i32
        %dma_start3A_2488 = arith.constant 2 : i32
        %dma_start3A_2489 = arith.constant 6 : i32
        %dma_start3A_2490 = arith.constant 0 : i32
        %dma_start3A_2491 = arith.constant 2 : i32
        %dma_start3A_2492 = tpu.memref_slice %arg11[%dma_start3A_2490, %dma_start3A_2491] : memref<2x4x!tpu.dma_semaphore, #tpu.memory_space<semaphore_mem>> -> memref<1x1x!tpu.dma_semaphore, #tpu.memory_space<semaphore_mem>>
        %dma_start3A_2493 = tpu.memref_squeeze %dma_start3A_2492 : memref<1x1x!tpu.dma_semaphore, #tpu.memory_space<semaphore_mem>> -> memref<!tpu.dma_semaphore, #tpu.memory_space<semaphore_mem>>
        %dma_start3A_2494 = arith.constant 0 : i32
        %dma_start3A_2495 = tpu.memref_slice %arg10[%dma_start3A_2487, %dma_start3A_2488, %dma_start3A_2489, %dma_start3A_2494] : memref<2x4x8x10000xf32, #tpu.memory_space<vmem>> -> memref<1x1x1x10000xf32, #tpu.memory_space<vmem>>
        %dma_start3A_2496 = tpu.memref_squeeze %dma_start3A_2495 : memref<1x1x1x10000xf32, #tpu.memory_space<vmem>> -> memref<10000xf32, #tpu.memory_space<vmem>>
        %dma_start3A_2497 = arith.constant 0 : i32
        %dma_start3A_2498 = tpu.memref_slice %arg7[%get3A_2486, %dma_start3A_2497] : memref<256x10000xf32, #tpu.memory_space<any>> -> memref<1x10000xf32, #tpu.memory_space<any>>
        %dma_start3A_2499 = tpu.memref_squeeze %dma_start3A_2498 : memref<1x10000xf32, #tpu.memory_space<any>> -> memref<10000xf32, #tpu.memory_space<any>>
        tpu.enqueue_dma source(%dma_start3A_2499 : memref<10000xf32, #tpu.memory_space<any>>) target(%dma_start3A_2496 : memref<10000xf32, #tpu.memory_space<vmem>>) target_semaphore(%dma_start3A_2493 : memref<!tpu.dma_semaphore, #tpu.memory_space<semaphore_mem>>)
        %mul3A_2500 = arith.constant 8 : i32
        %mul3A_2501 = arith.muli %add3A_2062, %mul3A_2500 : i32
        %add3A_2502 = arith.constant 7 : i32
        %add3A_2503 = arith.addi %mul3A_2501, %add3A_2502 : i32
        %get3A_2504 = arith.index_cast %add3A_2503 : i32 to index
        %get3A_2505 = memref.load %arg3[%get3A_2504] : memref<512xi32, #tpu.memory_space<smem>>
        %dma_start3A_2506 = arith.constant 0 : i32
        %dma_start3A_2507 = arith.constant 2 : i32
        %dma_start3A_2508 = arith.constant 7 : i32
        %dma_start3A_2509 = arith.constant 0 : i32
        %dma_start3A_2510 = arith.constant 2 : i32
        %dma_start3A_2511 = tpu.memref_slice %arg11[%dma_start3A_2509, %dma_start3A_2510] : memref<2x4x!tpu.dma_semaphore, #tpu.memory_space<semaphore_mem>> -> memref<1x1x!tpu.dma_semaphore, #tpu.memory_space<semaphore_mem>>
        %dma_start3A_2512 = tpu.memref_squeeze %dma_start3A_2511 : memref<1x1x!tpu.dma_semaphore, #tpu.memory_space<semaphore_mem>> -> memref<!tpu.dma_semaphore, #tpu.memory_space<semaphore_mem>>
        %dma_start3A_2513 = arith.constant 0 : i32
        %dma_start3A_2514 = tpu.memref_slice %arg10[%dma_start3A_2506, %dma_start3A_2507, %dma_start3A_2508, %dma_start3A_2513] : memref<2x4x8x10000xf32, #tpu.memory_space<vmem>> -> memref<1x1x1x10000xf32, #tpu.memory_space<vmem>>
        %dma_start3A_2515 = tpu.memref_squeeze %dma_start3A_2514 : memref<1x1x1x10000xf32, #tpu.memory_space<vmem>> -> memref<10000xf32, #tpu.memory_space<vmem>>
        %dma_start3A_2516 = arith.constant 0 : i32
        %dma_start3A_2517 = tpu.memref_slice %arg7[%get3A_2505, %dma_start3A_2516] : memref<256x10000xf32, #tpu.memory_space<any>> -> memref<1x10000xf32, #tpu.memory_space<any>>
        %dma_start3A_2518 = tpu.memref_squeeze %dma_start3A_2517 : memref<1x10000xf32, #tpu.memory_space<any>> -> memref<10000xf32, #tpu.memory_space<any>>
        tpu.enqueue_dma source(%dma_start3A_2518 : memref<10000xf32, #tpu.memory_space<any>>) target(%dma_start3A_2515 : memref<10000xf32, #tpu.memory_space<vmem>>) target_semaphore(%dma_start3A_2512 : memref<!tpu.dma_semaphore, #tpu.memory_space<semaphore_mem>>)
        %mul3A_2519 = arith.constant 8 : i32
        %mul3A_2520 = arith.muli %add3A_2062, %mul3A_2519 : i32
        %add3A_2521 = arith.constant 0 : i32
        %add3A_2522 = arith.addi %mul3A_2520, %add3A_2521 : i32
        %get3A_2523 = arith.index_cast %add3A_2522 : i32 to index
        %get3A_2524 = memref.load %arg4[%get3A_2523] : memref<512xi32, #tpu.memory_space<smem>>
        %dma_start3A_2525 = arith.constant 0 : i32
        %dma_start3A_2526 = arith.constant 3 : i32
        %dma_start3A_2527 = arith.constant 0 : i32
        %dma_start3A_2528 = arith.constant 0 : i32
        %dma_start3A_2529 = arith.constant 3 : i32
        %dma_start3A_2530 = tpu.memref_slice %arg11[%dma_start3A_2528, %dma_start3A_2529] : memref<2x4x!tpu.dma_semaphore, #tpu.memory_space<semaphore_mem>> -> memref<1x1x!tpu.dma_semaphore, #tpu.memory_space<semaphore_mem>>
        %dma_start3A_2531 = tpu.memref_squeeze %dma_start3A_2530 : memref<1x1x!tpu.dma_semaphore, #tpu.memory_space<semaphore_mem>> -> memref<!tpu.dma_semaphore, #tpu.memory_space<semaphore_mem>>
        %dma_start3A_2532 = arith.constant 0 : i32
        %dma_start3A_2533 = tpu.memref_slice %arg10[%dma_start3A_2525, %dma_start3A_2526, %dma_start3A_2527, %dma_start3A_2532] : memref<2x4x8x10000xf32, #tpu.memory_space<vmem>> -> memref<1x1x1x10000xf32, #tpu.memory_space<vmem>>
        %dma_start3A_2534 = tpu.memref_squeeze %dma_start3A_2533 : memref<1x1x1x10000xf32, #tpu.memory_space<vmem>> -> memref<10000xf32, #tpu.memory_space<vmem>>
        %dma_start3A_2535 = arith.constant 0 : i32
        %dma_start3A_2536 = tpu.memref_slice %arg8[%get3A_2524, %dma_start3A_2535] : memref<256x10000xf32, #tpu.memory_space<any>> -> memref<1x10000xf32, #tpu.memory_space<any>>
        %dma_start3A_2537 = tpu.memref_squeeze %dma_start3A_2536 : memref<1x10000xf32, #tpu.memory_space<any>> -> memref<10000xf32, #tpu.memory_space<any>>
        tpu.enqueue_dma source(%dma_start3A_2537 : memref<10000xf32, #tpu.memory_space<any>>) target(%dma_start3A_2534 : memref<10000xf32, #tpu.memory_space<vmem>>) target_semaphore(%dma_start3A_2531 : memref<!tpu.dma_semaphore, #tpu.memory_space<semaphore_mem>>)
        %mul3A_2538 = arith.constant 8 : i32
        %mul3A_2539 = arith.muli %add3A_2062, %mul3A_2538 : i32
        %add3A_2540 = arith.constant 1 : i32
        %add3A_2541 = arith.addi %mul3A_2539, %add3A_2540 : i32
        %get3A_2542 = arith.index_cast %add3A_2541 : i32 to index
        %get3A_2543 = memref.load %arg4[%get3A_2542] : memref<512xi32, #tpu.memory_space<smem>>
        %dma_start3A_2544 = arith.constant 0 : i32
        %dma_start3A_2545 = arith.constant 3 : i32
        %dma_start3A_2546 = arith.constant 1 : i32
        %dma_start3A_2547 = arith.constant 0 : i32
        %dma_start3A_2548 = arith.constant 3 : i32
        %dma_start3A_2549 = tpu.memref_slice %arg11[%dma_start3A_2547, %dma_start3A_2548] : memref<2x4x!tpu.dma_semaphore, #tpu.memory_space<semaphore_mem>> -> memref<1x1x!tpu.dma_semaphore, #tpu.memory_space<semaphore_mem>>
        %dma_start3A_2550 = tpu.memref_squeeze %dma_start3A_2549 : memref<1x1x!tpu.dma_semaphore, #tpu.memory_space<semaphore_mem>> -> memref<!tpu.dma_semaphore, #tpu.memory_space<semaphore_mem>>
        %dma_start3A_2551 = arith.constant 0 : i32
        %dma_start3A_2552 = tpu.memref_slice %arg10[%dma_start3A_2544, %dma_start3A_2545, %dma_start3A_2546, %dma_start3A_2551] : memref<2x4x8x10000xf32, #tpu.memory_space<vmem>> -> memref<1x1x1x10000xf32, #tpu.memory_space<vmem>>
        %dma_start3A_2553 = tpu.memref_squeeze %dma_start3A_2552 : memref<1x1x1x10000xf32, #tpu.memory_space<vmem>> -> memref<10000xf32, #tpu.memory_space<vmem>>
        %dma_start3A_2554 = arith.constant 0 : i32
        %dma_start3A_2555 = tpu.memref_slice %arg8[%get3A_2543, %dma_start3A_2554] : memref<256x10000xf32, #tpu.memory_space<any>> -> memref<1x10000xf32, #tpu.memory_space<any>>
        %dma_start3A_2556 = tpu.memref_squeeze %dma_start3A_2555 : memref<1x10000xf32, #tpu.memory_space<any>> -> memref<10000xf32, #tpu.memory_space<any>>
        tpu.enqueue_dma source(%dma_start3A_2556 : memref<10000xf32, #tpu.memory_space<any>>) target(%dma_start3A_2553 : memref<10000xf32, #tpu.memory_space<vmem>>) target_semaphore(%dma_start3A_2550 : memref<!tpu.dma_semaphore, #tpu.memory_space<semaphore_mem>>)
        %mul3A_2557 = arith.constant 8 : i32
        %mul3A_2558 = arith.muli %add3A_2062, %mul3A_2557 : i32
        %add3A_2559 = arith.constant 2 : i32
        %add3A_2560 = arith.addi %mul3A_2558, %add3A_2559 : i32
        %get3A_2561 = arith.index_cast %add3A_2560 : i32 to index
        %get3A_2562 = memref.load %arg4[%get3A_2561] : memref<512xi32, #tpu.memory_space<smem>>
        %dma_start3A_2563 = arith.constant 0 : i32
        %dma_start3A_2564 = arith.constant 3 : i32
        %dma_start3A_2565 = arith.constant 2 : i32
        %dma_start3A_2566 = arith.constant 0 : i32
        %dma_start3A_2567 = arith.constant 3 : i32
        %dma_start3A_2568 = tpu.memref_slice %arg11[%dma_start3A_2566, %dma_start3A_2567] : memref<2x4x!tpu.dma_semaphore, #tpu.memory_space<semaphore_mem>> -> memref<1x1x!tpu.dma_semaphore, #tpu.memory_space<semaphore_mem>>
        %dma_start3A_2569 = tpu.memref_squeeze %dma_start3A_2568 : memref<1x1x!tpu.dma_semaphore, #tpu.memory_space<semaphore_mem>> -> memref<!tpu.dma_semaphore, #tpu.memory_space<semaphore_mem>>
        %dma_start3A_2570 = arith.constant 0 : i32
        %dma_start3A_2571 = tpu.memref_slice %arg10[%dma_start3A_2563, %dma_start3A_2564, %dma_start3A_2565, %dma_start3A_2570] : memref<2x4x8x10000xf32, #tpu.memory_space<vmem>> -> memref<1x1x1x10000xf32, #tpu.memory_space<vmem>>
        %dma_start3A_2572 = tpu.memref_squeeze %dma_start3A_2571 : memref<1x1x1x10000xf32, #tpu.memory_space<vmem>> -> memref<10000xf32, #tpu.memory_space<vmem>>
        %dma_start3A_2573 = arith.constant 0 : i32
        %dma_start3A_2574 = tpu.memref_slice %arg8[%get3A_2562, %dma_start3A_2573] : memref<256x10000xf32, #tpu.memory_space<any>> -> memref<1x10000xf32, #tpu.memory_space<any>>
        %dma_start3A_2575 = tpu.memref_squeeze %dma_start3A_2574 : memref<1x10000xf32, #tpu.memory_space<any>> -> memref<10000xf32, #tpu.memory_space<any>>
        tpu.enqueue_dma source(%dma_start3A_2575 : memref<10000xf32, #tpu.memory_space<any>>) target(%dma_start3A_2572 : memref<10000xf32, #tpu.memory_space<vmem>>) target_semaphore(%dma_start3A_2569 : memref<!tpu.dma_semaphore, #tpu.memory_space<semaphore_mem>>)
        %mul3A_2576 = arith.constant 8 : i32
        %mul3A_2577 = arith.muli %add3A_2062, %mul3A_2576 : i32
        %add3A_2578 = arith.constant 3 : i32
        %add3A_2579 = arith.addi %mul3A_2577, %add3A_2578 : i32
        %get3A_2580 = arith.index_cast %add3A_2579 : i32 to index
        %get3A_2581 = memref.load %arg4[%get3A_2580] : memref<512xi32, #tpu.memory_space<smem>>
        %dma_start3A_2582 = arith.constant 0 : i32
        %dma_start3A_2583 = arith.constant 3 : i32
        %dma_start3A_2584 = arith.constant 3 : i32
        %dma_start3A_2585 = arith.constant 0 : i32
        %dma_start3A_2586 = arith.constant 3 : i32
        %dma_start3A_2587 = tpu.memref_slice %arg11[%dma_start3A_2585, %dma_start3A_2586] : memref<2x4x!tpu.dma_semaphore, #tpu.memory_space<semaphore_mem>> -> memref<1x1x!tpu.dma_semaphore, #tpu.memory_space<semaphore_mem>>
        %dma_start3A_2588 = tpu.memref_squeeze %dma_start3A_2587 : memref<1x1x!tpu.dma_semaphore, #tpu.memory_space<semaphore_mem>> -> memref<!tpu.dma_semaphore, #tpu.memory_space<semaphore_mem>>
        %dma_start3A_2589 = arith.constant 0 : i32
        %dma_start3A_2590 = tpu.memref_slice %arg10[%dma_start3A_2582, %dma_start3A_2583, %dma_start3A_2584, %dma_start3A_2589] : memref<2x4x8x10000xf32, #tpu.memory_space<vmem>> -> memref<1x1x1x10000xf32, #tpu.memory_space<vmem>>
        %dma_start3A_2591 = tpu.memref_squeeze %dma_start3A_2590 : memref<1x1x1x10000xf32, #tpu.memory_space<vmem>> -> memref<10000xf32, #tpu.memory_space<vmem>>
        %dma_start3A_2592 = arith.constant 0 : i32
        %dma_start3A_2593 = tpu.memref_slice %arg8[%get3A_2581, %dma_start3A_2592] : memref<256x10000xf32, #tpu.memory_space<any>> -> memref<1x10000xf32, #tpu.memory_space<any>>
        %dma_start3A_2594 = tpu.memref_squeeze %dma_start3A_2593 : memref<1x10000xf32, #tpu.memory_space<any>> -> memref<10000xf32, #tpu.memory_space<any>>
        tpu.enqueue_dma source(%dma_start3A_2594 : memref<10000xf32, #tpu.memory_space<any>>) target(%dma_start3A_2591 : memref<10000xf32, #tpu.memory_space<vmem>>) target_semaphore(%dma_start3A_2588 : memref<!tpu.dma_semaphore, #tpu.memory_space<semaphore_mem>>)
        %mul3A_2595 = arith.constant 8 : i32
        %mul3A_2596 = arith.muli %add3A_2062, %mul3A_2595 : i32
        %add3A_2597 = arith.constant 4 : i32
        %add3A_2598 = arith.addi %mul3A_2596, %add3A_2597 : i32
        %get3A_2599 = arith.index_cast %add3A_2598 : i32 to index
        %get3A_2600 = memref.load %arg4[%get3A_2599] : memref<512xi32, #tpu.memory_space<smem>>
        %dma_start3A_2601 = arith.constant 0 : i32
        %dma_start3A_2602 = arith.constant 3 : i32
        %dma_start3A_2603 = arith.constant 4 : i32
        %dma_start3A_2604 = arith.constant 0 : i32
        %dma_start3A_2605 = arith.constant 3 : i32
        %dma_start3A_2606 = tpu.memref_slice %arg11[%dma_start3A_2604, %dma_start3A_2605] : memref<2x4x!tpu.dma_semaphore, #tpu.memory_space<semaphore_mem>> -> memref<1x1x!tpu.dma_semaphore, #tpu.memory_space<semaphore_mem>>
        %dma_start3A_2607 = tpu.memref_squeeze %dma_start3A_2606 : memref<1x1x!tpu.dma_semaphore, #tpu.memory_space<semaphore_mem>> -> memref<!tpu.dma_semaphore, #tpu.memory_space<semaphore_mem>>
        %dma_start3A_2608 = arith.constant 0 : i32
        %dma_start3A_2609 = tpu.memref_slice %arg10[%dma_start3A_2601, %dma_start3A_2602, %dma_start3A_2603, %dma_start3A_2608] : memref<2x4x8x10000xf32, #tpu.memory_space<vmem>> -> memref<1x1x1x10000xf32, #tpu.memory_space<vmem>>
        %dma_start3A_2610 = tpu.memref_squeeze %dma_start3A_2609 : memref<1x1x1x10000xf32, #tpu.memory_space<vmem>> -> memref<10000xf32, #tpu.memory_space<vmem>>
        %dma_start3A_2611 = arith.constant 0 : i32
        %dma_start3A_2612 = tpu.memref_slice %arg8[%get3A_2600, %dma_start3A_2611] : memref<256x10000xf32, #tpu.memory_space<any>> -> memref<1x10000xf32, #tpu.memory_space<any>>
        %dma_start3A_2613 = tpu.memref_squeeze %dma_start3A_2612 : memref<1x10000xf32, #tpu.memory_space<any>> -> memref<10000xf32, #tpu.memory_space<any>>
        tpu.enqueue_dma source(%dma_start3A_2613 : memref<10000xf32, #tpu.memory_space<any>>) target(%dma_start3A_2610 : memref<10000xf32, #tpu.memory_space<vmem>>) target_semaphore(%dma_start3A_2607 : memref<!tpu.dma_semaphore, #tpu.memory_space<semaphore_mem>>)
        %mul3A_2614 = arith.constant 8 : i32
        %mul3A_2615 = arith.muli %add3A_2062, %mul3A_2614 : i32
        %add3A_2616 = arith.constant 5 : i32
        %add3A_2617 = arith.addi %mul3A_2615, %add3A_2616 : i32
        %get3A_2618 = arith.index_cast %add3A_2617 : i32 to index
        %get3A_2619 = memref.load %arg4[%get3A_2618] : memref<512xi32, #tpu.memory_space<smem>>
        %dma_start3A_2620 = arith.constant 0 : i32
        %dma_start3A_2621 = arith.constant 3 : i32
        %dma_start3A_2622 = arith.constant 5 : i32
        %dma_start3A_2623 = arith.constant 0 : i32
        %dma_start3A_2624 = arith.constant 3 : i32
        %dma_start3A_2625 = tpu.memref_slice %arg11[%dma_start3A_2623, %dma_start3A_2624] : memref<2x4x!tpu.dma_semaphore, #tpu.memory_space<semaphore_mem>> -> memref<1x1x!tpu.dma_semaphore, #tpu.memory_space<semaphore_mem>>
        %dma_start3A_2626 = tpu.memref_squeeze %dma_start3A_2625 : memref<1x1x!tpu.dma_semaphore, #tpu.memory_space<semaphore_mem>> -> memref<!tpu.dma_semaphore, #tpu.memory_space<semaphore_mem>>
        %dma_start3A_2627 = arith.constant 0 : i32
        %dma_start3A_2628 = tpu.memref_slice %arg10[%dma_start3A_2620, %dma_start3A_2621, %dma_start3A_2622, %dma_start3A_2627] : memref<2x4x8x10000xf32, #tpu.memory_space<vmem>> -> memref<1x1x1x10000xf32, #tpu.memory_space<vmem>>
        %dma_start3A_2629 = tpu.memref_squeeze %dma_start3A_2628 : memref<1x1x1x10000xf32, #tpu.memory_space<vmem>> -> memref<10000xf32, #tpu.memory_space<vmem>>
        %dma_start3A_2630 = arith.constant 0 : i32
        %dma_start3A_2631 = tpu.memref_slice %arg8[%get3A_2619, %dma_start3A_2630] : memref<256x10000xf32, #tpu.memory_space<any>> -> memref<1x10000xf32, #tpu.memory_space<any>>
        %dma_start3A_2632 = tpu.memref_squeeze %dma_start3A_2631 : memref<1x10000xf32, #tpu.memory_space<any>> -> memref<10000xf32, #tpu.memory_space<any>>
        tpu.enqueue_dma source(%dma_start3A_2632 : memref<10000xf32, #tpu.memory_space<any>>) target(%dma_start3A_2629 : memref<10000xf32, #tpu.memory_space<vmem>>) target_semaphore(%dma_start3A_2626 : memref<!tpu.dma_semaphore, #tpu.memory_space<semaphore_mem>>)
        %mul3A_2633 = arith.constant 8 : i32
        %mul3A_2634 = arith.muli %add3A_2062, %mul3A_2633 : i32
        %add3A_2635 = arith.constant 6 : i32
        %add3A_2636 = arith.addi %mul3A_2634, %add3A_2635 : i32
        %get3A_2637 = arith.index_cast %add3A_2636 : i32 to index
        %get3A_2638 = memref.load %arg4[%get3A_2637] : memref<512xi32, #tpu.memory_space<smem>>
        %dma_start3A_2639 = arith.constant 0 : i32
        %dma_start3A_2640 = arith.constant 3 : i32
        %dma_start3A_2641 = arith.constant 6 : i32
        %dma_start3A_2642 = arith.constant 0 : i32
        %dma_start3A_2643 = arith.constant 3 : i32
        %dma_start3A_2644 = tpu.memref_slice %arg11[%dma_start3A_2642, %dma_start3A_2643] : memref<2x4x!tpu.dma_semaphore, #tpu.memory_space<semaphore_mem>> -> memref<1x1x!tpu.dma_semaphore, #tpu.memory_space<semaphore_mem>>
        %dma_start3A_2645 = tpu.memref_squeeze %dma_start3A_2644 : memref<1x1x!tpu.dma_semaphore, #tpu.memory_space<semaphore_mem>> -> memref<!tpu.dma_semaphore, #tpu.memory_space<semaphore_mem>>
        %dma_start3A_2646 = arith.constant 0 : i32
        %dma_start3A_2647 = tpu.memref_slice %arg10[%dma_start3A_2639, %dma_start3A_2640, %dma_start3A_2641, %dma_start3A_2646] : memref<2x4x8x10000xf32, #tpu.memory_space<vmem>> -> memref<1x1x1x10000xf32, #tpu.memory_space<vmem>>
        %dma_start3A_2648 = tpu.memref_squeeze %dma_start3A_2647 : memref<1x1x1x10000xf32, #tpu.memory_space<vmem>> -> memref<10000xf32, #tpu.memory_space<vmem>>
        %dma_start3A_2649 = arith.constant 0 : i32
        %dma_start3A_2650 = tpu.memref_slice %arg8[%get3A_2638, %dma_start3A_2649] : memref<256x10000xf32, #tpu.memory_space<any>> -> memref<1x10000xf32, #tpu.memory_space<any>>
        %dma_start3A_2651 = tpu.memref_squeeze %dma_start3A_2650 : memref<1x10000xf32, #tpu.memory_space<any>> -> memref<10000xf32, #tpu.memory_space<any>>
        tpu.enqueue_dma source(%dma_start3A_2651 : memref<10000xf32, #tpu.memory_space<any>>) target(%dma_start3A_2648 : memref<10000xf32, #tpu.memory_space<vmem>>) target_semaphore(%dma_start3A_2645 : memref<!tpu.dma_semaphore, #tpu.memory_space<semaphore_mem>>)
        %mul3A_2652 = arith.constant 8 : i32
        %mul3A_2653 = arith.muli %add3A_2062, %mul3A_2652 : i32
        %add3A_2654 = arith.constant 7 : i32
        %add3A_2655 = arith.addi %mul3A_2653, %add3A_2654 : i32
        %get3A_2656 = arith.index_cast %add3A_2655 : i32 to index
        %get3A_2657 = memref.load %arg4[%get3A_2656] : memref<512xi32, #tpu.memory_space<smem>>
        %dma_start3A_2658 = arith.constant 0 : i32
        %dma_start3A_2659 = arith.constant 3 : i32
        %dma_start3A_2660 = arith.constant 7 : i32
        %dma_start3A_2661 = arith.constant 0 : i32
        %dma_start3A_2662 = arith.constant 3 : i32
        %dma_start3A_2663 = tpu.memref_slice %arg11[%dma_start3A_2661, %dma_start3A_2662] : memref<2x4x!tpu.dma_semaphore, #tpu.memory_space<semaphore_mem>> -> memref<1x1x!tpu.dma_semaphore, #tpu.memory_space<semaphore_mem>>
        %dma_start3A_2664 = tpu.memref_squeeze %dma_start3A_2663 : memref<1x1x!tpu.dma_semaphore, #tpu.memory_space<semaphore_mem>> -> memref<!tpu.dma_semaphore, #tpu.memory_space<semaphore_mem>>
        %dma_start3A_2665 = arith.constant 0 : i32
        %dma_start3A_2666 = tpu.memref_slice %arg10[%dma_start3A_2658, %dma_start3A_2659, %dma_start3A_2660, %dma_start3A_2665] : memref<2x4x8x10000xf32, #tpu.memory_space<vmem>> -> memref<1x1x1x10000xf32, #tpu.memory_space<vmem>>
        %dma_start3A_2667 = tpu.memref_squeeze %dma_start3A_2666 : memref<1x1x1x10000xf32, #tpu.memory_space<vmem>> -> memref<10000xf32, #tpu.memory_space<vmem>>
        %dma_start3A_2668 = arith.constant 0 : i32
        %dma_start3A_2669 = tpu.memref_slice %arg8[%get3A_2657, %dma_start3A_2668] : memref<256x10000xf32, #tpu.memory_space<any>> -> memref<1x10000xf32, #tpu.memory_space<any>>
        %dma_start3A_2670 = tpu.memref_squeeze %dma_start3A_2669 : memref<1x10000xf32, #tpu.memory_space<any>> -> memref<10000xf32, #tpu.memory_space<any>>
        tpu.enqueue_dma source(%dma_start3A_2670 : memref<10000xf32, #tpu.memory_space<any>>) target(%dma_start3A_2667 : memref<10000xf32, #tpu.memory_space<vmem>>) target_semaphore(%dma_start3A_2664 : memref<!tpu.dma_semaphore, #tpu.memory_space<semaphore_mem>>)
      } else {
      }
      %dma_wait3A_1579 = arith.constant 0 : i32
      %dma_wait3A_1580 = arith.constant 1 : i32
      %dma_wait3A_1581 = arith.constant 0 : i32
      %dma_wait3A_1582 = arith.constant 0 : i32
      %dma_wait3A_1583 = arith.constant 1 : i32
      %dma_wait3A_1584 = arith.constant 0 : i32
      %dma_wait3A_1585 = tpu.memref_slice %arg11[%dma_wait3A_1583, %dma_wait3A_1584] : memref<2x4x!tpu.dma_semaphore, #tpu.memory_space<semaphore_mem>> -> memref<1x1x!tpu.dma_semaphore, #tpu.memory_space<semaphore_mem>>
      %dma_wait3A_1586 = tpu.memref_squeeze %dma_wait3A_1585 : memref<1x1x!tpu.dma_semaphore, #tpu.memory_space<semaphore_mem>> -> memref<!tpu.dma_semaphore, #tpu.memory_space<semaphore_mem>>
      %dma_wait3A_1587 = arith.constant 0 : i32
      %dma_wait3A_1588 = tpu.memref_slice %arg10[%dma_wait3A_1580, %dma_wait3A_1581, %dma_wait3A_1582, %dma_wait3A_1587] : memref<2x4x8x10000xf32, #tpu.memory_space<vmem>> -> memref<1x1x1x10000xf32, #tpu.memory_space<vmem>>
      %dma_wait3A_1589 = tpu.memref_squeeze %dma_wait3A_1588 : memref<1x1x1x10000xf32, #tpu.memory_space<vmem>> -> memref<10000xf32, #tpu.memory_space<vmem>>
      %dma_wait3A_1590 = arith.constant 0 : i32
      %dma_wait3A_1591 = tpu.memref_slice %arg5[%dma_wait3A_1579, %dma_wait3A_1590] : memref<4096x10000xf32, #tpu.memory_space<any>> -> memref<1x10000xf32, #tpu.memory_space<any>>
      %dma_wait3A_1592 = tpu.memref_squeeze %dma_wait3A_1591 : memref<1x10000xf32, #tpu.memory_space<any>> -> memref<10000xf32, #tpu.memory_space<any>>
      tpu.wait_dma2 semaphore(%dma_wait3A_1586 : memref<!tpu.dma_semaphore, #tpu.memory_space<semaphore_mem>>) src(%dma_wait3A_1592 : memref<10000xf32, #tpu.memory_space<any>>) dst(%dma_wait3A_1589 : memref<10000xf32, #tpu.memory_space<vmem>>)
      %dma_wait3A_1593 = arith.constant 0 : i32
      %dma_wait3A_1594 = arith.constant 1 : i32
      %dma_wait3A_1595 = arith.constant 0 : i32
      %dma_wait3A_1596 = arith.constant 1 : i32
      %dma_wait3A_1597 = arith.constant 1 : i32
      %dma_wait3A_1598 = arith.constant 0 : i32
      %dma_wait3A_1599 = tpu.memref_slice %arg11[%dma_wait3A_1597, %dma_wait3A_1598] : memref<2x4x!tpu.dma_semaphore, #tpu.memory_space<semaphore_mem>> -> memref<1x1x!tpu.dma_semaphore, #tpu.memory_space<semaphore_mem>>
      %dma_wait3A_1600 = tpu.memref_squeeze %dma_wait3A_1599 : memref<1x1x!tpu.dma_semaphore, #tpu.memory_space<semaphore_mem>> -> memref<!tpu.dma_semaphore, #tpu.memory_space<semaphore_mem>>
      %dma_wait3A_1601 = arith.constant 0 : i32
      %dma_wait3A_1602 = tpu.memref_slice %arg10[%dma_wait3A_1594, %dma_wait3A_1595, %dma_wait3A_1596, %dma_wait3A_1601] : memref<2x4x8x10000xf32, #tpu.memory_space<vmem>> -> memref<1x1x1x10000xf32, #tpu.memory_space<vmem>>
      %dma_wait3A_1603 = tpu.memref_squeeze %dma_wait3A_1602 : memref<1x1x1x10000xf32, #tpu.memory_space<vmem>> -> memref<10000xf32, #tpu.memory_space<vmem>>
      %dma_wait3A_1604 = arith.constant 0 : i32
      %dma_wait3A_1605 = tpu.memref_slice %arg5[%dma_wait3A_1593, %dma_wait3A_1604] : memref<4096x10000xf32, #tpu.memory_space<any>> -> memref<1x10000xf32, #tpu.memory_space<any>>
      %dma_wait3A_1606 = tpu.memref_squeeze %dma_wait3A_1605 : memref<1x10000xf32, #tpu.memory_space<any>> -> memref<10000xf32, #tpu.memory_space<any>>
      tpu.wait_dma2 semaphore(%dma_wait3A_1600 : memref<!tpu.dma_semaphore, #tpu.memory_space<semaphore_mem>>) src(%dma_wait3A_1606 : memref<10000xf32, #tpu.memory_space<any>>) dst(%dma_wait3A_1603 : memref<10000xf32, #tpu.memory_space<vmem>>)
      %dma_wait3A_1607 = arith.constant 0 : i32
      %dma_wait3A_1608 = arith.constant 1 : i32
      %dma_wait3A_1609 = arith.constant 0 : i32
      %dma_wait3A_1610 = arith.constant 2 : i32
      %dma_wait3A_1611 = arith.constant 1 : i32
      %dma_wait3A_1612 = arith.constant 0 : i32
      %dma_wait3A_1613 = tpu.memref_slice %arg11[%dma_wait3A_1611, %dma_wait3A_1612] : memref<2x4x!tpu.dma_semaphore, #tpu.memory_space<semaphore_mem>> -> memref<1x1x!tpu.dma_semaphore, #tpu.memory_space<semaphore_mem>>
      %dma_wait3A_1614 = tpu.memref_squeeze %dma_wait3A_1613 : memref<1x1x!tpu.dma_semaphore, #tpu.memory_space<semaphore_mem>> -> memref<!tpu.dma_semaphore, #tpu.memory_space<semaphore_mem>>
      %dma_wait3A_1615 = arith.constant 0 : i32
      %dma_wait3A_1616 = tpu.memref_slice %arg10[%dma_wait3A_1608, %dma_wait3A_1609, %dma_wait3A_1610, %dma_wait3A_1615] : memref<2x4x8x10000xf32, #tpu.memory_space<vmem>> -> memref<1x1x1x10000xf32, #tpu.memory_space<vmem>>
      %dma_wait3A_1617 = tpu.memref_squeeze %dma_wait3A_1616 : memref<1x1x1x10000xf32, #tpu.memory_space<vmem>> -> memref<10000xf32, #tpu.memory_space<vmem>>
      %dma_wait3A_1618 = arith.constant 0 : i32
      %dma_wait3A_1619 = tpu.memref_slice %arg5[%dma_wait3A_1607, %dma_wait3A_1618] : memref<4096x10000xf32, #tpu.memory_space<any>> -> memref<1x10000xf32, #tpu.memory_space<any>>
      %dma_wait3A_1620 = tpu.memref_squeeze %dma_wait3A_1619 : memref<1x10000xf32, #tpu.memory_space<any>> -> memref<10000xf32, #tpu.memory_space<any>>
      tpu.wait_dma2 semaphore(%dma_wait3A_1614 : memref<!tpu.dma_semaphore, #tpu.memory_space<semaphore_mem>>) src(%dma_wait3A_1620 : memref<10000xf32, #tpu.memory_space<any>>) dst(%dma_wait3A_1617 : memref<10000xf32, #tpu.memory_space<vmem>>)
      %dma_wait3A_1621 = arith.constant 0 : i32
      %dma_wait3A_1622 = arith.constant 1 : i32
      %dma_wait3A_1623 = arith.constant 0 : i32
      %dma_wait3A_1624 = arith.constant 3 : i32
      %dma_wait3A_1625 = arith.constant 1 : i32
      %dma_wait3A_1626 = arith.constant 0 : i32
      %dma_wait3A_1627 = tpu.memref_slice %arg11[%dma_wait3A_1625, %dma_wait3A_1626] : memref<2x4x!tpu.dma_semaphore, #tpu.memory_space<semaphore_mem>> -> memref<1x1x!tpu.dma_semaphore, #tpu.memory_space<semaphore_mem>>
      %dma_wait3A_1628 = tpu.memref_squeeze %dma_wait3A_1627 : memref<1x1x!tpu.dma_semaphore, #tpu.memory_space<semaphore_mem>> -> memref<!tpu.dma_semaphore, #tpu.memory_space<semaphore_mem>>
      %dma_wait3A_1629 = arith.constant 0 : i32
      %dma_wait3A_1630 = tpu.memref_slice %arg10[%dma_wait3A_1622, %dma_wait3A_1623, %dma_wait3A_1624, %dma_wait3A_1629] : memref<2x4x8x10000xf32, #tpu.memory_space<vmem>> -> memref<1x1x1x10000xf32, #tpu.memory_space<vmem>>
      %dma_wait3A_1631 = tpu.memref_squeeze %dma_wait3A_1630 : memref<1x1x1x10000xf32, #tpu.memory_space<vmem>> -> memref<10000xf32, #tpu.memory_space<vmem>>
      %dma_wait3A_1632 = arith.constant 0 : i32
      %dma_wait3A_1633 = tpu.memref_slice %arg5[%dma_wait3A_1621, %dma_wait3A_1632] : memref<4096x10000xf32, #tpu.memory_space<any>> -> memref<1x10000xf32, #tpu.memory_space<any>>
      %dma_wait3A_1634 = tpu.memref_squeeze %dma_wait3A_1633 : memref<1x10000xf32, #tpu.memory_space<any>> -> memref<10000xf32, #tpu.memory_space<any>>
      tpu.wait_dma2 semaphore(%dma_wait3A_1628 : memref<!tpu.dma_semaphore, #tpu.memory_space<semaphore_mem>>) src(%dma_wait3A_1634 : memref<10000xf32, #tpu.memory_space<any>>) dst(%dma_wait3A_1631 : memref<10000xf32, #tpu.memory_space<vmem>>)
      %dma_wait3A_1635 = arith.constant 0 : i32
      %dma_wait3A_1636 = arith.constant 1 : i32
      %dma_wait3A_1637 = arith.constant 0 : i32
      %dma_wait3A_1638 = arith.constant 4 : i32
      %dma_wait3A_1639 = arith.constant 1 : i32
      %dma_wait3A_1640 = arith.constant 0 : i32
      %dma_wait3A_1641 = tpu.memref_slice %arg11[%dma_wait3A_1639, %dma_wait3A_1640] : memref<2x4x!tpu.dma_semaphore, #tpu.memory_space<semaphore_mem>> -> memref<1x1x!tpu.dma_semaphore, #tpu.memory_space<semaphore_mem>>
      %dma_wait3A_1642 = tpu.memref_squeeze %dma_wait3A_1641 : memref<1x1x!tpu.dma_semaphore, #tpu.memory_space<semaphore_mem>> -> memref<!tpu.dma_semaphore, #tpu.memory_space<semaphore_mem>>
      %dma_wait3A_1643 = arith.constant 0 : i32
      %dma_wait3A_1644 = tpu.memref_slice %arg10[%dma_wait3A_1636, %dma_wait3A_1637, %dma_wait3A_1638, %dma_wait3A_1643] : memref<2x4x8x10000xf32, #tpu.memory_space<vmem>> -> memref<1x1x1x10000xf32, #tpu.memory_space<vmem>>
      %dma_wait3A_1645 = tpu.memref_squeeze %dma_wait3A_1644 : memref<1x1x1x10000xf32, #tpu.memory_space<vmem>> -> memref<10000xf32, #tpu.memory_space<vmem>>
      %dma_wait3A_1646 = arith.constant 0 : i32
      %dma_wait3A_1647 = tpu.memref_slice %arg5[%dma_wait3A_1635, %dma_wait3A_1646] : memref<4096x10000xf32, #tpu.memory_space<any>> -> memref<1x10000xf32, #tpu.memory_space<any>>
      %dma_wait3A_1648 = tpu.memref_squeeze %dma_wait3A_1647 : memref<1x10000xf32, #tpu.memory_space<any>> -> memref<10000xf32, #tpu.memory_space<any>>
      tpu.wait_dma2 semaphore(%dma_wait3A_1642 : memref<!tpu.dma_semaphore, #tpu.memory_space<semaphore_mem>>) src(%dma_wait3A_1648 : memref<10000xf32, #tpu.memory_space<any>>) dst(%dma_wait3A_1645 : memref<10000xf32, #tpu.memory_space<vmem>>)
      %dma_wait3A_1649 = arith.constant 0 : i32
      %dma_wait3A_1650 = arith.constant 1 : i32
      %dma_wait3A_1651 = arith.constant 0 : i32
      %dma_wait3A_1652 = arith.constant 5 : i32
      %dma_wait3A_1653 = arith.constant 1 : i32
      %dma_wait3A_1654 = arith.constant 0 : i32
      %dma_wait3A_1655 = tpu.memref_slice %arg11[%dma_wait3A_1653, %dma_wait3A_1654] : memref<2x4x!tpu.dma_semaphore, #tpu.memory_space<semaphore_mem>> -> memref<1x1x!tpu.dma_semaphore, #tpu.memory_space<semaphore_mem>>
      %dma_wait3A_1656 = tpu.memref_squeeze %dma_wait3A_1655 : memref<1x1x!tpu.dma_semaphore, #tpu.memory_space<semaphore_mem>> -> memref<!tpu.dma_semaphore, #tpu.memory_space<semaphore_mem>>
      %dma_wait3A_1657 = arith.constant 0 : i32
      %dma_wait3A_1658 = tpu.memref_slice %arg10[%dma_wait3A_1650, %dma_wait3A_1651, %dma_wait3A_1652, %dma_wait3A_1657] : memref<2x4x8x10000xf32, #tpu.memory_space<vmem>> -> memref<1x1x1x10000xf32, #tpu.memory_space<vmem>>
      %dma_wait3A_1659 = tpu.memref_squeeze %dma_wait3A_1658 : memref<1x1x1x10000xf32, #tpu.memory_space<vmem>> -> memref<10000xf32, #tpu.memory_space<vmem>>
      %dma_wait3A_1660 = arith.constant 0 : i32
      %dma_wait3A_1661 = tpu.memref_slice %arg5[%dma_wait3A_1649, %dma_wait3A_1660] : memref<4096x10000xf32, #tpu.memory_space<any>> -> memref<1x10000xf32, #tpu.memory_space<any>>
      %dma_wait3A_1662 = tpu.memref_squeeze %dma_wait3A_1661 : memref<1x10000xf32, #tpu.memory_space<any>> -> memref<10000xf32, #tpu.memory_space<any>>
      tpu.wait_dma2 semaphore(%dma_wait3A_1656 : memref<!tpu.dma_semaphore, #tpu.memory_space<semaphore_mem>>) src(%dma_wait3A_1662 : memref<10000xf32, #tpu.memory_space<any>>) dst(%dma_wait3A_1659 : memref<10000xf32, #tpu.memory_space<vmem>>)
      %dma_wait3A_1663 = arith.constant 0 : i32
      %dma_wait3A_1664 = arith.constant 1 : i32
      %dma_wait3A_1665 = arith.constant 0 : i32
      %dma_wait3A_1666 = arith.constant 6 : i32
      %dma_wait3A_1667 = arith.constant 1 : i32
      %dma_wait3A_1668 = arith.constant 0 : i32
      %dma_wait3A_1669 = tpu.memref_slice %arg11[%dma_wait3A_1667, %dma_wait3A_1668] : memref<2x4x!tpu.dma_semaphore, #tpu.memory_space<semaphore_mem>> -> memref<1x1x!tpu.dma_semaphore, #tpu.memory_space<semaphore_mem>>
      %dma_wait3A_1670 = tpu.memref_squeeze %dma_wait3A_1669 : memref<1x1x!tpu.dma_semaphore, #tpu.memory_space<semaphore_mem>> -> memref<!tpu.dma_semaphore, #tpu.memory_space<semaphore_mem>>
      %dma_wait3A_1671 = arith.constant 0 : i32
      %dma_wait3A_1672 = tpu.memref_slice %arg10[%dma_wait3A_1664, %dma_wait3A_1665, %dma_wait3A_1666, %dma_wait3A_1671] : memref<2x4x8x10000xf32, #tpu.memory_space<vmem>> -> memref<1x1x1x10000xf32, #tpu.memory_space<vmem>>
      %dma_wait3A_1673 = tpu.memref_squeeze %dma_wait3A_1672 : memref<1x1x1x10000xf32, #tpu.memory_space<vmem>> -> memref<10000xf32, #tpu.memory_space<vmem>>
      %dma_wait3A_1674 = arith.constant 0 : i32
      %dma_wait3A_1675 = tpu.memref_slice %arg5[%dma_wait3A_1663, %dma_wait3A_1674] : memref<4096x10000xf32, #tpu.memory_space<any>> -> memref<1x10000xf32, #tpu.memory_space<any>>
      %dma_wait3A_1676 = tpu.memref_squeeze %dma_wait3A_1675 : memref<1x10000xf32, #tpu.memory_space<any>> -> memref<10000xf32, #tpu.memory_space<any>>
      tpu.wait_dma2 semaphore(%dma_wait3A_1670 : memref<!tpu.dma_semaphore, #tpu.memory_space<semaphore_mem>>) src(%dma_wait3A_1676 : memref<10000xf32, #tpu.memory_space<any>>) dst(%dma_wait3A_1673 : memref<10000xf32, #tpu.memory_space<vmem>>)
      %dma_wait3A_1677 = arith.constant 0 : i32
      %dma_wait3A_1678 = arith.constant 1 : i32
      %dma_wait3A_1679 = arith.constant 0 : i32
      %dma_wait3A_1680 = arith.constant 7 : i32
      %dma_wait3A_1681 = arith.constant 1 : i32
      %dma_wait3A_1682 = arith.constant 0 : i32
      %dma_wait3A_1683 = tpu.memref_slice %arg11[%dma_wait3A_1681, %dma_wait3A_1682] : memref<2x4x!tpu.dma_semaphore, #tpu.memory_space<semaphore_mem>> -> memref<1x1x!tpu.dma_semaphore, #tpu.memory_space<semaphore_mem>>
      %dma_wait3A_1684 = tpu.memref_squeeze %dma_wait3A_1683 : memref<1x1x!tpu.dma_semaphore, #tpu.memory_space<semaphore_mem>> -> memref<!tpu.dma_semaphore, #tpu.memory_space<semaphore_mem>>
      %dma_wait3A_1685 = arith.constant 0 : i32
      %dma_wait3A_1686 = tpu.memref_slice %arg10[%dma_wait3A_1678, %dma_wait3A_1679, %dma_wait3A_1680, %dma_wait3A_1685] : memref<2x4x8x10000xf32, #tpu.memory_space<vmem>> -> memref<1x1x1x10000xf32, #tpu.memory_space<vmem>>
      %dma_wait3A_1687 = tpu.memref_squeeze %dma_wait3A_1686 : memref<1x1x1x10000xf32, #tpu.memory_space<vmem>> -> memref<10000xf32, #tpu.memory_space<vmem>>
      %dma_wait3A_1688 = arith.constant 0 : i32
      %dma_wait3A_1689 = tpu.memref_slice %arg5[%dma_wait3A_1677, %dma_wait3A_1688] : memref<4096x10000xf32, #tpu.memory_space<any>> -> memref<1x10000xf32, #tpu.memory_space<any>>
      %dma_wait3A_1690 = tpu.memref_squeeze %dma_wait3A_1689 : memref<1x10000xf32, #tpu.memory_space<any>> -> memref<10000xf32, #tpu.memory_space<any>>
      tpu.wait_dma2 semaphore(%dma_wait3A_1684 : memref<!tpu.dma_semaphore, #tpu.memory_space<semaphore_mem>>) src(%dma_wait3A_1690 : memref<10000xf32, #tpu.memory_space<any>>) dst(%dma_wait3A_1687 : memref<10000xf32, #tpu.memory_space<vmem>>)
      %dma_wait3A_1691 = arith.constant 0 : i32
      %dma_wait3A_1692 = arith.constant 1 : i32
      %dma_wait3A_1693 = arith.constant 1 : i32
      %dma_wait3A_1694 = arith.constant 0 : i32
      %dma_wait3A_1695 = arith.constant 1 : i32
      %dma_wait3A_1696 = arith.constant 1 : i32
      %dma_wait3A_1697 = tpu.memref_slice %arg11[%dma_wait3A_1695, %dma_wait3A_1696] : memref<2x4x!tpu.dma_semaphore, #tpu.memory_space<semaphore_mem>> -> memref<1x1x!tpu.dma_semaphore, #tpu.memory_space<semaphore_mem>>
      %dma_wait3A_1698 = tpu.memref_squeeze %dma_wait3A_1697 : memref<1x1x!tpu.dma_semaphore, #tpu.memory_space<semaphore_mem>> -> memref<!tpu.dma_semaphore, #tpu.memory_space<semaphore_mem>>
      %dma_wait3A_1699 = arith.constant 0 : i32
      %dma_wait3A_1700 = tpu.memref_slice %arg10[%dma_wait3A_1692, %dma_wait3A_1693, %dma_wait3A_1694, %dma_wait3A_1699] : memref<2x4x8x10000xf32, #tpu.memory_space<vmem>> -> memref<1x1x1x10000xf32, #tpu.memory_space<vmem>>
      %dma_wait3A_1701 = tpu.memref_squeeze %dma_wait3A_1700 : memref<1x1x1x10000xf32, #tpu.memory_space<vmem>> -> memref<10000xf32, #tpu.memory_space<vmem>>
      %dma_wait3A_1702 = arith.constant 0 : i32
      %dma_wait3A_1703 = tpu.memref_slice %arg6[%dma_wait3A_1691, %dma_wait3A_1702] : memref<256x10000xf32, #tpu.memory_space<any>> -> memref<1x10000xf32, #tpu.memory_space<any>>
      %dma_wait3A_1704 = tpu.memref_squeeze %dma_wait3A_1703 : memref<1x10000xf32, #tpu.memory_space<any>> -> memref<10000xf32, #tpu.memory_space<any>>
      tpu.wait_dma2 semaphore(%dma_wait3A_1698 : memref<!tpu.dma_semaphore, #tpu.memory_space<semaphore_mem>>) src(%dma_wait3A_1704 : memref<10000xf32, #tpu.memory_space<any>>) dst(%dma_wait3A_1701 : memref<10000xf32, #tpu.memory_space<vmem>>)
      %dma_wait3A_1705 = arith.constant 0 : i32
      %dma_wait3A_1706 = arith.constant 1 : i32
      %dma_wait3A_1707 = arith.constant 1 : i32
      %dma_wait3A_1708 = arith.constant 1 : i32
      %dma_wait3A_1709 = arith.constant 1 : i32
      %dma_wait3A_1710 = arith.constant 1 : i32
      %dma_wait3A_1711 = tpu.memref_slice %arg11[%dma_wait3A_1709, %dma_wait3A_1710] : memref<2x4x!tpu.dma_semaphore, #tpu.memory_space<semaphore_mem>> -> memref<1x1x!tpu.dma_semaphore, #tpu.memory_space<semaphore_mem>>
      %dma_wait3A_1712 = tpu.memref_squeeze %dma_wait3A_1711 : memref<1x1x!tpu.dma_semaphore, #tpu.memory_space<semaphore_mem>> -> memref<!tpu.dma_semaphore, #tpu.memory_space<semaphore_mem>>
      %dma_wait3A_1713 = arith.constant 0 : i32
      %dma_wait3A_1714 = tpu.memref_slice %arg10[%dma_wait3A_1706, %dma_wait3A_1707, %dma_wait3A_1708, %dma_wait3A_1713] : memref<2x4x8x10000xf32, #tpu.memory_space<vmem>> -> memref<1x1x1x10000xf32, #tpu.memory_space<vmem>>
      %dma_wait3A_1715 = tpu.memref_squeeze %dma_wait3A_1714 : memref<1x1x1x10000xf32, #tpu.memory_space<vmem>> -> memref<10000xf32, #tpu.memory_space<vmem>>
      %dma_wait3A_1716 = arith.constant 0 : i32
      %dma_wait3A_1717 = tpu.memref_slice %arg6[%dma_wait3A_1705, %dma_wait3A_1716] : memref<256x10000xf32, #tpu.memory_space<any>> -> memref<1x10000xf32, #tpu.memory_space<any>>
      %dma_wait3A_1718 = tpu.memref_squeeze %dma_wait3A_1717 : memref<1x10000xf32, #tpu.memory_space<any>> -> memref<10000xf32, #tpu.memory_space<any>>
      tpu.wait_dma2 semaphore(%dma_wait3A_1712 : memref<!tpu.dma_semaphore, #tpu.memory_space<semaphore_mem>>) src(%dma_wait3A_1718 : memref<10000xf32, #tpu.memory_space<any>>) dst(%dma_wait3A_1715 : memref<10000xf32, #tpu.memory_space<vmem>>)
      %dma_wait3A_1719 = arith.constant 0 : i32
      %dma_wait3A_1720 = arith.constant 1 : i32
      %dma_wait3A_1721 = arith.constant 1 : i32
      %dma_wait3A_1722 = arith.constant 2 : i32
      %dma_wait3A_1723 = arith.constant 1 : i32
      %dma_wait3A_1724 = arith.constant 1 : i32
      %dma_wait3A_1725 = tpu.memref_slice %arg11[%dma_wait3A_1723, %dma_wait3A_1724] : memref<2x4x!tpu.dma_semaphore, #tpu.memory_space<semaphore_mem>> -> memref<1x1x!tpu.dma_semaphore, #tpu.memory_space<semaphore_mem>>
      %dma_wait3A_1726 = tpu.memref_squeeze %dma_wait3A_1725 : memref<1x1x!tpu.dma_semaphore, #tpu.memory_space<semaphore_mem>> -> memref<!tpu.dma_semaphore, #tpu.memory_space<semaphore_mem>>
      %dma_wait3A_1727 = arith.constant 0 : i32
      %dma_wait3A_1728 = tpu.memref_slice %arg10[%dma_wait3A_1720, %dma_wait3A_1721, %dma_wait3A_1722, %dma_wait3A_1727] : memref<2x4x8x10000xf32, #tpu.memory_space<vmem>> -> memref<1x1x1x10000xf32, #tpu.memory_space<vmem>>
      %dma_wait3A_1729 = tpu.memref_squeeze %dma_wait3A_1728 : memref<1x1x1x10000xf32, #tpu.memory_space<vmem>> -> memref<10000xf32, #tpu.memory_space<vmem>>
      %dma_wait3A_1730 = arith.constant 0 : i32
      %dma_wait3A_1731 = tpu.memref_slice %arg6[%dma_wait3A_1719, %dma_wait3A_1730] : memref<256x10000xf32, #tpu.memory_space<any>> -> memref<1x10000xf32, #tpu.memory_space<any>>
      %dma_wait3A_1732 = tpu.memref_squeeze %dma_wait3A_1731 : memref<1x10000xf32, #tpu.memory_space<any>> -> memref<10000xf32, #tpu.memory_space<any>>
      tpu.wait_dma2 semaphore(%dma_wait3A_1726 : memref<!tpu.dma_semaphore, #tpu.memory_space<semaphore_mem>>) src(%dma_wait3A_1732 : memref<10000xf32, #tpu.memory_space<any>>) dst(%dma_wait3A_1729 : memref<10000xf32, #tpu.memory_space<vmem>>)
      %dma_wait3A_1733 = arith.constant 0 : i32
      %dma_wait3A_1734 = arith.constant 1 : i32
      %dma_wait3A_1735 = arith.constant 1 : i32
      %dma_wait3A_1736 = arith.constant 3 : i32
      %dma_wait3A_1737 = arith.constant 1 : i32
      %dma_wait3A_1738 = arith.constant 1 : i32
      %dma_wait3A_1739 = tpu.memref_slice %arg11[%dma_wait3A_1737, %dma_wait3A_1738] : memref<2x4x!tpu.dma_semaphore, #tpu.memory_space<semaphore_mem>> -> memref<1x1x!tpu.dma_semaphore, #tpu.memory_space<semaphore_mem>>
      %dma_wait3A_1740 = tpu.memref_squeeze %dma_wait3A_1739 : memref<1x1x!tpu.dma_semaphore, #tpu.memory_space<semaphore_mem>> -> memref<!tpu.dma_semaphore, #tpu.memory_space<semaphore_mem>>
      %dma_wait3A_1741 = arith.constant 0 : i32
      %dma_wait3A_1742 = tpu.memref_slice %arg10[%dma_wait3A_1734, %dma_wait3A_1735, %dma_wait3A_1736, %dma_wait3A_1741] : memref<2x4x8x10000xf32, #tpu.memory_space<vmem>> -> memref<1x1x1x10000xf32, #tpu.memory_space<vmem>>
      %dma_wait3A_1743 = tpu.memref_squeeze %dma_wait3A_1742 : memref<1x1x1x10000xf32, #tpu.memory_space<vmem>> -> memref<10000xf32, #tpu.memory_space<vmem>>
      %dma_wait3A_1744 = arith.constant 0 : i32
      %dma_wait3A_1745 = tpu.memref_slice %arg6[%dma_wait3A_1733, %dma_wait3A_1744] : memref<256x10000xf32, #tpu.memory_space<any>> -> memref<1x10000xf32, #tpu.memory_space<any>>
      %dma_wait3A_1746 = tpu.memref_squeeze %dma_wait3A_1745 : memref<1x10000xf32, #tpu.memory_space<any>> -> memref<10000xf32, #tpu.memory_space<any>>
      tpu.wait_dma2 semaphore(%dma_wait3A_1740 : memref<!tpu.dma_semaphore, #tpu.memory_space<semaphore_mem>>) src(%dma_wait3A_1746 : memref<10000xf32, #tpu.memory_space<any>>) dst(%dma_wait3A_1743 : memref<10000xf32, #tpu.memory_space<vmem>>)
      %dma_wait3A_1747 = arith.constant 0 : i32
      %dma_wait3A_1748 = arith.constant 1 : i32
      %dma_wait3A_1749 = arith.constant 1 : i32
      %dma_wait3A_1750 = arith.constant 4 : i32
      %dma_wait3A_1751 = arith.constant 1 : i32
      %dma_wait3A_1752 = arith.constant 1 : i32
      %dma_wait3A_1753 = tpu.memref_slice %arg11[%dma_wait3A_1751, %dma_wait3A_1752] : memref<2x4x!tpu.dma_semaphore, #tpu.memory_space<semaphore_mem>> -> memref<1x1x!tpu.dma_semaphore, #tpu.memory_space<semaphore_mem>>
      %dma_wait3A_1754 = tpu.memref_squeeze %dma_wait3A_1753 : memref<1x1x!tpu.dma_semaphore, #tpu.memory_space<semaphore_mem>> -> memref<!tpu.dma_semaphore, #tpu.memory_space<semaphore_mem>>
      %dma_wait3A_1755 = arith.constant 0 : i32
      %dma_wait3A_1756 = tpu.memref_slice %arg10[%dma_wait3A_1748, %dma_wait3A_1749, %dma_wait3A_1750, %dma_wait3A_1755] : memref<2x4x8x10000xf32, #tpu.memory_space<vmem>> -> memref<1x1x1x10000xf32, #tpu.memory_space<vmem>>
      %dma_wait3A_1757 = tpu.memref_squeeze %dma_wait3A_1756 : memref<1x1x1x10000xf32, #tpu.memory_space<vmem>> -> memref<10000xf32, #tpu.memory_space<vmem>>
      %dma_wait3A_1758 = arith.constant 0 : i32
      %dma_wait3A_1759 = tpu.memref_slice %arg6[%dma_wait3A_1747, %dma_wait3A_1758] : memref<256x10000xf32, #tpu.memory_space<any>> -> memref<1x10000xf32, #tpu.memory_space<any>>
      %dma_wait3A_1760 = tpu.memref_squeeze %dma_wait3A_1759 : memref<1x10000xf32, #tpu.memory_space<any>> -> memref<10000xf32, #tpu.memory_space<any>>
      tpu.wait_dma2 semaphore(%dma_wait3A_1754 : memref<!tpu.dma_semaphore, #tpu.memory_space<semaphore_mem>>) src(%dma_wait3A_1760 : memref<10000xf32, #tpu.memory_space<any>>) dst(%dma_wait3A_1757 : memref<10000xf32, #tpu.memory_space<vmem>>)
      %dma_wait3A_1761 = arith.constant 0 : i32
      %dma_wait3A_1762 = arith.constant 1 : i32
      %dma_wait3A_1763 = arith.constant 1 : i32
      %dma_wait3A_1764 = arith.constant 5 : i32
      %dma_wait3A_1765 = arith.constant 1 : i32
      %dma_wait3A_1766 = arith.constant 1 : i32
      %dma_wait3A_1767 = tpu.memref_slice %arg11[%dma_wait3A_1765, %dma_wait3A_1766] : memref<2x4x!tpu.dma_semaphore, #tpu.memory_space<semaphore_mem>> -> memref<1x1x!tpu.dma_semaphore, #tpu.memory_space<semaphore_mem>>
      %dma_wait3A_1768 = tpu.memref_squeeze %dma_wait3A_1767 : memref<1x1x!tpu.dma_semaphore, #tpu.memory_space<semaphore_mem>> -> memref<!tpu.dma_semaphore, #tpu.memory_space<semaphore_mem>>
      %dma_wait3A_1769 = arith.constant 0 : i32
      %dma_wait3A_1770 = tpu.memref_slice %arg10[%dma_wait3A_1762, %dma_wait3A_1763, %dma_wait3A_1764, %dma_wait3A_1769] : memref<2x4x8x10000xf32, #tpu.memory_space<vmem>> -> memref<1x1x1x10000xf32, #tpu.memory_space<vmem>>
      %dma_wait3A_1771 = tpu.memref_squeeze %dma_wait3A_1770 : memref<1x1x1x10000xf32, #tpu.memory_space<vmem>> -> memref<10000xf32, #tpu.memory_space<vmem>>
      %dma_wait3A_1772 = arith.constant 0 : i32
      %dma_wait3A_1773 = tpu.memref_slice %arg6[%dma_wait3A_1761, %dma_wait3A_1772] : memref<256x10000xf32, #tpu.memory_space<any>> -> memref<1x10000xf32, #tpu.memory_space<any>>
      %dma_wait3A_1774 = tpu.memref_squeeze %dma_wait3A_1773 : memref<1x10000xf32, #tpu.memory_space<any>> -> memref<10000xf32, #tpu.memory_space<any>>
      tpu.wait_dma2 semaphore(%dma_wait3A_1768 : memref<!tpu.dma_semaphore, #tpu.memory_space<semaphore_mem>>) src(%dma_wait3A_1774 : memref<10000xf32, #tpu.memory_space<any>>) dst(%dma_wait3A_1771 : memref<10000xf32, #tpu.memory_space<vmem>>)
      %dma_wait3A_1775 = arith.constant 0 : i32
      %dma_wait3A_1776 = arith.constant 1 : i32
      %dma_wait3A_1777 = arith.constant 1 : i32
      %dma_wait3A_1778 = arith.constant 6 : i32
      %dma_wait3A_1779 = arith.constant 1 : i32
      %dma_wait3A_1780 = arith.constant 1 : i32
      %dma_wait3A_1781 = tpu.memref_slice %arg11[%dma_wait3A_1779, %dma_wait3A_1780] : memref<2x4x!tpu.dma_semaphore, #tpu.memory_space<semaphore_mem>> -> memref<1x1x!tpu.dma_semaphore, #tpu.memory_space<semaphore_mem>>
      %dma_wait3A_1782 = tpu.memref_squeeze %dma_wait3A_1781 : memref<1x1x!tpu.dma_semaphore, #tpu.memory_space<semaphore_mem>> -> memref<!tpu.dma_semaphore, #tpu.memory_space<semaphore_mem>>
      %dma_wait3A_1783 = arith.constant 0 : i32
      %dma_wait3A_1784 = tpu.memref_slice %arg10[%dma_wait3A_1776, %dma_wait3A_1777, %dma_wait3A_1778, %dma_wait3A_1783] : memref<2x4x8x10000xf32, #tpu.memory_space<vmem>> -> memref<1x1x1x10000xf32, #tpu.memory_space<vmem>>
      %dma_wait3A_1785 = tpu.memref_squeeze %dma_wait3A_1784 : memref<1x1x1x10000xf32, #tpu.memory_space<vmem>> -> memref<10000xf32, #tpu.memory_space<vmem>>
      %dma_wait3A_1786 = arith.constant 0 : i32
      %dma_wait3A_1787 = tpu.memref_slice %arg6[%dma_wait3A_1775, %dma_wait3A_1786] : memref<256x10000xf32, #tpu.memory_space<any>> -> memref<1x10000xf32, #tpu.memory_space<any>>
      %dma_wait3A_1788 = tpu.memref_squeeze %dma_wait3A_1787 : memref<1x10000xf32, #tpu.memory_space<any>> -> memref<10000xf32, #tpu.memory_space<any>>
      tpu.wait_dma2 semaphore(%dma_wait3A_1782 : memref<!tpu.dma_semaphore, #tpu.memory_space<semaphore_mem>>) src(%dma_wait3A_1788 : memref<10000xf32, #tpu.memory_space<any>>) dst(%dma_wait3A_1785 : memref<10000xf32, #tpu.memory_space<vmem>>)
      %dma_wait3A_1789 = arith.constant 0 : i32
      %dma_wait3A_1790 = arith.constant 1 : i32
      %dma_wait3A_1791 = arith.constant 1 : i32
      %dma_wait3A_1792 = arith.constant 7 : i32
      %dma_wait3A_1793 = arith.constant 1 : i32
      %dma_wait3A_1794 = arith.constant 1 : i32
      %dma_wait3A_1795 = tpu.memref_slice %arg11[%dma_wait3A_1793, %dma_wait3A_1794] : memref<2x4x!tpu.dma_semaphore, #tpu.memory_space<semaphore_mem>> -> memref<1x1x!tpu.dma_semaphore, #tpu.memory_space<semaphore_mem>>
      %dma_wait3A_1796 = tpu.memref_squeeze %dma_wait3A_1795 : memref<1x1x!tpu.dma_semaphore, #tpu.memory_space<semaphore_mem>> -> memref<!tpu.dma_semaphore, #tpu.memory_space<semaphore_mem>>
      %dma_wait3A_1797 = arith.constant 0 : i32
      %dma_wait3A_1798 = tpu.memref_slice %arg10[%dma_wait3A_1790, %dma_wait3A_1791, %dma_wait3A_1792, %dma_wait3A_1797] : memref<2x4x8x10000xf32, #tpu.memory_space<vmem>> -> memref<1x1x1x10000xf32, #tpu.memory_space<vmem>>
      %dma_wait3A_1799 = tpu.memref_squeeze %dma_wait3A_1798 : memref<1x1x1x10000xf32, #tpu.memory_space<vmem>> -> memref<10000xf32, #tpu.memory_space<vmem>>
      %dma_wait3A_1800 = arith.constant 0 : i32
      %dma_wait3A_1801 = tpu.memref_slice %arg6[%dma_wait3A_1789, %dma_wait3A_1800] : memref<256x10000xf32, #tpu.memory_space<any>> -> memref<1x10000xf32, #tpu.memory_space<any>>
      %dma_wait3A_1802 = tpu.memref_squeeze %dma_wait3A_1801 : memref<1x10000xf32, #tpu.memory_space<any>> -> memref<10000xf32, #tpu.memory_space<any>>
      tpu.wait_dma2 semaphore(%dma_wait3A_1796 : memref<!tpu.dma_semaphore, #tpu.memory_space<semaphore_mem>>) src(%dma_wait3A_1802 : memref<10000xf32, #tpu.memory_space<any>>) dst(%dma_wait3A_1799 : memref<10000xf32, #tpu.memory_space<vmem>>)
      %dma_wait3A_1803 = arith.constant 0 : i32
      %dma_wait3A_1804 = arith.constant 1 : i32
      %dma_wait3A_1805 = arith.constant 2 : i32
      %dma_wait3A_1806 = arith.constant 0 : i32
      %dma_wait3A_1807 = arith.constant 1 : i32
      %dma_wait3A_1808 = arith.constant 2 : i32
      %dma_wait3A_1809 = tpu.memref_slice %arg11[%dma_wait3A_1807, %dma_wait3A_1808] : memref<2x4x!tpu.dma_semaphore, #tpu.memory_space<semaphore_mem>> -> memref<1x1x!tpu.dma_semaphore, #tpu.memory_space<semaphore_mem>>
      %dma_wait3A_1810 = tpu.memref_squeeze %dma_wait3A_1809 : memref<1x1x!tpu.dma_semaphore, #tpu.memory_space<semaphore_mem>> -> memref<!tpu.dma_semaphore, #tpu.memory_space<semaphore_mem>>
      %dma_wait3A_1811 = arith.constant 0 : i32
      %dma_wait3A_1812 = tpu.memref_slice %arg10[%dma_wait3A_1804, %dma_wait3A_1805, %dma_wait3A_1806, %dma_wait3A_1811] : memref<2x4x8x10000xf32, #tpu.memory_space<vmem>> -> memref<1x1x1x10000xf32, #tpu.memory_space<vmem>>
      %dma_wait3A_1813 = tpu.memref_squeeze %dma_wait3A_1812 : memref<1x1x1x10000xf32, #tpu.memory_space<vmem>> -> memref<10000xf32, #tpu.memory_space<vmem>>
      %dma_wait3A_1814 = arith.constant 0 : i32
      %dma_wait3A_1815 = tpu.memref_slice %arg7[%dma_wait3A_1803, %dma_wait3A_1814] : memref<256x10000xf32, #tpu.memory_space<any>> -> memref<1x10000xf32, #tpu.memory_space<any>>
      %dma_wait3A_1816 = tpu.memref_squeeze %dma_wait3A_1815 : memref<1x10000xf32, #tpu.memory_space<any>> -> memref<10000xf32, #tpu.memory_space<any>>
      tpu.wait_dma2 semaphore(%dma_wait3A_1810 : memref<!tpu.dma_semaphore, #tpu.memory_space<semaphore_mem>>) src(%dma_wait3A_1816 : memref<10000xf32, #tpu.memory_space<any>>) dst(%dma_wait3A_1813 : memref<10000xf32, #tpu.memory_space<vmem>>)
      %dma_wait3A_1817 = arith.constant 0 : i32
      %dma_wait3A_1818 = arith.constant 1 : i32
      %dma_wait3A_1819 = arith.constant 2 : i32
      %dma_wait3A_1820 = arith.constant 1 : i32
      %dma_wait3A_1821 = arith.constant 1 : i32
      %dma_wait3A_1822 = arith.constant 2 : i32
      %dma_wait3A_1823 = tpu.memref_slice %arg11[%dma_wait3A_1821, %dma_wait3A_1822] : memref<2x4x!tpu.dma_semaphore, #tpu.memory_space<semaphore_mem>> -> memref<1x1x!tpu.dma_semaphore, #tpu.memory_space<semaphore_mem>>
      %dma_wait3A_1824 = tpu.memref_squeeze %dma_wait3A_1823 : memref<1x1x!tpu.dma_semaphore, #tpu.memory_space<semaphore_mem>> -> memref<!tpu.dma_semaphore, #tpu.memory_space<semaphore_mem>>
      %dma_wait3A_1825 = arith.constant 0 : i32
      %dma_wait3A_1826 = tpu.memref_slice %arg10[%dma_wait3A_1818, %dma_wait3A_1819, %dma_wait3A_1820, %dma_wait3A_1825] : memref<2x4x8x10000xf32, #tpu.memory_space<vmem>> -> memref<1x1x1x10000xf32, #tpu.memory_space<vmem>>
      %dma_wait3A_1827 = tpu.memref_squeeze %dma_wait3A_1826 : memref<1x1x1x10000xf32, #tpu.memory_space<vmem>> -> memref<10000xf32, #tpu.memory_space<vmem>>
      %dma_wait3A_1828 = arith.constant 0 : i32
      %dma_wait3A_1829 = tpu.memref_slice %arg7[%dma_wait3A_1817, %dma_wait3A_1828] : memref<256x10000xf32, #tpu.memory_space<any>> -> memref<1x10000xf32, #tpu.memory_space<any>>
      %dma_wait3A_1830 = tpu.memref_squeeze %dma_wait3A_1829 : memref<1x10000xf32, #tpu.memory_space<any>> -> memref<10000xf32, #tpu.memory_space<any>>
      tpu.wait_dma2 semaphore(%dma_wait3A_1824 : memref<!tpu.dma_semaphore, #tpu.memory_space<semaphore_mem>>) src(%dma_wait3A_1830 : memref<10000xf32, #tpu.memory_space<any>>) dst(%dma_wait3A_1827 : memref<10000xf32, #tpu.memory_space<vmem>>)
      %dma_wait3A_1831 = arith.constant 0 : i32
      %dma_wait3A_1832 = arith.constant 1 : i32
      %dma_wait3A_1833 = arith.constant 2 : i32
      %dma_wait3A_1834 = arith.constant 2 : i32
      %dma_wait3A_1835 = arith.constant 1 : i32
      %dma_wait3A_1836 = arith.constant 2 : i32
      %dma_wait3A_1837 = tpu.memref_slice %arg11[%dma_wait3A_1835, %dma_wait3A_1836] : memref<2x4x!tpu.dma_semaphore, #tpu.memory_space<semaphore_mem>> -> memref<1x1x!tpu.dma_semaphore, #tpu.memory_space<semaphore_mem>>
      %dma_wait3A_1838 = tpu.memref_squeeze %dma_wait3A_1837 : memref<1x1x!tpu.dma_semaphore, #tpu.memory_space<semaphore_mem>> -> memref<!tpu.dma_semaphore, #tpu.memory_space<semaphore_mem>>
      %dma_wait3A_1839 = arith.constant 0 : i32
      %dma_wait3A_1840 = tpu.memref_slice %arg10[%dma_wait3A_1832, %dma_wait3A_1833, %dma_wait3A_1834, %dma_wait3A_1839] : memref<2x4x8x10000xf32, #tpu.memory_space<vmem>> -> memref<1x1x1x10000xf32, #tpu.memory_space<vmem>>
      %dma_wait3A_1841 = tpu.memref_squeeze %dma_wait3A_1840 : memref<1x1x1x10000xf32, #tpu.memory_space<vmem>> -> memref<10000xf32, #tpu.memory_space<vmem>>
      %dma_wait3A_1842 = arith.constant 0 : i32
      %dma_wait3A_1843 = tpu.memref_slice %arg7[%dma_wait3A_1831, %dma_wait3A_1842] : memref<256x10000xf32, #tpu.memory_space<any>> -> memref<1x10000xf32, #tpu.memory_space<any>>
      %dma_wait3A_1844 = tpu.memref_squeeze %dma_wait3A_1843 : memref<1x10000xf32, #tpu.memory_space<any>> -> memref<10000xf32, #tpu.memory_space<any>>
      tpu.wait_dma2 semaphore(%dma_wait3A_1838 : memref<!tpu.dma_semaphore, #tpu.memory_space<semaphore_mem>>) src(%dma_wait3A_1844 : memref<10000xf32, #tpu.memory_space<any>>) dst(%dma_wait3A_1841 : memref<10000xf32, #tpu.memory_space<vmem>>)
      %dma_wait3A_1845 = arith.constant 0 : i32
      %dma_wait3A_1846 = arith.constant 1 : i32
      %dma_wait3A_1847 = arith.constant 2 : i32
      %dma_wait3A_1848 = arith.constant 3 : i32
      %dma_wait3A_1849 = arith.constant 1 : i32
      %dma_wait3A_1850 = arith.constant 2 : i32
      %dma_wait3A_1851 = tpu.memref_slice %arg11[%dma_wait3A_1849, %dma_wait3A_1850] : memref<2x4x!tpu.dma_semaphore, #tpu.memory_space<semaphore_mem>> -> memref<1x1x!tpu.dma_semaphore, #tpu.memory_space<semaphore_mem>>
      %dma_wait3A_1852 = tpu.memref_squeeze %dma_wait3A_1851 : memref<1x1x!tpu.dma_semaphore, #tpu.memory_space<semaphore_mem>> -> memref<!tpu.dma_semaphore, #tpu.memory_space<semaphore_mem>>
      %dma_wait3A_1853 = arith.constant 0 : i32
      %dma_wait3A_1854 = tpu.memref_slice %arg10[%dma_wait3A_1846, %dma_wait3A_1847, %dma_wait3A_1848, %dma_wait3A_1853] : memref<2x4x8x10000xf32, #tpu.memory_space<vmem>> -> memref<1x1x1x10000xf32, #tpu.memory_space<vmem>>
      %dma_wait3A_1855 = tpu.memref_squeeze %dma_wait3A_1854 : memref<1x1x1x10000xf32, #tpu.memory_space<vmem>> -> memref<10000xf32, #tpu.memory_space<vmem>>
      %dma_wait3A_1856 = arith.constant 0 : i32
      %dma_wait3A_1857 = tpu.memref_slice %arg7[%dma_wait3A_1845, %dma_wait3A_1856] : memref<256x10000xf32, #tpu.memory_space<any>> -> memref<1x10000xf32, #tpu.memory_space<any>>
      %dma_wait3A_1858 = tpu.memref_squeeze %dma_wait3A_1857 : memref<1x10000xf32, #tpu.memory_space<any>> -> memref<10000xf32, #tpu.memory_space<any>>
      tpu.wait_dma2 semaphore(%dma_wait3A_1852 : memref<!tpu.dma_semaphore, #tpu.memory_space<semaphore_mem>>) src(%dma_wait3A_1858 : memref<10000xf32, #tpu.memory_space<any>>) dst(%dma_wait3A_1855 : memref<10000xf32, #tpu.memory_space<vmem>>)
      %dma_wait3A_1859 = arith.constant 0 : i32
      %dma_wait3A_1860 = arith.constant 1 : i32
      %dma_wait3A_1861 = arith.constant 2 : i32
      %dma_wait3A_1862 = arith.constant 4 : i32
      %dma_wait3A_1863 = arith.constant 1 : i32
      %dma_wait3A_1864 = arith.constant 2 : i32
      %dma_wait3A_1865 = tpu.memref_slice %arg11[%dma_wait3A_1863, %dma_wait3A_1864] : memref<2x4x!tpu.dma_semaphore, #tpu.memory_space<semaphore_mem>> -> memref<1x1x!tpu.dma_semaphore, #tpu.memory_space<semaphore_mem>>
      %dma_wait3A_1866 = tpu.memref_squeeze %dma_wait3A_1865 : memref<1x1x!tpu.dma_semaphore, #tpu.memory_space<semaphore_mem>> -> memref<!tpu.dma_semaphore, #tpu.memory_space<semaphore_mem>>
      %dma_wait3A_1867 = arith.constant 0 : i32
      %dma_wait3A_1868 = tpu.memref_slice %arg10[%dma_wait3A_1860, %dma_wait3A_1861, %dma_wait3A_1862, %dma_wait3A_1867] : memref<2x4x8x10000xf32, #tpu.memory_space<vmem>> -> memref<1x1x1x10000xf32, #tpu.memory_space<vmem>>
      %dma_wait3A_1869 = tpu.memref_squeeze %dma_wait3A_1868 : memref<1x1x1x10000xf32, #tpu.memory_space<vmem>> -> memref<10000xf32, #tpu.memory_space<vmem>>
      %dma_wait3A_1870 = arith.constant 0 : i32
      %dma_wait3A_1871 = tpu.memref_slice %arg7[%dma_wait3A_1859, %dma_wait3A_1870] : memref<256x10000xf32, #tpu.memory_space<any>> -> memref<1x10000xf32, #tpu.memory_space<any>>
      %dma_wait3A_1872 = tpu.memref_squeeze %dma_wait3A_1871 : memref<1x10000xf32, #tpu.memory_space<any>> -> memref<10000xf32, #tpu.memory_space<any>>
      tpu.wait_dma2 semaphore(%dma_wait3A_1866 : memref<!tpu.dma_semaphore, #tpu.memory_space<semaphore_mem>>) src(%dma_wait3A_1872 : memref<10000xf32, #tpu.memory_space<any>>) dst(%dma_wait3A_1869 : memref<10000xf32, #tpu.memory_space<vmem>>)
      %dma_wait3A_1873 = arith.constant 0 : i32
      %dma_wait3A_1874 = arith.constant 1 : i32
      %dma_wait3A_1875 = arith.constant 2 : i32
      %dma_wait3A_1876 = arith.constant 5 : i32
      %dma_wait3A_1877 = arith.constant 1 : i32
      %dma_wait3A_1878 = arith.constant 2 : i32
      %dma_wait3A_1879 = tpu.memref_slice %arg11[%dma_wait3A_1877, %dma_wait3A_1878] : memref<2x4x!tpu.dma_semaphore, #tpu.memory_space<semaphore_mem>> -> memref<1x1x!tpu.dma_semaphore, #tpu.memory_space<semaphore_mem>>
      %dma_wait3A_1880 = tpu.memref_squeeze %dma_wait3A_1879 : memref<1x1x!tpu.dma_semaphore, #tpu.memory_space<semaphore_mem>> -> memref<!tpu.dma_semaphore, #tpu.memory_space<semaphore_mem>>
      %dma_wait3A_1881 = arith.constant 0 : i32
      %dma_wait3A_1882 = tpu.memref_slice %arg10[%dma_wait3A_1874, %dma_wait3A_1875, %dma_wait3A_1876, %dma_wait3A_1881] : memref<2x4x8x10000xf32, #tpu.memory_space<vmem>> -> memref<1x1x1x10000xf32, #tpu.memory_space<vmem>>
      %dma_wait3A_1883 = tpu.memref_squeeze %dma_wait3A_1882 : memref<1x1x1x10000xf32, #tpu.memory_space<vmem>> -> memref<10000xf32, #tpu.memory_space<vmem>>
      %dma_wait3A_1884 = arith.constant 0 : i32
      %dma_wait3A_1885 = tpu.memref_slice %arg7[%dma_wait3A_1873, %dma_wait3A_1884] : memref<256x10000xf32, #tpu.memory_space<any>> -> memref<1x10000xf32, #tpu.memory_space<any>>
      %dma_wait3A_1886 = tpu.memref_squeeze %dma_wait3A_1885 : memref<1x10000xf32, #tpu.memory_space<any>> -> memref<10000xf32, #tpu.memory_space<any>>
      tpu.wait_dma2 semaphore(%dma_wait3A_1880 : memref<!tpu.dma_semaphore, #tpu.memory_space<semaphore_mem>>) src(%dma_wait3A_1886 : memref<10000xf32, #tpu.memory_space<any>>) dst(%dma_wait3A_1883 : memref<10000xf32, #tpu.memory_space<vmem>>)
      %dma_wait3A_1887 = arith.constant 0 : i32
      %dma_wait3A_1888 = arith.constant 1 : i32
      %dma_wait3A_1889 = arith.constant 2 : i32
      %dma_wait3A_1890 = arith.constant 6 : i32
      %dma_wait3A_1891 = arith.constant 1 : i32
      %dma_wait3A_1892 = arith.constant 2 : i32
      %dma_wait3A_1893 = tpu.memref_slice %arg11[%dma_wait3A_1891, %dma_wait3A_1892] : memref<2x4x!tpu.dma_semaphore, #tpu.memory_space<semaphore_mem>> -> memref<1x1x!tpu.dma_semaphore, #tpu.memory_space<semaphore_mem>>
      %dma_wait3A_1894 = tpu.memref_squeeze %dma_wait3A_1893 : memref<1x1x!tpu.dma_semaphore, #tpu.memory_space<semaphore_mem>> -> memref<!tpu.dma_semaphore, #tpu.memory_space<semaphore_mem>>
      %dma_wait3A_1895 = arith.constant 0 : i32
      %dma_wait3A_1896 = tpu.memref_slice %arg10[%dma_wait3A_1888, %dma_wait3A_1889, %dma_wait3A_1890, %dma_wait3A_1895] : memref<2x4x8x10000xf32, #tpu.memory_space<vmem>> -> memref<1x1x1x10000xf32, #tpu.memory_space<vmem>>
      %dma_wait3A_1897 = tpu.memref_squeeze %dma_wait3A_1896 : memref<1x1x1x10000xf32, #tpu.memory_space<vmem>> -> memref<10000xf32, #tpu.memory_space<vmem>>
      %dma_wait3A_1898 = arith.constant 0 : i32
      %dma_wait3A_1899 = tpu.memref_slice %arg7[%dma_wait3A_1887, %dma_wait3A_1898] : memref<256x10000xf32, #tpu.memory_space<any>> -> memref<1x10000xf32, #tpu.memory_space<any>>
      %dma_wait3A_1900 = tpu.memref_squeeze %dma_wait3A_1899 : memref<1x10000xf32, #tpu.memory_space<any>> -> memref<10000xf32, #tpu.memory_space<any>>
      tpu.wait_dma2 semaphore(%dma_wait3A_1894 : memref<!tpu.dma_semaphore, #tpu.memory_space<semaphore_mem>>) src(%dma_wait3A_1900 : memref<10000xf32, #tpu.memory_space<any>>) dst(%dma_wait3A_1897 : memref<10000xf32, #tpu.memory_space<vmem>>)
      %dma_wait3A_1901 = arith.constant 0 : i32
      %dma_wait3A_1902 = arith.constant 1 : i32
      %dma_wait3A_1903 = arith.constant 2 : i32
      %dma_wait3A_1904 = arith.constant 7 : i32
      %dma_wait3A_1905 = arith.constant 1 : i32
      %dma_wait3A_1906 = arith.constant 2 : i32
      %dma_wait3A_1907 = tpu.memref_slice %arg11[%dma_wait3A_1905, %dma_wait3A_1906] : memref<2x4x!tpu.dma_semaphore, #tpu.memory_space<semaphore_mem>> -> memref<1x1x!tpu.dma_semaphore, #tpu.memory_space<semaphore_mem>>
      %dma_wait3A_1908 = tpu.memref_squeeze %dma_wait3A_1907 : memref<1x1x!tpu.dma_semaphore, #tpu.memory_space<semaphore_mem>> -> memref<!tpu.dma_semaphore, #tpu.memory_space<semaphore_mem>>
      %dma_wait3A_1909 = arith.constant 0 : i32
      %dma_wait3A_1910 = tpu.memref_slice %arg10[%dma_wait3A_1902, %dma_wait3A_1903, %dma_wait3A_1904, %dma_wait3A_1909] : memref<2x4x8x10000xf32, #tpu.memory_space<vmem>> -> memref<1x1x1x10000xf32, #tpu.memory_space<vmem>>
      %dma_wait3A_1911 = tpu.memref_squeeze %dma_wait3A_1910 : memref<1x1x1x10000xf32, #tpu.memory_space<vmem>> -> memref<10000xf32, #tpu.memory_space<vmem>>
      %dma_wait3A_1912 = arith.constant 0 : i32
      %dma_wait3A_1913 = tpu.memref_slice %arg7[%dma_wait3A_1901, %dma_wait3A_1912] : memref<256x10000xf32, #tpu.memory_space<any>> -> memref<1x10000xf32, #tpu.memory_space<any>>
      %dma_wait3A_1914 = tpu.memref_squeeze %dma_wait3A_1913 : memref<1x10000xf32, #tpu.memory_space<any>> -> memref<10000xf32, #tpu.memory_space<any>>
      tpu.wait_dma2 semaphore(%dma_wait3A_1908 : memref<!tpu.dma_semaphore, #tpu.memory_space<semaphore_mem>>) src(%dma_wait3A_1914 : memref<10000xf32, #tpu.memory_space<any>>) dst(%dma_wait3A_1911 : memref<10000xf32, #tpu.memory_space<vmem>>)
      %dma_wait3A_1915 = arith.constant 0 : i32
      %dma_wait3A_1916 = arith.constant 1 : i32
      %dma_wait3A_1917 = arith.constant 3 : i32
      %dma_wait3A_1918 = arith.constant 0 : i32
      %dma_wait3A_1919 = arith.constant 1 : i32
      %dma_wait3A_1920 = arith.constant 3 : i32
      %dma_wait3A_1921 = tpu.memref_slice %arg11[%dma_wait3A_1919, %dma_wait3A_1920] : memref<2x4x!tpu.dma_semaphore, #tpu.memory_space<semaphore_mem>> -> memref<1x1x!tpu.dma_semaphore, #tpu.memory_space<semaphore_mem>>
      %dma_wait3A_1922 = tpu.memref_squeeze %dma_wait3A_1921 : memref<1x1x!tpu.dma_semaphore, #tpu.memory_space<semaphore_mem>> -> memref<!tpu.dma_semaphore, #tpu.memory_space<semaphore_mem>>
      %dma_wait3A_1923 = arith.constant 0 : i32
      %dma_wait3A_1924 = tpu.memref_slice %arg10[%dma_wait3A_1916, %dma_wait3A_1917, %dma_wait3A_1918, %dma_wait3A_1923] : memref<2x4x8x10000xf32, #tpu.memory_space<vmem>> -> memref<1x1x1x10000xf32, #tpu.memory_space<vmem>>
      %dma_wait3A_1925 = tpu.memref_squeeze %dma_wait3A_1924 : memref<1x1x1x10000xf32, #tpu.memory_space<vmem>> -> memref<10000xf32, #tpu.memory_space<vmem>>
      %dma_wait3A_1926 = arith.constant 0 : i32
      %dma_wait3A_1927 = tpu.memref_slice %arg8[%dma_wait3A_1915, %dma_wait3A_1926] : memref<256x10000xf32, #tpu.memory_space<any>> -> memref<1x10000xf32, #tpu.memory_space<any>>
      %dma_wait3A_1928 = tpu.memref_squeeze %dma_wait3A_1927 : memref<1x10000xf32, #tpu.memory_space<any>> -> memref<10000xf32, #tpu.memory_space<any>>
      tpu.wait_dma2 semaphore(%dma_wait3A_1922 : memref<!tpu.dma_semaphore, #tpu.memory_space<semaphore_mem>>) src(%dma_wait3A_1928 : memref<10000xf32, #tpu.memory_space<any>>) dst(%dma_wait3A_1925 : memref<10000xf32, #tpu.memory_space<vmem>>)
      %dma_wait3A_1929 = arith.constant 0 : i32
      %dma_wait3A_1930 = arith.constant 1 : i32
      %dma_wait3A_1931 = arith.constant 3 : i32
      %dma_wait3A_1932 = arith.constant 1 : i32
      %dma_wait3A_1933 = arith.constant 1 : i32
      %dma_wait3A_1934 = arith.constant 3 : i32
      %dma_wait3A_1935 = tpu.memref_slice %arg11[%dma_wait3A_1933, %dma_wait3A_1934] : memref<2x4x!tpu.dma_semaphore, #tpu.memory_space<semaphore_mem>> -> memref<1x1x!tpu.dma_semaphore, #tpu.memory_space<semaphore_mem>>
      %dma_wait3A_1936 = tpu.memref_squeeze %dma_wait3A_1935 : memref<1x1x!tpu.dma_semaphore, #tpu.memory_space<semaphore_mem>> -> memref<!tpu.dma_semaphore, #tpu.memory_space<semaphore_mem>>
      %dma_wait3A_1937 = arith.constant 0 : i32
      %dma_wait3A_1938 = tpu.memref_slice %arg10[%dma_wait3A_1930, %dma_wait3A_1931, %dma_wait3A_1932, %dma_wait3A_1937] : memref<2x4x8x10000xf32, #tpu.memory_space<vmem>> -> memref<1x1x1x10000xf32, #tpu.memory_space<vmem>>
      %dma_wait3A_1939 = tpu.memref_squeeze %dma_wait3A_1938 : memref<1x1x1x10000xf32, #tpu.memory_space<vmem>> -> memref<10000xf32, #tpu.memory_space<vmem>>
      %dma_wait3A_1940 = arith.constant 0 : i32
      %dma_wait3A_1941 = tpu.memref_slice %arg8[%dma_wait3A_1929, %dma_wait3A_1940] : memref<256x10000xf32, #tpu.memory_space<any>> -> memref<1x10000xf32, #tpu.memory_space<any>>
      %dma_wait3A_1942 = tpu.memref_squeeze %dma_wait3A_1941 : memref<1x10000xf32, #tpu.memory_space<any>> -> memref<10000xf32, #tpu.memory_space<any>>
      tpu.wait_dma2 semaphore(%dma_wait3A_1936 : memref<!tpu.dma_semaphore, #tpu.memory_space<semaphore_mem>>) src(%dma_wait3A_1942 : memref<10000xf32, #tpu.memory_space<any>>) dst(%dma_wait3A_1939 : memref<10000xf32, #tpu.memory_space<vmem>>)
      %dma_wait3A_1943 = arith.constant 0 : i32
      %dma_wait3A_1944 = arith.constant 1 : i32
      %dma_wait3A_1945 = arith.constant 3 : i32
      %dma_wait3A_1946 = arith.constant 2 : i32
      %dma_wait3A_1947 = arith.constant 1 : i32
      %dma_wait3A_1948 = arith.constant 3 : i32
      %dma_wait3A_1949 = tpu.memref_slice %arg11[%dma_wait3A_1947, %dma_wait3A_1948] : memref<2x4x!tpu.dma_semaphore, #tpu.memory_space<semaphore_mem>> -> memref<1x1x!tpu.dma_semaphore, #tpu.memory_space<semaphore_mem>>
      %dma_wait3A_1950 = tpu.memref_squeeze %dma_wait3A_1949 : memref<1x1x!tpu.dma_semaphore, #tpu.memory_space<semaphore_mem>> -> memref<!tpu.dma_semaphore, #tpu.memory_space<semaphore_mem>>
      %dma_wait3A_1951 = arith.constant 0 : i32
      %dma_wait3A_1952 = tpu.memref_slice %arg10[%dma_wait3A_1944, %dma_wait3A_1945, %dma_wait3A_1946, %dma_wait3A_1951] : memref<2x4x8x10000xf32, #tpu.memory_space<vmem>> -> memref<1x1x1x10000xf32, #tpu.memory_space<vmem>>
      %dma_wait3A_1953 = tpu.memref_squeeze %dma_wait3A_1952 : memref<1x1x1x10000xf32, #tpu.memory_space<vmem>> -> memref<10000xf32, #tpu.memory_space<vmem>>
      %dma_wait3A_1954 = arith.constant 0 : i32
      %dma_wait3A_1955 = tpu.memref_slice %arg8[%dma_wait3A_1943, %dma_wait3A_1954] : memref<256x10000xf32, #tpu.memory_space<any>> -> memref<1x10000xf32, #tpu.memory_space<any>>
      %dma_wait3A_1956 = tpu.memref_squeeze %dma_wait3A_1955 : memref<1x10000xf32, #tpu.memory_space<any>> -> memref<10000xf32, #tpu.memory_space<any>>
      tpu.wait_dma2 semaphore(%dma_wait3A_1950 : memref<!tpu.dma_semaphore, #tpu.memory_space<semaphore_mem>>) src(%dma_wait3A_1956 : memref<10000xf32, #tpu.memory_space<any>>) dst(%dma_wait3A_1953 : memref<10000xf32, #tpu.memory_space<vmem>>)
      %dma_wait3A_1957 = arith.constant 0 : i32
      %dma_wait3A_1958 = arith.constant 1 : i32
      %dma_wait3A_1959 = arith.constant 3 : i32
      %dma_wait3A_1960 = arith.constant 3 : i32
      %dma_wait3A_1961 = arith.constant 1 : i32
      %dma_wait3A_1962 = arith.constant 3 : i32
      %dma_wait3A_1963 = tpu.memref_slice %arg11[%dma_wait3A_1961, %dma_wait3A_1962] : memref<2x4x!tpu.dma_semaphore, #tpu.memory_space<semaphore_mem>> -> memref<1x1x!tpu.dma_semaphore, #tpu.memory_space<semaphore_mem>>
      %dma_wait3A_1964 = tpu.memref_squeeze %dma_wait3A_1963 : memref<1x1x!tpu.dma_semaphore, #tpu.memory_space<semaphore_mem>> -> memref<!tpu.dma_semaphore, #tpu.memory_space<semaphore_mem>>
      %dma_wait3A_1965 = arith.constant 0 : i32
      %dma_wait3A_1966 = tpu.memref_slice %arg10[%dma_wait3A_1958, %dma_wait3A_1959, %dma_wait3A_1960, %dma_wait3A_1965] : memref<2x4x8x10000xf32, #tpu.memory_space<vmem>> -> memref<1x1x1x10000xf32, #tpu.memory_space<vmem>>
      %dma_wait3A_1967 = tpu.memref_squeeze %dma_wait3A_1966 : memref<1x1x1x10000xf32, #tpu.memory_space<vmem>> -> memref<10000xf32, #tpu.memory_space<vmem>>
      %dma_wait3A_1968 = arith.constant 0 : i32
      %dma_wait3A_1969 = tpu.memref_slice %arg8[%dma_wait3A_1957, %dma_wait3A_1968] : memref<256x10000xf32, #tpu.memory_space<any>> -> memref<1x10000xf32, #tpu.memory_space<any>>
      %dma_wait3A_1970 = tpu.memref_squeeze %dma_wait3A_1969 : memref<1x10000xf32, #tpu.memory_space<any>> -> memref<10000xf32, #tpu.memory_space<any>>
      tpu.wait_dma2 semaphore(%dma_wait3A_1964 : memref<!tpu.dma_semaphore, #tpu.memory_space<semaphore_mem>>) src(%dma_wait3A_1970 : memref<10000xf32, #tpu.memory_space<any>>) dst(%dma_wait3A_1967 : memref<10000xf32, #tpu.memory_space<vmem>>)
      %dma_wait3A_1971 = arith.constant 0 : i32
      %dma_wait3A_1972 = arith.constant 1 : i32
      %dma_wait3A_1973 = arith.constant 3 : i32
      %dma_wait3A_1974 = arith.constant 4 : i32
      %dma_wait3A_1975 = arith.constant 1 : i32
      %dma_wait3A_1976 = arith.constant 3 : i32
      %dma_wait3A_1977 = tpu.memref_slice %arg11[%dma_wait3A_1975, %dma_wait3A_1976] : memref<2x4x!tpu.dma_semaphore, #tpu.memory_space<semaphore_mem>> -> memref<1x1x!tpu.dma_semaphore, #tpu.memory_space<semaphore_mem>>
      %dma_wait3A_1978 = tpu.memref_squeeze %dma_wait3A_1977 : memref<1x1x!tpu.dma_semaphore, #tpu.memory_space<semaphore_mem>> -> memref<!tpu.dma_semaphore, #tpu.memory_space<semaphore_mem>>
      %dma_wait3A_1979 = arith.constant 0 : i32
      %dma_wait3A_1980 = tpu.memref_slice %arg10[%dma_wait3A_1972, %dma_wait3A_1973, %dma_wait3A_1974, %dma_wait3A_1979] : memref<2x4x8x10000xf32, #tpu.memory_space<vmem>> -> memref<1x1x1x10000xf32, #tpu.memory_space<vmem>>
      %dma_wait3A_1981 = tpu.memref_squeeze %dma_wait3A_1980 : memref<1x1x1x10000xf32, #tpu.memory_space<vmem>> -> memref<10000xf32, #tpu.memory_space<vmem>>
      %dma_wait3A_1982 = arith.constant 0 : i32
      %dma_wait3A_1983 = tpu.memref_slice %arg8[%dma_wait3A_1971, %dma_wait3A_1982] : memref<256x10000xf32, #tpu.memory_space<any>> -> memref<1x10000xf32, #tpu.memory_space<any>>
      %dma_wait3A_1984 = tpu.memref_squeeze %dma_wait3A_1983 : memref<1x10000xf32, #tpu.memory_space<any>> -> memref<10000xf32, #tpu.memory_space<any>>
      tpu.wait_dma2 semaphore(%dma_wait3A_1978 : memref<!tpu.dma_semaphore, #tpu.memory_space<semaphore_mem>>) src(%dma_wait3A_1984 : memref<10000xf32, #tpu.memory_space<any>>) dst(%dma_wait3A_1981 : memref<10000xf32, #tpu.memory_space<vmem>>)
      %dma_wait3A_1985 = arith.constant 0 : i32
      %dma_wait3A_1986 = arith.constant 1 : i32
      %dma_wait3A_1987 = arith.constant 3 : i32
      %dma_wait3A_1988 = arith.constant 5 : i32
      %dma_wait3A_1989 = arith.constant 1 : i32
      %dma_wait3A_1990 = arith.constant 3 : i32
      %dma_wait3A_1991 = tpu.memref_slice %arg11[%dma_wait3A_1989, %dma_wait3A_1990] : memref<2x4x!tpu.dma_semaphore, #tpu.memory_space<semaphore_mem>> -> memref<1x1x!tpu.dma_semaphore, #tpu.memory_space<semaphore_mem>>
      %dma_wait3A_1992 = tpu.memref_squeeze %dma_wait3A_1991 : memref<1x1x!tpu.dma_semaphore, #tpu.memory_space<semaphore_mem>> -> memref<!tpu.dma_semaphore, #tpu.memory_space<semaphore_mem>>
      %dma_wait3A_1993 = arith.constant 0 : i32
      %dma_wait3A_1994 = tpu.memref_slice %arg10[%dma_wait3A_1986, %dma_wait3A_1987, %dma_wait3A_1988, %dma_wait3A_1993] : memref<2x4x8x10000xf32, #tpu.memory_space<vmem>> -> memref<1x1x1x10000xf32, #tpu.memory_space<vmem>>
      %dma_wait3A_1995 = tpu.memref_squeeze %dma_wait3A_1994 : memref<1x1x1x10000xf32, #tpu.memory_space<vmem>> -> memref<10000xf32, #tpu.memory_space<vmem>>
      %dma_wait3A_1996 = arith.constant 0 : i32
      %dma_wait3A_1997 = tpu.memref_slice %arg8[%dma_wait3A_1985, %dma_wait3A_1996] : memref<256x10000xf32, #tpu.memory_space<any>> -> memref<1x10000xf32, #tpu.memory_space<any>>
      %dma_wait3A_1998 = tpu.memref_squeeze %dma_wait3A_1997 : memref<1x10000xf32, #tpu.memory_space<any>> -> memref<10000xf32, #tpu.memory_space<any>>
      tpu.wait_dma2 semaphore(%dma_wait3A_1992 : memref<!tpu.dma_semaphore, #tpu.memory_space<semaphore_mem>>) src(%dma_wait3A_1998 : memref<10000xf32, #tpu.memory_space<any>>) dst(%dma_wait3A_1995 : memref<10000xf32, #tpu.memory_space<vmem>>)
      %dma_wait3A_1999 = arith.constant 0 : i32
      %dma_wait3A_2000 = arith.constant 1 : i32
      %dma_wait3A_2001 = arith.constant 3 : i32
      %dma_wait3A_2002 = arith.constant 6 : i32
      %dma_wait3A_2003 = arith.constant 1 : i32
      %dma_wait3A_2004 = arith.constant 3 : i32
      %dma_wait3A_2005 = tpu.memref_slice %arg11[%dma_wait3A_2003, %dma_wait3A_2004] : memref<2x4x!tpu.dma_semaphore, #tpu.memory_space<semaphore_mem>> -> memref<1x1x!tpu.dma_semaphore, #tpu.memory_space<semaphore_mem>>
      %dma_wait3A_2006 = tpu.memref_squeeze %dma_wait3A_2005 : memref<1x1x!tpu.dma_semaphore, #tpu.memory_space<semaphore_mem>> -> memref<!tpu.dma_semaphore, #tpu.memory_space<semaphore_mem>>
      %dma_wait3A_2007 = arith.constant 0 : i32
      %dma_wait3A_2008 = tpu.memref_slice %arg10[%dma_wait3A_2000, %dma_wait3A_2001, %dma_wait3A_2002, %dma_wait3A_2007] : memref<2x4x8x10000xf32, #tpu.memory_space<vmem>> -> memref<1x1x1x10000xf32, #tpu.memory_space<vmem>>
      %dma_wait3A_2009 = tpu.memref_squeeze %dma_wait3A_2008 : memref<1x1x1x10000xf32, #tpu.memory_space<vmem>> -> memref<10000xf32, #tpu.memory_space<vmem>>
      %dma_wait3A_2010 = arith.constant 0 : i32
      %dma_wait3A_2011 = tpu.memref_slice %arg8[%dma_wait3A_1999, %dma_wait3A_2010] : memref<256x10000xf32, #tpu.memory_space<any>> -> memref<1x10000xf32, #tpu.memory_space<any>>
      %dma_wait3A_2012 = tpu.memref_squeeze %dma_wait3A_2011 : memref<1x10000xf32, #tpu.memory_space<any>> -> memref<10000xf32, #tpu.memory_space<any>>
      tpu.wait_dma2 semaphore(%dma_wait3A_2006 : memref<!tpu.dma_semaphore, #tpu.memory_space<semaphore_mem>>) src(%dma_wait3A_2012 : memref<10000xf32, #tpu.memory_space<any>>) dst(%dma_wait3A_2009 : memref<10000xf32, #tpu.memory_space<vmem>>)
      %dma_wait3A_2013 = arith.constant 0 : i32
      %dma_wait3A_2014 = arith.constant 1 : i32
      %dma_wait3A_2015 = arith.constant 3 : i32
      %dma_wait3A_2016 = arith.constant 7 : i32
      %dma_wait3A_2017 = arith.constant 1 : i32
      %dma_wait3A_2018 = arith.constant 3 : i32
      %dma_wait3A_2019 = tpu.memref_slice %arg11[%dma_wait3A_2017, %dma_wait3A_2018] : memref<2x4x!tpu.dma_semaphore, #tpu.memory_space<semaphore_mem>> -> memref<1x1x!tpu.dma_semaphore, #tpu.memory_space<semaphore_mem>>
      %dma_wait3A_2020 = tpu.memref_squeeze %dma_wait3A_2019 : memref<1x1x!tpu.dma_semaphore, #tpu.memory_space<semaphore_mem>> -> memref<!tpu.dma_semaphore, #tpu.memory_space<semaphore_mem>>
      %dma_wait3A_2021 = arith.constant 0 : i32
      %dma_wait3A_2022 = tpu.memref_slice %arg10[%dma_wait3A_2014, %dma_wait3A_2015, %dma_wait3A_2016, %dma_wait3A_2021] : memref<2x4x8x10000xf32, #tpu.memory_space<vmem>> -> memref<1x1x1x10000xf32, #tpu.memory_space<vmem>>
      %dma_wait3A_2023 = tpu.memref_squeeze %dma_wait3A_2022 : memref<1x1x1x10000xf32, #tpu.memory_space<vmem>> -> memref<10000xf32, #tpu.memory_space<vmem>>
      %dma_wait3A_2024 = arith.constant 0 : i32
      %dma_wait3A_2025 = tpu.memref_slice %arg8[%dma_wait3A_2013, %dma_wait3A_2024] : memref<256x10000xf32, #tpu.memory_space<any>> -> memref<1x10000xf32, #tpu.memory_space<any>>
      %dma_wait3A_2026 = tpu.memref_squeeze %dma_wait3A_2025 : memref<1x10000xf32, #tpu.memory_space<any>> -> memref<10000xf32, #tpu.memory_space<any>>
      tpu.wait_dma2 semaphore(%dma_wait3A_2020 : memref<!tpu.dma_semaphore, #tpu.memory_space<semaphore_mem>>) src(%dma_wait3A_2026 : memref<10000xf32, #tpu.memory_space<any>>) dst(%dma_wait3A_2023 : memref<10000xf32, #tpu.memory_space<vmem>>)
      %get3A_2027 = arith.constant 1 : index
      %get3A_2028 = arith.constant 0 : index
      %get3A_2029 = arith.constant 0 : index
      %get3A_2030 = arith.constant 0 : index
      %get3A_2031 = vector.load %arg10[%get3A_2027, %get3A_2028, %get3A_2029, %get3A_2030] : memref<2x4x8x10000xf32, #tpu.memory_space<vmem>>, vector<1x1x8x10000xf32>
      %get3A_2032 = vector.shape_cast %get3A_2031 : vector<1x1x8x10000xf32> to vector<8x10000xf32>
      %get3A_2033 = arith.constant 1 : index
      %get3A_2034 = arith.constant 1 : index
      %get3A_2035 = arith.constant 0 : index
      %get3A_2036 = arith.constant 0 : index
      %get3A_2037 = vector.load %arg10[%get3A_2033, %get3A_2034, %get3A_2035, %get3A_2036] : memref<2x4x8x10000xf32, #tpu.memory_space<vmem>>, vector<1x1x8x10000xf32>
      %get3A_2038 = vector.shape_cast %get3A_2037 : vector<1x1x8x10000xf32> to vector<8x10000xf32>
      %mul3A_2039 = arith.mulf %get3A_2032, %get3A_2038 : vector<8x10000xf32>
      %get3A_2040 = arith.constant 1 : index
      %get3A_2041 = arith.constant 2 : index
      %get3A_2042 = arith.constant 0 : index
      %get3A_2043 = arith.constant 0 : index
      %get3A_2044 = vector.load %arg10[%get3A_2040, %get3A_2041, %get3A_2042, %get3A_2043] : memref<2x4x8x10000xf32, #tpu.memory_space<vmem>>, vector<1x1x8x10000xf32>
      %get3A_2045 = vector.shape_cast %get3A_2044 : vector<1x1x8x10000xf32> to vector<8x10000xf32>
      %get3A_2046 = arith.constant 1 : index
      %get3A_2047 = arith.constant 3 : index
      %get3A_2048 = arith.constant 0 : index
      %get3A_2049 = arith.constant 0 : index
      %get3A_2050 = vector.load %arg10[%get3A_2046, %get3A_2047, %get3A_2048, %get3A_2049] : memref<2x4x8x10000xf32, #tpu.memory_space<vmem>>, vector<1x1x8x10000xf32>
      %get3A_2051 = vector.shape_cast %get3A_2050 : vector<1x1x8x10000xf32> to vector<8x10000xf32>
      %mul3A_2052 = arith.mulf %get3A_2045, %get3A_2051 : vector<8x10000xf32>
      %mul3A_2053 = arith.mulf %mul3A_2039, %mul3A_2052 : vector<8x10000xf32>
      %get3A_2054 = arith.constant 0 : index
      %get3A_2055 = arith.constant 0 : index
      %get3A_2056 = vector.load %arg9[%get3A_2054, %get3A_2055] : memref<8x10000xf32, #tpu.memory_space<vmem>>, vector<8x10000xf32>
      %add3A_2057 = arith.addf %get3A_2056, %mul3A_2053 : vector<8x10000xf32>
      %swap3A_2058 = arith.constant 0 : index
      %swap3A_2059 = arith.constant 0 : index
      %swap3A_2060 = vector.load %arg9[%swap3A_2058, %swap3A_2059] : memref<8x10000xf32, #tpu.memory_space<vmem>>, vector<8x10000xf32>
      tpu.vector_store %arg9[%swap3A_2058, %swap3A_2059], %add3A_2057 {strides = array<i32>} : memref<8x10000xf32, #tpu.memory_space<vmem>>, vector<8x10000xf32>,
    }
    %scan3A_484 = arith.constant 32 : i32
    return
  }
  func.func @transform_4(%arg0: i32, %arg1: memref<512xi32, #tpu.memory_space<smem>>, %arg2: memref<512xi32, #tpu.memory_space<smem>>, %arg3: memref<512xi32, #tpu.memory_space<smem>>, %arg4: memref<512xi32, #tpu.memory_space<smem>>) -> (i32, i32) {
    %c0_i32 = arith.constant 0 : i32
    %c0_i32_0 = arith.constant 0 : i32
    %c0_i32_1 = arith.constant 0 : i32
    return %c0_i32, %c0_i32_0 : i32, i32
  }
}

</mosaic_0001>

<sc_bundles>
// kernel: kernel.5.cloned.1.call-start
scs
__scs_entry_jumppad:
0x0: {  	(pc) =	sbr.rel $0x88, $3  }
0x1: {  	(tag) =	ssettag $0x0;
	lr =	simm.s32 $0x1  }
0x2: {  	[smem:$0x3F9C] =	sst lr;
	_ =	strace $0xD0000000  }
0x3: {  	_ = 	snop  }
0x4: {  	_ = 	snop  }
0x5: {  	_ = 	snop  }
0x6: {  	_ = 	snop  }
0x7: {  	_ = 	snop  }
__scs_overlays_trampoline_lowered:
0x8: {  	[smem:$0x3FAB] =	sst s0  }
0x9: {  	[smem:$0x3FAC] =	sst s1  }
0xa: {  	[smem:$0x3FAD] =	sst s2  }
0xb: {  	[smem:$0x3FAE] =	sst s3  }
0xc: {  	[smem:$0x3FAF] =	sst s4  }
0xd: {  	[smem:$0x3FB0] =	sst s5  }
0xe: {  	[smem:$0x3FB1] =	sst s6  }
0xf: {  	[smem:$0x3FB2] =	sst s7  }
0x10: {  	[smem:$0x3FB3] =	sst s8  }
0x11: {  	[smem:$0x3FB4] =	sst s9;
	s0 =	simm.s32 @!p0 $0x0  }
0x12: {  	s1 =	sld [smem:$0x3F9A];
	s0 =	simm.s32 @p0 $0x1  }
0x13: {  	[smem:$0x3FB5] =	sst s0;
	s0 =	simm.s32 @!p1 $0x0  }
0x14: {  	s2 =	sld [smem:$0x3F99];
	s0 =	simm.s32 @p1 $0x1  }
0x15: {  	[smem:$0x3FB6] =	sst s0;
	s0 =	simm.s32 @!p2 $0x0  }
0x16: {  	s3 =	sld [smem:$0x3FDB];
	s0 =	simm.s32 @p2 $0x1  }
0x17: {  	s4 =	simm.s32 $0x1BF5;
	[smem:$0x3FB8] =	sst s0  }
0x18: {  	s0 =	sld [smem:$0x3F9B];
	_ =	swait.ge [sflag:s4], $0x0  }
0x19: {  	s7 =	sld [smem:$0x3F9C]  }
0x1a: {  	s8 =	sadd.s32 $0xFFFFE003, lr  }
0x1b: {  	s9 =	sadd.s32 $0xFFFFFEF7, lr;
	s5 =	simm.s32 $0xFFFFFFFF;
	p2 =	slt.u32 s8, $0xFFFFF086  }
0x1c: {  	p1 =	slt.u32 s9, $0xF7A;
	s5 =	simm.s32 @!p2 $0x0  }
0x1d: {  	s5 =	simm.s32 @p1 $0x1;
	p0 =	seq.s32 s7, s2  }
0x1e: {  	s7 =	smul.u32 @!p0 $0xF7A, s2;
	p2 =	seq.s32 @!p0 s5, $0x0  }
0x1f: {  	s9 =	smul.u32 $0xF7A, s1;
	s8 =	simm.s32 @!p0 $0x1BF5;
	p2 =	por !p2, p0  }
0x20: {  	[sflag:s8] =	ssyncset.s32 @!p0 $0xFFFFF086;
	s6 =	sadd.s32 @!p0 s3, s7;
	s7 =	simm.s32 @!p0 $0x108  }
0x21: {  	s3 =	sadd.s32 s3, s9;
	s6 =	sadd.s32 @!p0 $0x88, s6;
	s7 =	simm.s32 @p2 $0x1082  }
0x22: {  	[simem:s7], [sflag:s8] =	dma.local @!p0 [hbm:s6], $0xF7A  }
0x23: {  	s9 =	sor.u32 $0xD0000000, s2;
	s6 =	simm.s32 $0x108;
	_ =	swait.ge @!p0 [sflag:s8], $0x0  }
0x24: {  	s3 =	sadd.s32 $0x88, s3;
	s6 =	simm.s32 @!p1 $0x1082;
	[sflag:s4] =	ssyncset.s32 $0xFFFFF086  }
0x25: {  	[simem:s6], [sflag:s4] =	dma.local [hbm:s3], $0xF7A  }
0x26: {  	[smem:$0x3F9C] =	sst s1;
	(tag) =	ssettag s2;
	_ =	strace s9  }
0x27: {  	s1 =	sld [smem:$0x3FAC]  }
0x28: {  	s2 =	sld [smem:$0x3FAD]  }
0x29: {  	s4 =	sld [smem:$0x3FAF]  }
0x2a: {  	p0 =	seq.s32 s5, $0x0;
	s5 =	sld [smem:$0x3FB0]  }
0x2b: {  	s6 =	sld [smem:$0x3FB1]  }
0x2c: {  	s7 =	sld [smem:$0x3FB2]  }
0x2d: {  	s3 =	simm.s32 $0x108;
	s8 =	sld [smem:$0x3FB3]  }
0x2e: {  	s3 =	simm.s32 @!p0 $0x1082;
	s9 =	sld [smem:$0x3FB4]  }
0x2f: {  	lr =	sadd.s32 s0, s3;
	s0 =	sld [smem:$0x3FAB]  }
0x30: {  	s3 =	sld [smem:$0x3FAE]  }
0x31: {  	[smem:$0x3FB7] =	sst s10  }
0x32: {  	s10 =	sld [smem:$0x3FB5];
	_ =	sdelay $0x3  }
0x33: {  	p0 =	seq.s32 s10, $0x1;
	s10 =	sld [smem:$0x3FB7];
	_ =	sdelay $0x3  }
0x34: {  	[smem:$0x3FB7] =	sst s10  }
0x35: {  	s10 =	sld [smem:$0x3FB6];
	_ =	sdelay $0x3  }
0x36: {  	p1 =	seq.s32 s10, $0x1;
	s10 =	sld [smem:$0x3FB7];
	_ =	sdelay $0x3  }
0x37: {  	[smem:$0x3FB7] =	sst s10  }
0x38: {  	s10 =	sld [smem:$0x3FB8]  }
0x39: {  	_ = 	snop;
	(pc) =	sbr.ind lr, $3  }
0x3a: {  	_ = 	snop  }
0x3b: {  	_ = 	snop  }
0x3c: {  	p2 =	seq.s32 s10, $0x1;
	s10 =	sld [smem:$0x3FB7]  }
0x3d: {  	_ =	shalt  }
0x3e: {  	_ =	shalt  }
0x3f: {  	_ =	shalt  }
0x40: {  	_ =	shalt  }
0x41: {  	_ =	shalt  }
0x42: {  	_ =	shalt  }
0x43: {  	_ =	shalt  }
0x44: {  	_ =	shalt  }
0x45: {  	_ =	shalt  }
0x46: {  	_ =	shalt  }
0x47: {  	_ =	shalt  }
0x48: {  	_ =	shalt  }
0x49: {  	_ =	shalt  }
0x4a: {  	_ =	shalt  }
0x4b: {  	_ =	shalt  }
0x4c: {  	_ =	shalt  }
0x4d: {  	_ =	shalt  }
0x4e: {  	_ =	shalt  }
0x4f: {  	_ =	shalt  }
0x50: {  	_ =	shalt  }
0x51: {  	_ =	shalt  }
0x52: {  	_ =	shalt  }
0x53: {  	_ =	shalt  }
0x54: {  	_ =	shalt  }
0x55: {  	_ =	shalt  }
0x56: {  	_ =	shalt  }
0x57: {  	_ =	shalt  }
0x58: {  	_ =	shalt  }
0x59: {  	_ =	shalt  }
0x5a: {  	_ =	shalt  }
0x5b: {  	_ =	shalt  }
0x5c: {  	_ =	shalt  }
0x5d: {  	_ =	shalt  }
0x5e: {  	_ =	shalt  }
0x5f: {  	_ =	shalt  }
0x60: {  	_ =	shalt  }
0x61: {  	_ =	shalt  }
0x62: {  	_ =	shalt  }
0x63: {  	_ =	shalt  }
0x64: {  	_ =	shalt  }
0x65: {  	_ =	shalt  }
0x66: {  	_ =	shalt  }
0x67: {  	_ =	shalt  }
0x68: {  	_ =	shalt  }
0x69: {  	_ =	shalt  }
0x6a: {  	_ =	shalt  }
0x6b: {  	_ =	shalt  }
0x6c: {  	_ =	shalt  }
0x6d: {  	_ =	shalt  }
0x6e: {  	_ =	shalt  }
0x6f: {  	_ =	shalt  }
0x70: {  	_ =	shalt  }
0x71: {  	_ =	shalt  }
0x72: {  	_ =	shalt  }
0x73: {  	_ =	shalt  }
0x74: {  	_ =	shalt  }
0x75: {  	_ =	shalt  }
0x76: {  	_ =	shalt  }
0x77: {  	_ =	shalt  }
0x78: {  	_ =	shalt  }
0x79: {  	_ =	shalt  }
0x7a: {  	_ =	shalt  }
0x7b: {  	_ =	shalt  }
0x7c: {  	_ =	shalt  }
0x7d: {  	_ =	shalt  }
0x7e: {  	_ =	shalt  }
0x7f: {  	_ =	shalt  }
0x80: {  	_ =	shalt  }
0x81: {  	_ =	shalt  }
0x82: {  	_ =	shalt  }
0x83: {  	_ =	shalt  }
0x84: {  	_ =	shalt  }
0x85: {  	_ =	shalt  }
0x86: {  	_ =	shalt  }
0x87: {  	_ =	shalt  }
.Lfunc_end0:
.L_simem_size_0:
called_computation_lowered:
.L_overlay_start_0:
0x88: {  	s2 =	sld [smem:$0x3FD9]  }
0x89: {  	s3 =	sld [smem:$0x3FFE];
	_ =	sdelay $0x1  }
0x8a: {  	s1 =	srdreg.scid  }
0x8b: {  	s0 =	sand.u32 $0x1, s1  }
0x8c: {  	s16 =	sshll.u32 s0, $0xA;
	s2 =	sadd.s32 s3, s2  }
0x8d: {  	s2 =	sadd.s32 s2, s16  }
0x8e: {  	[smem:$0x3FC3] =	sst s2  }
0x8f: {  	_ = 	snop  }
0x90: {  	(tm) =	ssettm $0x1  }
0x91: {  	s17 =	sld [smem:$0x3FFB];
	_ =	sdelay $0x3  }
0x92: {  	_ =	strace s17  }
0x93: {  	s2 =	sld [smem:$0x3FFC];
	_ =	sdelay $0x3  }
0x94: {  	_ =	strace s2  }
0x95: {  	s2 =	sld [smem:$0x3FFD];
	_ =	sdelay $0x3  }
0x96: {  	_ =	strace s2  }
0x97: {  	_ =	strace $0x8FFFFFFF  }
0x98: {  	s18 =	sld [smem:$0x3FDB];
	_ =	sdelay $0x1  }
0x99: {  	s19 =	simm.s32 $_scs_section_size  }
0x9a: {  	s4 =	simm.s32 $_size__tile_overlayer_lowered;
	s5 =	simm.s32 $_tile_overlayer_lowered  }
0x9b: {  	s22 =	simm.s32 $0x1BFF;
	s21 =	sshll.u32 s5, $0x1;
	s2 =	sadd.s32 s19, s18  }
0x9c: {  	s6 =	simm.s32 $0x0;
	s20 =	sshll.u32 s4, $0x1;
	s4 =	sadd.s32 s21, s2  }
0x9d: {  	[timem:s6], [sflag:s22] =	dma.local [hbm:s4], s20  }
0x9e: {  	_ =	swait.ge [sflag:s22], s20  }
0x9f: {  	s3 =	ssub.s32 $0x0, s20;
	[sflag:s22] =	ssyncset.done $0x0  }
0xa0: {  	[sflag:s22] =	ssyncadd.s32 s3;
	_ =	sdelay $0x1  }
0xa1: {  	s23 =	simm.s32 $0x1B8B  }
0xa2: {  	_ =	swait.ge [sflag:s23], $0x1  }
0xa3: {  	[sflag:s23] =	ssyncset.done $0x0  }
0xa4: {  	s25 =	simm.s32 $0x1B8E;
	s24 =	sld [smem:$0x3FFE];
	[sflag:s23] =	ssyncadd.s32 $0xFFFFFFFF  }
0xa5: {  	s26 =	simm.s32 $execute0_lowered;
	[smem:$0x3FD2] =	sst s25  }
0xa6: {  	s4 =	sshll.u32 s26, $0x1;
	_ =	strace $0x80000046;
	[dreg:$0x1] =	wrdreg $0xFFFFFFFF  }
0xa7: {  	s28 =	simm.s32 $_size_execute0_lowered;
	s2 =	sadd.s32 s2, s4;
	[dreg:$0x0] =	wrdreg $0x0  }
0xa8: {  	s4 =	sshll.u32 s28, $0x1;
	[dreg:$0x2] =	wrdreg s2  }
0xa9: {  	[dreg:$0x3] =	wrdreg s4  }
0xaa: {  	[dreg:$0x4] =	wrdreg $0xC0  }
0xab: {  	_ =	task [dreg:s6], $0x5FFFF  }
0xac: {  	[dreg:$0x1] =	wrdreg $0xFFFFFFFF  }
0xad: {  	[dreg:$0x0] =	wrdreg $0x60  }
0xae: {  	[dreg:$0x2] =	wrdreg s24  }
0xaf: {  	[dreg:$0x3] =	wrdreg $0x9  }
0xb0: {  	_ =	task.clear_ibuf [dreg:s6], $0x4FFFF;
	_ =	strace $0x90000046  }
0xb1: {  	s29 =	simm.s32 $0x9;
	_ =	strace $0x80000048  }
0xb2: {  	_ =	swait.ge [sflag:s29], $0x1  }
0xb3: {  	[sflag:s29] =	ssyncadd.s32 $0xFFFFFFFF  }
0xb4: {  	_ =	strace $0x90000048  }
0xb5: {  	_ =	sfence  }
0xb6: {  	s30 =	sld [smem:$0x0];
	_ =	sdelay $0x2  }
0xb7: {  	s31 =	sshll.u32 s1, $0xD;
	s1 =	sshrl.u32 s1, $0x2  }
0xb8: {  	s3 =	sand.u32 $0x4000, s31;
	s1 =	sadd.s32 s1, s30  }
0xb9: {  	s0 =	sor.u32 s3, s0;
	s1 =	sshll.u32 s1, $0x11  }
0xba: {  	s0 =	sor.u32 s1, s0  }
0xbb: {  	s0 =	sadd.s32 $0x8F2B, s0  }
0xbc: {  	[sflag:s0] =	ssyncadd.remote.s32 $0x1  }
0xbd: {  	_ =	sfence.sel $0xFFFF  }
0xbe: {  	[dreg:$0x0] =	wrdreg $0xFFFFFFFF;
	(pc) =	sbr.abs _section_cstart, $3  }
0xbf: {  	[dreg:$0x1] =	wrdreg $0xFFFFFFFF  }
0xc0: {  	_ =	task.clear_ibuf [dreg:s6], $0x2FFFF;
	_ =	strace $0x9FFFFFFF  }
0xc1: {  	(tm) =	ssettm $0x7FFFFFFF  }
tec
execute0_lowered:
.L_overlay_start_1:
0x0: {  	(tag) =	ssettag $0x1  }
0x1: {  	s0 =	srdreg.scid;
	s1 =	stileid.u32  }
0x2: {  	s7 =	rddreg [dreg:$0x0];
	s2 =	simm.s32 $0x0;
	s13 =	simm.s32 $0x3  }
0x3: {  	s14 =	simm.s32 $0x380;
	s15 =	simm.s32 $0x700;
	s16 =	simm.s32 $0xA80  }
0x4: {  	s17 =	simm.s32 $0x1;
	s19 =	simm.s32 $0x3510;
	s20 =	simm.s32 $0x5C20  }
0x5: {  	s21 =	simm.s32 $0x8330;
	s22 =	simm.s32 $0xAA40;
	s23 =	simm.s32 $0xD150  }
0x6: {  	s24 =	simm.s32 $0xF860;
	s25 =	simm.s32 $0x11F70;
	s26 =	simm.s32 $0x2  }
0x7: {  	s28 =	simm.s32 $0x14680;
	s0 =	sand.u32 $0x1, s0;
	s1 =	sshll.u32 s1, $0x1  }
0x8: {  	s29 =	simm.s32 $0x0;
	[smem:$0x7FF] =	sst s2;
	s1 =	sor.u32 s0, s1  }
0x9: {  	s4 =	sadd.s32 $0x54800, s7;
	s0 =	ssub.s32 $0x2, s0;
	s3 =	smul.u32 $0x70, s1  }
0xa: {  	s5 =	sadd.s32 $0xF1A00, s7;
	s1 =	smul.u32 $0x4E2, s1;
	s8 =	sshrl.u32 s0, $0x1  }
0xb: {  	s6 =	sadd.s32 $0x18EC00, s7;
	_ =	strace $0x80000047;
	s0 =	ssub.s32 s0, s8  }
0xc: {  	s10 =	sadd.s32 s3, s7;
	s3 =	sadd.s32 $0x6CCE00, s7;
	s1 =	sadd.s32 s1, s7  }
0xd: {  	s12 =	smax.u32 s0, $0x1;
	s7 =	sadd.s32 $0x4A00, s10;
	s8 =	sadd.s32 $0x1E00, s10  }
0xe: {  	v0 =	vimm.f32 $0.0e+00;
	s9 =	sadd.s32 $0x2C00, s10;
	s10 =	sadd.s32 $0x3C00, s10;
	s11 =	sadd.s32 $0xBAEE00, s1  }
.LBB2_1:
0xf: {  	[tilespmem:s2], [sflag:$0x3] =	stream.linear.gather [hbm4b:s7+s2], $0x380, $0x38;
	[tilespmem:$0x16D90] =	vst v63  }
0x10: {  	_ =	swait.ge [sflag:s13], $0x380  }
0x11: {  	[sflag:s13] =	ssyncset.done $0x0  }
0x12: {  	[sflag:s13] =	ssyncadd.s32 $0xFFFFFC80  }
0x13: {  	[tilespmem:s14], [sflag:$0x3] =	stream.linear.gather [hbm4b:s8+s2], $0x380, $0x38;
	[tilespmem:$0x16D90] =	vst v63  }
0x14: {  	_ =	swait.ge [sflag:s13], $0x380  }
0x15: {  	[sflag:s13] =	ssyncset.done $0x0  }
0x16: {  	[sflag:s13] =	ssyncadd.s32 $0xFFFFFC80  }
0x17: {  	[tilespmem:s15], [sflag:$0x3] =	stream.linear.gather [hbm4b:s9+s2], $0x380, $0x38;
	[tilespmem:$0x16D90] =	vst v63  }
0x18: {  	_ =	swait.ge [sflag:s13], $0x380  }
0x19: {  	[sflag:s13] =	ssyncset.done $0x0  }
0x1a: {  	[sflag:s13] =	ssyncadd.s32 $0xFFFFFC80  }
0x1b: {  	[tilespmem:s16], [sflag:$0x3] =	stream.linear.gather [hbm4b:s10+s2], $0x380, $0x38;
	[tilespmem:$0x16D90] =	vst v63  }
0x1c: {  	_ =	swait.ge [sflag:s13], $0x380  }
0x1d: {  	[sflag:s13] =	ssyncset.done $0x0  }
0x1e: {  	s0 =	simm.s32 $0x14740;
	[sflag:s13] =	ssyncadd.s32 $0xFFFFFC80  }
0x1f: {  	[tilespmem:s0+$0xFFFFFF40] =	vst v0  }
0x20: {  	[tilespmem:s0+$0xC0] =	vst v0  }
0x21: {  	[tilespmem:s0+$0xB0] =	vst v0  }
0x22: {  	[tilespmem:s0+$0xA0] =	vst v0  }
0x23: {  	[tilespmem:s0+$0x90] =	vst v0  }
0x24: {  	[tilespmem:s0+$0x80] =	vst v0  }
0x25: {  	[tilespmem:s0+$0x70] =	vst v0  }
0x26: {  	[tilespmem:s0+$0x60] =	vst v0  }
0x27: {  	[tilespmem:s0+$0x50] =	vst v0  }
0x28: {  	[tilespmem:s0+$0x40] =	vst v0  }
0x29: {  	[tilespmem:s0+$0x30] =	vst v0  }
0x2a: {  	[tilespmem:s0+$0x20] =	vst v0  }
0x2b: {  	[tilespmem:s0+$0x10] =	vst v0  }
0x2c: {  	[tilespmem:s0+$0x0] =	vst v0  }
0x2d: {  	[tilespmem:s0+$0xFFFFFFF0] =	vst v0  }
0x2e: {  	[tilespmem:s0+$0xFFFFFFE0] =	vst v0  }
0x2f: {  	[tilespmem:s0+$0xFFFFFFD0] =	vst v0  }
0x30: {  	[tilespmem:s0+$0xFFFFFFC0] =	vst v0  }
0x31: {  	[tilespmem:s0+$0xFFFFFFB0] =	vst v0  }
0x32: {  	[tilespmem:s0+$0xFFFFFFA0] =	vst v0  }
0x33: {  	[tilespmem:s0+$0xFFFFFF90] =	vst v0  }
0x34: {  	[tilespmem:s0+$0xFFFFFF80] =	vst v0  }
0x35: {  	[tilespmem:s0+$0xFFFFFF70] =	vst v0  }
0x36: {  	s1 =	simm.s32 $0x0;
	[tilespmem:s0+$0xFFFFFF60] =	vst v0  }
.LBB2_2:
0x37: {  	s1 =	sadd.s32 $0x19, s1;
	[tilespmem:s0+$0xFFFFFF50] =	vst v0;
	s0 =	sadd.s32 $0x190, s0  }
0x38: {  	[tilespmem:s0+$0xFFFFFF40] =	vst v0;
	p0 =	slt.u32 s1, $0x258  }
0x39: {  	[tilespmem:s0+$0xC0] =	vst v0  }
0x3a: {  	[tilespmem:s0+$0xB0] =	vst v0  }
0x3b: {  	[tilespmem:s0+$0xA0] =	vst v0  }
0x3c: {  	[tilespmem:s0+$0x90] =	vst v0  }
0x3d: {  	[tilespmem:s0+$0x80] =	vst v0  }
0x3e: {  	[tilespmem:s0+$0x70] =	vst v0  }
0x3f: {  	[tilespmem:s0+$0x60] =	vst v0  }
0x40: {  	[tilespmem:s0+$0x50] =	vst v0  }
0x41: {  	[tilespmem:s0+$0x40] =	vst v0  }
0x42: {  	[tilespmem:s0+$0x30] =	vst v0  }
0x43: {  	[tilespmem:s0+$0x20] =	vst v0  }
0x44: {  	[tilespmem:s0+$0x10] =	vst v0  }
0x45: {  	[tilespmem:s0+$0x0] =	vst v0  }
0x46: {  	[tilespmem:s0+$0xFFFFFFF0] =	vst v0  }
0x47: {  	[tilespmem:s0+$0xFFFFFFE0] =	vst v0  }
0x48: {  	[tilespmem:s0+$0xFFFFFFD0] =	vst v0  }
0x49: {  	[tilespmem:s0+$0xFFFFFFC0] =	vst v0  }
0x4a: {  	[tilespmem:s0+$0xFFFFFFB0] =	vst v0  }
.Ltmp0:
0x4b: {  	[tilespmem:s0+$0xFFFFFFA0] =	vst v0;
	(pc) =	sbr.rel @p0 .LBB2_2-.Ltmp0, $4  }
0x4c: {  	[tilespmem:s0+$0xFFFFFF90] =	vst v0  }
0x4d: {  	[tilespmem:s0+$0xFFFFFF80] =	vst v0  }
0x4e: {  	[tilespmem:s0+$0xFFFFFF70] =	vst v0  }
0x4f: {  	[tilespmem:s0+$0xFFFFFF60] =	vst v0  }
0x50: {  	[tilespmem:s0+$0xFFFFFF50] =	vst v0;
	s30 =	simm.s32 $0x0;
	s31 =	simm.s32 $0xE00  }
0x51: {  	[tilespmem:s31], [sflag:$0x1] =	stream.indirect.gather [hbm4b:s3+s17], $0x2710, s30, s17, $0xb8;
	[tilespmem:$0x16D90] =	vst v63  }
0x52: {  	_ = 	snop  }
0x53: {  	[tilespmem:s19], [sflag:$0x1] =	stream.indirect.gather [hbm4b:s4+s17], $0x2710, s14, s17, $0xb8;
	[tilespmem:$0x16D90] =	vst v63  }
0x54: {  	_ = 	snop  }
0x55: {  	[tilespmem:s20], [sflag:$0x1] =	stream.indirect.gather [hbm4b:s5+s17], $0x2710, s15, s17, $0xb8;
	[tilespmem:$0x16D90] =	vst v63  }
0x56: {  	_ = 	snop  }
0x57: {  	[tilespmem:s21], [sflag:$0x1] =	stream.indirect.gather [hbm4b:s6+s17], $0x2710, s16, s17, $0xb8;
	[tilespmem:$0x16D90] =	vst v63  }
.LBB2_4:
0x58: {  	s31 =	sshll.u32 s30, $0x4  }
0x59: {  	s0 =	sor.u32 $0x8, s31  }
0x5a: {  	[tilespmem:s22], [sflag:$0x2] =	stream.indirect.gather [hbm4b:s3+s17], $0x2710, s0, s17, $0xb8;
	[tilespmem:$0x16D90] =	vst v63  }
0x5b: {  	s18 =	sadd.s32 $0x388, s31  }
0x5c: {  	[tilespmem:s23], [sflag:$0x2] =	stream.indirect.gather [hbm4b:s4+s17], $0x2710, s18, s17, $0xb8;
	[tilespmem:$0x16D90] =	vst v63  }
0x5d: {  	s1 =	sadd.s32 $0x708, s31  }
0x5e: {  	[tilespmem:s24], [sflag:$0x2] =	stream.indirect.gather [hbm4b:s5+s17], $0x2710, s1, s17, $0xb8;
	[tilespmem:$0x16D90] =	vst v63  }
0x5f: {  	s18 =	sadd.s32 $0xA88, s31  }
0x60: {  	[tilespmem:s25], [sflag:$0x2] =	stream.indirect.gather [hbm4b:s6+s17], $0x2710, s18, s17, $0xb8;
	[tilespmem:$0x16D90] =	vst v63  }
0x61: {  	_ =	swait.ge [sflag:s17], $0x2710  }
0x62: {  	[sflag:s17] =	ssyncset.done $0x0  }
0x63: {  	[sflag:s17] =	ssyncadd.s32 $0xFFFFD8F0  }
0x64: {  	_ =	swait.ge [sflag:s17], $0x2710  }
0x65: {  	[sflag:s17] =	ssyncset.done $0x0  }
0x66: {  	[sflag:s17] =	ssyncadd.s32 $0xFFFFD8F0  }
0x67: {  	_ =	swait.ge [sflag:s17], $0x2710  }
0x68: {  	[sflag:s17] =	ssyncset.done $0x0  }
0x69: {  	[sflag:s17] =	ssyncadd.s32 $0xFFFFD8F0  }
0x6a: {  	_ =	swait.ge [sflag:s17], $0x2710  }
0x6b: {  	[sflag:s17] =	ssyncset.done $0x0  }
0x6c: {  	s1 =	simm.s32 $0x0;
	[sflag:s17] =	ssyncadd.s32 $0xFFFFD8F0  }
0x6d: {  	v1 =	vld [tilespmem:s1+$0xF80]  }
0x6e: {  	v2 =	vld [tilespmem:s1+$0x3690]  }
0x6f: {  	v3 =	vld [tilespmem:s1+$0xE00]  }
0x70: {  	v4 =	vld [tilespmem:s1+$0x5DA0]  }
0x71: {  	v5 =	vld [tilespmem:s1+$0x3510]  }
0x72: {  	v6 =	vld [tilespmem:s1+$0x84B0]  }
0x73: {  	v7 =	vld [tilespmem:s1+$0xE10]  }
0x74: {  	v8 =	vld [tilespmem:s1+$0xE20]  }
0x75: {  	v9 =	vld [tilespmem:s1+$0xE30]  }
0x76: {  	v10 =	vld [tilespmem:s1+$0x3550]  }
0x77: {  	v11 =	vld [tilespmem:s1+$0xE50]  }
0x78: {  	v12 =	vld [tilespmem:s1+$0x3560]  }
0x79: {  	v13 =	vld [tilespmem:s1+$0xE60]  }
0x7a: {  	v14 =	vld [tilespmem:s1+$0x3570]  }
0x7b: {  	v15 =	vld [tilespmem:s1+$0xE70]  }
0x7c: {  	v16 =	vld [tilespmem:s1+$0x3580]  }
0x7d: {  	v17 =	vld [tilespmem:s1+$0xE80]  }
0x7e: {  	v18 =	vld [tilespmem:s1+$0x3590]  }
0x7f: {  	v19 =	vld [tilespmem:s1+$0xE90]  }
0x80: {  	v20 =	vld [tilespmem:s1+$0x35A0]  }
0x81: {  	v21 =	vld [tilespmem:s1+$0xEA0]  }
0x82: {  	v22 =	vld [tilespmem:s1+$0x35B0]  }
0x83: {  	v23 =	vld [tilespmem:s1+$0xEB0]  }
0x84: {  	v24 =	vld [tilespmem:s1+$0x35C0]  }
0x85: {  	v25 =	vld [tilespmem:s1+$0xEC0]  }
0x86: {  	v26 =	vld [tilespmem:s1+$0x35D0]  }
0x87: {  	v27 =	vld [tilespmem:s1+$0xED0]  }
0x88: {  	v28 =	vld [tilespmem:s1+$0x35E0]  }
0x89: {  	v29 =	vld [tilespmem:s1+$0xEE0]  }
0x8a: {  	v30 =	vld [tilespmem:s1+$0x35F0]  }
0x8b: {  	v31 =	vld [tilespmem:s1+$0xEF0]  }
0x8c: {  	v32 =	vld [tilespmem:s1+$0x3600]  }
0x8d: {  	v33 =	vld [tilespmem:s1+$0xF00]  }
0x8e: {  	v34 =	vld [tilespmem:s1+$0x3610]  }
0x8f: {  	v35 =	vld [tilespmem:s1+$0xF10]  }
0x90: {  	v36 =	vld [tilespmem:s1+$0x3620]  }
0x91: {  	v37 =	vld [tilespmem:s1+$0xF20]  }
0x92: {  	v38 =	vld [tilespmem:s1+$0x3630]  }
0x93: {  	v39 =	vld [tilespmem:s1+$0xF30]  }
0x94: {  	v40 =	vld [tilespmem:s1+$0x3640]  }
0x95: {  	v41 =	vld [tilespmem:s1+$0xF40]  }
0x96: {  	v42 =	vld [tilespmem:s1+$0x3650]  }
0x97: {  	v43 =	vld [tilespmem:s1+$0xF50]  }
0x98: {  	v44 =	vld [tilespmem:s1+$0x3660]  }
0x99: {  	v45 =	vld [tilespmem:s1+$0xF60]  }
0x9a: {  	v46 =	vld [tilespmem:s1+$0x3670]  }
0x9b: {  	v47 =	vld [tilespmem:s1+$0xF70]  }
0x9c: {  	v48 =	vld [tilespmem:s1+$0x3680]  }
0x9d: {  	v49 =	vld [tilespmem:s1+$0x5C20]  }
0x9e: {  	v50 =	vld [tilespmem:s1+$0x5C30]  }
0x9f: {  	v51 =	vld [tilespmem:s1+$0x5C40]  }
0xa0: {  	v52 =	vld [tilespmem:s1+$0x5C50]  }
0xa1: {  	v53 =	vld [tilespmem:s1+$0x5C60]  }
0xa2: {  	v54 =	vld [tilespmem:s1+$0x5C70]  }
0xa3: {  	v55 =	vld [tilespmem:s1+$0x5C80]  }
0xa4: {  	v56 =	vld [tilespmem:s1+$0x5C90]  }
0xa5: {  	v57 =	vld [tilespmem:s1+$0x5CA0]  }
0xa6: {  	v58 =	vld [tilespmem:s1+$0x5CB0]  }
0xa7: {  	v59 =	vld [tilespmem:s1+$0x5CC0]  }
0xa8: {  	v60 =	vld [tilespmem:s1+$0x5CD0]  }
0xa9: {  	v61 =	vld [tilespmem:s1+$0x8330]  }
0xaa: {  	v62 =	vld [tilespmem:s1+$0x8340]  }
0xab: {  	v63 =	vld [tilespmem:s1+$0x8360]  }
0xac: {  	v1 =	vmul.f32 v2, v1;
	v2 =	vld [tilespmem:s1+$0x3520]  }
0xad: {  	v3 =	vmul.f32 v5, v3;
	v5 =	vld [tilespmem:s1+$0x5CE0]  }
0xae: {  	v35 =	vmul.f32 v36, v35;
	v36 =	vld [tilespmem:s1+$0x8440]  }
0xaf: {  	v1 =	vmul.f32 v4, v1;
	v4 =	vld [tilespmem:s1+$0x3530]  }
0xb0: {  	v3 =	vmul.f32 v49, v3;
	v49 =	vld [tilespmem:s1+$0x5D00]  }
0xb1: {  	v1 =	vmul.f32 v6, v1;
	v6 =	vld [tilespmem:s1+$0x3540]  }
0xb2: {  	v3 =	vmul.f32 v61, v3;
	v61 =	vld [tilespmem:s1+$0x8390]  }
0xb3: {  	v2 =	vmul.f32 v2, v7;
	v7 =	vld [tilespmem:s1+$0x5CF0]  }
0xb4: {  	[tilespmem:s1+$0x14800] =	vst.add.f32.msk $0xffff, v1  }
0xb5: {  	v1 =	vld [tilespmem:s1+$0xE40]  }
0xb6: {  	[tilespmem:s1+$0x14680] =	vst.add.f32.msk $0xffff, v3  }
0xb7: {  	v3 =	vld [tilespmem:s1+$0x5D10]  }
0xb8: {  	v4 =	vmul.f32 v4, v8;
	v8 =	vld [tilespmem:s1+$0x8350];
	v2 =	vmul.f32 v50, v2  }
0xb9: {  	v50 =	vld [tilespmem:s1+$0x8370];
	v6 =	vmul.f32 v6, v9  }
0xba: {  	v4 =	vmul.f32 v51, v4;
	v2 =	vmul.f32 v62, v2;
	v51 =	vld [tilespmem:s1+$0x8380]  }
0xbb: {  	v9 =	vld [tilespmem:s1+$0x5D30]  }
0xbc: {  	v6 =	vmul.f32 v52, v6;
	[tilespmem:s1+$0x14690] =	vst.add.f32.msk $0xffff, v2  }
0xbd: {  	v2 =	vld [tilespmem:s1+$0x5D20];
	v52 =	vmul.f32 v12, v11  }
0xbe: {  	v1 =	vmul.f32 v10, v1;
	v6 =	vmul.f32 v63, v6;
	v63 =	vld [tilespmem:s1+$0x83A0]  }
0xbf: {  	v4 =	vmul.f32 v8, v4;
	v8 =	vmul.f32 v54, v52;
	v52 =	vld [tilespmem:s1+$0x83C0]  }
0xc0: {  	v1 =	vmul.f32 v53, v1;
	v53 =	vmul.f32 v14, v13;
	v13 =	vld [tilespmem:s1+$0x5D70]  }
0xc1: {  	[tilespmem:s1+$0x146A0] =	vst.add.f32.msk $0xffff, v4  }
0xc2: {  	v4 =	vld [tilespmem:s1+$0x5D40]  }
0xc3: {  	[tilespmem:s1+$0x146B0] =	vst.add.f32.msk $0xffff, v6  }
0xc4: {  	v1 =	vmul.f32 v50, v1;
	v50 =	vld [tilespmem:s1+$0x83B0]  }
0xc5: {  	v54 =	vmul.f32 v22, v21;
	v10 =	vmul.f32 v55, v53;
	v55 =	vld [tilespmem:s1+$0x83D0]  }
0xc6: {  	v6 =	vmul.f32 v51, v8;
	v51 =	vmul.f32 v18, v17;
	v17 =	vld [tilespmem:s1+$0x8420]  }
0xc7: {  	v14 =	vmul.f32 v59, v54;
	v54 =	vld [tilespmem:s1+$0x8460]  }
0xc8: {  	[tilespmem:s1+$0x146C0] =	vst.add.f32.msk $0xffff, v1  }
0xc9: {  	v62 =	vmul.f32 v16, v15;
	v1 =	vld [tilespmem:s1+$0x5D50]  }
0xca: {  	[tilespmem:s1+$0x146D0] =	vst.add.f32.msk $0xffff, v6  }
0xcb: {  	v16 =	vmul.f32 v56, v62;
	v56 =	vmul.f32 v24, v23;
	v6 =	vld [tilespmem:s1+$0x5D60]  }
0xcc: {  	v53 =	vmul.f32 v20, v19;
	v11 =	vmul.f32 v57, v51;
	v57 =	vld [tilespmem:s1+$0x83E0]  }
0xcd: {  	v59 =	vmul.f32 v26, v25;
	v51 =	vld [tilespmem:s1+$0x8450]  }
0xce: {  	v12 =	vmul.f32 v58, v53;
	v58 =	vmul.f32 v60, v56;
	v56 =	vld [tilespmem:s1+$0x8470]  }
0xcf: {  	v10 =	vmul.f32 v61, v10;
	v5 =	vmul.f32 v5, v59;
	v59 =	vld [tilespmem:s1+$0x8490]  }
0xd0: {  	v60 =	vmul.f32 v28, v27;
	v8 =	vmul.f32 v63, v16;
	v63 =	vld [tilespmem:s1+$0x8430]  }
0xd1: {  	[tilespmem:s1+$0x146E0] =	vst.add.f32.msk $0xffff, v10  }
0xd2: {  	v7 =	vmul.f32 v7, v60;
	v60 =	vld [tilespmem:s1+$0x84A0]  }
0xd3: {  	[tilespmem:s1+$0x146F0] =	vst.add.f32.msk $0xffff, v8;
	v10 =	vmul.f32 v50, v11  }
0xd4: {  	v11 =	vld [tilespmem:s1+$0x5D80]  }
0xd5: {  	v8 =	vmul.f32 v52, v12;
	[tilespmem:s1+$0x14700] =	vst.add.f32.msk $0xffff, v10  }
0xd6: {  	v62 =	vmul.f32 v32, v31;
	v10 =	vld [tilespmem:s1+$0x5D90]  }
0xd7: {  	v34 =	vmul.f32 v34, v33;
	v14 =	vmul.f32 v55, v14;
	[tilespmem:s1+$0x14710] =	vst.add.f32.msk $0xffff, v8  }
0xd8: {  	v38 =	vmul.f32 v38, v37;
	v3 =	vmul.f32 v3, v62;
	v8 =	vld [tilespmem:s1+$0x83F0]  }
0xd9: {  	v2 =	vmul.f32 v2, v34;
	v61 =	vmul.f32 v30, v29;
	[tilespmem:s1+$0x14720] =	vst.add.f32.msk $0xffff, v14  }
0xda: {  	v4 =	vmul.f32 v4, v38;
	v3 =	vmul.f32 v17, v3;
	v14 =	vld [tilespmem:s1+$0x8400]  }
0xdb: {  	v50 =	vmul.f32 v40, v39;
	v12 =	vmul.f32 v57, v58;
	v58 =	vld [tilespmem:s1+$0x8480]  }
0xdc: {  	v53 =	vmul.f32 v44, v43;
	v52 =	vmul.f32 v42, v41;
	[tilespmem:s1+$0x14770] =	vst.add.f32.msk $0xffff, v3  }
0xdd: {  	v1 =	vmul.f32 v1, v50;
	v4 =	vmul.f32 v51, v4;
	[tilespmem:s1+$0x14730] =	vst.add.f32.msk $0xffff, v12  }
0xde: {  	v3 =	vmul.f32 v6, v52;
	v2 =	vmul.f32 v63, v2;
	v12 =	vld [tilespmem:s1+$0x8410]  }
0xdf: {  	v18 =	vmul.f32 v49, v61;
	v1 =	vmul.f32 v54, v1;
	[tilespmem:s1+$0x147A0] =	vst.add.f32.msk $0xffff, v4  }
0xe0: {  	v55 =	vmul.f32 v46, v45;
	v3 =	vmul.f32 v56, v3;
	[tilespmem:s1+$0x14780] =	vst.add.f32.msk $0xffff, v2  }
0xe1: {  	v2 =	vmul.f32 v13, v53;
	[tilespmem:s1+$0x147B0] =	vst.add.f32.msk $0xffff, v1;
	v5 =	vmul.f32 v8, v5  }
0xe2: {  	v62 =	vmul.f32 v11, v55;
	[tilespmem:s1+$0x147C0] =	vst.add.f32.msk $0xffff, v3;
	v7 =	vmul.f32 v14, v7  }
0xe3: {  	v57 =	vmul.f32 v48, v47;
	v2 =	vmul.f32 v58, v2;
	[tilespmem:s1+$0x14740] =	vst.add.f32.msk $0xffff, v5  }
0xe4: {  	v61 =	vmul.f32 v9, v35;
	v63 =	vmul.f32 v59, v62;
	[tilespmem:s1+$0x14750] =	vst.add.f32.msk $0xffff, v7  }
0xe5: {  	v1 =	vmul.f32 v10, v57;
	v12 =	vmul.f32 v12, v18;
	[tilespmem:s1+$0x147D0] =	vst.add.f32.msk $0xffff, v2  }
0xe6: {  	v5 =	vmul.f32 v36, v61;
	[tilespmem:s1+$0x147E0] =	vst.add.f32.msk $0xffff, v63  }
0xe7: {  	v1 =	vmul.f32 v60, v1;
	[tilespmem:s1+$0x14760] =	vst.add.f32.msk $0xffff, v12  }
0xe8: {  	s0 =	simm.s32 $0x0;
	s18 =	simm.s32 $0x640;
	[tilespmem:s1+$0x14790] =	vst.add.f32.msk $0xffff, v5  }
.LBB2_5:
0xe9: {  	[tilespmem:s1+$0x147F0] =	vst.add.f32.msk $0xffff, v1;
	s1 =	sshra.s32 s18, $0x2  }
0xea: {  	s0 =	sadd.s32 $0x19, s0;
	v1 =	vld [tilespmem:s1+$0xF80]  }
0xeb: {  	p0 =	slt.u32 s0, $0x258;
	v2 =	vld [tilespmem:s1+$0x3690]  }
0xec: {  	v3 =	vld [tilespmem:s1+$0xE00]  }
0xed: {  	v4 =	vld [tilespmem:s1+$0x5DA0]  }
0xee: {  	v5 =	vld [tilespmem:s1+$0x3510]  }
0xef: {  	v6 =	vld [tilespmem:s1+$0x84B0]  }
0xf0: {  	v7 =	vld [tilespmem:s1+$0xE10];
	v1 =	vmul.f32 v2, v1  }
0xf1: {  	v2 =	vld [tilespmem:s1+$0x3520]  }
0xf2: {  	v8 =	vld [tilespmem:s1+$0xE20];
	v1 =	vmul.f32 v4, v1  }
0xf3: {  	v3 =	vmul.f32 v5, v3;
	v4 =	vld [tilespmem:s1+$0x3530]  }
0xf4: {  	v5 =	vld [tilespmem:s1+$0xE30];
	v1 =	vmul.f32 v6, v1  }
0xf5: {  	v6 =	vld [tilespmem:s1+$0x3540]  }
0xf6: {  	v2 =	vmul.f32 v2, v7;
	[tilespmem:s1+$0x14800] =	vst.add.f32.msk $0xffff, v1  }
0xf7: {  	v1 =	vld [tilespmem:s1+$0xE40]  }
0xf8: {  	v4 =	vmul.f32 v4, v8;
	v7 =	vld [tilespmem:s1+$0x3550]  }
0xf9: {  	v8 =	vld [tilespmem:s1+$0xE50]  }
0xfa: {  	v5 =	vmul.f32 v6, v5;
	v6 =	vld [tilespmem:s1+$0x3560]  }
0xfb: {  	v9 =	vld [tilespmem:s1+$0xE60]  }
0xfc: {  	v10 =	vld [tilespmem:s1+$0x3570]  }
0xfd: {  	v1 =	vmul.f32 v7, v1;
	v7 =	vld [tilespmem:s1+$0xE70]  }
0xfe: {  	v11 =	vld [tilespmem:s1+$0x3580]  }
0xff: {  	v6 =	vmul.f32 v6, v8;
	v8 =	vld [tilespmem:s1+$0xE80]  }
0x100: {  	v12 =	vld [tilespmem:s1+$0x3590]  }
0x101: {  	v9 =	vmul.f32 v10, v9;
	v10 =	vld [tilespmem:s1+$0xE90]  }
0x102: {  	v13 =	vld [tilespmem:s1+$0x35A0]  }
0x103: {  	v7 =	vmul.f32 v11, v7;
	v11 =	vld [tilespmem:s1+$0xEA0]  }
0x104: {  	v14 =	vld [tilespmem:s1+$0x35B0]  }
0x105: {  	v8 =	vmul.f32 v12, v8;
	v12 =	vld [tilespmem:s1+$0xEB0]  }
0x106: {  	v15 =	vld [tilespmem:s1+$0x35C0]  }
0x107: {  	v10 =	vmul.f32 v13, v10;
	v13 =	vld [tilespmem:s1+$0xEC0]  }
0x108: {  	v16 =	vld [tilespmem:s1+$0x35D0]  }
0x109: {  	v11 =	vmul.f32 v14, v11;
	v14 =	vld [tilespmem:s1+$0xED0]  }
0x10a: {  	v17 =	vld [tilespmem:s1+$0x35E0]  }
0x10b: {  	v12 =	vmul.f32 v15, v12;
	v15 =	vld [tilespmem:s1+$0xEE0]  }
0x10c: {  	v18 =	vld [tilespmem:s1+$0x35F0]  }
0x10d: {  	v13 =	vmul.f32 v16, v13;
	v16 =	vld [tilespmem:s1+$0xEF0]  }
0x10e: {  	v19 =	vld [tilespmem:s1+$0x3600]  }
0x10f: {  	v14 =	vmul.f32 v17, v14;
	v17 =	vld [tilespmem:s1+$0xF00]  }
0x110: {  	v20 =	vld [tilespmem:s1+$0x3610]  }
0x111: {  	v15 =	vmul.f32 v18, v15;
	v18 =	vld [tilespmem:s1+$0xF10]  }
0x112: {  	v21 =	vld [tilespmem:s1+$0x3620]  }
0x113: {  	v16 =	vmul.f32 v19, v16;
	v19 =	vld [tilespmem:s1+$0xF20]  }
0x114: {  	v22 =	vld [tilespmem:s1+$0x3630]  }
0x115: {  	v17 =	vmul.f32 v20, v17;
	v20 =	vld [tilespmem:s1+$0xF30]  }
0x116: {  	v23 =	vld [tilespmem:s1+$0x3640]  }
0x117: {  	v18 =	vmul.f32 v21, v18;
	v21 =	vld [tilespmem:s1+$0xF40]  }
0x118: {  	v24 =	vld [tilespmem:s1+$0x3650]  }
0x119: {  	v19 =	vmul.f32 v22, v19;
	v22 =	vld [tilespmem:s1+$0xF50]  }
0x11a: {  	v25 =	vld [tilespmem:s1+$0x3660]  }
0x11b: {  	v20 =	vmul.f32 v23, v20;
	v23 =	vld [tilespmem:s1+$0xF60]  }
0x11c: {  	v26 =	vld [tilespmem:s1+$0x3670]  }
0x11d: {  	v21 =	vmul.f32 v24, v21;
	v24 =	vld [tilespmem:s1+$0xF70]  }
0x11e: {  	v27 =	vld [tilespmem:s1+$0x3680]  }
0x11f: {  	v28 =	vld [tilespmem:s1+$0x5C20];
	v22 =	vmul.f32 v25, v22  }
0x120: {  	v25 =	vld [tilespmem:s1+$0x5C30]  }
0x121: {  	v29 =	vld [tilespmem:s1+$0x5C40];
	v23 =	vmul.f32 v26, v23  }
0x122: {  	v26 =	vld [tilespmem:s1+$0x5C50]  }
0x123: {  	v30 =	vld [tilespmem:s1+$0x5C60];
	v24 =	vmul.f32 v27, v24  }
0x124: {  	v3 =	vmul.f32 v28, v3;
	v27 =	vld [tilespmem:s1+$0x5C70]  }
0x125: {  	v2 =	vmul.f32 v25, v2;
	v25 =	vld [tilespmem:s1+$0x5C80]  }
0x126: {  	v4 =	vmul.f32 v29, v4;
	v28 =	vld [tilespmem:s1+$0x5C90]  }
0x127: {  	v5 =	vmul.f32 v26, v5;
	v26 =	vld [tilespmem:s1+$0x5CA0]  }
0x128: {  	v1 =	vmul.f32 v30, v1;
	v29 =	vld [tilespmem:s1+$0x5CB0]  }
0x129: {  	v6 =	vmul.f32 v27, v6;
	v27 =	vld [tilespmem:s1+$0x5CC0]  }
0x12a: {  	v9 =	vmul.f32 v25, v9;
	v25 =	vld [tilespmem:s1+$0x5CD0]  }
0x12b: {  	v7 =	vmul.f32 v28, v7;
	v28 =	vld [tilespmem:s1+$0x5CE0]  }
0x12c: {  	v8 =	vmul.f32 v26, v8;
	v26 =	vld [tilespmem:s1+$0x5CF0]  }
0x12d: {  	v10 =	vmul.f32 v29, v10;
	v29 =	vld [tilespmem:s1+$0x5D00]  }
0x12e: {  	v11 =	vmul.f32 v27, v11;
	v27 =	vld [tilespmem:s1+$0x5D10]  }
0x12f: {  	v12 =	vmul.f32 v25, v12;
	v25 =	vld [tilespmem:s1+$0x5D20]  }
0x130: {  	v13 =	vmul.f32 v28, v13;
	v28 =	vld [tilespmem:s1+$0x5D30]  }
0x131: {  	v14 =	vmul.f32 v26, v14;
	v26 =	vld [tilespmem:s1+$0x5D40]  }
0x132: {  	v15 =	vmul.f32 v29, v15;
	v29 =	vld [tilespmem:s1+$0x5D50]  }
0x133: {  	v16 =	vmul.f32 v27, v16;
	v27 =	vld [tilespmem:s1+$0x5D60]  }
0x134: {  	v17 =	vmul.f32 v25, v17;
	v25 =	vld [tilespmem:s1+$0x5D70]  }
0x135: {  	v18 =	vmul.f32 v28, v18;
	v28 =	vld [tilespmem:s1+$0x5D80]  }
0x136: {  	v19 =	vmul.f32 v26, v19;
	v26 =	vld [tilespmem:s1+$0x5D90]  }
0x137: {  	v30 =	vld [tilespmem:s1+$0x8330];
	v20 =	vmul.f32 v29, v20  }
0x138: {  	v29 =	vld [tilespmem:s1+$0x8340];
	v21 =	vmul.f32 v27, v21  }
0x139: {  	v27 =	vld [tilespmem:s1+$0x8350];
	v22 =	vmul.f32 v25, v22  }
0x13a: {  	v25 =	vld [tilespmem:s1+$0x8360];
	v23 =	vmul.f32 v28, v23  }
0x13b: {  	v28 =	vld [tilespmem:s1+$0x8370];
	v24 =	vmul.f32 v26, v24  }
0x13c: {  	v3 =	vmul.f32 v30, v3;
	v26 =	vld [tilespmem:s1+$0x8380]  }
0x13d: {  	v2 =	vmul.f32 v29, v2;
	v29 =	vld [tilespmem:s1+$0x8390]  }
0x13e: {  	v4 =	vmul.f32 v27, v4;
	v27 =	vld [tilespmem:s1+$0x83A0]  }
0x13f: {  	v5 =	vmul.f32 v25, v5;
	v25 =	vld [tilespmem:s1+$0x83B0]  }
0x140: {  	v1 =	vmul.f32 v28, v1;
	v28 =	vld [tilespmem:s1+$0x83C0]  }
0x141: {  	v6 =	vmul.f32 v26, v6;
	v26 =	vld [tilespmem:s1+$0x83D0]  }
0x142: {  	v9 =	vmul.f32 v29, v9;
	v29 =	vld [tilespmem:s1+$0x83E0]  }
0x143: {  	v7 =	vmul.f32 v27, v7;
	v27 =	vld [tilespmem:s1+$0x83F0]  }
0x144: {  	v8 =	vmul.f32 v25, v8;
	v25 =	vld [tilespmem:s1+$0x8400]  }
0x145: {  	v10 =	vmul.f32 v28, v10;
	v28 =	vld [tilespmem:s1+$0x8410]  }
0x146: {  	v11 =	vmul.f32 v26, v11;
	v26 =	vld [tilespmem:s1+$0x8420]  }
0x147: {  	v12 =	vmul.f32 v29, v12;
	v29 =	vld [tilespmem:s1+$0x8430]  }
0x148: {  	v13 =	vmul.f32 v27, v13;
	v27 =	vld [tilespmem:s1+$0x8440]  }
0x149: {  	v14 =	vmul.f32 v25, v14;
	v25 =	vld [tilespmem:s1+$0x8450]  }
0x14a: {  	v15 =	vmul.f32 v28, v15;
	v28 =	vld [tilespmem:s1+$0x8460]  }
0x14b: {  	v16 =	vmul.f32 v26, v16;
	v26 =	vld [tilespmem:s1+$0x8470]  }
0x14c: {  	v17 =	vmul.f32 v29, v17;
	v29 =	vld [tilespmem:s1+$0x8480]  }
0x14d: {  	v18 =	vmul.f32 v27, v18;
	v27 =	vld [tilespmem:s1+$0x8490]  }
0x14e: {  	v19 =	vmul.f32 v25, v19;
	v25 =	vld [tilespmem:s1+$0x84A0]  }
0x14f: {  	[tilespmem:s1+$0x14680] =	vst.add.f32.msk $0xffff, v3;
	v3 =	vmul.f32 v28, v20  }
0x150: {  	[tilespmem:s1+$0x14690] =	vst.add.f32.msk $0xffff, v2;
	v2 =	vmul.f32 v26, v21  }
0x151: {  	[tilespmem:s1+$0x146A0] =	vst.add.f32.msk $0xffff, v4;
	v4 =	vmul.f32 v29, v22  }
0x152: {  	[tilespmem:s1+$0x146B0] =	vst.add.f32.msk $0xffff, v5;
	v5 =	vmul.f32 v27, v23  }
0x153: {  	[tilespmem:s1+$0x146C0] =	vst.add.f32.msk $0xffff, v1;
	v1 =	vmul.f32 v25, v24  }
0x154: {  	[tilespmem:s1+$0x146D0] =	vst.add.f32.msk $0xffff, v6  }
0x155: {  	[tilespmem:s1+$0x146E0] =	vst.add.f32.msk $0xffff, v9  }
0x156: {  	[tilespmem:s1+$0x146F0] =	vst.add.f32.msk $0xffff, v7  }
0x157: {  	[tilespmem:s1+$0x14700] =	vst.add.f32.msk $0xffff, v8  }
0x158: {  	[tilespmem:s1+$0x14710] =	vst.add.f32.msk $0xffff, v10  }
0x159: {  	[tilespmem:s1+$0x14720] =	vst.add.f32.msk $0xffff, v11  }
0x15a: {  	[tilespmem:s1+$0x14730] =	vst.add.f32.msk $0xffff, v12  }
0x15b: {  	[tilespmem:s1+$0x14740] =	vst.add.f32.msk $0xffff, v13  }
0x15c: {  	[tilespmem:s1+$0x14750] =	vst.add.f32.msk $0xffff, v14  }
0x15d: {  	[tilespmem:s1+$0x14760] =	vst.add.f32.msk $0xffff, v15  }
0x15e: {  	[tilespmem:s1+$0x14770] =	vst.add.f32.msk $0xffff, v16  }
0x15f: {  	[tilespmem:s1+$0x14780] =	vst.add.f32.msk $0xffff, v17  }
0x160: {  	[tilespmem:s1+$0x14790] =	vst.add.f32.msk $0xffff, v18  }
.Ltmp1:
0x161: {  	[tilespmem:s1+$0x147A0] =	vst.add.f32.msk $0xffff, v19;
	(pc) =	sbr.rel @p0 .LBB2_5-.Ltmp1, $4  }
0x162: {  	[tilespmem:s1+$0x147B0] =	vst.add.f32.msk $0xffff, v3  }
0x163: {  	[tilespmem:s1+$0x147C0] =	vst.add.f32.msk $0xffff, v2  }
0x164: {  	[tilespmem:s1+$0x147D0] =	vst.add.f32.msk $0xffff, v4  }
0x165: {  	s18 =	sadd.s32 $0x640, s18;
	[tilespmem:s1+$0x147E0] =	vst.add.f32.msk $0xffff, v5  }
0x166: {  	p0 =	seq.s32 s30, $0x37  }
0x167: {  	[tilespmem:s1+$0x147F0] =	vst.add.f32.msk $0xffff, v1;
	s0 =	sadd.s32 @!p0 $0x10, s31;
	s1 =	simm.s32 @!p0 $0x1;
	s18 =	simm.s32 @!p0 $0xE00  }
0x168: {  	[tilespmem:s18], [sflag:$0x1] =	stream.indirect.gather @!p0 [hbm4b:s3+s1], $0x2710, s0, s1, $0xb8;
	[tilespmem:$0x16D90] =	vst v63  }
0x169: {  	s0 =	sadd.s32 @!p0 $0x390, s31;
	s18 =	simm.s32 @!p0 $0x3510  }
0x16a: {  	[tilespmem:s18], [sflag:$0x1] =	stream.indirect.gather @!p0 [hbm4b:s4+s1], $0x2710, s0, s1, $0xb8;
	[tilespmem:$0x16D90] =	vst v63  }
0x16b: {  	s0 =	sadd.s32 @!p0 $0x710, s31;
	s18 =	simm.s32 @!p0 $0x5C20  }
0x16c: {  	[tilespmem:s18], [sflag:$0x1] =	stream.indirect.gather @!p0 [hbm4b:s5+s1], $0x2710, s0, s1, $0xb8;
	[tilespmem:$0x16D90] =	vst v63  }
0x16d: {  	s0 =	sadd.s32 @!p0 $0xA90, s31;
	s18 =	simm.s32 @!p0 $0x8330  }
0x16e: {  	[tilespmem:s18], [sflag:$0x1] =	stream.indirect.gather @!p0 [hbm4b:s6+s1], $0x2710, s0, s1, $0xb8;
	[tilespmem:$0x16D90] =	vst v63  }
0x16f: {  	_ =	swait.ge [sflag:s26], $0x2710  }
0x170: {  	[sflag:s26] =	ssyncset.done $0x0  }
0x171: {  	[sflag:s26] =	ssyncadd.s32 $0xFFFFD8F0  }
0x172: {  	_ =	swait.ge [sflag:s26], $0x2710  }
0x173: {  	[sflag:s26] =	ssyncset.done $0x0  }
0x174: {  	[sflag:s26] =	ssyncadd.s32 $0xFFFFD8F0  }
0x175: {  	_ =	swait.ge [sflag:s26], $0x2710  }
0x176: {  	[sflag:s26] =	ssyncset.done $0x0  }
0x177: {  	[sflag:s26] =	ssyncadd.s32 $0xFFFFD8F0  }
0x178: {  	_ =	swait.ge [sflag:s26], $0x2710  }
0x179: {  	[sflag:s26] =	ssyncset.done $0x0  }
0x17a: {  	s31 =	simm.s32 $0x0;
	[sflag:s26] =	ssyncadd.s32 $0xFFFFD8F0  }
0x17b: {  	v1 =	vld [tilespmem:s31+$0xABC0]  }
0x17c: {  	v2 =	vld [tilespmem:s31+$0xD2D0]  }
0x17d: {  	v3 =	vld [tilespmem:s31+$0xAA40]  }
0x17e: {  	v4 =	vld [tilespmem:s31+$0xF9E0]  }
0x17f: {  	v5 =	vld [tilespmem:s31+$0xD150]  }
0x180: {  	v6 =	vld [tilespmem:s31+$0x120F0]  }
0x181: {  	v7 =	vld [tilespmem:s31+$0xAA50]  }
0x182: {  	v8 =	vld [tilespmem:s31+$0xAA60]  }
0x183: {  	v9 =	vld [tilespmem:s31+$0xAA70]  }
0x184: {  	v10 =	vld [tilespmem:s31+$0xD190]  }
0x185: {  	v11 =	vld [tilespmem:s31+$0xAA90]  }
0x186: {  	v12 =	vld [tilespmem:s31+$0xD1A0]  }
0x187: {  	v13 =	vld [tilespmem:s31+$0xAAA0]  }
0x188: {  	v14 =	vld [tilespmem:s31+$0xD1B0]  }
0x189: {  	v15 =	vld [tilespmem:s31+$0xAAB0]  }
0x18a: {  	v16 =	vld [tilespmem:s31+$0xD1C0]  }
0x18b: {  	v17 =	vld [tilespmem:s31+$0xAAC0]  }
0x18c: {  	v18 =	vld [tilespmem:s31+$0xD1D0]  }
0x18d: {  	v19 =	vld [tilespmem:s31+$0xAAD0]  }
0x18e: {  	v20 =	vld [tilespmem:s31+$0xD1E0]  }
0x18f: {  	v21 =	vld [tilespmem:s31+$0xAAE0]  }
0x190: {  	v22 =	vld [tilespmem:s31+$0xD1F0]  }
0x191: {  	v23 =	vld [tilespmem:s31+$0xAAF0]  }
0x192: {  	v24 =	vld [tilespmem:s31+$0xD200]  }
0x193: {  	v25 =	vld [tilespmem:s31+$0xAB00]  }
0x194: {  	v26 =	vld [tilespmem:s31+$0xD210]  }
0x195: {  	v27 =	vld [tilespmem:s31+$0xAB10]  }
0x196: {  	v28 =	vld [tilespmem:s31+$0xD220]  }
0x197: {  	v29 =	vld [tilespmem:s31+$0xAB20]  }
0x198: {  	v30 =	vld [tilespmem:s31+$0xD230]  }
0x199: {  	v31 =	vld [tilespmem:s31+$0xAB30]  }
0x19a: {  	v32 =	vld [tilespmem:s31+$0xD240]  }
0x19b: {  	v33 =	vld [tilespmem:s31+$0xAB40]  }
0x19c: {  	v34 =	vld [tilespmem:s31+$0xD250]  }
0x19d: {  	v35 =	vld [tilespmem:s31+$0xAB50]  }
0x19e: {  	v36 =	vld [tilespmem:s31+$0xD260]  }
0x19f: {  	v37 =	vld [tilespmem:s31+$0xAB60]  }
0x1a0: {  	v38 =	vld [tilespmem:s31+$0xD270]  }
0x1a1: {  	v39 =	vld [tilespmem:s31+$0xAB70]  }
0x1a2: {  	v40 =	vld [tilespmem:s31+$0xD280]  }
0x1a3: {  	v41 =	vld [tilespmem:s31+$0xAB80]  }
0x1a4: {  	v42 =	vld [tilespmem:s31+$0xD290]  }
0x1a5: {  	v43 =	vld [tilespmem:s31+$0xAB90]  }
0x1a6: {  	v44 =	vld [tilespmem:s31+$0xD2A0]  }
0x1a7: {  	v45 =	vld [tilespmem:s31+$0xABA0]  }
0x1a8: {  	v46 =	vld [tilespmem:s31+$0xD2B0]  }
0x1a9: {  	v47 =	vld [tilespmem:s31+$0xABB0]  }
0x1aa: {  	v48 =	vld [tilespmem:s31+$0xD2C0]  }
0x1ab: {  	v49 =	vld [tilespmem:s31+$0xF860]  }
0x1ac: {  	v50 =	vld [tilespmem:s31+$0xF870]  }
0x1ad: {  	v51 =	vld [tilespmem:s31+$0xF880]  }
0x1ae: {  	v52 =	vld [tilespmem:s31+$0xF890]  }
0x1af: {  	v53 =	vld [tilespmem:s31+$0xF8A0]  }
0x1b0: {  	v54 =	vld [tilespmem:s31+$0xF8B0]  }
0x1b1: {  	v55 =	vld [tilespmem:s31+$0xF8C0]  }
0x1b2: {  	v56 =	vld [tilespmem:s31+$0xF8D0]  }
0x1b3: {  	v57 =	vld [tilespmem:s31+$0xF8E0]  }
0x1b4: {  	v58 =	vld [tilespmem:s31+$0xF8F0]  }
0x1b5: {  	v59 =	vld [tilespmem:s31+$0xF900]  }
0x1b6: {  	v60 =	vld [tilespmem:s31+$0xF910]  }
0x1b7: {  	v61 =	vld [tilespmem:s31+$0x11F70]  }
0x1b8: {  	v62 =	vld [tilespmem:s31+$0x11F80]  }
0x1b9: {  	v63 =	vld [tilespmem:s31+$0x11FA0]  }
0x1ba: {  	v1 =	vmul.f32 v2, v1;
	v2 =	vld [tilespmem:s31+$0xD160]  }
0x1bb: {  	v3 =	vmul.f32 v5, v3;
	v5 =	vld [tilespmem:s31+$0xF920]  }
0x1bc: {  	v35 =	vmul.f32 v36, v35;
	v36 =	vld [tilespmem:s31+$0x12080]  }
0x1bd: {  	v1 =	vmul.f32 v4, v1;
	v4 =	vld [tilespmem:s31+$0xD170]  }
0x1be: {  	v3 =	vmul.f32 v49, v3;
	v49 =	vld [tilespmem:s31+$0xF940]  }
0x1bf: {  	v1 =	vmul.f32 v6, v1;
	v6 =	vld [tilespmem:s31+$0xD180]  }
0x1c0: {  	v3 =	vmul.f32 v61, v3;
	v61 =	vld [tilespmem:s31+$0x11FD0]  }
0x1c1: {  	v2 =	vmul.f32 v2, v7;
	v7 =	vld [tilespmem:s31+$0xF930]  }
0x1c2: {  	[tilespmem:s31+$0x14800] =	vst.add.f32.msk $0xffff, v1  }
0x1c3: {  	v1 =	vld [tilespmem:s31+$0xAA80]  }
0x1c4: {  	[tilespmem:s31+$0x14680] =	vst.add.f32.msk $0xffff, v3  }
0x1c5: {  	v3 =	vld [tilespmem:s31+$0xF950]  }
0x1c6: {  	v4 =	vmul.f32 v4, v8;
	v8 =	vld [tilespmem:s31+$0x11F90];
	v2 =	vmul.f32 v50, v2  }
0x1c7: {  	v50 =	vld [tilespmem:s31+$0x11FB0];
	v6 =	vmul.f32 v6, v9  }
0x1c8: {  	v4 =	vmul.f32 v51, v4;
	v2 =	vmul.f32 v62, v2;
	v51 =	vld [tilespmem:s31+$0x11FC0]  }
0x1c9: {  	v9 =	vld [tilespmem:s31+$0xF970]  }
0x1ca: {  	v6 =	vmul.f32 v52, v6;
	[tilespmem:s31+$0x14690] =	vst.add.f32.msk $0xffff, v2  }
0x1cb: {  	v2 =	vld [tilespmem:s31+$0xF960];
	v52 =	vmul.f32 v12, v11  }
0x1cc: {  	v1 =	vmul.f32 v10, v1;
	v6 =	vmul.f32 v63, v6;
	v63 =	vld [tilespmem:s31+$0x11FE0]  }
0x1cd: {  	v4 =	vmul.f32 v8, v4;
	v8 =	vmul.f32 v54, v52;
	v52 =	vld [tilespmem:s31+$0x12000]  }
0x1ce: {  	v1 =	vmul.f32 v53, v1;
	v53 =	vmul.f32 v14, v13;
	v13 =	vld [tilespmem:s31+$0xF9B0]  }
0x1cf: {  	[tilespmem:s31+$0x146A0] =	vst.add.f32.msk $0xffff, v4  }
0x1d0: {  	v4 =	vld [tilespmem:s31+$0xF980]  }
0x1d1: {  	[tilespmem:s31+$0x146B0] =	vst.add.f32.msk $0xffff, v6  }
0x1d2: {  	v1 =	vmul.f32 v50, v1;
	v50 =	vld [tilespmem:s31+$0x11FF0]  }
0x1d3: {  	v54 =	vmul.f32 v22, v21;
	v10 =	vmul.f32 v55, v53;
	v55 =	vld [tilespmem:s31+$0x12010]  }
0x1d4: {  	v6 =	vmul.f32 v51, v8;
	v51 =	vmul.f32 v18, v17;
	v17 =	vld [tilespmem:s31+$0x12060]  }
0x1d5: {  	v14 =	vmul.f32 v59, v54;
	v54 =	vld [tilespmem:s31+$0x120A0]  }
0x1d6: {  	[tilespmem:s31+$0x146C0] =	vst.add.f32.msk $0xffff, v1  }
0x1d7: {  	v62 =	vmul.f32 v16, v15;
	v1 =	vld [tilespmem:s31+$0xF990]  }
0x1d8: {  	[tilespmem:s31+$0x146D0] =	vst.add.f32.msk $0xffff, v6  }
0x1d9: {  	v16 =	vmul.f32 v56, v62;
	v56 =	vmul.f32 v24, v23;
	v6 =	vld [tilespmem:s31+$0xF9A0]  }
0x1da: {  	v53 =	vmul.f32 v20, v19;
	v11 =	vmul.f32 v57, v51;
	v57 =	vld [tilespmem:s31+$0x12020]  }
0x1db: {  	v59 =	vmul.f32 v26, v25;
	v51 =	vld [tilespmem:s31+$0x12090]  }
0x1dc: {  	v12 =	vmul.f32 v58, v53;
	v58 =	vmul.f32 v60, v56;
	v56 =	vld [tilespmem:s31+$0x120B0]  }
0x1dd: {  	v10 =	vmul.f32 v61, v10;
	v5 =	vmul.f32 v5, v59;
	v59 =	vld [tilespmem:s31+$0x120D0]  }
0x1de: {  	v60 =	vmul.f32 v28, v27;
	v8 =	vmul.f32 v63, v16;
	v63 =	vld [tilespmem:s31+$0x12070]  }
0x1df: {  	[tilespmem:s31+$0x146E0] =	vst.add.f32.msk $0xffff, v10  }
0x1e0: {  	v7 =	vmul.f32 v7, v60;
	v60 =	vld [tilespmem:s31+$0x120E0]  }
0x1e1: {  	[tilespmem:s31+$0x146F0] =	vst.add.f32.msk $0xffff, v8;
	v10 =	vmul.f32 v50, v11  }
0x1e2: {  	v11 =	vld [tilespmem:s31+$0xF9C0]  }
0x1e3: {  	v8 =	vmul.f32 v52, v12;
	[tilespmem:s31+$0x14700] =	vst.add.f32.msk $0xffff, v10  }
0x1e4: {  	v62 =	vmul.f32 v32, v31;
	v10 =	vld [tilespmem:s31+$0xF9D0]  }
0x1e5: {  	v34 =	vmul.f32 v34, v33;
	v14 =	vmul.f32 v55, v14;
	[tilespmem:s31+$0x14710] =	vst.add.f32.msk $0xffff, v8  }
0x1e6: {  	v38 =	vmul.f32 v38, v37;
	v3 =	vmul.f32 v3, v62;
	v8 =	vld [tilespmem:s31+$0x12030]  }
0x1e7: {  	v2 =	vmul.f32 v2, v34;
	v61 =	vmul.f32 v30, v29;
	[tilespmem:s31+$0x14720] =	vst.add.f32.msk $0xffff, v14  }
0x1e8: {  	v4 =	vmul.f32 v4, v38;
	v3 =	vmul.f32 v17, v3;
	v14 =	vld [tilespmem:s31+$0x12040]  }
0x1e9: {  	v50 =	vmul.f32 v40, v39;
	v12 =	vmul.f32 v57, v58;
	v58 =	vld [tilespmem:s31+$0x120C0]  }
0x1ea: {  	v53 =	vmul.f32 v44, v43;
	v52 =	vmul.f32 v42, v41;
	[tilespmem:s31+$0x14770] =	vst.add.f32.msk $0xffff, v3  }
0x1eb: {  	v1 =	vmul.f32 v1, v50;
	v4 =	vmul.f32 v51, v4;
	[tilespmem:s31+$0x14730] =	vst.add.f32.msk $0xffff, v12  }
0x1ec: {  	v3 =	vmul.f32 v6, v52;
	v2 =	vmul.f32 v63, v2;
	v12 =	vld [tilespmem:s31+$0x12050]  }
0x1ed: {  	v18 =	vmul.f32 v49, v61;
	v1 =	vmul.f32 v54, v1;
	[tilespmem:s31+$0x147A0] =	vst.add.f32.msk $0xffff, v4  }
0x1ee: {  	v55 =	vmul.f32 v46, v45;
	v3 =	vmul.f32 v56, v3;
	[tilespmem:s31+$0x14780] =	vst.add.f32.msk $0xffff, v2  }
0x1ef: {  	v2 =	vmul.f32 v13, v53;
	[tilespmem:s31+$0x147B0] =	vst.add.f32.msk $0xffff, v1;
	v5 =	vmul.f32 v8, v5  }
0x1f0: {  	v62 =	vmul.f32 v11, v55;
	[tilespmem:s31+$0x147C0] =	vst.add.f32.msk $0xffff, v3;
	v7 =	vmul.f32 v14, v7  }
0x1f1: {  	v57 =	vmul.f32 v48, v47;
	v2 =	vmul.f32 v58, v2;
	[tilespmem:s31+$0x14740] =	vst.add.f32.msk $0xffff, v5  }
0x1f2: {  	v61 =	vmul.f32 v9, v35;
	v63 =	vmul.f32 v59, v62;
	[tilespmem:s31+$0x14750] =	vst.add.f32.msk $0xffff, v7  }
0x1f3: {  	v1 =	vmul.f32 v10, v57;
	v12 =	vmul.f32 v12, v18;
	[tilespmem:s31+$0x147D0] =	vst.add.f32.msk $0xffff, v2  }
0x1f4: {  	v5 =	vmul.f32 v36, v61;
	[tilespmem:s31+$0x147E0] =	vst.add.f32.msk $0xffff, v63  }
0x1f5: {  	v1 =	vmul.f32 v60, v1;
	[tilespmem:s31+$0x14760] =	vst.add.f32.msk $0xffff, v12  }
0x1f6: {  	s0 =	simm.s32 $0x0;
	s1 =	simm.s32 $0x640;
	[tilespmem:s31+$0x14790] =	vst.add.f32.msk $0xffff, v5  }
.LBB2_7:
0x1f7: {  	[tilespmem:s31+$0x147F0] =	vst.add.f32.msk $0xffff, v1;
	s31 =	sshra.s32 s1, $0x2  }
0x1f8: {  	s0 =	sadd.s32 $0x19, s0;
	v1 =	vld [tilespmem:s31+$0xABC0]  }
0x1f9: {  	p0 =	slt.u32 s0, $0x258;
	v2 =	vld [tilespmem:s31+$0xD2D0]  }
0x1fa: {  	v3 =	vld [tilespmem:s31+$0xAA40]  }
0x1fb: {  	v4 =	vld [tilespmem:s31+$0xF9E0]  }
0x1fc: {  	v5 =	vld [tilespmem:s31+$0xD150]  }
0x1fd: {  	v6 =	vld [tilespmem:s31+$0x120F0]  }
0x1fe: {  	v7 =	vld [tilespmem:s31+$0xAA50];
	v1 =	vmul.f32 v2, v1  }
0x1ff: {  	v2 =	vld [tilespmem:s31+$0xD160]  }
0x200: {  	v8 =	vld [tilespmem:s31+$0xAA60];
	v1 =	vmul.f32 v4, v1  }
0x201: {  	v3 =	vmul.f32 v5, v3;
	v4 =	vld [tilespmem:s31+$0xD170]  }
0x202: {  	v5 =	vld [tilespmem:s31+$0xAA70];
	v1 =	vmul.f32 v6, v1  }
0x203: {  	v6 =	vld [tilespmem:s31+$0xD180]  }
0x204: {  	v2 =	vmul.f32 v2, v7;
	[tilespmem:s31+$0x14800] =	vst.add.f32.msk $0xffff, v1  }
0x205: {  	v1 =	vld [tilespmem:s31+$0xAA80]  }
0x206: {  	v4 =	vmul.f32 v4, v8;
	v7 =	vld [tilespmem:s31+$0xD190]  }
0x207: {  	v8 =	vld [tilespmem:s31+$0xAA90]  }
0x208: {  	v5 =	vmul.f32 v6, v5;
	v6 =	vld [tilespmem:s31+$0xD1A0]  }
0x209: {  	v9 =	vld [tilespmem:s31+$0xAAA0]  }
0x20a: {  	v10 =	vld [tilespmem:s31+$0xD1B0]  }
0x20b: {  	v1 =	vmul.f32 v7, v1;
	v7 =	vld [tilespmem:s31+$0xAAB0]  }
0x20c: {  	v11 =	vld [tilespmem:s31+$0xD1C0]  }
0x20d: {  	v6 =	vmul.f32 v6, v8;
	v8 =	vld [tilespmem:s31+$0xAAC0]  }
0x20e: {  	v12 =	vld [tilespmem:s31+$0xD1D0]  }
0x20f: {  	v9 =	vmul.f32 v10, v9;
	v10 =	vld [tilespmem:s31+$0xAAD0]  }
0x210: {  	v13 =	vld [tilespmem:s31+$0xD1E0]  }
0x211: {  	v7 =	vmul.f32 v11, v7;
	v11 =	vld [tilespmem:s31+$0xAAE0]  }
0x212: {  	v14 =	vld [tilespmem:s31+$0xD1F0]  }
0x213: {  	v8 =	vmul.f32 v12, v8;
	v12 =	vld [tilespmem:s31+$0xAAF0]  }
0x214: {  	v15 =	vld [tilespmem:s31+$0xD200]  }
0x215: {  	v10 =	vmul.f32 v13, v10;
	v13 =	vld [tilespmem:s31+$0xAB00]  }
0x216: {  	v16 =	vld [tilespmem:s31+$0xD210]  }
0x217: {  	v11 =	vmul.f32 v14, v11;
	v14 =	vld [tilespmem:s31+$0xAB10]  }
0x218: {  	v17 =	vld [tilespmem:s31+$0xD220]  }
0x219: {  	v12 =	vmul.f32 v15, v12;
	v15 =	vld [tilespmem:s31+$0xAB20]  }
0x21a: {  	v18 =	vld [tilespmem:s31+$0xD230]  }
0x21b: {  	v13 =	vmul.f32 v16, v13;
	v16 =	vld [tilespmem:s31+$0xAB30]  }
0x21c: {  	v19 =	vld [tilespmem:s31+$0xD240]  }
0x21d: {  	v14 =	vmul.f32 v17, v14;
	v17 =	vld [tilespmem:s31+$0xAB40]  }
0x21e: {  	v20 =	vld [tilespmem:s31+$0xD250]  }
0x21f: {  	v15 =	vmul.f32 v18, v15;
	v18 =	vld [tilespmem:s31+$0xAB50]  }
0x220: {  	v21 =	vld [tilespmem:s31+$0xD260]  }
0x221: {  	v16 =	vmul.f32 v19, v16;
	v19 =	vld [tilespmem:s31+$0xAB60]  }
0x222: {  	v22 =	vld [tilespmem:s31+$0xD270]  }
0x223: {  	v17 =	vmul.f32 v20, v17;
	v20 =	vld [tilespmem:s31+$0xAB70]  }
0x224: {  	v23 =	vld [tilespmem:s31+$0xD280]  }
0x225: {  	v18 =	vmul.f32 v21, v18;
	v21 =	vld [tilespmem:s31+$0xAB80]  }
0x226: {  	v24 =	vld [tilespmem:s31+$0xD290]  }
0x227: {  	v19 =	vmul.f32 v22, v19;
	v22 =	vld [tilespmem:s31+$0xAB90]  }
0x228: {  	v25 =	vld [tilespmem:s31+$0xD2A0]  }
0x229: {  	v20 =	vmul.f32 v23, v20;
	v23 =	vld [tilespmem:s31+$0xABA0]  }
0x22a: {  	v26 =	vld [tilespmem:s31+$0xD2B0]  }
0x22b: {  	v21 =	vmul.f32 v24, v21;
	v24 =	vld [tilespmem:s31+$0xABB0]  }
0x22c: {  	v27 =	vld [tilespmem:s31+$0xD2C0]  }
0x22d: {  	v28 =	vld [tilespmem:s31+$0xF860];
	v22 =	vmul.f32 v25, v22  }
0x22e: {  	v25 =	vld [tilespmem:s31+$0xF870]  }
0x22f: {  	v29 =	vld [tilespmem:s31+$0xF880];
	v23 =	vmul.f32 v26, v23  }
0x230: {  	v26 =	vld [tilespmem:s31+$0xF890]  }
0x231: {  	v30 =	vld [tilespmem:s31+$0xF8A0];
	v24 =	vmul.f32 v27, v24  }
0x232: {  	v3 =	vmul.f32 v28, v3;
	v27 =	vld [tilespmem:s31+$0xF8B0]  }
0x233: {  	v2 =	vmul.f32 v25, v2;
	v25 =	vld [tilespmem:s31+$0xF8C0]  }
0x234: {  	v4 =	vmul.f32 v29, v4;
	v28 =	vld [tilespmem:s31+$0xF8D0]  }
0x235: {  	v5 =	vmul.f32 v26, v5;
	v26 =	vld [tilespmem:s31+$0xF8E0]  }
0x236: {  	v1 =	vmul.f32 v30, v1;
	v29 =	vld [tilespmem:s31+$0xF8F0]  }
0x237: {  	v6 =	vmul.f32 v27, v6;
	v27 =	vld [tilespmem:s31+$0xF900]  }
0x238: {  	v9 =	vmul.f32 v25, v9;
	v25 =	vld [tilespmem:s31+$0xF910]  }
0x239: {  	v7 =	vmul.f32 v28, v7;
	v28 =	vld [tilespmem:s31+$0xF920]  }
0x23a: {  	v8 =	vmul.f32 v26, v8;
	v26 =	vld [tilespmem:s31+$0xF930]  }
0x23b: {  	v10 =	vmul.f32 v29, v10;
	v29 =	vld [tilespmem:s31+$0xF940]  }
0x23c: {  	v11 =	vmul.f32 v27, v11;
	v27 =	vld [tilespmem:s31+$0xF950]  }
0x23d: {  	v12 =	vmul.f32 v25, v12;
	v25 =	vld [tilespmem:s31+$0xF960]  }
0x23e: {  	v13 =	vmul.f32 v28, v13;
	v28 =	vld [tilespmem:s31+$0xF970]  }
0x23f: {  	v14 =	vmul.f32 v26, v14;
	v26 =	vld [tilespmem:s31+$0xF980]  }
0x240: {  	v15 =	vmul.f32 v29, v15;
	v29 =	vld [tilespmem:s31+$0xF990]  }
0x241: {  	v16 =	vmul.f32 v27, v16;
	v27 =	vld [tilespmem:s31+$0xF9A0]  }
0x242: {  	v17 =	vmul.f32 v25, v17;
	v25 =	vld [tilespmem:s31+$0xF9B0]  }
0x243: {  	v18 =	vmul.f32 v28, v18;
	v28 =	vld [tilespmem:s31+$0xF9C0]  }
0x244: {  	v19 =	vmul.f32 v26, v19;
	v26 =	vld [tilespmem:s31+$0xF9D0]  }
0x245: {  	v30 =	vld [tilespmem:s31+$0x11F70];
	v20 =	vmul.f32 v29, v20  }
0x246: {  	v29 =	vld [tilespmem:s31+$0x11F80];
	v21 =	vmul.f32 v27, v21  }
0x247: {  	v27 =	vld [tilespmem:s31+$0x11F90];
	v22 =	vmul.f32 v25, v22  }
0x248: {  	v25 =	vld [tilespmem:s31+$0x11FA0];
	v23 =	vmul.f32 v28, v23  }
0x249: {  	v28 =	vld [tilespmem:s31+$0x11FB0];
	v24 =	vmul.f32 v26, v24  }
0x24a: {  	v3 =	vmul.f32 v30, v3;
	v26 =	vld [tilespmem:s31+$0x11FC0]  }
0x24b: {  	v2 =	vmul.f32 v29, v2;
	v29 =	vld [tilespmem:s31+$0x11FD0]  }
0x24c: {  	v4 =	vmul.f32 v27, v4;
	v27 =	vld [tilespmem:s31+$0x11FE0]  }
0x24d: {  	v5 =	vmul.f32 v25, v5;
	v25 =	vld [tilespmem:s31+$0x11FF0]  }
0x24e: {  	v1 =	vmul.f32 v28, v1;
	v28 =	vld [tilespmem:s31+$0x12000]  }
0x24f: {  	v6 =	vmul.f32 v26, v6;
	v26 =	vld [tilespmem:s31+$0x12010]  }
0x250: {  	v9 =	vmul.f32 v29, v9;
	v29 =	vld [tilespmem:s31+$0x12020]  }
0x251: {  	v7 =	vmul.f32 v27, v7;
	v27 =	vld [tilespmem:s31+$0x12030]  }
0x252: {  	v8 =	vmul.f32 v25, v8;
	v25 =	vld [tilespmem:s31+$0x12040]  }
0x253: {  	v10 =	vmul.f32 v28, v10;
	v28 =	vld [tilespmem:s31+$0x12050]  }
0x254: {  	v11 =	vmul.f32 v26, v11;
	v26 =	vld [tilespmem:s31+$0x12060]  }
0x255: {  	v12 =	vmul.f32 v29, v12;
	v29 =	vld [tilespmem:s31+$0x12070]  }
0x256: {  	v13 =	vmul.f32 v27, v13;
	v27 =	vld [tilespmem:s31+$0x12080]  }
0x257: {  	v14 =	vmul.f32 v25, v14;
	v25 =	vld [tilespmem:s31+$0x12090]  }
0x258: {  	v15 =	vmul.f32 v28, v15;
	v28 =	vld [tilespmem:s31+$0x120A0]  }
0x259: {  	v16 =	vmul.f32 v26, v16;
	v26 =	vld [tilespmem:s31+$0x120B0]  }
0x25a: {  	v17 =	vmul.f32 v29, v17;
	v29 =	vld [tilespmem:s31+$0x120C0]  }
0x25b: {  	v18 =	vmul.f32 v27, v18;
	v27 =	vld [tilespmem:s31+$0x120D0]  }
0x25c: {  	v19 =	vmul.f32 v25, v19;
	v25 =	vld [tilespmem:s31+$0x120E0]  }
0x25d: {  	[tilespmem:s31+$0x14680] =	vst.add.f32.msk $0xffff, v3;
	v3 =	vmul.f32 v28, v20  }
0x25e: {  	[tilespmem:s31+$0x14690] =	vst.add.f32.msk $0xffff, v2;
	v2 =	vmul.f32 v26, v21  }
0x25f: {  	[tilespmem:s31+$0x146A0] =	vst.add.f32.msk $0xffff, v4;
	v4 =	vmul.f32 v29, v22  }
0x260: {  	[tilespmem:s31+$0x146B0] =	vst.add.f32.msk $0xffff, v5;
	v5 =	vmul.f32 v27, v23  }
0x261: {  	[tilespmem:s31+$0x146C0] =	vst.add.f32.msk $0xffff, v1;
	v1 =	vmul.f32 v25, v24  }
0x262: {  	[tilespmem:s31+$0x146D0] =	vst.add.f32.msk $0xffff, v6  }
0x263: {  	[tilespmem:s31+$0x146E0] =	vst.add.f32.msk $0xffff, v9  }
0x264: {  	[tilespmem:s31+$0x146F0] =	vst.add.f32.msk $0xffff, v7  }
0x265: {  	[tilespmem:s31+$0x14700] =	vst.add.f32.msk $0xffff, v8  }
0x266: {  	[tilespmem:s31+$0x14710] =	vst.add.f32.msk $0xffff, v10  }
0x267: {  	[tilespmem:s31+$0x14720] =	vst.add.f32.msk $0xffff, v11  }
0x268: {  	[tilespmem:s31+$0x14730] =	vst.add.f32.msk $0xffff, v12  }
0x269: {  	[tilespmem:s31+$0x14740] =	vst.add.f32.msk $0xffff, v13  }
0x26a: {  	[tilespmem:s31+$0x14750] =	vst.add.f32.msk $0xffff, v14  }
0x26b: {  	[tilespmem:s31+$0x14760] =	vst.add.f32.msk $0xffff, v15  }
0x26c: {  	[tilespmem:s31+$0x14770] =	vst.add.f32.msk $0xffff, v16  }
0x26d: {  	[tilespmem:s31+$0x14780] =	vst.add.f32.msk $0xffff, v17  }
0x26e: {  	[tilespmem:s31+$0x14790] =	vst.add.f32.msk $0xffff, v18  }
.Ltmp2:
0x26f: {  	[tilespmem:s31+$0x147A0] =	vst.add.f32.msk $0xffff, v19;
	(pc) =	sbr.rel @p0 .LBB2_7-.Ltmp2, $4  }
0x270: {  	[tilespmem:s31+$0x147B0] =	vst.add.f32.msk $0xffff, v3  }
0x271: {  	[tilespmem:s31+$0x147C0] =	vst.add.f32.msk $0xffff, v2  }
0x272: {  	[tilespmem:s31+$0x147D0] =	vst.add.f32.msk $0xffff, v4  }
0x273: {  	s1 =	sadd.s32 $0x640, s1;
	[tilespmem:s31+$0x147E0] =	vst.add.f32.msk $0xffff, v5  }
0x274: {  	s30 =	sadd.s32 $0x1, s30  }
0x275: {  	p0 =	sne.s32 s30, $0x38  }
.Ltmp3:
0x276: {  	_ = 	snop;
	(pc) =	sbr.rel @p0 .LBB2_4-.Ltmp3, $2  }
0x277: {  	_ =	sdelay $0x2  }
0x278: {  	[tilespmem:s31+$0x147F0] =	vst.add.f32.msk $0xffff, v1  }
0x279: {  	s29 =	sadd.s32 $0x1, s29  }
0x27a: {  	p0 =	sne.s32 s29, s12  }
.Ltmp4:
0x27b: {  	_ = 	snop;
	(pc) =	sbr.rel @p0 .LBB2_1-.Ltmp4, $4  }
0x27c: {  	[hbm4b:s11+s2] =	stream.linear.scatter [tilespmem:s28], [sflag:$0x3], $0x2710, $0x38;
	[tilespmem:$0x16D90] =	vst v63  }
0x27d: {  	_ =	swait.ge [sflag:s13], $0x2710  }
0x27e: {  	[sflag:s13] =	ssyncset.done $0x0  }
0x27f: {  	[sflag:s13] =	ssyncadd.s32 $0xFFFFD8F0  }
0x280: {  	_ =	sfence.sel $0x180000  }
0x281: {  	[bflag:$0x0] =	sbarrier.arrive $0xFFFF  }
0x282: {  	_ =	strace $0x90000047  }
0x283: {  	s0 =	stileid.u32;
	[bflag:$0x2] =	sbarrier.arrive $0xFFFF  }
0x284: {  	p0 =	sne.s32 s0, $0x0;
	s0 =	rddreg [dreg:$0x1]  }
0x285: {  	s0 =	sadd.s32 @!p0 $0x100000, s0  }
0x286: {  	[sflag:s0] =	ssyncadd.tile.s32 @!p0 $0x1;
	_ =	shalt  }
.Lfunc_end2:
_tile_overlayer_lowered:
.L_overlay_start_2:
0x287: {  	(tag) =	ssettag $0x2  }
0x288: {  	s0 =	rddreg [dreg:$0x0];
	s2 =	stileid.u32  }
0x289: {  	s1 =	rddreg [dreg:$0x1];
	p0 =	sne.s32 s2, $0x0  }
0x28a: {  	s3 =	rddreg [dreg:$0x2];
	[bflag:$0x3] =	sbarrier.arrive $0xFFFF;
	s2 =	simm.s32 @!p0 $0x1C03  }
0x28b: {  	[timem:s3], [sflag:s2] =	dma.local @!p0 [hbm:s0], s1  }
0x28c: {  	s0 =	simm.s32 @!p0 $0x3  }
0x28d: {  	_ =	swait.ge @!p0 [sflag:s0], s1  }
0x28e: {  	s1 =	ssub.s32 @!p0 $0x0, s1;
	[sflag:s0] =	ssyncset.done @!p0 $0x0  }
0x28f: {  	[sflag:s0] =	ssyncadd.s32 @!p0 s1  }
0x290: {  	[bflag:$0x3] =	sbarrier.arrive $0xFFFF  }
0x291: {  	_ =	shalt  }

// kernel: kernel.8.cloned.1.call-start
scs
__scs_entry_jumppad:
0x0: {  	(pc) =	sbr.rel $0x88, $3  }
0x1: {  	(tag) =	ssettag $0x0;
	lr =	simm.s32 $0x1  }
0x2: {  	[smem:$0x3F9C] =	sst lr;
	_ =	strace $0xD0000000  }
0x3: {  	_ = 	snop  }
0x4: {  	_ = 	snop  }
0x5: {  	_ = 	snop  }
0x6: {  	_ = 	snop  }
0x7: {  	_ = 	snop  }
__scs_overlays_trampoline_lowered:
0x8: {  	[smem:$0x3FAB] =	sst s0  }
0x9: {  	[smem:$0x3FAC] =	sst s1  }
0xa: {  	[smem:$0x3FAD] =	sst s2  }
0xb: {  	[smem:$0x3FAE] =	sst s3  }
0xc: {  	[smem:$0x3FAF] =	sst s4  }
0xd: {  	[smem:$0x3FB0] =	sst s5  }
0xe: {  	[smem:$0x3FB1] =	sst s6  }
0xf: {  	[smem:$0x3FB2] =	sst s7  }
0x10: {  	[smem:$0x3FB3] =	sst s8  }
0x11: {  	[smem:$0x3FB4] =	sst s9;
	s0 =	simm.s32 @!p0 $0x0  }
0x12: {  	s1 =	sld [smem:$0x3F9A];
	s0 =	simm.s32 @p0 $0x1  }
0x13: {  	[smem:$0x3FB5] =	sst s0;
	s0 =	simm.s32 @!p1 $0x0  }
0x14: {  	s2 =	sld [smem:$0x3F99];
	s0 =	simm.s32 @p1 $0x1  }
0x15: {  	[smem:$0x3FB6] =	sst s0;
	s0 =	simm.s32 @!p2 $0x0  }
0x16: {  	s3 =	sld [smem:$0x3FDB];
	s0 =	simm.s32 @p2 $0x1  }
0x17: {  	s4 =	simm.s32 $0x1BF5;
	[smem:$0x3FB8] =	sst s0  }
0x18: {  	s0 =	sld [smem:$0x3F9B];
	_ =	swait.ge [sflag:s4], $0x0  }
0x19: {  	s7 =	sld [smem:$0x3F9C]  }
0x1a: {  	s8 =	sadd.s32 $0xFFFFE003, lr  }
0x1b: {  	s9 =	sadd.s32 $0xFFFFFEF7, lr;
	s5 =	simm.s32 $0xFFFFFFFF;
	p2 =	slt.u32 s8, $0xFFFFF086  }
0x1c: {  	p1 =	slt.u32 s9, $0xF7A;
	s5 =	simm.s32 @!p2 $0x0  }
0x1d: {  	s5 =	simm.s32 @p1 $0x1;
	p0 =	seq.s32 s7, s2  }
0x1e: {  	s7 =	smul.u32 @!p0 $0xF7A, s2;
	p2 =	seq.s32 @!p0 s5, $0x0  }
0x1f: {  	s9 =	smul.u32 $0xF7A, s1;
	s8 =	simm.s32 @!p0 $0x1BF5;
	p2 =	por !p2, p0  }
0x20: {  	[sflag:s8] =	ssyncset.s32 @!p0 $0xFFFFF086;
	s6 =	sadd.s32 @!p0 s3, s7;
	s7 =	simm.s32 @!p0 $0x108  }
0x21: {  	s3 =	sadd.s32 s3, s9;
	s6 =	sadd.s32 @!p0 $0x88, s6;
	s7 =	simm.s32 @p2 $0x1082  }
0x22: {  	[simem:s7], [sflag:s8] =	dma.local @!p0 [hbm:s6], $0xF7A  }
0x23: {  	s9 =	sor.u32 $0xD0000000, s2;
	s6 =	simm.s32 $0x108;
	_ =	swait.ge @!p0 [sflag:s8], $0x0  }
0x24: {  	s3 =	sadd.s32 $0x88, s3;
	s6 =	simm.s32 @!p1 $0x1082;
	[sflag:s4] =	ssyncset.s32 $0xFFFFF086  }
0x25: {  	[simem:s6], [sflag:s4] =	dma.local [hbm:s3], $0xF7A  }
0x26: {  	[smem:$0x3F9C] =	sst s1;
	(tag) =	ssettag s2;
	_ =	strace s9  }
0x27: {  	s1 =	sld [smem:$0x3FAC]  }
0x28: {  	s2 =	sld [smem:$0x3FAD]  }
0x29: {  	s4 =	sld [smem:$0x3FAF]  }
0x2a: {  	p0 =	seq.s32 s5, $0x0;
	s5 =	sld [smem:$0x3FB0]  }
0x2b: {  	s6 =	sld [smem:$0x3FB1]  }
0x2c: {  	s7 =	sld [smem:$0x3FB2]  }
0x2d: {  	s3 =	simm.s32 $0x108;
	s8 =	sld [smem:$0x3FB3]  }
0x2e: {  	s3 =	simm.s32 @!p0 $0x1082;
	s9 =	sld [smem:$0x3FB4]  }
0x2f: {  	lr =	sadd.s32 s0, s3;
	s0 =	sld [smem:$0x3FAB]  }
0x30: {  	s3 =	sld [smem:$0x3FAE]  }
0x31: {  	[smem:$0x3FB7] =	sst s10  }
0x32: {  	s10 =	sld [smem:$0x3FB5];
	_ =	sdelay $0x3  }
0x33: {  	p0 =	seq.s32 s10, $0x1;
	s10 =	sld [smem:$0x3FB7];
	_ =	sdelay $0x3  }
0x34: {  	[smem:$0x3FB7] =	sst s10  }
0x35: {  	s10 =	sld [smem:$0x3FB6];
	_ =	sdelay $0x3  }
0x36: {  	p1 =	seq.s32 s10, $0x1;
	s10 =	sld [smem:$0x3FB7];
	_ =	sdelay $0x3  }
0x37: {  	[smem:$0x3FB7] =	sst s10  }
0x38: {  	s10 =	sld [smem:$0x3FB8]  }
0x39: {  	_ = 	snop;
	(pc) =	sbr.ind lr, $3  }
0x3a: {  	_ = 	snop  }
0x3b: {  	_ = 	snop  }
0x3c: {  	p2 =	seq.s32 s10, $0x1;
	s10 =	sld [smem:$0x3FB7]  }
0x3d: {  	_ =	shalt  }
0x3e: {  	_ =	shalt  }
0x3f: {  	_ =	shalt  }
0x40: {  	_ =	shalt  }
0x41: {  	_ =	shalt  }
0x42: {  	_ =	shalt  }
0x43: {  	_ =	shalt  }
0x44: {  	_ =	shalt  }
0x45: {  	_ =	shalt  }
0x46: {  	_ =	shalt  }
0x47: {  	_ =	shalt  }
0x48: {  	_ =	shalt  }
0x49: {  	_ =	shalt  }
0x4a: {  	_ =	shalt  }
0x4b: {  	_ =	shalt  }
0x4c: {  	_ =	shalt  }
0x4d: {  	_ =	shalt  }
0x4e: {  	_ =	shalt  }
0x4f: {  	_ =	shalt  }
0x50: {  	_ =	shalt  }
0x51: {  	_ =	shalt  }
0x52: {  	_ =	shalt  }
0x53: {  	_ =	shalt  }
0x54: {  	_ =	shalt  }
0x55: {  	_ =	shalt  }
0x56: {  	_ =	shalt  }
0x57: {  	_ =	shalt  }
0x58: {  	_ =	shalt  }
0x59: {  	_ =	shalt  }
0x5a: {  	_ =	shalt  }
0x5b: {  	_ =	shalt  }
0x5c: {  	_ =	shalt  }
0x5d: {  	_ =	shalt  }
0x5e: {  	_ =	shalt  }
0x5f: {  	_ =	shalt  }
0x60: {  	_ =	shalt  }
0x61: {  	_ =	shalt  }
0x62: {  	_ =	shalt  }
0x63: {  	_ =	shalt  }
0x64: {  	_ =	shalt  }
0x65: {  	_ =	shalt  }
0x66: {  	_ =	shalt  }
0x67: {  	_ =	shalt  }
0x68: {  	_ =	shalt  }
0x69: {  	_ =	shalt  }
0x6a: {  	_ =	shalt  }
0x6b: {  	_ =	shalt  }
0x6c: {  	_ =	shalt  }
0x6d: {  	_ =	shalt  }
0x6e: {  	_ =	shalt  }
0x6f: {  	_ =	shalt  }
0x70: {  	_ =	shalt  }
0x71: {  	_ =	shalt  }
0x72: {  	_ =	shalt  }
0x73: {  	_ =	shalt  }
0x74: {  	_ =	shalt  }
0x75: {  	_ =	shalt  }
0x76: {  	_ =	shalt  }
0x77: {  	_ =	shalt  }
0x78: {  	_ =	shalt  }
0x79: {  	_ =	shalt  }
0x7a: {  	_ =	shalt  }
0x7b: {  	_ =	shalt  }
0x7c: {  	_ =	shalt  }
0x7d: {  	_ =	shalt  }
0x7e: {  	_ =	shalt  }
0x7f: {  	_ =	shalt  }
0x80: {  	_ =	shalt  }
0x81: {  	_ =	shalt  }
0x82: {  	_ =	shalt  }
0x83: {  	_ =	shalt  }
0x84: {  	_ =	shalt  }
0x85: {  	_ =	shalt  }
0x86: {  	_ =	shalt  }
0x87: {  	_ =	shalt  }
.Lfunc_end0:
.L_simem_size_0:
called_computation.1_lowered:
.L_overlay_start_0:
0x88: {  	s2 =	sld [smem:$0x3FD9]  }
0x89: {  	s3 =	sld [smem:$0x3FFE];
	_ =	sdelay $0x1  }
0x8a: {  	s1 =	srdreg.scid  }
0x8b: {  	s0 =	sand.u32 $0x1, s1  }
0x8c: {  	s17 =	sshll.u32 s0, $0xA;
	s2 =	sadd.s32 s3, s2  }
0x8d: {  	s2 =	sadd.s32 s2, s17  }
0x8e: {  	[smem:$0x3FC3] =	sst s2  }
0x8f: {  	_ = 	snop  }
0x90: {  	s2 =	sld [smem:$0x3FD0];
	(tm) =	ssettm $0x1  }
0x91: {  	s18 =	sld [smem:$0x3FFB];
	_ =	sdelay $0x3  }
0x92: {  	_ =	strace s18  }
0x93: {  	s3 =	sld [smem:$0x3FFC];
	_ =	sdelay $0x3  }
0x94: {  	_ =	strace s3  }
0x95: {  	s3 =	sld [smem:$0x3FFD];
	_ =	sdelay $0x3  }
0x96: {  	_ =	strace s3  }
0x97: {  	_ =	strace $0x8FFFFFFF  }
0x98: {  	s19 =	sld [smem:$0x3FDB];
	_ =	sdelay $0x1  }
0x99: {  	s4 =	simm.s32 $_scs_section_size  }
0x9a: {  	s5 =	simm.s32 $_size__tile_overlayer_lowered;
	s6 =	simm.s32 $_tile_overlayer_lowered  }
0x9b: {  	s22 =	simm.s32 $0x1BFF;
	s21 =	sshll.u32 s6, $0x1;
	s3 =	sadd.s32 s4, s19  }
0x9c: {  	s7 =	simm.s32 $0x0;
	s20 =	sshll.u32 s5, $0x1;
	s5 =	sadd.s32 s21, s3  }
0x9d: {  	[timem:s7], [sflag:s22] =	dma.local [hbm:s5], s20  }
0x9e: {  	_ =	swait.ge [sflag:s22], s20  }
0x9f: {  	s4 =	ssub.s32 $0x0, s20;
	[sflag:s22] =	ssyncset.done $0x0  }
0xa0: {  	[sflag:s22] =	ssyncadd.s32 s4;
	_ =	sdelay $0x1  }
0xa1: {  	s23 =	simm.s32 $0x1B8B  }
0xa2: {  	_ =	swait.ge [sflag:s23], $0x1  }
0xa3: {  	[sflag:s23] =	ssyncset.done $0x0  }
0xa4: {  	s25 =	simm.s32 $0x1B8E;
	s24 =	sld [smem:$0x3FFE];
	[sflag:s23] =	ssyncadd.s32 $0xFFFFFFFF  }
0xa5: {  	s26 =	simm.s32 $execute0_lowered;
	[smem:$0x3FD2] =	sst s25  }
0xa6: {  	s5 =	sshll.u32 s26, $0x1;
	_ =	strace $0x80000049;
	[dreg:$0x1] =	wrdreg $0xFFFFFFFF  }
0xa7: {  	s28 =	simm.s32 $_size_execute0_lowered;
	s3 =	sadd.s32 s3, s5;
	[dreg:$0x0] =	wrdreg $0x0  }
0xa8: {  	s5 =	sshll.u32 s28, $0x1;
	[dreg:$0x2] =	wrdreg s3  }
0xa9: {  	[dreg:$0x3] =	wrdreg s5  }
0xaa: {  	[dreg:$0x4] =	wrdreg $0xC0  }
0xab: {  	_ =	task [dreg:s7], $0x5FFFF  }
0xac: {  	[dreg:$0x1] =	wrdreg $0xFFFFFFFF  }
0xad: {  	[dreg:$0x0] =	wrdreg $0x60  }
0xae: {  	[dreg:$0x2] =	wrdreg s24  }
0xaf: {  	[dreg:$0x3] =	wrdreg s2  }
0xb0: {  	[dreg:$0x4] =	wrdreg $0x9  }
0xb1: {  	_ =	task.clear_ibuf [dreg:s7], $0x5FFFF;
	_ =	strace $0x90000049  }
0xb2: {  	s29 =	simm.s32 $0x9;
	_ =	strace $0x8000004B  }
0xb3: {  	_ =	swait.ge [sflag:s29], $0x1  }
0xb4: {  	[sflag:s29] =	ssyncadd.s32 $0xFFFFFFFF  }
0xb5: {  	_ =	strace $0x9000004B  }
0xb6: {  	_ =	sfence  }
0xb7: {  	s30 =	sld [smem:$0x0];
	_ =	sdelay $0x2  }
0xb8: {  	s31 =	sshll.u32 s1, $0xD;
	s1 =	sshrl.u32 s1, $0x2  }
0xb9: {  	s3 =	sand.u32 $0x4000, s31;
	s1 =	sadd.s32 s1, s30  }
0xba: {  	s0 =	sor.u32 s3, s0;
	s1 =	sshll.u32 s1, $0x11  }
0xbb: {  	s0 =	sor.u32 s1, s0  }
0xbc: {  	s0 =	sadd.s32 $0x8F2B, s0  }
0xbd: {  	[sflag:s0] =	ssyncadd.remote.s32 $0x1  }
0xbe: {  	_ =	sfence.sel $0xFFFF  }
0xbf: {  	[dreg:$0x0] =	wrdreg $0xFFFFFFFF;
	(pc) =	sbr.abs _section_cstart, $3  }
0xc0: {  	[dreg:$0x1] =	wrdreg $0xFFFFFFFF  }
0xc1: {  	_ =	task.clear_ibuf [dreg:s7], $0x2FFFF;
	_ =	strace $0x9FFFFFFF  }
0xc2: {  	(tm) =	ssettm $0x7FFFFFFF  }
0xc3: {  	_ =	shalt  }
tec
execute0_lowered:
.L_overlay_start_1:
0x0: {  	(tag) =	ssettag $0x1  }
0x1: {  	s1 =	srdreg.scid;
	s0 =	stileid.u32  }
0x2: {  	s5 =	sand.u32 $0x1, s1;
	s6 =	sshll.u32 s0, $0x1  }
0x3: {  	s6 =	sor.u32 s5, s6  }
0x4: {  	p0 =	sgt.u32 s6, $0x18  }
.Ltmp0:
0x5: {  	_ = 	snop;
	(pc) =	sbr.rel @p0 .LBB2_5-.Ltmp0, $4  }
0x6: {  	s3 =	rddreg [dreg:$0x0]  }
0x7: {  	s4 =	rddreg [dreg:$0x1];
	s2 =	simm.s32 $0x0  }
0x8: {  	[smem:$0x7FF] =	sst s2  }
0x9: {  	s1 =	rddreg [dreg:$0x2];
	_ =	strace $0x8000004A  }
0xa: {  	s6 =	smul.u32 $0x32, s6  }
0xb: {  	s5 =	ssub.s32 $0x2, s5;
	s9 =	sadd.s32 $0xBAEE00, s3;
	s10 =	simm.s32 $0x3200  }
0xc: {  	s11 =	simm.s32 $0x3E80;
	s12 =	simm.s32 $0x0;
	s8 =	sshrl.u32 s5, $0x1  }
0xd: {  	s7 =	sadd.s32 s6, s3;
	s31 =	ssub.s32 s5, s8;
	s4 =	sadd.s32 s4, s6  }
0xe: {  	s5 =	sadd.s32 s9, s6;
	s8 =	simm.s32 $0x2710;
	s9 =	simm.s32 $0x1  }
0xf: {  	s3 =	sadd.s32 $0x5800, s7;
	s6 =	smax.u32 s31, $0x1;
	s7 =	simm.s32 $0x190  }
.LBB2_2:
0x10: {  	s13 =	simm.s32 $0x0  }
0x11: {  	[tilespmem:s13], [sflag:$0x1] =	stream.strided.gather [hbm4b:s5+s7], $0x3200, s8, s7, $0x38;
	[tilespmem:$0x4010] =	vst v63  }
0x12: {  	_ =	swait.ge [sflag:s9], $0x3200  }
0x13: {  	[sflag:s9] =	ssyncset.done $0x0  }
0x14: {  	[sflag:s9] =	ssyncadd.s32 $0xFFFFCE00  }
0x15: {  	[tilespmem:s10], [sflag:$0x1] =	stream.strided.gather [hbm4b:s3+s7], $0xC80, s8, s7, $0x38;
	[tilespmem:$0x4010] =	vst v63  }
0x16: {  	_ =	swait.ge [sflag:s9], $0xC80  }
0x17: {  	[sflag:s9] =	ssyncset.done $0x0  }
0x18: {  	s14 =	simm.s32 $0x0;
	[sflag:s9] =	ssyncadd.s32 $0xFFFFF380  }
0x19: {  	v0 =	vld [tilespmem:s14+$0x3200]  }
0x1a: {  	v1 =	vld [tilespmem:s14+$0x3390];
	_ =	sdelay $0x1  }
0x1b: {  	v2 =	vld [tilespmem:s14+$0x3520];
	_ =	sdelay $0x1  }
0x1c: {  	v3 =	vld [tilespmem:s14+$0x36B0]  }
0x1d: {  	v0 =	vadd.f32 v1, v0  }
0x1e: {  	v1 =	vld [tilespmem:s14+$0x3840]  }
0x1f: {  	v0 =	vadd.f32 v2, v0  }
0x20: {  	v2 =	vld [tilespmem:s14+$0x39D0]  }
0x21: {  	v0 =	vadd.f32 v3, v0  }
0x22: {  	v3 =	vld [tilespmem:s14+$0x3B60]  }
0x23: {  	v0 =	vadd.f32 v1, v0  }
0x24: {  	v1 =	vld [tilespmem:s14+$0x3CF0]  }
0x25: {  	v0 =	vadd.f32 v2, v0  }
0x26: {  	v2 =	vld [tilespmem:s14+$0x0]  }
0x27: {  	v0 =	vadd.f32 v3, v0  }
0x28: {  	v3 =	vld [tilespmem:s14+$0x190]  }
0x29: {  	v0 =	vadd.f32 v1, v0  }
0x2a: {  	v1 =	vld [tilespmem:s14+$0x320]  }
0x2b: {  	v0 =	vadd.f32 v2, v0  }
0x2c: {  	v2 =	vld [tilespmem:s14+$0x4B0]  }
0x2d: {  	v0 =	vadd.f32 v3, v0  }
0x2e: {  	v3 =	vld [tilespmem:s14+$0x640]  }
0x2f: {  	v0 =	vadd.f32 v1, v0  }
0x30: {  	v1 =	vld [tilespmem:s14+$0x7D0]  }
0x31: {  	v0 =	vadd.f32 v2, v0  }
0x32: {  	v2 =	vld [tilespmem:s14+$0x960]  }
0x33: {  	v0 =	vadd.f32 v3, v0  }
0x34: {  	v3 =	vld [tilespmem:s14+$0xAF0]  }
0x35: {  	v0 =	vadd.f32 v1, v0  }
0x36: {  	v1 =	vld [tilespmem:s14+$0xC80]  }
0x37: {  	v0 =	vadd.f32 v2, v0  }
0x38: {  	v2 =	vld [tilespmem:s14+$0xE10]  }
0x39: {  	v0 =	vadd.f32 v3, v0  }
0x3a: {  	v3 =	vld [tilespmem:s14+$0xFA0]  }
0x3b: {  	v0 =	vadd.f32 v1, v0  }
0x3c: {  	s13 =	simm.s32 $0x10;
	v1 =	vld [tilespmem:s14+$0x1130]  }
0x3d: {  	v4 =	vld [tilespmem:s13+$0x3200];
	v0 =	vadd.f32 v2, v0  }
0x3e: {  	v2 =	vld [tilespmem:s14+$0x12C0]  }
0x3f: {  	v5 =	vld [tilespmem:s13+$0x3390];
	v0 =	vadd.f32 v3, v0  }
0x40: {  	v3 =	vld [tilespmem:s14+$0x1450]  }
0x41: {  	v6 =	vld [tilespmem:s13+$0x3520];
	v0 =	vadd.f32 v1, v0  }
0x42: {  	v1 =	vld [tilespmem:s14+$0x15E0]  }
0x43: {  	v7 =	vld [tilespmem:s13+$0x36B0];
	v0 =	vadd.f32 v2, v0  }
0x44: {  	v2 =	vld [tilespmem:s14+$0x1770]  }
0x45: {  	v4 =	vadd.f32 v5, v4;
	v5 =	vld [tilespmem:s13+$0x3840];
	v0 =	vadd.f32 v3, v0  }
0x46: {  	v3 =	vld [tilespmem:s14+$0x1900]  }
0x47: {  	v4 =	vadd.f32 v6, v4;
	v6 =	vld [tilespmem:s13+$0x39D0];
	v0 =	vadd.f32 v1, v0  }
0x48: {  	v1 =	vld [tilespmem:s14+$0x1A90]  }
0x49: {  	v4 =	vadd.f32 v7, v4;
	v7 =	vld [tilespmem:s13+$0x3B60];
	v0 =	vadd.f32 v2, v0  }
0x4a: {  	v2 =	vld [tilespmem:s14+$0x1C20]  }
0x4b: {  	v4 =	vadd.f32 v5, v4;
	v5 =	vld [tilespmem:s13+$0x3CF0];
	v0 =	vadd.f32 v3, v0  }
0x4c: {  	v3 =	vld [tilespmem:s14+$0x1DB0]  }
0x4d: {  	v4 =	vadd.f32 v6, v4;
	v6 =	vld [tilespmem:s13+$0x0];
	v0 =	vadd.f32 v1, v0  }
0x4e: {  	v1 =	vld [tilespmem:s14+$0x1F40]  }
0x4f: {  	v4 =	vadd.f32 v7, v4;
	v7 =	vld [tilespmem:s13+$0x190];
	v0 =	vadd.f32 v2, v0  }
0x50: {  	v2 =	vld [tilespmem:s14+$0x20D0]  }
0x51: {  	v4 =	vadd.f32 v5, v4;
	v5 =	vld [tilespmem:s13+$0x320];
	v0 =	vadd.f32 v3, v0  }
0x52: {  	v3 =	vld [tilespmem:s14+$0x2260]  }
0x53: {  	v4 =	vadd.f32 v6, v4;
	v6 =	vld [tilespmem:s13+$0x4B0];
	v0 =	vadd.f32 v1, v0  }
0x54: {  	v1 =	vld [tilespmem:s14+$0x23F0]  }
0x55: {  	v4 =	vadd.f32 v7, v4;
	v7 =	vld [tilespmem:s13+$0x640];
	v0 =	vadd.f32 v2, v0  }
0x56: {  	v2 =	vld [tilespmem:s14+$0x2580]  }
0x57: {  	v4 =	vadd.f32 v5, v4;
	v5 =	vld [tilespmem:s13+$0x7D0];
	v0 =	vadd.f32 v3, v0  }
0x58: {  	v3 =	vld [tilespmem:s14+$0x2710]  }
0x59: {  	v4 =	vadd.f32 v6, v4;
	v6 =	vld [tilespmem:s13+$0x960];
	v0 =	vadd.f32 v1, v0  }
0x5a: {  	v1 =	vld [tilespmem:s14+$0x28A0]  }
0x5b: {  	v4 =	vadd.f32 v7, v4;
	v7 =	vld [tilespmem:s13+$0xAF0];
	v0 =	vadd.f32 v2, v0  }
0x5c: {  	v2 =	vld [tilespmem:s14+$0x2A30]  }
0x5d: {  	v4 =	vadd.f32 v5, v4;
	v5 =	vld [tilespmem:s13+$0xC80];
	v0 =	vadd.f32 v3, v0  }
0x5e: {  	v3 =	vld [tilespmem:s14+$0x2BC0]  }
0x5f: {  	v4 =	vadd.f32 v6, v4;
	v6 =	vld [tilespmem:s13+$0xE10];
	v0 =	vadd.f32 v1, v0  }
0x60: {  	v1 =	vld [tilespmem:s14+$0x2D50]  }
0x61: {  	v8 =	vld [tilespmem:s13+$0xFA0];
	v4 =	vadd.f32 v7, v4;
	v0 =	vadd.f32 v2, v0  }
0x62: {  	v7 =	vld [tilespmem:s14+$0x2EE0]  }
0x63: {  	v4 =	vadd.f32 v5, v4;
	v2 =	vld [tilespmem:s14+$0x3070];
	v5 =	vadd.f32 v3, v0  }
0x64: {  	s15 =	simm.s32 $0x20;
	v3 =	vld [tilespmem:s13+$0x1130]  }
0x65: {  	v6 =	vadd.f32 v6, v4;
	v4 =	vld [tilespmem:s15+$0x3390];
	v9 =	vadd.f32 v1, v5  }
0x66: {  	v0 =	vld [tilespmem:s13+$0x12C0]  }
0x67: {  	s16 =	simm.s32 $0xC0;
	v1 =	vld [tilespmem:s15+$0x3200];
	v5 =	vadd.f32 v8, v6;
	v6 =	vadd.f32 v7, v9  }
.LBB2_3:
0x68: {  	p0 =	sne.s32 s16, $0x600;
	v7 =	vld [tilespmem:s13+$0x1450]  }
0x69: {  	v8 =	vld [tilespmem:s15+$0x3520];
	v3 =	vadd.f32 v3, v5;
	v2 =	vadd.f32 v2, v6  }
0x6a: {  	v5 =	vld [tilespmem:s13+$0x15E0]  }
0x6b: {  	v6 =	vld [tilespmem:s15+$0x36B0];
	v0 =	vadd.f32 v0, v3;
	v2 =	vadd.f32 v2, v2  }
0x6c: {  	v1 =	vadd.f32 v4, v1;
	v3 =	vld [tilespmem:s13+$0x1770]  }
0x6d: {  	v4 =	vld [tilespmem:s15+$0x3840];
	v0 =	vadd.f32 v7, v0;
	v2 =	vmul.f32 $1.442695020e+00, v2  }
0x6e: {  	v1 =	vadd.f32 v8, v1;
	v7 =	vld [tilespmem:s13+$0x1900]  }
0x6f: {  	v8 =	vld [tilespmem:s15+$0x39D0];
	v0 =	vadd.f32 v5, v0;
	(erf) = vpow2.f32 v2  }
0x70: {  	v1 =	vadd.f32 v6, v1;
	v2 =	vld [tilespmem:s13+$0x1A90]  }
0x71: {  	v5 =	vld [tilespmem:s15+$0x3B60];
	v0 =	vadd.f32 v3, v0  }
0x72: {  	v1 =	vadd.f32 v4, v1;
	v3 =	vld [tilespmem:s13+$0x1C20]  }
0x73: {  	v4 =	vld [tilespmem:s15+$0x3CF0];
	v0 =	vadd.f32 v7, v0  }
0x74: {  	v1 =	vadd.f32 v8, v1;
	v6 =	vld [tilespmem:s13+$0x1DB0]  }
0x75: {  	v7 =	vld [tilespmem:s15+$0x0];
	v0 =	vadd.f32 v2, v0  }
0x76: {  	v1 =	vadd.f32 v5, v1;
	v2 =	vld [tilespmem:s13+$0x1F40]  }
0x77: {  	v5 =	vld [tilespmem:s15+$0x190];
	v0 =	vadd.f32 v3, v0  }
0x78: {  	v1 =	vadd.f32 v4, v1;
	v3 =	vld [tilespmem:s13+$0x20D0];
	v4 =	vpop (erf)  }
0x79: {  	v8 =	vld [tilespmem:s15+$0x320];
	v0 =	vadd.f32 v6, v0;
	v4 =	vadd.f32 $1.000000000e+00, v4  }
0x7a: {  	v1 =	vadd.f32 v7, v1;
	v6 =	vld [tilespmem:s13+$0x2260]  }
0x7b: {  	v7 =	vld [tilespmem:s15+$0x4B0];
	v0 =	vadd.f32 v2, v0;
	(erf) = vrcp.f32 v4  }
0x7c: {  	v1 =	vadd.f32 v5, v1;
	v2 =	vld [tilespmem:s13+$0x23F0]  }
0x7d: {  	v4 =	vld [tilespmem:s15+$0x640];
	v0 =	vadd.f32 v3, v0  }
0x7e: {  	v1 =	vadd.f32 v8, v1;
	v3 =	vld [tilespmem:s13+$0x2580]  }
0x7f: {  	v5 =	vld [tilespmem:s15+$0x7D0];
	v0 =	vadd.f32 v6, v0  }
0x80: {  	v1 =	vadd.f32 v7, v1;
	v6 =	vld [tilespmem:s13+$0x2710]  }
0x81: {  	v7 =	vld [tilespmem:s15+$0x960];
	v0 =	vadd.f32 v2, v0  }
0x82: {  	v1 =	vadd.f32 v4, v1;
	v2 =	vld [tilespmem:s13+$0x28A0]  }
0x83: {  	v0 =	vadd.f32 v3, v0;
	v3 =	vld [tilespmem:s13+$0x2A30]  }
0x84: {  	v1 =	vadd.f32 v5, v1;
	v4 =	vld [tilespmem:s15+$0xAF0];
	v5 =	vpop (erf)  }
0x85: {  	v0 =	vadd.f32 v6, v0;
	v6 =	vld [tilespmem:s13+$0x2BC0];
	v5 =	vadd.f32 v5, v5  }
0x86: {  	v1 =	vadd.f32 v7, v1;
	v7 =	vld [tilespmem:s15+$0xC80]  }
0x87: {  	v0 =	vadd.f32 v2, v0;
	v8 =	vld [tilespmem:s13+$0x2D50];
	v2 =	vsub.f32 $1.000000000e+00, v5  }
0x88: {  	v5 =	vld [tilespmem:s15+$0xE10]  }
0x89: {  	v1 =	vadd.f32 v4, v1;
	v0 =	vadd.f32 v3, v0;
	v9 =	vld [tilespmem:s13+$0x2EE0];
	[tilespmem:s14+$0x3E80] =	vst v2;
	s14 =	smov.u32 s13;
	s13 =	smov.u32 s15  }
0x8a: {  	v10 =	vld [tilespmem:s13+$0xFA0]  }
.Ltmp1:
0x8b: {  	v1 =	vadd.f32 v7, v1;
	v4 =	vadd.f32 v6, v0;
	v2 =	vld [tilespmem:s14+$0x3070];
	(pc) =	sbr.rel @p0 .LBB2_3-.Ltmp1, $4  }
0x8c: {  	v3 =	vld [tilespmem:s13+$0x1130]  }
0x8d: {  	s15 =	sshra.s32 s16, $0x2;
	v5 =	vadd.f32 v5, v1;
	v0 =	vld [tilespmem:s13+$0x12C0];
	v6 =	vadd.f32 v8, v4  }
0x8e: {  	v1 =	vld [tilespmem:s15+$0x3200]  }
0x8f: {  	s16 =	sadd.s32 $0x40, s16;
	v4 =	vld [tilespmem:s15+$0x3390];
	v5 =	vadd.f32 v10, v5;
	v6 =	vadd.f32 v9, v6  }
0x90: {  	v7 =	vld [tilespmem:s13+$0x1450]  }
0x91: {  	v8 =	vld [tilespmem:s15+$0x3520];
	v2 =	vadd.f32 v2, v6  }
0x92: {  	v60 =	vld [tilespmem:s13+$0x15E0];
	v3 =	vadd.f32 v3, v5  }
0x93: {  	v61 =	vld [tilespmem:s15+$0x36B0];
	v2 =	vadd.f32 v2, v2  }
0x94: {  	v9 =	vld [tilespmem:s13+$0x1770];
	v0 =	vadd.f32 v0, v3  }
0x95: {  	v62 =	vld [tilespmem:s15+$0x3840];
	v1 =	vadd.f32 v4, v1;
	v2 =	vmul.f32 $1.442695020e+00, v2  }
0x96: {  	v63 =	vld [tilespmem:s13+$0x1900];
	v0 =	vadd.f32 v7, v0  }
0x97: {  	v12 =	vld [tilespmem:s15+$0x39D0];
	v1 =	vadd.f32 v8, v1;
	(erf) = vpow2.f32 v2  }
0x98: {  	v13 =	vld [tilespmem:s13+$0x1A90];
	v0 =	vadd.f32 v60, v0  }
0x99: {  	v14 =	vld [tilespmem:s15+$0x3B60];
	v1 =	vadd.f32 v61, v1  }
0x9a: {  	v15 =	vld [tilespmem:s13+$0x1C20];
	v0 =	vadd.f32 v9, v0  }
0x9b: {  	v16 =	vld [tilespmem:s15+$0x3CF0];
	v1 =	vadd.f32 v62, v1  }
0x9c: {  	v17 =	vld [tilespmem:s13+$0x1DB0];
	v0 =	vadd.f32 v63, v0  }
0x9d: {  	v18 =	vld [tilespmem:s15+$0x0];
	v1 =	vadd.f32 v12, v1  }
0x9e: {  	v19 =	vld [tilespmem:s13+$0x1F40];
	v0 =	vadd.f32 v13, v0  }
0x9f: {  	v20 =	vld [tilespmem:s15+$0x190];
	v1 =	vadd.f32 v14, v1  }
0xa0: {  	v21 =	vld [tilespmem:s13+$0x20D0];
	v0 =	vadd.f32 v15, v0;
	v22 =	vpop (erf)  }
0xa1: {  	v23 =	vld [tilespmem:s15+$0x320];
	v1 =	vadd.f32 v16, v1;
	v5 =	vadd.f32 $1.000000000e+00, v22  }
0xa2: {  	v24 =	vld [tilespmem:s13+$0x2260];
	v0 =	vadd.f32 v17, v0  }
0xa3: {  	v25 =	vld [tilespmem:s15+$0x4B0];
	v1 =	vadd.f32 v18, v1;
	(erf) = vrcp.f32 v5  }
0xa4: {  	v26 =	vld [tilespmem:s13+$0x23F0];
	v0 =	vadd.f32 v19, v0  }
0xa5: {  	v27 =	vld [tilespmem:s15+$0x640];
	v1 =	vadd.f32 v20, v1  }
0xa6: {  	v28 =	vld [tilespmem:s13+$0x2580];
	v0 =	vadd.f32 v21, v0  }
0xa7: {  	v29 =	vld [tilespmem:s15+$0x7D0];
	v1 =	vadd.f32 v23, v1  }
0xa8: {  	v30 =	vld [tilespmem:s13+$0x2710];
	v0 =	vadd.f32 v24, v0  }
0xa9: {  	v31 =	vld [tilespmem:s15+$0x960];
	v1 =	vadd.f32 v25, v1  }
0xaa: {  	v32 =	vld [tilespmem:s13+$0x28A0];
	v0 =	vadd.f32 v26, v0  }
0xab: {  	v33 =	vld [tilespmem:s13+$0x2A30];
	v1 =	vadd.f32 v27, v1  }
0xac: {  	v34 =	vld [tilespmem:s15+$0xAF0];
	v0 =	vadd.f32 v28, v0;
	v35 =	vpop (erf)  }
0xad: {  	v36 =	vld [tilespmem:s13+$0x2BC0];
	v1 =	vadd.f32 v29, v1;
	v2 =	vadd.f32 v35, v35  }
0xae: {  	v37 =	vld [tilespmem:s15+$0xC80];
	v0 =	vadd.f32 v30, v0  }
0xaf: {  	v38 =	vld [tilespmem:s13+$0x2D50];
	v1 =	vadd.f32 v31, v1;
	v2 =	vsub.f32 $1.000000000e+00, v2  }
0xb0: {  	v39 =	vld [tilespmem:s15+$0xE10]  }
0xb1: {  	v10 =	vld [tilespmem:s13+$0x2EE0];
	v0 =	vadd.f32 v32, v0;
	v1 =	vadd.f32 v34, v1;
	[tilespmem:s14+$0x3E80] =	vst v2  }
0xb2: {  	v2 =	vld [tilespmem:s15+$0xFA0]  }
0xb3: {  	v0 =	vadd.f32 v33, v0;
	v1 =	vadd.f32 v37, v1  }
0xb4: {  	v40 =	vld [tilespmem:s15+$0x1130]  }
0xb5: {  	v41 =	vld [tilespmem:s13+$0x3070];
	v0 =	vadd.f32 v36, v0;
	v1 =	vadd.f32 v39, v1  }
0xb6: {  	v42 =	vld [tilespmem:s15+$0x12C0]  }
0xb7: {  	v0 =	vadd.f32 v38, v0;
	v1 =	vadd.f32 v2, v1  }
0xb8: {  	v43 =	vld [tilespmem:s15+$0x1450]  }
0xb9: {  	v0 =	vadd.f32 v10, v0;
	v1 =	vadd.f32 v40, v1  }
0xba: {  	v44 =	vld [tilespmem:s15+$0x15E0]  }
0xbb: {  	v0 =	vadd.f32 v41, v0;
	v1 =	vadd.f32 v42, v1  }
0xbc: {  	v45 =	vld [tilespmem:s15+$0x1770]  }
0xbd: {  	v0 =	vadd.f32 v0, v0;
	v1 =	vadd.f32 v43, v1  }
0xbe: {  	v46 =	vld [tilespmem:s15+$0x1900]  }
0xbf: {  	v0 =	vmul.f32 $1.442695020e+00, v0;
	v1 =	vadd.f32 v44, v1  }
0xc0: {  	v47 =	vld [tilespmem:s15+$0x1A90]  }
0xc1: {  	(erf) = vpow2.f32 v0;
	v48 =	vadd.f32 v45, v1  }
0xc2: {  	v49 =	vld [tilespmem:s15+$0x1C20]  }
0xc3: {  	v0 =	vadd.f32 v46, v48  }
0xc4: {  	v50 =	vld [tilespmem:s15+$0x1DB0]  }
0xc5: {  	v0 =	vadd.f32 v47, v0  }
0xc6: {  	v51 =	vld [tilespmem:s15+$0x1F40]  }
0xc7: {  	v0 =	vadd.f32 v49, v0  }
0xc8: {  	v52 =	vld [tilespmem:s15+$0x20D0]  }
0xc9: {  	v0 =	vadd.f32 v50, v0  }
0xca: {  	v54 =	vld [tilespmem:s15+$0x2260];
	v53 =	vpop (erf)  }
0xcb: {  	v2 =	vadd.f32 $1.000000000e+00, v53;
	v0 =	vadd.f32 v51, v0  }
0xcc: {  	v55 =	vld [tilespmem:s15+$0x23F0]  }
0xcd: {  	(erf) = vrcp.f32 v2;
	v0 =	vadd.f32 v52, v0  }
0xce: {  	v56 =	vld [tilespmem:s15+$0x2580]  }
0xcf: {  	v0 =	vadd.f32 v54, v0  }
0xd0: {  	v57 =	vld [tilespmem:s15+$0x2710]  }
0xd1: {  	v0 =	vadd.f32 v55, v0  }
0xd2: {  	v58 =	vld [tilespmem:s15+$0x28A0]  }
0xd3: {  	v0 =	vadd.f32 v56, v0  }
0xd4: {  	v59 =	vld [tilespmem:s15+$0x2A30]  }
0xd5: {  	v0 =	vadd.f32 v57, v0  }
0xd6: {  	v61 =	vld [tilespmem:s15+$0x2BC0];
	v60 =	vpop (erf)  }
0xd7: {  	v2 =	vadd.f32 v60, v60;
	v0 =	vadd.f32 v58, v0  }
0xd8: {  	v62 =	vld [tilespmem:s15+$0x2D50]  }
0xd9: {  	v2 =	vsub.f32 $1.000000000e+00, v2;
	v0 =	vadd.f32 v59, v0  }
0xda: {  	v63 =	vld [tilespmem:s15+$0x2EE0]  }
0xdb: {  	[tilespmem:s13+$0x3E80] =	vst v2;
	v0 =	vadd.f32 v61, v0  }
0xdc: {  	v2 =	vld [tilespmem:s15+$0x3070]  }
0xdd: {  	v0 =	vadd.f32 v62, v0;
	_ =	sdelay $0x1  }
0xde: {  	v0 =	vadd.f32 v63, v0;
	_ =	sdelay $0x1  }
0xdf: {  	v0 =	vadd.f32 v2, v0;
	_ =	sdelay $0x1  }
0xe0: {  	v0 =	vadd.f32 v0, v0;
	_ =	sdelay $0x1  }
0xe1: {  	v0 =	vmul.f32 $1.442695020e+00, v0;
	_ =	sdelay $0x1  }
0xe2: {  	(erf) = vpow2.f32 v0;
	_ =	sdelay $0x8  }
0xe3: {  	v0 =	vpop (erf)  }
0xe4: {  	v0 =	vadd.f32 $1.000000000e+00, v0;
	_ =	sdelay $0x1  }
0xe5: {  	(erf) = vrcp.f32 v0;
	_ =	sdelay $0x8  }
0xe6: {  	v0 =	vpop (erf)  }
0xe7: {  	v0 =	vadd.f32 v0, v0;
	_ =	sdelay $0x1  }
0xe8: {  	s12 =	sadd.s32 $0x1, s12;
	v0 =	vsub.f32 $1.000000000e+00, v0  }
0xe9: {  	p0 =	sne.s32 s12, s6  }
.Ltmp2:
0xea: {  	[tilespmem:s15+$0x3E80] =	vst v0;
	(pc) =	sbr.rel @p0 .LBB2_2-.Ltmp2, $4  }
0xeb: {  	[hbm4b:s4+s2] =	stream.linear.scatter [tilespmem:s11], [sflag:$0x1], $0x190, $0x38;
	[tilespmem:$0x4010] =	vst v63  }
0xec: {  	_ =	swait.ge [sflag:s9], $0x190  }
0xed: {  	[sflag:s9] =	ssyncset.done $0x0  }
0xee: {  	[sflag:s9] =	ssyncadd.s32 $0xFFFFFE70  }
.LBB2_5:
0xef: {  	_ =	sfence.sel $0x180000  }
0xf0: {  	[bflag:$0x0] =	sbarrier.arrive $0xFFFF  }
0xf1: {  	p0 =	sne.s32 s0, $0x0;
	_ =	strace $0x9000004A  }
0xf2: {  	s0 =	sadd.s32 @!p0 $0x100000, s1;
	[bflag:$0x2] =	sbarrier.arrive $0xFFFF  }
0xf3: {  	[sflag:s0] =	ssyncadd.tile.s32 @!p0 $0x1;
	_ =	shalt  }
.Lfunc_end2:
_tile_overlayer_lowered:
.L_overlay_start_2:
0xf4: {  	(tag) =	ssettag $0x2  }
0xf5: {  	s0 =	rddreg [dreg:$0x0];
	s2 =	stileid.u32  }
0xf6: {  	s1 =	rddreg [dreg:$0x1];
	p0 =	sne.s32 s2, $0x0  }
0xf7: {  	s3 =	rddreg [dreg:$0x2];
	[bflag:$0x3] =	sbarrier.arrive $0xFFFF;
	s2 =	simm.s32 @!p0 $0x1C01  }
0xf8: {  	[timem:s3], [sflag:s2] =	dma.local @!p0 [hbm:s0], s1  }
0xf9: {  	s0 =	simm.s32 @!p0 $0x1  }
0xfa: {  	_ =	swait.ge @!p0 [sflag:s0], s1  }
0xfb: {  	s1 =	ssub.s32 @!p0 $0x0, s1;
	[sflag:s0] =	ssyncset.done @!p0 $0x0  }
0xfc: {  	[sflag:s0] =	ssyncadd.s32 @!p0 s1  }
0xfd: {  	[bflag:$0x3] =	sbarrier.arrive $0xFFFF  }
0xfe: {  	_ =	shalt  }

</sc_bundles>
